<compile_context>
chip_gen: v7x
topology: tpu7x:2x2x1
jax: 0.10.2.dev20260603
libtpu: 0.0.44.dev20260713+nightly
codegen_flags: <defaults>
</compile_context>

<pallas_src>
import functools

import jax
import jax.numpy as jnp
from jax import lax
from jax.experimental import pallas as pl
from jax.experimental.pallas import tpu as pltpu
from jax.experimental.pallas import tpu_sc as plsc

_NC = 2
_NS = 16
_NW = _NC * _NS

_N_ROWS = 100000
_D = 128
_N_CLASSES = 256
_CHUNK = 400
_GROUP = 80
_N_GROUPS = _CHUNK // _GROUP
_N_CHUNKS = _N_ROWS // _CHUNK
_CHUNKS_PER_TILE = -(-_N_CHUNKS // _NW)


def _sc_segment_sums(z_support, y3d):

    mesh = plsc.VectorSubcoreMesh(core_axis_name="c", subcore_axis_name="s")

    @functools.partial(
        pl.kernel,
        out_type=(
            jax.ShapeDtypeStruct((_NC, _N_CLASSES, _D), jnp.float32),
            jax.ShapeDtypeStruct((_NC, _N_CLASSES, _NS), jnp.float32),
        ),
        mesh=mesh,
        scratch_types=dict(
            rows0=pltpu.VMEM((_CHUNK, _D), jnp.float32),
            rows1=pltpu.VMEM((_CHUNK, _D), jnp.float32),
            lab0=pltpu.VMEM((_CHUNK,), jnp.int32),
            lab1=pltpu.VMEM((_CHUNK,), jnp.int32),
            labq0=pltpu.VMEM((_N_GROUPS, _GROUP), jnp.int32),
            labq1=pltpu.VMEM((_N_GROUPS, _GROUP), jnp.int32),
            ones_buf=pltpu.VMEM((_GROUP, _NS), jnp.float32),
            zrow=pltpu.VMEM((_NS, _D), jnp.float32),
            zrow16=pltpu.VMEM((_NS, _NS), jnp.float32),
            acc=pltpu.VMEM_SHARED((_N_CLASSES, _D), jnp.float32),
            cacc=pltpu.VMEM_SHARED((_N_CLASSES, _NS), jnp.float32),
            sem_r0=pltpu.SemaphoreType.DMA,
            sem_r1=pltpu.SemaphoreType.DMA,
            sem_l0=pltpu.SemaphoreType.DMA,
            sem_l1=pltpu.SemaphoreType.DMA,
            sem_sc0=pltpu.SemaphoreType.DMA,
            sem_sc1=pltpu.SemaphoreType.DMA,
        ),
    )
    def k(z_hbm, y_hbm, sums_hbm, cnts_hbm, *, rows0, rows1, lab0, lab1,
          labq0, labq1, ones_buf, zrow, zrow16, acc, cacc, sem_r0, sem_r1,
          sem_l0, sem_l1, sem_sc0, sem_sc1):
        c_idx = lax.axis_index("c")
        s_idx = lax.axis_index("s")
        wid = s_idx * _NC + c_idx

        zero16 = jnp.zeros((_NS,), jnp.float32)
        one16 = jnp.ones((_NS,), jnp.float32)

        def fill_zrow(r, carry):
            for kk in range(_D // _NS):
                zrow[r, pl.ds(kk * _NS, _NS)] = zero16
            zrow16[r, :] = zero16
            return carry

        lax.fori_loop(0, _NS, fill_zrow, 0)

        def fill_ones(r, carry):
            ones_buf[r, :] = one16
            return carry

        lax.fori_loop(0, _GROUP, fill_ones, 0)

        pltpu.sync_copy(zrow, acc.at[pl.ds(s_idx * _NS, _NS)])
        pltpu.sync_copy(zrow16, cacc.at[pl.ds(s_idx * _NS, _NS)])
        plsc.subcore_barrier()

        bufs = ((rows0, lab0, labq0, sem_r0, sem_l0, sem_sc0),
                (rows1, lab1, labq1, sem_r1, sem_l1, sem_sc1))

        def chunk_id(i):
            return wid + i * _NW

        def scatter_descs(i):
            rows, lab, labq, sem_r, sem_l, sem_sc = bufs[i % 2]
            descs = []
            for j in range(_N_GROUPS):
                idx = labq.at[j]
                descs.append(pltpu.make_async_copy(
                    rows.at[pl.ds(j * _GROUP, _GROUP)], acc.at[idx], sem_sc))
                descs.append(pltpu.make_async_copy(ones_buf, cacc.at[idx], sem_sc))
            return descs

        def drain(i):
            c = chunk_id(i)

            @pl.when(c < _N_CHUNKS)
            def _():
                for dsc in scatter_descs(i):
                    dsc.wait()

        def issue(i):
            rows, lab, labq, sem_r, sem_l, sem_sc = bufs[i % 2]
            c = chunk_id(i)

            @pl.when(c < _N_CHUNKS)
            def _():
                pltpu.async_copy(z_hbm.at[pl.ds(c * _CHUNK, _CHUNK)], rows, sem_r)
                pltpu.async_copy(y_hbm.at[pl.ds(c * _CHUNK, _CHUNK)], lab, sem_l)

        def consume(i):
            rows, lab, labq, sem_r, sem_l, sem_sc = bufs[i % 2]
            c = chunk_id(i)

            @pl.when(c < _N_CHUNKS)
            def _():
                pltpu.make_async_copy(y_hbm.at[pl.ds(c * _CHUNK, _CHUNK)], lab, sem_l).wait()
                for j in range(_N_GROUPS):
                    for t in range(_GROUP // _NS):
                        labq[j, pl.ds(t * _NS, _NS)] = (
                            lab[pl.ds(j * _GROUP + t * _NS, _NS)])
                pltpu.make_async_copy(z_hbm.at[pl.ds(c * _CHUNK, _CHUNK)], rows, sem_r).wait()
                for j in range(_N_GROUPS):
                    idx = labq.at[j]
                    pltpu.async_copy(
                        rows.at[pl.ds(j * _GROUP, _GROUP)], acc.at[idx],
                        sem_sc, add=True)
                    pltpu.async_copy(ones_buf, cacc.at[idx], sem_sc, add=True)

        issue(0)
        for i in range(_CHUNKS_PER_TILE):
            if i + 1 < _CHUNKS_PER_TILE:
                if i >= 1:
                    drain(i - 1)
                issue(i + 1)
            consume(i)
        drain(_CHUNKS_PER_TILE - 2)
        drain(_CHUNKS_PER_TILE - 1)

        plsc.subcore_barrier()

        @pl.when(s_idx == 0)
        def _():
            pltpu.sync_copy(acc, sums_hbm.at[c_idx])
            pltpu.sync_copy(cacc, cnts_hbm.at[c_idx])

    return k(z_support, y3d)


def _tc_body(psums_ref, pcnts_ref, q_ref, tau_ref, out_ref):
    sums = psums_ref[0] + psums_ref[1]
    cnts = pcnts_ref[0] + pcnts_ref[1]
    cnt = cnts[:, 0:1]
    protos = sums / cnt
    q = q_ref[...]
    qn = jnp.sum(q * q, axis=1, keepdims=True)
    pn = jnp.sum(protos * protos, axis=1)[None, :]
    cross = lax.dot_general(q, protos, (((1,), (1,)), ((), ())))
    out_ref[...] = (-tau_ref[0, 0]) * (qn - 2.0 * cross + pn)


def kernel(z_support, y_support, z_query, tau):
    psums, pcnts = _sc_segment_sums(z_support, y_support)
    tau2d = jnp.asarray(tau, jnp.float32).reshape(1, 1)
    logits = pl.pallas_call(
        _tc_body,
        out_shape=jax.ShapeDtypeStruct((z_query.shape[0], _N_CLASSES), jnp.float32),
        in_specs=[
            pl.BlockSpec(memory_space=pltpu.VMEM),
            pl.BlockSpec(memory_space=pltpu.VMEM),
            pl.BlockSpec(memory_space=pltpu.VMEM),
            pl.BlockSpec(memory_space=pltpu.SMEM),
        ],
        out_specs=pl.BlockSpec(memory_space=pltpu.VMEM),
    )(psums, pcnts, z_query, tau2d)
    return logits

# --- scband reference (transcript-rebuilt; emitter-appended) ---
"""Pipeline reference for scband-reference-proto-head-62113817035466 (READ-ONLY COPY).

The authoritative reference and input builder live on the scoring server;
editing this copy changes nothing except your own understanding.
"""

import jax, jax.numpy as jnp
import numpy as np


def setup_inputs(seed: int = 0) -> dict:
    key = jax.random.key(seed)
    k1, k2, k3 = jax.random.split(key, 3)
    z_support = jax.random.normal(k1, (100000, 128), dtype=jnp.float32)
    y_support = jax.random.randint(k2, (100000,), 0, 256, dtype=jnp.int32)
    z_query = jax.random.normal(k3, (2048, 128), dtype=jnp.float32)
    tau = jnp.asarray(1.0, dtype=jnp.float32)  # non-trainable nn.Parameter
    return {"z_support": z_support, "y_support": y_support, "z_query": z_query, "tau": tau}


def reference(z_support, y_support, z_query, tau):
    # classes = torch.unique(y_support); remap labels to [0, n_classes)
    classes = jnp.unique(y_support, size=256)
    n_classes = int(classes.shape[0])
    y = jnp.searchsorted(classes, y_support)
    # prototypes: per-class mean of support embeddings (segment mean)
    sums = jax.ops.segment_sum(z_support, y, num_segments=n_classes)
    counts = jax.ops.segment_sum(jnp.ones((z_support.shape[0],), dtype=z_support.dtype), y, num_segments=n_classes)
    prototypes = sums / counts[:, None]
    # sqeuclidean distance, faithful broadcast form: (a[:,None]-b[None,:])**2 sum(-1)
    diff = z_query[:, None, :] - prototypes[None, :, :]
    dist = jnp.sum(diff * diff, axis=-1)
    logits = -tau * dist
    return logits

if __name__ == "__main__":
    import jax
    _d = setup_inputs()
    print(jax.jit(kernel)(*tuple(_d.values())))

</pallas_src>

<mosaic_0001>
#map = affine_map<(d0, d1) -> (0, 0)>
#map1 = affine_map<(d0, d1) -> (0)>
#map2 = affine_map<(d0, d1) -> (0, 0, 0)>
module attributes {stable_mosaic.version = 14 : i64} {
  func.func @k(%arg0: i32, %arg1: i32, %arg2: memref<100000x128xf32, #tpu.memory_space<hbm>>, %arg3: memref<100000xi32, #tpu.memory_space<hbm>>, %arg4: memref<2x256x128xf32, #tpu.memory_space<hbm>>, %arg5: memref<2x256x16xf32, #tpu.memory_space<hbm>>, %arg6: memref<256x128xf32, #tpu.memory_space<vmem_shared>>, %arg7: memref<256x16xf32, #tpu.memory_space<vmem_shared>>, %arg8: memref<400xi32, #tpu.memory_space<vmem>>, %arg9: memref<400xi32, #tpu.memory_space<vmem>>, %arg10: memref<5x80xi32, #tpu.memory_space<vmem>>, %arg11: memref<5x80xi32, #tpu.memory_space<vmem>>, %arg12: memref<80x16xf32, #tpu.memory_space<vmem>>, %arg13: memref<400x128xf32, #tpu.memory_space<vmem>>, %arg14: memref<400x128xf32, #tpu.memory_space<vmem>>, %arg15: memref<!tpu.dma_semaphore, #tpu.memory_space<semaphore_mem>>, %arg16: memref<!tpu.dma_semaphore, #tpu.memory_space<semaphore_mem>>, %arg17: memref<!tpu.dma_semaphore, #tpu.memory_space<semaphore_mem>>, %arg18: memref<!tpu.dma_semaphore, #tpu.memory_space<semaphore_mem>>, %arg19: memref<!tpu.dma_semaphore, #tpu.memory_space<semaphore_mem>>, %arg20: memref<!tpu.dma_semaphore, #tpu.memory_space<semaphore_mem>>, %arg21: memref<16x128xf32, #tpu.memory_space<vmem>>, %arg22: memref<16x16xf32, #tpu.memory_space<vmem>>) attributes {dimension_semantics = [#tpu.dimension_semantics<core_parallel>, #tpu.dimension_semantics<subcore_parallel>], iteration_bounds = array<i64: 2, 16>, scalar_prefetch = 0 : i64, scratch_operands = 17 : i64, tpu.core_type = #tpu.core_type<sc_vector_subcore>, window_params = [{transform_indices = #map}, {transform_indices = #map1}, {transform_indices = #map2}, {transform_indices = #map2}]} {
    %mul3A = arith.constant 2 : i32
    %mul3A_0 = arith.muli %arg1, %mul3A : i32
    %add3A = arith.addi %mul3A_0, %arg0 : i32
    %broadcast_in_dim3A = arith.constant 0.000000e+00 : f32
    %broadcast_in_dim3A_1 = vector.broadcast %broadcast_in_dim3A : f32 to vector<16xf32>
    %broadcast_in_dim3A_2 = arith.constant 1.000000e+00 : f32
    %broadcast_in_dim3A_3 = vector.broadcast %broadcast_in_dim3A_2 : f32 to vector<16xf32>
    %scan3A = arith.constant 0 : i32
    %scan3A_4 = arith.constant 0 : i32
    %scan3A_5 = arith.constant 16 : i32
    %scan3A_6 = arith.addi %scan3A_4, %scan3A_5 : i32
    %scan3A_7 = arith.constant 1 : i32
    scf.for %scan3A_189 = %scan3A_4 to %scan3A_6 step %scan3A_7  : i32 {
      %swap3A = arith.index_cast %scan3A_189 : i32 to index
      %swap3A_190 = arith.constant 0 : index
      %swap3A_191 = tpu.vector_load %arg21[%swap3A, %swap3A_190] {strides = array<i32>} : memref<16x128xf32, #tpu.memory_space<vmem>>, vector<1x16xf32>,
      %swap3A_192 = vector.shape_cast %swap3A_191 : vector<1x16xf32> to vector<16xf32>
      %swap3A_193 = vector.shape_cast %broadcast_in_dim3A_1 : vector<16xf32> to vector<1x16xf32>
      tpu.vector_store %arg21[%swap3A, %swap3A_190], %swap3A_193 {strides = array<i32>} : memref<16x128xf32, #tpu.memory_space<vmem>>, vector<1x16xf32>,
      %swap3A_194 = arith.index_cast %scan3A_189 : i32 to index
      %swap3A_195 = arith.constant 16 : index
      %swap3A_196 = tpu.vector_load %arg21[%swap3A_194, %swap3A_195] {strides = array<i32>} : memref<16x128xf32, #tpu.memory_space<vmem>>, vector<1x16xf32>,
      %swap3A_197 = vector.shape_cast %swap3A_196 : vector<1x16xf32> to vector<16xf32>
      %swap3A_198 = vector.shape_cast %broadcast_in_dim3A_1 : vector<16xf32> to vector<1x16xf32>
      tpu.vector_store %arg21[%swap3A_194, %swap3A_195], %swap3A_198 {strides = array<i32>} : memref<16x128xf32, #tpu.memory_space<vmem>>, vector<1x16xf32>,
      %swap3A_199 = arith.index_cast %scan3A_189 : i32 to index
      %swap3A_200 = arith.constant 32 : index
      %swap3A_201 = tpu.vector_load %arg21[%swap3A_199, %swap3A_200] {strides = array<i32>} : memref<16x128xf32, #tpu.memory_space<vmem>>, vector<1x16xf32>,
      %swap3A_202 = vector.shape_cast %swap3A_201 : vector<1x16xf32> to vector<16xf32>
      %swap3A_203 = vector.shape_cast %broadcast_in_dim3A_1 : vector<16xf32> to vector<1x16xf32>
      tpu.vector_store %arg21[%swap3A_199, %swap3A_200], %swap3A_203 {strides = array<i32>} : memref<16x128xf32, #tpu.memory_space<vmem>>, vector<1x16xf32>,
      %swap3A_204 = arith.index_cast %scan3A_189 : i32 to index
      %swap3A_205 = arith.constant 48 : index
      %swap3A_206 = tpu.vector_load %arg21[%swap3A_204, %swap3A_205] {strides = array<i32>} : memref<16x128xf32, #tpu.memory_space<vmem>>, vector<1x16xf32>,
      %swap3A_207 = vector.shape_cast %swap3A_206 : vector<1x16xf32> to vector<16xf32>
      %swap3A_208 = vector.shape_cast %broadcast_in_dim3A_1 : vector<16xf32> to vector<1x16xf32>
      tpu.vector_store %arg21[%swap3A_204, %swap3A_205], %swap3A_208 {strides = array<i32>} : memref<16x128xf32, #tpu.memory_space<vmem>>, vector<1x16xf32>,
      %swap3A_209 = arith.index_cast %scan3A_189 : i32 to index
      %swap3A_210 = arith.constant 64 : index
      %swap3A_211 = tpu.vector_load %arg21[%swap3A_209, %swap3A_210] {strides = array<i32>} : memref<16x128xf32, #tpu.memory_space<vmem>>, vector<1x16xf32>,
      %swap3A_212 = vector.shape_cast %swap3A_211 : vector<1x16xf32> to vector<16xf32>
      %swap3A_213 = vector.shape_cast %broadcast_in_dim3A_1 : vector<16xf32> to vector<1x16xf32>
      tpu.vector_store %arg21[%swap3A_209, %swap3A_210], %swap3A_213 {strides = array<i32>} : memref<16x128xf32, #tpu.memory_space<vmem>>, vector<1x16xf32>,
      %swap3A_214 = arith.index_cast %scan3A_189 : i32 to index
      %swap3A_215 = arith.constant 80 : index
      %swap3A_216 = tpu.vector_load %arg21[%swap3A_214, %swap3A_215] {strides = array<i32>} : memref<16x128xf32, #tpu.memory_space<vmem>>, vector<1x16xf32>,
      %swap3A_217 = vector.shape_cast %swap3A_216 : vector<1x16xf32> to vector<16xf32>
      %swap3A_218 = vector.shape_cast %broadcast_in_dim3A_1 : vector<16xf32> to vector<1x16xf32>
      tpu.vector_store %arg21[%swap3A_214, %swap3A_215], %swap3A_218 {strides = array<i32>} : memref<16x128xf32, #tpu.memory_space<vmem>>, vector<1x16xf32>,
      %swap3A_219 = arith.index_cast %scan3A_189 : i32 to index
      %swap3A_220 = arith.constant 96 : index
      %swap3A_221 = tpu.vector_load %arg21[%swap3A_219, %swap3A_220] {strides = array<i32>} : memref<16x128xf32, #tpu.memory_space<vmem>>, vector<1x16xf32>,
      %swap3A_222 = vector.shape_cast %swap3A_221 : vector<1x16xf32> to vector<16xf32>
      %swap3A_223 = vector.shape_cast %broadcast_in_dim3A_1 : vector<16xf32> to vector<1x16xf32>
      tpu.vector_store %arg21[%swap3A_219, %swap3A_220], %swap3A_223 {strides = array<i32>} : memref<16x128xf32, #tpu.memory_space<vmem>>, vector<1x16xf32>,
      %swap3A_224 = arith.index_cast %scan3A_189 : i32 to index
      %swap3A_225 = arith.constant 112 : index
      %swap3A_226 = tpu.vector_load %arg21[%swap3A_224, %swap3A_225] {strides = array<i32>} : memref<16x128xf32, #tpu.memory_space<vmem>>, vector<1x16xf32>,
      %swap3A_227 = vector.shape_cast %swap3A_226 : vector<1x16xf32> to vector<16xf32>
      %swap3A_228 = vector.shape_cast %broadcast_in_dim3A_1 : vector<16xf32> to vector<1x16xf32>
      tpu.vector_store %arg21[%swap3A_224, %swap3A_225], %swap3A_228 {strides = array<i32>} : memref<16x128xf32, #tpu.memory_space<vmem>>, vector<1x16xf32>,
      %swap3A_229 = arith.index_cast %scan3A_189 : i32 to index
      %swap3A_230 = arith.constant 0 : index
      %swap3A_231 = tpu.vector_load %arg22[%swap3A_229, %swap3A_230] {strides = array<i32>} : memref<16x16xf32, #tpu.memory_space<vmem>>, vector<1x16xf32>,
      %swap3A_232 = vector.shape_cast %swap3A_231 : vector<1x16xf32> to vector<16xf32>
      %swap3A_233 = vector.shape_cast %broadcast_in_dim3A_1 : vector<16xf32> to vector<1x16xf32>
      tpu.vector_store %arg22[%swap3A_229, %swap3A_230], %swap3A_233 {strides = array<i32>} : memref<16x16xf32, #tpu.memory_space<vmem>>, vector<1x16xf32>,
    }
    %scan3A_8 = arith.constant 16 : i32
    %scan3A_9 = arith.constant 0 : i32
    %scan3A_10 = arith.constant 0 : i32
    %scan3A_11 = arith.constant 80 : i32
    %scan3A_12 = arith.addi %scan3A_10, %scan3A_11 : i32
    %scan3A_13 = arith.constant 1 : i32
    scf.for %scan3A_189 = %scan3A_10 to %scan3A_12 step %scan3A_13  : i32 {
      %swap3A = arith.index_cast %scan3A_189 : i32 to index
      %swap3A_190 = arith.constant 0 : index
      %swap3A_191 = tpu.vector_load %arg12[%swap3A, %swap3A_190] {strides = array<i32>} : memref<80x16xf32, #tpu.memory_space<vmem>>, vector<1x16xf32>,
      %swap3A_192 = vector.shape_cast %swap3A_191 : vector<1x16xf32> to vector<16xf32>
      %swap3A_193 = vector.shape_cast %broadcast_in_dim3A_3 : vector<16xf32> to vector<1x16xf32>
      tpu.vector_store %arg12[%swap3A, %swap3A_190], %swap3A_193 {strides = array<i32>} : memref<80x16xf32, #tpu.memory_space<vmem>>, vector<1x16xf32>,
    }
    %scan3A_14 = arith.constant 80 : i32
    %mul3A_15 = arith.constant 16 : i32
    %mul3A_16 = arith.muli %arg1, %mul3A_15 : i32
    "tpu.region"() ({
      %run_scoped3A = tpu.sem_alloc : memref<!tpu.dma_semaphore, #tpu.memory_space<semaphore_mem>>
      %dma_start3A = arith.constant 0 : i32
      %dma_start3A_189 = tpu.memref_slice %arg6[%mul3A_16, %dma_start3A] : memref<256x128xf32, #tpu.memory_space<vmem_shared>> -> memref<16x128xf32, #tpu.memory_space<vmem_shared>>
      %dma_start3A_190 = arith.constant 0 : i32
      %dma_start3A_191 = tpu.memref_slice %arg6[%mul3A_16, %dma_start3A_190] : memref<256x128xf32, #tpu.memory_space<vmem_shared>> -> memref<16x128xf32, #tpu.memory_space<vmem_shared>>
      tpu.enqueue_dma source(%arg21 : memref<16x128xf32, #tpu.memory_space<vmem>>) target(%dma_start3A_191 : memref<16x128xf32, #tpu.memory_space<vmem_shared>>) target_semaphore(%run_scoped3A : memref<!tpu.dma_semaphore, #tpu.memory_space<semaphore_mem>>)
      %dma_wait3A = arith.constant 0 : i32
      %dma_wait3A_192 = tpu.memref_slice %arg6[%mul3A_16, %dma_wait3A] : memref<256x128xf32, #tpu.memory_space<vmem_shared>> -> memref<16x128xf32, #tpu.memory_space<vmem_shared>>
      %dma_wait3A_193 = arith.constant 0 : i32
      %dma_wait3A_194 = tpu.memref_slice %arg6[%mul3A_16, %dma_wait3A_193] : memref<256x128xf32, #tpu.memory_space<vmem_shared>> -> memref<16x128xf32, #tpu.memory_space<vmem_shared>>
      tpu.wait_dma2 semaphore(%run_scoped3A : memref<!tpu.dma_semaphore, #tpu.memory_space<semaphore_mem>>) src(%arg21 : memref<16x128xf32, #tpu.memory_space<vmem>>) dst(%dma_wait3A_194 : memref<16x128xf32, #tpu.memory_space<vmem_shared>>)
      tpu.yield
    }) : () -> ()
    %mul3A_17 = arith.constant 16 : i32
    %mul3A_18 = arith.muli %arg1, %mul3A_17 : i32
    "tpu.region"() ({
      %run_scoped3A = tpu.sem_alloc : memref<!tpu.dma_semaphore, #tpu.memory_space<semaphore_mem>>
      %dma_start3A = arith.constant 0 : i32
      %dma_start3A_189 = tpu.memref_slice %arg7[%mul3A_18, %dma_start3A] : memref<256x16xf32, #tpu.memory_space<vmem_shared>> -> memref<16x16xf32, #tpu.memory_space<vmem_shared>>
      %dma_start3A_190 = arith.constant 0 : i32
      %dma_start3A_191 = tpu.memref_slice %arg7[%mul3A_18, %dma_start3A_190] : memref<256x16xf32, #tpu.memory_space<vmem_shared>> -> memref<16x16xf32, #tpu.memory_space<vmem_shared>>
      tpu.enqueue_dma source(%arg22 : memref<16x16xf32, #tpu.memory_space<vmem>>) target(%dma_start3A_191 : memref<16x16xf32, #tpu.memory_space<vmem_shared>>) target_semaphore(%run_scoped3A : memref<!tpu.dma_semaphore, #tpu.memory_space<semaphore_mem>>)
      %dma_wait3A = arith.constant 0 : i32
      %dma_wait3A_192 = tpu.memref_slice %arg7[%mul3A_18, %dma_wait3A] : memref<256x16xf32, #tpu.memory_space<vmem_shared>> -> memref<16x16xf32, #tpu.memory_space<vmem_shared>>
      %dma_wait3A_193 = arith.constant 0 : i32
      %dma_wait3A_194 = tpu.memref_slice %arg7[%mul3A_18, %dma_wait3A_193] : memref<256x16xf32, #tpu.memory_space<vmem_shared>> -> memref<16x16xf32, #tpu.memory_space<vmem_shared>>
      tpu.wait_dma2 semaphore(%run_scoped3A : memref<!tpu.dma_semaphore, #tpu.memory_space<semaphore_mem>>) src(%arg22 : memref<16x16xf32, #tpu.memory_space<vmem>>) dst(%dma_wait3A_194 : memref<16x16xf32, #tpu.memory_space<vmem_shared>>)
      tpu.yield
    }) : () -> ()
    %barrier3A = arith.constant 0 : index
    tpu.barrier barrier_id(%barrier3A)
    %add3A_19 = arith.constant 0 : i32
    %add3A_20 = arith.addi %add3A, %add3A_19 : i32
    %lt3A = arith.constant 250 : i32
    %lt3A_21 = arith.cmpi slt, %add3A_20, %lt3A : i32
    %convert_element_type3A = arith.extui %lt3A_21 : i1 to i32
    %cond3A = arith.constant 0 : i32
    %cond3A_22 = arith.cmpi ne, %convert_element_type3A, %cond3A : i32
    scf.if %cond3A_22 {
      %mul3A_189 = arith.constant 400 : i32
      %mul3A_190 = arith.muli %add3A_20, %mul3A_189 : i32
      %dma_start3A = arith.constant 0 : i32
      %dma_start3A_191 = tpu.memref_slice %arg2[%mul3A_190, %dma_start3A] : memref<100000x128xf32, #tpu.memory_space<hbm>> -> memref<400x128xf32, #tpu.memory_space<hbm>>
      %dma_start3A_192 = arith.constant 0 : i32
      %dma_start3A_193 = tpu.memref_slice %arg2[%mul3A_190, %dma_start3A_192] : memref<100000x128xf32, #tpu.memory_space<hbm>> -> memref<400x128xf32, #tpu.memory_space<hbm>>
      tpu.enqueue_dma source(%dma_start3A_193 : memref<400x128xf32, #tpu.memory_space<hbm>>) target(%arg13 : memref<400x128xf32, #tpu.memory_space<vmem>>) target_semaphore(%arg17 : memref<!tpu.dma_semaphore, #tpu.memory_space<semaphore_mem>>)
      %mul3A_194 = arith.constant 400 : i32
      %mul3A_195 = arith.muli %add3A_20, %mul3A_194 : i32
      %dma_start3A_196 = tpu.memref_slice %arg3[%mul3A_195] : memref<100000xi32, #tpu.memory_space<hbm>> -> memref<400xi32, #tpu.memory_space<hbm>>
      %dma_start3A_197 = tpu.memref_slice %arg3[%mul3A_195] : memref<100000xi32, #tpu.memory_space<hbm>> -> memref<400xi32, #tpu.memory_space<hbm>>
      tpu.enqueue_dma source(%dma_start3A_197 : memref<400xi32, #tpu.memory_space<hbm>>) target(%arg8 : memref<400xi32, #tpu.memory_space<vmem>>) target_semaphore(%arg15 : memref<!tpu.dma_semaphore, #tpu.memory_space<semaphore_mem>>)
    } else {
    }
    %add3A_23 = arith.constant 32 : i32
    %add3A_24 = arith.addi %add3A, %add3A_23 : i32
    %lt3A_25 = arith.constant 250 : i32
    %lt3A_26 = arith.cmpi slt, %add3A_24, %lt3A_25 : i32
    %convert_element_type3A_27 = arith.extui %lt3A_26 : i1 to i32
    %cond3A_28 = arith.constant 0 : i32
    %cond3A_29 = arith.cmpi ne, %convert_element_type3A_27, %cond3A_28 : i32
    scf.if %cond3A_29 {
      %mul3A_189 = arith.constant 400 : i32
      %mul3A_190 = arith.muli %add3A_24, %mul3A_189 : i32
      %dma_start3A = arith.constant 0 : i32
      %dma_start3A_191 = tpu.memref_slice %arg2[%mul3A_190, %dma_start3A] : memref<100000x128xf32, #tpu.memory_space<hbm>> -> memref<400x128xf32, #tpu.memory_space<hbm>>
      %dma_start3A_192 = arith.constant 0 : i32
      %dma_start3A_193 = tpu.memref_slice %arg2[%mul3A_190, %dma_start3A_192] : memref<100000x128xf32, #tpu.memory_space<hbm>> -> memref<400x128xf32, #tpu.memory_space<hbm>>
      tpu.enqueue_dma source(%dma_start3A_193 : memref<400x128xf32, #tpu.memory_space<hbm>>) target(%arg14 : memref<400x128xf32, #tpu.memory_space<vmem>>) target_semaphore(%arg18 : memref<!tpu.dma_semaphore, #tpu.memory_space<semaphore_mem>>)
      %mul3A_194 = arith.constant 400 : i32
      %mul3A_195 = arith.muli %add3A_24, %mul3A_194 : i32
      %dma_start3A_196 = tpu.memref_slice %arg3[%mul3A_195] : memref<100000xi32, #tpu.memory_space<hbm>> -> memref<400xi32, #tpu.memory_space<hbm>>
      %dma_start3A_197 = tpu.memref_slice %arg3[%mul3A_195] : memref<100000xi32, #tpu.memory_space<hbm>> -> memref<400xi32, #tpu.memory_space<hbm>>
      tpu.enqueue_dma source(%dma_start3A_197 : memref<400xi32, #tpu.memory_space<hbm>>) target(%arg9 : memref<400xi32, #tpu.memory_space<vmem>>) target_semaphore(%arg16 : memref<!tpu.dma_semaphore, #tpu.memory_space<semaphore_mem>>)
    } else {
    }
    %add3A_30 = arith.constant 0 : i32
    %add3A_31 = arith.addi %add3A, %add3A_30 : i32
    %lt3A_32 = arith.constant 250 : i32
    %lt3A_33 = arith.cmpi slt, %add3A_31, %lt3A_32 : i32
    %convert_element_type3A_34 = arith.extui %lt3A_33 : i1 to i32
    %cond3A_35 = arith.constant 0 : i32
    %cond3A_36 = arith.cmpi ne, %convert_element_type3A_34, %cond3A_35 : i32
    scf.if %cond3A_36 {
      %mul3A_189 = arith.constant 400 : i32
      %mul3A_190 = arith.muli %add3A_31, %mul3A_189 : i32
      %dma_wait3A = tpu.memref_slice %arg3[%mul3A_190] : memref<100000xi32, #tpu.memory_space<hbm>> -> memref<400xi32, #tpu.memory_space<hbm>>
      %dma_wait3A_191 = tpu.memref_slice %arg3[%mul3A_190] : memref<100000xi32, #tpu.memory_space<hbm>> -> memref<400xi32, #tpu.memory_space<hbm>>
      tpu.wait_dma2 semaphore(%arg15 : memref<!tpu.dma_semaphore, #tpu.memory_space<semaphore_mem>>) src(%dma_wait3A_191 : memref<400xi32, #tpu.memory_space<hbm>>) dst(%arg8 : memref<400xi32, #tpu.memory_space<vmem>>)
      %get3A = arith.constant 0 : index
      %get3A_192 = tpu.vector_load %arg8[%get3A] {strides = array<i32>} : memref<400xi32, #tpu.memory_space<vmem>>, vector<16xi32>,
      %get3A_193 = vector.shape_cast %get3A_192 : vector<16xi32> to vector<16xi32>
      %swap3A = arith.constant 0 : i32
      %swap3A_194 = arith.index_cast %swap3A : i32 to index
      %swap3A_195 = arith.constant 0 : index
      %swap3A_196 = tpu.vector_load %arg10[%swap3A_194, %swap3A_195] {strides = array<i32>} : memref<5x80xi32, #tpu.memory_space<vmem>>, vector<1x16xi32>,
      %swap3A_197 = vector.shape_cast %swap3A_196 : vector<1x16xi32> to vector<16xi32>
      %swap3A_198 = vector.shape_cast %get3A_193 : vector<16xi32> to vector<1x16xi32>
      tpu.vector_store %arg10[%swap3A_194, %swap3A_195], %swap3A_198 {strides = array<i32>} : memref<5x80xi32, #tpu.memory_space<vmem>>, vector<1x16xi32>,
      %get3A_199 = arith.constant 16 : index
      %get3A_200 = tpu.vector_load %arg8[%get3A_199] {strides = array<i32>} : memref<400xi32, #tpu.memory_space<vmem>>, vector<16xi32>,
      %get3A_201 = vector.shape_cast %get3A_200 : vector<16xi32> to vector<16xi32>
      %swap3A_202 = arith.constant 0 : i32
      %swap3A_203 = arith.index_cast %swap3A_202 : i32 to index
      %swap3A_204 = arith.constant 16 : index
      %swap3A_205 = tpu.vector_load %arg10[%swap3A_203, %swap3A_204] {strides = array<i32>} : memref<5x80xi32, #tpu.memory_space<vmem>>, vector<1x16xi32>,
      %swap3A_206 = vector.shape_cast %swap3A_205 : vector<1x16xi32> to vector<16xi32>
      %swap3A_207 = vector.shape_cast %get3A_201 : vector<16xi32> to vector<1x16xi32>
      tpu.vector_store %arg10[%swap3A_203, %swap3A_204], %swap3A_207 {strides = array<i32>} : memref<5x80xi32, #tpu.memory_space<vmem>>, vector<1x16xi32>,
      %get3A_208 = arith.constant 32 : index
      %get3A_209 = tpu.vector_load %arg8[%get3A_208] {strides = array<i32>} : memref<400xi32, #tpu.memory_space<vmem>>, vector<16xi32>,
      %get3A_210 = vector.shape_cast %get3A_209 : vector<16xi32> to vector<16xi32>
      %swap3A_211 = arith.constant 0 : i32
      %swap3A_212 = arith.index_cast %swap3A_211 : i32 to index
      %swap3A_213 = arith.constant 32 : index
      %swap3A_214 = tpu.vector_load %arg10[%swap3A_212, %swap3A_213] {strides = array<i32>} : memref<5x80xi32, #tpu.memory_space<vmem>>, vector<1x16xi32>,
      %swap3A_215 = vector.shape_cast %swap3A_214 : vector<1x16xi32> to vector<16xi32>
      %swap3A_216 = vector.shape_cast %get3A_210 : vector<16xi32> to vector<1x16xi32>
      tpu.vector_store %arg10[%swap3A_212, %swap3A_213], %swap3A_216 {strides = array<i32>} : memref<5x80xi32, #tpu.memory_space<vmem>>, vector<1x16xi32>,
      %get3A_217 = arith.constant 48 : index
      %get3A_218 = tpu.vector_load %arg8[%get3A_217] {strides = array<i32>} : memref<400xi32, #tpu.memory_space<vmem>>, vector<16xi32>,
      %get3A_219 = vector.shape_cast %get3A_218 : vector<16xi32> to vector<16xi32>
      %swap3A_220 = arith.constant 0 : i32
      %swap3A_221 = arith.index_cast %swap3A_220 : i32 to index
      %swap3A_222 = arith.constant 48 : index
      %swap3A_223 = tpu.vector_load %arg10[%swap3A_221, %swap3A_222] {strides = array<i32>} : memref<5x80xi32, #tpu.memory_space<vmem>>, vector<1x16xi32>,
      %swap3A_224 = vector.shape_cast %swap3A_223 : vector<1x16xi32> to vector<16xi32>
      %swap3A_225 = vector.shape_cast %get3A_219 : vector<16xi32> to vector<1x16xi32>
      tpu.vector_store %arg10[%swap3A_221, %swap3A_222], %swap3A_225 {strides = array<i32>} : memref<5x80xi32, #tpu.memory_space<vmem>>, vector<1x16xi32>,
      %get3A_226 = arith.constant 64 : index
      %get3A_227 = tpu.vector_load %arg8[%get3A_226] {strides = array<i32>} : memref<400xi32, #tpu.memory_space<vmem>>, vector<16xi32>,
      %get3A_228 = vector.shape_cast %get3A_227 : vector<16xi32> to vector<16xi32>
      %swap3A_229 = arith.constant 0 : i32
      %swap3A_230 = arith.index_cast %swap3A_229 : i32 to index
      %swap3A_231 = arith.constant 64 : index
      %swap3A_232 = tpu.vector_load %arg10[%swap3A_230, %swap3A_231] {strides = array<i32>} : memref<5x80xi32, #tpu.memory_space<vmem>>, vector<1x16xi32>,
      %swap3A_233 = vector.shape_cast %swap3A_232 : vector<1x16xi32> to vector<16xi32>
      %swap3A_234 = vector.shape_cast %get3A_228 : vector<16xi32> to vector<1x16xi32>
      tpu.vector_store %arg10[%swap3A_230, %swap3A_231], %swap3A_234 {strides = array<i32>} : memref<5x80xi32, #tpu.memory_space<vmem>>, vector<1x16xi32>,
      %get3A_235 = arith.constant 80 : index
      %get3A_236 = tpu.vector_load %arg8[%get3A_235] {strides = array<i32>} : memref<400xi32, #tpu.memory_space<vmem>>, vector<16xi32>,
      %get3A_237 = vector.shape_cast %get3A_236 : vector<16xi32> to vector<16xi32>
      %swap3A_238 = arith.constant 1 : i32
      %swap3A_239 = arith.index_cast %swap3A_238 : i32 to index
      %swap3A_240 = arith.constant 0 : index
      %swap3A_241 = tpu.vector_load %arg10[%swap3A_239, %swap3A_240] {strides = array<i32>} : memref<5x80xi32, #tpu.memory_space<vmem>>, vector<1x16xi32>,
      %swap3A_242 = vector.shape_cast %swap3A_241 : vector<1x16xi32> to vector<16xi32>
      %swap3A_243 = vector.shape_cast %get3A_237 : vector<16xi32> to vector<1x16xi32>
      tpu.vector_store %arg10[%swap3A_239, %swap3A_240], %swap3A_243 {strides = array<i32>} : memref<5x80xi32, #tpu.memory_space<vmem>>, vector<1x16xi32>,
      %get3A_244 = arith.constant 96 : index
      %get3A_245 = tpu.vector_load %arg8[%get3A_244] {strides = array<i32>} : memref<400xi32, #tpu.memory_space<vmem>>, vector<16xi32>,
      %get3A_246 = vector.shape_cast %get3A_245 : vector<16xi32> to vector<16xi32>
      %swap3A_247 = arith.constant 1 : i32
      %swap3A_248 = arith.index_cast %swap3A_247 : i32 to index
      %swap3A_249 = arith.constant 16 : index
      %swap3A_250 = tpu.vector_load %arg10[%swap3A_248, %swap3A_249] {strides = array<i32>} : memref<5x80xi32, #tpu.memory_space<vmem>>, vector<1x16xi32>,
      %swap3A_251 = vector.shape_cast %swap3A_250 : vector<1x16xi32> to vector<16xi32>
      %swap3A_252 = vector.shape_cast %get3A_246 : vector<16xi32> to vector<1x16xi32>
      tpu.vector_store %arg10[%swap3A_248, %swap3A_249], %swap3A_252 {strides = array<i32>} : memref<5x80xi32, #tpu.memory_space<vmem>>, vector<1x16xi32>,
      %get3A_253 = arith.constant 112 : index
      %get3A_254 = tpu.vector_load %arg8[%get3A_253] {strides = array<i32>} : memref<400xi32, #tpu.memory_space<vmem>>, vector<16xi32>,
      %get3A_255 = vector.shape_cast %get3A_254 : vector<16xi32> to vector<16xi32>
      %swap3A_256 = arith.constant 1 : i32
      %swap3A_257 = arith.index_cast %swap3A_256 : i32 to index
      %swap3A_258 = arith.constant 32 : index
      %swap3A_259 = tpu.vector_load %arg10[%swap3A_257, %swap3A_258] {strides = array<i32>} : memref<5x80xi32, #tpu.memory_space<vmem>>, vector<1x16xi32>,
      %swap3A_260 = vector.shape_cast %swap3A_259 : vector<1x16xi32> to vector<16xi32>
      %swap3A_261 = vector.shape_cast %get3A_255 : vector<16xi32> to vector<1x16xi32>
      tpu.vector_store %arg10[%swap3A_257, %swap3A_258], %swap3A_261 {strides = array<i32>} : memref<5x80xi32, #tpu.memory_space<vmem>>, vector<1x16xi32>,
      %get3A_262 = arith.constant 128 : index
      %get3A_263 = tpu.vector_load %arg8[%get3A_262] {strides = array<i32>} : memref<400xi32, #tpu.memory_space<vmem>>, vector<16xi32>,
      %get3A_264 = vector.shape_cast %get3A_263 : vector<16xi32> to vector<16xi32>
      %swap3A_265 = arith.constant 1 : i32
      %swap3A_266 = arith.index_cast %swap3A_265 : i32 to index
      %swap3A_267 = arith.constant 48 : index
      %swap3A_268 = tpu.vector_load %arg10[%swap3A_266, %swap3A_267] {strides = array<i32>} : memref<5x80xi32, #tpu.memory_space<vmem>>, vector<1x16xi32>,
      %swap3A_269 = vector.shape_cast %swap3A_268 : vector<1x16xi32> to vector<16xi32>
      %swap3A_270 = vector.shape_cast %get3A_264 : vector<16xi32> to vector<1x16xi32>
      tpu.vector_store %arg10[%swap3A_266, %swap3A_267], %swap3A_270 {strides = array<i32>} : memref<5x80xi32, #tpu.memory_space<vmem>>, vector<1x16xi32>,
      %get3A_271 = arith.constant 144 : index
      %get3A_272 = tpu.vector_load %arg8[%get3A_271] {strides = array<i32>} : memref<400xi32, #tpu.memory_space<vmem>>, vector<16xi32>,
      %get3A_273 = vector.shape_cast %get3A_272 : vector<16xi32> to vector<16xi32>
      %swap3A_274 = arith.constant 1 : i32
      %swap3A_275 = arith.index_cast %swap3A_274 : i32 to index
      %swap3A_276 = arith.constant 64 : index
      %swap3A_277 = tpu.vector_load %arg10[%swap3A_275, %swap3A_276] {strides = array<i32>} : memref<5x80xi32, #tpu.memory_space<vmem>>, vector<1x16xi32>,
      %swap3A_278 = vector.shape_cast %swap3A_277 : vector<1x16xi32> to vector<16xi32>
      %swap3A_279 = vector.shape_cast %get3A_273 : vector<16xi32> to vector<1x16xi32>
      tpu.vector_store %arg10[%swap3A_275, %swap3A_276], %swap3A_279 {strides = array<i32>} : memref<5x80xi32, #tpu.memory_space<vmem>>, vector<1x16xi32>,
      %get3A_280 = arith.constant 160 : index
      %get3A_281 = tpu.vector_load %arg8[%get3A_280] {strides = array<i32>} : memref<400xi32, #tpu.memory_space<vmem>>, vector<16xi32>,
      %get3A_282 = vector.shape_cast %get3A_281 : vector<16xi32> to vector<16xi32>
      %swap3A_283 = arith.constant 2 : i32
      %swap3A_284 = arith.index_cast %swap3A_283 : i32 to index
      %swap3A_285 = arith.constant 0 : index
      %swap3A_286 = tpu.vector_load %arg10[%swap3A_284, %swap3A_285] {strides = array<i32>} : memref<5x80xi32, #tpu.memory_space<vmem>>, vector<1x16xi32>,
      %swap3A_287 = vector.shape_cast %swap3A_286 : vector<1x16xi32> to vector<16xi32>
      %swap3A_288 = vector.shape_cast %get3A_282 : vector<16xi32> to vector<1x16xi32>
      tpu.vector_store %arg10[%swap3A_284, %swap3A_285], %swap3A_288 {strides = array<i32>} : memref<5x80xi32, #tpu.memory_space<vmem>>, vector<1x16xi32>,
      %get3A_289 = arith.constant 176 : index
      %get3A_290 = tpu.vector_load %arg8[%get3A_289] {strides = array<i32>} : memref<400xi32, #tpu.memory_space<vmem>>, vector<16xi32>,
      %get3A_291 = vector.shape_cast %get3A_290 : vector<16xi32> to vector<16xi32>
      %swap3A_292 = arith.constant 2 : i32
      %swap3A_293 = arith.index_cast %swap3A_292 : i32 to index
      %swap3A_294 = arith.constant 16 : index
      %swap3A_295 = tpu.vector_load %arg10[%swap3A_293, %swap3A_294] {strides = array<i32>} : memref<5x80xi32, #tpu.memory_space<vmem>>, vector<1x16xi32>,
      %swap3A_296 = vector.shape_cast %swap3A_295 : vector<1x16xi32> to vector<16xi32>
      %swap3A_297 = vector.shape_cast %get3A_291 : vector<16xi32> to vector<1x16xi32>
      tpu.vector_store %arg10[%swap3A_293, %swap3A_294], %swap3A_297 {strides = array<i32>} : memref<5x80xi32, #tpu.memory_space<vmem>>, vector<1x16xi32>,
      %get3A_298 = arith.constant 192 : index
      %get3A_299 = tpu.vector_load %arg8[%get3A_298] {strides = array<i32>} : memref<400xi32, #tpu.memory_space<vmem>>, vector<16xi32>,
      %get3A_300 = vector.shape_cast %get3A_299 : vector<16xi32> to vector<16xi32>
      %swap3A_301 = arith.constant 2 : i32
      %swap3A_302 = arith.index_cast %swap3A_301 : i32 to index
      %swap3A_303 = arith.constant 32 : index
      %swap3A_304 = tpu.vector_load %arg10[%swap3A_302, %swap3A_303] {strides = array<i32>} : memref<5x80xi32, #tpu.memory_space<vmem>>, vector<1x16xi32>,
      %swap3A_305 = vector.shape_cast %swap3A_304 : vector<1x16xi32> to vector<16xi32>
      %swap3A_306 = vector.shape_cast %get3A_300 : vector<16xi32> to vector<1x16xi32>
      tpu.vector_store %arg10[%swap3A_302, %swap3A_303], %swap3A_306 {strides = array<i32>} : memref<5x80xi32, #tpu.memory_space<vmem>>, vector<1x16xi32>,
      %get3A_307 = arith.constant 208 : index
      %get3A_308 = tpu.vector_load %arg8[%get3A_307] {strides = array<i32>} : memref<400xi32, #tpu.memory_space<vmem>>, vector<16xi32>,
      %get3A_309 = vector.shape_cast %get3A_308 : vector<16xi32> to vector<16xi32>
      %swap3A_310 = arith.constant 2 : i32
      %swap3A_311 = arith.index_cast %swap3A_310 : i32 to index
      %swap3A_312 = arith.constant 48 : index
      %swap3A_313 = tpu.vector_load %arg10[%swap3A_311, %swap3A_312] {strides = array<i32>} : memref<5x80xi32, #tpu.memory_space<vmem>>, vector<1x16xi32>,
      %swap3A_314 = vector.shape_cast %swap3A_313 : vector<1x16xi32> to vector<16xi32>
      %swap3A_315 = vector.shape_cast %get3A_309 : vector<16xi32> to vector<1x16xi32>
      tpu.vector_store %arg10[%swap3A_311, %swap3A_312], %swap3A_315 {strides = array<i32>} : memref<5x80xi32, #tpu.memory_space<vmem>>, vector<1x16xi32>,
      %get3A_316 = arith.constant 224 : index
      %get3A_317 = tpu.vector_load %arg8[%get3A_316] {strides = array<i32>} : memref<400xi32, #tpu.memory_space<vmem>>, vector<16xi32>,
      %get3A_318 = vector.shape_cast %get3A_317 : vector<16xi32> to vector<16xi32>
      %swap3A_319 = arith.constant 2 : i32
      %swap3A_320 = arith.index_cast %swap3A_319 : i32 to index
      %swap3A_321 = arith.constant 64 : index
      %swap3A_322 = tpu.vector_load %arg10[%swap3A_320, %swap3A_321] {strides = array<i32>} : memref<5x80xi32, #tpu.memory_space<vmem>>, vector<1x16xi32>,
      %swap3A_323 = vector.shape_cast %swap3A_322 : vector<1x16xi32> to vector<16xi32>
      %swap3A_324 = vector.shape_cast %get3A_318 : vector<16xi32> to vector<1x16xi32>
      tpu.vector_store %arg10[%swap3A_320, %swap3A_321], %swap3A_324 {strides = array<i32>} : memref<5x80xi32, #tpu.memory_space<vmem>>, vector<1x16xi32>,
      %get3A_325 = arith.constant 240 : index
      %get3A_326 = tpu.vector_load %arg8[%get3A_325] {strides = array<i32>} : memref<400xi32, #tpu.memory_space<vmem>>, vector<16xi32>,
      %get3A_327 = vector.shape_cast %get3A_326 : vector<16xi32> to vector<16xi32>
      %swap3A_328 = arith.constant 3 : i32
      %swap3A_329 = arith.index_cast %swap3A_328 : i32 to index
      %swap3A_330 = arith.constant 0 : index
      %swap3A_331 = tpu.vector_load %arg10[%swap3A_329, %swap3A_330] {strides = array<i32>} : memref<5x80xi32, #tpu.memory_space<vmem>>, vector<1x16xi32>,
      %swap3A_332 = vector.shape_cast %swap3A_331 : vector<1x16xi32> to vector<16xi32>
      %swap3A_333 = vector.shape_cast %get3A_327 : vector<16xi32> to vector<1x16xi32>
      tpu.vector_store %arg10[%swap3A_329, %swap3A_330], %swap3A_333 {strides = array<i32>} : memref<5x80xi32, #tpu.memory_space<vmem>>, vector<1x16xi32>,
      %get3A_334 = arith.constant 256 : index
      %get3A_335 = tpu.vector_load %arg8[%get3A_334] {strides = array<i32>} : memref<400xi32, #tpu.memory_space<vmem>>, vector<16xi32>,
      %get3A_336 = vector.shape_cast %get3A_335 : vector<16xi32> to vector<16xi32>
      %swap3A_337 = arith.constant 3 : i32
      %swap3A_338 = arith.index_cast %swap3A_337 : i32 to index
      %swap3A_339 = arith.constant 16 : index
      %swap3A_340 = tpu.vector_load %arg10[%swap3A_338, %swap3A_339] {strides = array<i32>} : memref<5x80xi32, #tpu.memory_space<vmem>>, vector<1x16xi32>,
      %swap3A_341 = vector.shape_cast %swap3A_340 : vector<1x16xi32> to vector<16xi32>
      %swap3A_342 = vector.shape_cast %get3A_336 : vector<16xi32> to vector<1x16xi32>
      tpu.vector_store %arg10[%swap3A_338, %swap3A_339], %swap3A_342 {strides = array<i32>} : memref<5x80xi32, #tpu.memory_space<vmem>>, vector<1x16xi32>,
      %get3A_343 = arith.constant 272 : index
      %get3A_344 = tpu.vector_load %arg8[%get3A_343] {strides = array<i32>} : memref<400xi32, #tpu.memory_space<vmem>>, vector<16xi32>,
      %get3A_345 = vector.shape_cast %get3A_344 : vector<16xi32> to vector<16xi32>
      %swap3A_346 = arith.constant 3 : i32
      %swap3A_347 = arith.index_cast %swap3A_346 : i32 to index
      %swap3A_348 = arith.constant 32 : index
      %swap3A_349 = tpu.vector_load %arg10[%swap3A_347, %swap3A_348] {strides = array<i32>} : memref<5x80xi32, #tpu.memory_space<vmem>>, vector<1x16xi32>,
      %swap3A_350 = vector.shape_cast %swap3A_349 : vector<1x16xi32> to vector<16xi32>
      %swap3A_351 = vector.shape_cast %get3A_345 : vector<16xi32> to vector<1x16xi32>
      tpu.vector_store %arg10[%swap3A_347, %swap3A_348], %swap3A_351 {strides = array<i32>} : memref<5x80xi32, #tpu.memory_space<vmem>>, vector<1x16xi32>,
      %get3A_352 = arith.constant 288 : index
      %get3A_353 = tpu.vector_load %arg8[%get3A_352] {strides = array<i32>} : memref<400xi32, #tpu.memory_space<vmem>>, vector<16xi32>,
      %get3A_354 = vector.shape_cast %get3A_353 : vector<16xi32> to vector<16xi32>
      %swap3A_355 = arith.constant 3 : i32
      %swap3A_356 = arith.index_cast %swap3A_355 : i32 to index
      %swap3A_357 = arith.constant 48 : index
      %swap3A_358 = tpu.vector_load %arg10[%swap3A_356, %swap3A_357] {strides = array<i32>} : memref<5x80xi32, #tpu.memory_space<vmem>>, vector<1x16xi32>,
      %swap3A_359 = vector.shape_cast %swap3A_358 : vector<1x16xi32> to vector<16xi32>
      %swap3A_360 = vector.shape_cast %get3A_354 : vector<16xi32> to vector<1x16xi32>
      tpu.vector_store %arg10[%swap3A_356, %swap3A_357], %swap3A_360 {strides = array<i32>} : memref<5x80xi32, #tpu.memory_space<vmem>>, vector<1x16xi32>,
      %get3A_361 = arith.constant 304 : index
      %get3A_362 = tpu.vector_load %arg8[%get3A_361] {strides = array<i32>} : memref<400xi32, #tpu.memory_space<vmem>>, vector<16xi32>,
      %get3A_363 = vector.shape_cast %get3A_362 : vector<16xi32> to vector<16xi32>
      %swap3A_364 = arith.constant 3 : i32
      %swap3A_365 = arith.index_cast %swap3A_364 : i32 to index
      %swap3A_366 = arith.constant 64 : index
      %swap3A_367 = tpu.vector_load %arg10[%swap3A_365, %swap3A_366] {strides = array<i32>} : memref<5x80xi32, #tpu.memory_space<vmem>>, vector<1x16xi32>,
      %swap3A_368 = vector.shape_cast %swap3A_367 : vector<1x16xi32> to vector<16xi32>
      %swap3A_369 = vector.shape_cast %get3A_363 : vector<16xi32> to vector<1x16xi32>
      tpu.vector_store %arg10[%swap3A_365, %swap3A_366], %swap3A_369 {strides = array<i32>} : memref<5x80xi32, #tpu.memory_space<vmem>>, vector<1x16xi32>,
      %get3A_370 = arith.constant 320 : index
      %get3A_371 = tpu.vector_load %arg8[%get3A_370] {strides = array<i32>} : memref<400xi32, #tpu.memory_space<vmem>>, vector<16xi32>,
      %get3A_372 = vector.shape_cast %get3A_371 : vector<16xi32> to vector<16xi32>
      %swap3A_373 = arith.constant 4 : i32
      %swap3A_374 = arith.index_cast %swap3A_373 : i32 to index
      %swap3A_375 = arith.constant 0 : index
      %swap3A_376 = tpu.vector_load %arg10[%swap3A_374, %swap3A_375] {strides = array<i32>} : memref<5x80xi32, #tpu.memory_space<vmem>>, vector<1x16xi32>,
      %swap3A_377 = vector.shape_cast %swap3A_376 : vector<1x16xi32> to vector<16xi32>
      %swap3A_378 = vector.shape_cast %get3A_372 : vector<16xi32> to vector<1x16xi32>
      tpu.vector_store %arg10[%swap3A_374, %swap3A_375], %swap3A_378 {strides = array<i32>} : memref<5x80xi32, #tpu.memory_space<vmem>>, vector<1x16xi32>,
      %get3A_379 = arith.constant 336 : index
      %get3A_380 = tpu.vector_load %arg8[%get3A_379] {strides = array<i32>} : memref<400xi32, #tpu.memory_space<vmem>>, vector<16xi32>,
      %get3A_381 = vector.shape_cast %get3A_380 : vector<16xi32> to vector<16xi32>
      %swap3A_382 = arith.constant 4 : i32
      %swap3A_383 = arith.index_cast %swap3A_382 : i32 to index
      %swap3A_384 = arith.constant 16 : index
      %swap3A_385 = tpu.vector_load %arg10[%swap3A_383, %swap3A_384] {strides = array<i32>} : memref<5x80xi32, #tpu.memory_space<vmem>>, vector<1x16xi32>,
      %swap3A_386 = vector.shape_cast %swap3A_385 : vector<1x16xi32> to vector<16xi32>
      %swap3A_387 = vector.shape_cast %get3A_381 : vector<16xi32> to vector<1x16xi32>
      tpu.vector_store %arg10[%swap3A_383, %swap3A_384], %swap3A_387 {strides = array<i32>} : memref<5x80xi32, #tpu.memory_space<vmem>>, vector<1x16xi32>,
      %get3A_388 = arith.constant 352 : index
      %get3A_389 = tpu.vector_load %arg8[%get3A_388] {strides = array<i32>} : memref<400xi32, #tpu.memory_space<vmem>>, vector<16xi32>,
      %get3A_390 = vector.shape_cast %get3A_389 : vector<16xi32> to vector<16xi32>
      %swap3A_391 = arith.constant 4 : i32
      %swap3A_392 = arith.index_cast %swap3A_391 : i32 to index
      %swap3A_393 = arith.constant 32 : index
      %swap3A_394 = tpu.vector_load %arg10[%swap3A_392, %swap3A_393] {strides = array<i32>} : memref<5x80xi32, #tpu.memory_space<vmem>>, vector<1x16xi32>,
      %swap3A_395 = vector.shape_cast %swap3A_394 : vector<1x16xi32> to vector<16xi32>
      %swap3A_396 = vector.shape_cast %get3A_390 : vector<16xi32> to vector<1x16xi32>
      tpu.vector_store %arg10[%swap3A_392, %swap3A_393], %swap3A_396 {strides = array<i32>} : memref<5x80xi32, #tpu.memory_space<vmem>>, vector<1x16xi32>,
      %get3A_397 = arith.constant 368 : index
      %get3A_398 = tpu.vector_load %arg8[%get3A_397] {strides = array<i32>} : memref<400xi32, #tpu.memory_space<vmem>>, vector<16xi32>,
      %get3A_399 = vector.shape_cast %get3A_398 : vector<16xi32> to vector<16xi32>
      %swap3A_400 = arith.constant 4 : i32
      %swap3A_401 = arith.index_cast %swap3A_400 : i32 to index
      %swap3A_402 = arith.constant 48 : index
      %swap3A_403 = tpu.vector_load %arg10[%swap3A_401, %swap3A_402] {strides = array<i32>} : memref<5x80xi32, #tpu.memory_space<vmem>>, vector<1x16xi32>,
      %swap3A_404 = vector.shape_cast %swap3A_403 : vector<1x16xi32> to vector<16xi32>
      %swap3A_405 = vector.shape_cast %get3A_399 : vector<16xi32> to vector<1x16xi32>
      tpu.vector_store %arg10[%swap3A_401, %swap3A_402], %swap3A_405 {strides = array<i32>} : memref<5x80xi32, #tpu.memory_space<vmem>>, vector<1x16xi32>,
      %get3A_406 = arith.constant 384 : index
      %get3A_407 = tpu.vector_load %arg8[%get3A_406] {strides = array<i32>} : memref<400xi32, #tpu.memory_space<vmem>>, vector<16xi32>,
      %get3A_408 = vector.shape_cast %get3A_407 : vector<16xi32> to vector<16xi32>
      %swap3A_409 = arith.constant 4 : i32
      %swap3A_410 = arith.index_cast %swap3A_409 : i32 to index
      %swap3A_411 = arith.constant 64 : index
      %swap3A_412 = tpu.vector_load %arg10[%swap3A_410, %swap3A_411] {strides = array<i32>} : memref<5x80xi32, #tpu.memory_space<vmem>>, vector<1x16xi32>,
      %swap3A_413 = vector.shape_cast %swap3A_412 : vector<1x16xi32> to vector<16xi32>
      %swap3A_414 = vector.shape_cast %get3A_408 : vector<16xi32> to vector<1x16xi32>
      tpu.vector_store %arg10[%swap3A_410, %swap3A_411], %swap3A_414 {strides = array<i32>} : memref<5x80xi32, #tpu.memory_space<vmem>>, vector<1x16xi32>,
      %mul3A_415 = arith.constant 400 : i32
      %mul3A_416 = arith.muli %add3A_31, %mul3A_415 : i32
      %dma_wait3A_417 = arith.constant 0 : i32
      %dma_wait3A_418 = tpu.memref_slice %arg2[%mul3A_416, %dma_wait3A_417] : memref<100000x128xf32, #tpu.memory_space<hbm>> -> memref<400x128xf32, #tpu.memory_space<hbm>>
      %dma_wait3A_419 = arith.constant 0 : i32
      %dma_wait3A_420 = tpu.memref_slice %arg2[%mul3A_416, %dma_wait3A_419] : memref<100000x128xf32, #tpu.memory_space<hbm>> -> memref<400x128xf32, #tpu.memory_space<hbm>>
      tpu.wait_dma2 semaphore(%arg17 : memref<!tpu.dma_semaphore, #tpu.memory_space<semaphore_mem>>) src(%dma_wait3A_420 : memref<400x128xf32, #tpu.memory_space<hbm>>) dst(%arg13 : memref<400x128xf32, #tpu.memory_space<vmem>>)
      %dma_start3A = arith.constant 0 : i32
      %dma_start3A_421 = arith.constant 0 : i32
      %dma_start3A_422 = arith.constant 0 : i32
      %dma_start3A_423 = tpu.memref_slice %arg13[%dma_start3A_421, %dma_start3A_422] : memref<400x128xf32, #tpu.memory_space<vmem>> -> memref<80x128xf32, #tpu.memory_space<vmem>>
      %dma_start3A_424 = arith.constant 0 : i32
      %dma_start3A_425 = tpu.memref_slice %arg10[%dma_start3A, %dma_start3A_424] : memref<5x80xi32, #tpu.memory_space<vmem>> -> memref<1x80xi32, #tpu.memory_space<vmem>>
      %dma_start3A_426 = tpu.memref_squeeze %dma_start3A_425 : memref<1x80xi32, #tpu.memory_space<vmem>> -> memref<80xi32, #tpu.memory_space<vmem>>
      %dma_start3A_427 = arith.constant 0 : i32
      %dma_start3A_428 = arith.constant 0 : i32
      %dma_start3A_429 = tpu.memref_slice %arg6[%dma_start3A_427, %dma_start3A_428] : memref<256x128xf32, #tpu.memory_space<vmem_shared>> -> memref<256x128xf32, #tpu.memory_space<vmem_shared>>
      tpu.enqueue_indirect_dma source(%dma_start3A_423 : memref<80x128xf32, #tpu.memory_space<vmem>>) target(%dma_start3A_429 : memref<256x128xf32, #tpu.memory_space<vmem_shared>>) offsets(%dma_start3A_426 : memref<80xi32, #tpu.memory_space<vmem>>) semaphore(%arg19 : memref<!tpu.dma_semaphore, #tpu.memory_space<semaphore_mem>>) {add = true}
      %dma_start3A_430 = arith.constant 0 : i32
      %dma_start3A_431 = arith.constant 0 : i32
      %dma_start3A_432 = tpu.memref_slice %arg10[%dma_start3A_430, %dma_start3A_431] : memref<5x80xi32, #tpu.memory_space<vmem>> -> memref<1x80xi32, #tpu.memory_space<vmem>>
      %dma_start3A_433 = tpu.memref_squeeze %dma_start3A_432 : memref<1x80xi32, #tpu.memory_space<vmem>> -> memref<80xi32, #tpu.memory_space<vmem>>
      %dma_start3A_434 = arith.constant 0 : i32
      %dma_start3A_435 = arith.constant 0 : i32
      %dma_start3A_436 = tpu.memref_slice %arg7[%dma_start3A_434, %dma_start3A_435] : memref<256x16xf32, #tpu.memory_space<vmem_shared>> -> memref<256x16xf32, #tpu.memory_space<vmem_shared>>
      tpu.enqueue_indirect_dma source(%arg12 : memref<80x16xf32, #tpu.memory_space<vmem>>) target(%dma_start3A_436 : memref<256x16xf32, #tpu.memory_space<vmem_shared>>) offsets(%dma_start3A_433 : memref<80xi32, #tpu.memory_space<vmem>>) semaphore(%arg19 : memref<!tpu.dma_semaphore, #tpu.memory_space<semaphore_mem>>) {add = true}
      %dma_start3A_437 = arith.constant 1 : i32
      %dma_start3A_438 = arith.constant 80 : i32
      %dma_start3A_439 = arith.constant 0 : i32
      %dma_start3A_440 = tpu.memref_slice %arg13[%dma_start3A_438, %dma_start3A_439] : memref<400x128xf32, #tpu.memory_space<vmem>> -> memref<80x128xf32, #tpu.memory_space<vmem>>
      %dma_start3A_441 = arith.constant 0 : i32
      %dma_start3A_442 = tpu.memref_slice %arg10[%dma_start3A_437, %dma_start3A_441] : memref<5x80xi32, #tpu.memory_space<vmem>> -> memref<1x80xi32, #tpu.memory_space<vmem>>
      %dma_start3A_443 = tpu.memref_squeeze %dma_start3A_442 : memref<1x80xi32, #tpu.memory_space<vmem>> -> memref<80xi32, #tpu.memory_space<vmem>>
      %dma_start3A_444 = arith.constant 0 : i32
      %dma_start3A_445 = arith.constant 0 : i32
      %dma_start3A_446 = tpu.memref_slice %arg6[%dma_start3A_444, %dma_start3A_445] : memref<256x128xf32, #tpu.memory_space<vmem_shared>> -> memref<256x128xf32, #tpu.memory_space<vmem_shared>>
      tpu.enqueue_indirect_dma source(%dma_start3A_440 : memref<80x128xf32, #tpu.memory_space<vmem>>) target(%dma_start3A_446 : memref<256x128xf32, #tpu.memory_space<vmem_shared>>) offsets(%dma_start3A_443 : memref<80xi32, #tpu.memory_space<vmem>>) semaphore(%arg19 : memref<!tpu.dma_semaphore, #tpu.memory_space<semaphore_mem>>) {add = true}
      %dma_start3A_447 = arith.constant 1 : i32
      %dma_start3A_448 = arith.constant 0 : i32
      %dma_start3A_449 = tpu.memref_slice %arg10[%dma_start3A_447, %dma_start3A_448] : memref<5x80xi32, #tpu.memory_space<vmem>> -> memref<1x80xi32, #tpu.memory_space<vmem>>
      %dma_start3A_450 = tpu.memref_squeeze %dma_start3A_449 : memref<1x80xi32, #tpu.memory_space<vmem>> -> memref<80xi32, #tpu.memory_space<vmem>>
      %dma_start3A_451 = arith.constant 0 : i32
      %dma_start3A_452 = arith.constant 0 : i32
      %dma_start3A_453 = tpu.memref_slice %arg7[%dma_start3A_451, %dma_start3A_452] : memref<256x16xf32, #tpu.memory_space<vmem_shared>> -> memref<256x16xf32, #tpu.memory_space<vmem_shared>>
      tpu.enqueue_indirect_dma source(%arg12 : memref<80x16xf32, #tpu.memory_space<vmem>>) target(%dma_start3A_453 : memref<256x16xf32, #tpu.memory_space<vmem_shared>>) offsets(%dma_start3A_450 : memref<80xi32, #tpu.memory_space<vmem>>) semaphore(%arg19 : memref<!tpu.dma_semaphore, #tpu.memory_space<semaphore_mem>>) {add = true}
      %dma_start3A_454 = arith.constant 2 : i32
      %dma_start3A_455 = arith.constant 160 : i32
      %dma_start3A_456 = arith.constant 0 : i32
      %dma_start3A_457 = tpu.memref_slice %arg13[%dma_start3A_455, %dma_start3A_456] : memref<400x128xf32, #tpu.memory_space<vmem>> -> memref<80x128xf32, #tpu.memory_space<vmem>>
      %dma_start3A_458 = arith.constant 0 : i32
      %dma_start3A_459 = tpu.memref_slice %arg10[%dma_start3A_454, %dma_start3A_458] : memref<5x80xi32, #tpu.memory_space<vmem>> -> memref<1x80xi32, #tpu.memory_space<vmem>>
      %dma_start3A_460 = tpu.memref_squeeze %dma_start3A_459 : memref<1x80xi32, #tpu.memory_space<vmem>> -> memref<80xi32, #tpu.memory_space<vmem>>
      %dma_start3A_461 = arith.constant 0 : i32
      %dma_start3A_462 = arith.constant 0 : i32
      %dma_start3A_463 = tpu.memref_slice %arg6[%dma_start3A_461, %dma_start3A_462] : memref<256x128xf32, #tpu.memory_space<vmem_shared>> -> memref<256x128xf32, #tpu.memory_space<vmem_shared>>
      tpu.enqueue_indirect_dma source(%dma_start3A_457 : memref<80x128xf32, #tpu.memory_space<vmem>>) target(%dma_start3A_463 : memref<256x128xf32, #tpu.memory_space<vmem_shared>>) offsets(%dma_start3A_460 : memref<80xi32, #tpu.memory_space<vmem>>) semaphore(%arg19 : memref<!tpu.dma_semaphore, #tpu.memory_space<semaphore_mem>>) {add = true}
      %dma_start3A_464 = arith.constant 2 : i32
      %dma_start3A_465 = arith.constant 0 : i32
      %dma_start3A_466 = tpu.memref_slice %arg10[%dma_start3A_464, %dma_start3A_465] : memref<5x80xi32, #tpu.memory_space<vmem>> -> memref<1x80xi32, #tpu.memory_space<vmem>>
      %dma_start3A_467 = tpu.memref_squeeze %dma_start3A_466 : memref<1x80xi32, #tpu.memory_space<vmem>> -> memref<80xi32, #tpu.memory_space<vmem>>
      %dma_start3A_468 = arith.constant 0 : i32
      %dma_start3A_469 = arith.constant 0 : i32
      %dma_start3A_470 = tpu.memref_slice %arg7[%dma_start3A_468, %dma_start3A_469] : memref<256x16xf32, #tpu.memory_space<vmem_shared>> -> memref<256x16xf32, #tpu.memory_space<vmem_shared>>
      tpu.enqueue_indirect_dma source(%arg12 : memref<80x16xf32, #tpu.memory_space<vmem>>) target(%dma_start3A_470 : memref<256x16xf32, #tpu.memory_space<vmem_shared>>) offsets(%dma_start3A_467 : memref<80xi32, #tpu.memory_space<vmem>>) semaphore(%arg19 : memref<!tpu.dma_semaphore, #tpu.memory_space<semaphore_mem>>) {add = true}
      %dma_start3A_471 = arith.constant 3 : i32
      %dma_start3A_472 = arith.constant 240 : i32
      %dma_start3A_473 = arith.constant 0 : i32
      %dma_start3A_474 = tpu.memref_slice %arg13[%dma_start3A_472, %dma_start3A_473] : memref<400x128xf32, #tpu.memory_space<vmem>> -> memref<80x128xf32, #tpu.memory_space<vmem>>
      %dma_start3A_475 = arith.constant 0 : i32
      %dma_start3A_476 = tpu.memref_slice %arg10[%dma_start3A_471, %dma_start3A_475] : memref<5x80xi32, #tpu.memory_space<vmem>> -> memref<1x80xi32, #tpu.memory_space<vmem>>
      %dma_start3A_477 = tpu.memref_squeeze %dma_start3A_476 : memref<1x80xi32, #tpu.memory_space<vmem>> -> memref<80xi32, #tpu.memory_space<vmem>>
      %dma_start3A_478 = arith.constant 0 : i32
      %dma_start3A_479 = arith.constant 0 : i32
      %dma_start3A_480 = tpu.memref_slice %arg6[%dma_start3A_478, %dma_start3A_479] : memref<256x128xf32, #tpu.memory_space<vmem_shared>> -> memref<256x128xf32, #tpu.memory_space<vmem_shared>>
      tpu.enqueue_indirect_dma source(%dma_start3A_474 : memref<80x128xf32, #tpu.memory_space<vmem>>) target(%dma_start3A_480 : memref<256x128xf32, #tpu.memory_space<vmem_shared>>) offsets(%dma_start3A_477 : memref<80xi32, #tpu.memory_space<vmem>>) semaphore(%arg19 : memref<!tpu.dma_semaphore, #tpu.memory_space<semaphore_mem>>) {add = true}
      %dma_start3A_481 = arith.constant 3 : i32
      %dma_start3A_482 = arith.constant 0 : i32
      %dma_start3A_483 = tpu.memref_slice %arg10[%dma_start3A_481, %dma_start3A_482] : memref<5x80xi32, #tpu.memory_space<vmem>> -> memref<1x80xi32, #tpu.memory_space<vmem>>
      %dma_start3A_484 = tpu.memref_squeeze %dma_start3A_483 : memref<1x80xi32, #tpu.memory_space<vmem>> -> memref<80xi32, #tpu.memory_space<vmem>>
      %dma_start3A_485 = arith.constant 0 : i32
      %dma_start3A_486 = arith.constant 0 : i32
      %dma_start3A_487 = tpu.memref_slice %arg7[%dma_start3A_485, %dma_start3A_486] : memref<256x16xf32, #tpu.memory_space<vmem_shared>> -> memref<256x16xf32, #tpu.memory_space<vmem_shared>>
      tpu.enqueue_indirect_dma source(%arg12 : memref<80x16xf32, #tpu.memory_space<vmem>>) target(%dma_start3A_487 : memref<256x16xf32, #tpu.memory_space<vmem_shared>>) offsets(%dma_start3A_484 : memref<80xi32, #tpu.memory_space<vmem>>) semaphore(%arg19 : memref<!tpu.dma_semaphore, #tpu.memory_space<semaphore_mem>>) {add = true}
      %dma_start3A_488 = arith.constant 4 : i32
      %dma_start3A_489 = arith.constant 320 : i32
      %dma_start3A_490 = arith.constant 0 : i32
      %dma_start3A_491 = tpu.memref_slice %arg13[%dma_start3A_489, %dma_start3A_490] : memref<400x128xf32, #tpu.memory_space<vmem>> -> memref<80x128xf32, #tpu.memory_space<vmem>>
      %dma_start3A_492 = arith.constant 0 : i32
      %dma_start3A_493 = tpu.memref_slice %arg10[%dma_start3A_488, %dma_start3A_492] : memref<5x80xi32, #tpu.memory_space<vmem>> -> memref<1x80xi32, #tpu.memory_space<vmem>>
      %dma_start3A_494 = tpu.memref_squeeze %dma_start3A_493 : memref<1x80xi32, #tpu.memory_space<vmem>> -> memref<80xi32, #tpu.memory_space<vmem>>
      %dma_start3A_495 = arith.constant 0 : i32
      %dma_start3A_496 = arith.constant 0 : i32
      %dma_start3A_497 = tpu.memref_slice %arg6[%dma_start3A_495, %dma_start3A_496] : memref<256x128xf32, #tpu.memory_space<vmem_shared>> -> memref<256x128xf32, #tpu.memory_space<vmem_shared>>
      tpu.enqueue_indirect_dma source(%dma_start3A_491 : memref<80x128xf32, #tpu.memory_space<vmem>>) target(%dma_start3A_497 : memref<256x128xf32, #tpu.memory_space<vmem_shared>>) offsets(%dma_start3A_494 : memref<80xi32, #tpu.memory_space<vmem>>) semaphore(%arg19 : memref<!tpu.dma_semaphore, #tpu.memory_space<semaphore_mem>>) {add = true}
      %dma_start3A_498 = arith.constant 4 : i32
      %dma_start3A_499 = arith.constant 0 : i32
      %dma_start3A_500 = tpu.memref_slice %arg10[%dma_start3A_498, %dma_start3A_499] : memref<5x80xi32, #tpu.memory_space<vmem>> -> memref<1x80xi32, #tpu.memory_space<vmem>>
      %dma_start3A_501 = tpu.memref_squeeze %dma_start3A_500 : memref<1x80xi32, #tpu.memory_space<vmem>> -> memref<80xi32, #tpu.memory_space<vmem>>
      %dma_start3A_502 = arith.constant 0 : i32
      %dma_start3A_503 = arith.constant 0 : i32
      %dma_start3A_504 = tpu.memref_slice %arg7[%dma_start3A_502, %dma_start3A_503] : memref<256x16xf32, #tpu.memory_space<vmem_shared>> -> memref<256x16xf32, #tpu.memory_space<vmem_shared>>
      tpu.enqueue_indirect_dma source(%arg12 : memref<80x16xf32, #tpu.memory_space<vmem>>) target(%dma_start3A_504 : memref<256x16xf32, #tpu.memory_space<vmem_shared>>) offsets(%dma_start3A_501 : memref<80xi32, #tpu.memory_space<vmem>>) semaphore(%arg19 : memref<!tpu.dma_semaphore, #tpu.memory_space<semaphore_mem>>) {add = true}
    } else {
    }
    %add3A_37 = arith.constant 0 : i32
    %add3A_38 = arith.addi %add3A, %add3A_37 : i32
    %lt3A_39 = arith.constant 250 : i32
    %lt3A_40 = arith.cmpi slt, %add3A_38, %lt3A_39 : i32
    %convert_element_type3A_41 = arith.extui %lt3A_40 : i1 to i32
    %cond3A_42 = arith.constant 0 : i32
    %cond3A_43 = arith.cmpi ne, %convert_element_type3A_41, %cond3A_42 : i32
    scf.if %cond3A_43 {
      %dma_wait3A = arith.constant 0 : i32
      %dma_wait3A_189 = arith.constant 0 : i32
      %dma_wait3A_190 = arith.constant 0 : i32
      %dma_wait3A_191 = tpu.memref_slice %arg13[%dma_wait3A_189, %dma_wait3A_190] : memref<400x128xf32, #tpu.memory_space<vmem>> -> memref<80x128xf32, #tpu.memory_space<vmem>>
      %dma_wait3A_192 = arith.constant 0 : i32
      %dma_wait3A_193 = tpu.memref_slice %arg10[%dma_wait3A, %dma_wait3A_192] : memref<5x80xi32, #tpu.memory_space<vmem>> -> memref<1x80xi32, #tpu.memory_space<vmem>>
      %dma_wait3A_194 = tpu.memref_squeeze %dma_wait3A_193 : memref<1x80xi32, #tpu.memory_space<vmem>> -> memref<80xi32, #tpu.memory_space<vmem>>
      %dma_wait3A_195 = arith.constant 0 : i32
      %dma_wait3A_196 = arith.constant 0 : i32
      %dma_wait3A_197 = tpu.memref_slice %arg6[%dma_wait3A_195, %dma_wait3A_196] : memref<256x128xf32, #tpu.memory_space<vmem_shared>> -> memref<256x128xf32, #tpu.memory_space<vmem_shared>>
      tpu.wait_indirect_dma semaphore(%arg19 : memref<!tpu.dma_semaphore, #tpu.memory_space<semaphore_mem>>) src(%dma_wait3A_191 : memref<80x128xf32, #tpu.memory_space<vmem>>) dst(%dma_wait3A_197 : memref<256x128xf32, #tpu.memory_space<vmem_shared>>)
      %dma_wait3A_198 = arith.constant 0 : i32
      %dma_wait3A_199 = arith.constant 0 : i32
      %dma_wait3A_200 = tpu.memref_slice %arg10[%dma_wait3A_198, %dma_wait3A_199] : memref<5x80xi32, #tpu.memory_space<vmem>> -> memref<1x80xi32, #tpu.memory_space<vmem>>
      %dma_wait3A_201 = tpu.memref_squeeze %dma_wait3A_200 : memref<1x80xi32, #tpu.memory_space<vmem>> -> memref<80xi32, #tpu.memory_space<vmem>>
      %dma_wait3A_202 = arith.constant 0 : i32
      %dma_wait3A_203 = arith.constant 0 : i32
      %dma_wait3A_204 = tpu.memref_slice %arg7[%dma_wait3A_202, %dma_wait3A_203] : memref<256x16xf32, #tpu.memory_space<vmem_shared>> -> memref<256x16xf32, #tpu.memory_space<vmem_shared>>
      tpu.wait_indirect_dma semaphore(%arg19 : memref<!tpu.dma_semaphore, #tpu.memory_space<semaphore_mem>>) src(%arg12 : memref<80x16xf32, #tpu.memory_space<vmem>>) dst(%dma_wait3A_204 : memref<256x16xf32, #tpu.memory_space<vmem_shared>>)
      %dma_wait3A_205 = arith.constant 1 : i32
      %dma_wait3A_206 = arith.constant 80 : i32
      %dma_wait3A_207 = arith.constant 0 : i32
      %dma_wait3A_208 = tpu.memref_slice %arg13[%dma_wait3A_206, %dma_wait3A_207] : memref<400x128xf32, #tpu.memory_space<vmem>> -> memref<80x128xf32, #tpu.memory_space<vmem>>
      %dma_wait3A_209 = arith.constant 0 : i32
      %dma_wait3A_210 = tpu.memref_slice %arg10[%dma_wait3A_205, %dma_wait3A_209] : memref<5x80xi32, #tpu.memory_space<vmem>> -> memref<1x80xi32, #tpu.memory_space<vmem>>
      %dma_wait3A_211 = tpu.memref_squeeze %dma_wait3A_210 : memref<1x80xi32, #tpu.memory_space<vmem>> -> memref<80xi32, #tpu.memory_space<vmem>>
      %dma_wait3A_212 = arith.constant 0 : i32
      %dma_wait3A_213 = arith.constant 0 : i32
      %dma_wait3A_214 = tpu.memref_slice %arg6[%dma_wait3A_212, %dma_wait3A_213] : memref<256x128xf32, #tpu.memory_space<vmem_shared>> -> memref<256x128xf32, #tpu.memory_space<vmem_shared>>
      tpu.wait_indirect_dma semaphore(%arg19 : memref<!tpu.dma_semaphore, #tpu.memory_space<semaphore_mem>>) src(%dma_wait3A_208 : memref<80x128xf32, #tpu.memory_space<vmem>>) dst(%dma_wait3A_214 : memref<256x128xf32, #tpu.memory_space<vmem_shared>>)
      %dma_wait3A_215 = arith.constant 1 : i32
      %dma_wait3A_216 = arith.constant 0 : i32
      %dma_wait3A_217 = tpu.memref_slice %arg10[%dma_wait3A_215, %dma_wait3A_216] : memref<5x80xi32, #tpu.memory_space<vmem>> -> memref<1x80xi32, #tpu.memory_space<vmem>>
      %dma_wait3A_218 = tpu.memref_squeeze %dma_wait3A_217 : memref<1x80xi32, #tpu.memory_space<vmem>> -> memref<80xi32, #tpu.memory_space<vmem>>
      %dma_wait3A_219 = arith.constant 0 : i32
      %dma_wait3A_220 = arith.constant 0 : i32
      %dma_wait3A_221 = tpu.memref_slice %arg7[%dma_wait3A_219, %dma_wait3A_220] : memref<256x16xf32, #tpu.memory_space<vmem_shared>> -> memref<256x16xf32, #tpu.memory_space<vmem_shared>>
      tpu.wait_indirect_dma semaphore(%arg19 : memref<!tpu.dma_semaphore, #tpu.memory_space<semaphore_mem>>) src(%arg12 : memref<80x16xf32, #tpu.memory_space<vmem>>) dst(%dma_wait3A_221 : memref<256x16xf32, #tpu.memory_space<vmem_shared>>)
      %dma_wait3A_222 = arith.constant 2 : i32
      %dma_wait3A_223 = arith.constant 160 : i32
      %dma_wait3A_224 = arith.constant 0 : i32
      %dma_wait3A_225 = tpu.memref_slice %arg13[%dma_wait3A_223, %dma_wait3A_224] : memref<400x128xf32, #tpu.memory_space<vmem>> -> memref<80x128xf32, #tpu.memory_space<vmem>>
      %dma_wait3A_226 = arith.constant 0 : i32
      %dma_wait3A_227 = tpu.memref_slice %arg10[%dma_wait3A_222, %dma_wait3A_226] : memref<5x80xi32, #tpu.memory_space<vmem>> -> memref<1x80xi32, #tpu.memory_space<vmem>>
      %dma_wait3A_228 = tpu.memref_squeeze %dma_wait3A_227 : memref<1x80xi32, #tpu.memory_space<vmem>> -> memref<80xi32, #tpu.memory_space<vmem>>
      %dma_wait3A_229 = arith.constant 0 : i32
      %dma_wait3A_230 = arith.constant 0 : i32
      %dma_wait3A_231 = tpu.memref_slice %arg6[%dma_wait3A_229, %dma_wait3A_230] : memref<256x128xf32, #tpu.memory_space<vmem_shared>> -> memref<256x128xf32, #tpu.memory_space<vmem_shared>>
      tpu.wait_indirect_dma semaphore(%arg19 : memref<!tpu.dma_semaphore, #tpu.memory_space<semaphore_mem>>) src(%dma_wait3A_225 : memref<80x128xf32, #tpu.memory_space<vmem>>) dst(%dma_wait3A_231 : memref<256x128xf32, #tpu.memory_space<vmem_shared>>)
      %dma_wait3A_232 = arith.constant 2 : i32
      %dma_wait3A_233 = arith.constant 0 : i32
      %dma_wait3A_234 = tpu.memref_slice %arg10[%dma_wait3A_232, %dma_wait3A_233] : memref<5x80xi32, #tpu.memory_space<vmem>> -> memref<1x80xi32, #tpu.memory_space<vmem>>
      %dma_wait3A_235 = tpu.memref_squeeze %dma_wait3A_234 : memref<1x80xi32, #tpu.memory_space<vmem>> -> memref<80xi32, #tpu.memory_space<vmem>>
      %dma_wait3A_236 = arith.constant 0 : i32
      %dma_wait3A_237 = arith.constant 0 : i32
      %dma_wait3A_238 = tpu.memref_slice %arg7[%dma_wait3A_236, %dma_wait3A_237] : memref<256x16xf32, #tpu.memory_space<vmem_shared>> -> memref<256x16xf32, #tpu.memory_space<vmem_shared>>
      tpu.wait_indirect_dma semaphore(%arg19 : memref<!tpu.dma_semaphore, #tpu.memory_space<semaphore_mem>>) src(%arg12 : memref<80x16xf32, #tpu.memory_space<vmem>>) dst(%dma_wait3A_238 : memref<256x16xf32, #tpu.memory_space<vmem_shared>>)
      %dma_wait3A_239 = arith.constant 3 : i32
      %dma_wait3A_240 = arith.constant 240 : i32
      %dma_wait3A_241 = arith.constant 0 : i32
      %dma_wait3A_242 = tpu.memref_slice %arg13[%dma_wait3A_240, %dma_wait3A_241] : memref<400x128xf32, #tpu.memory_space<vmem>> -> memref<80x128xf32, #tpu.memory_space<vmem>>
      %dma_wait3A_243 = arith.constant 0 : i32
      %dma_wait3A_244 = tpu.memref_slice %arg10[%dma_wait3A_239, %dma_wait3A_243] : memref<5x80xi32, #tpu.memory_space<vmem>> -> memref<1x80xi32, #tpu.memory_space<vmem>>
      %dma_wait3A_245 = tpu.memref_squeeze %dma_wait3A_244 : memref<1x80xi32, #tpu.memory_space<vmem>> -> memref<80xi32, #tpu.memory_space<vmem>>
      %dma_wait3A_246 = arith.constant 0 : i32
      %dma_wait3A_247 = arith.constant 0 : i32
      %dma_wait3A_248 = tpu.memref_slice %arg6[%dma_wait3A_246, %dma_wait3A_247] : memref<256x128xf32, #tpu.memory_space<vmem_shared>> -> memref<256x128xf32, #tpu.memory_space<vmem_shared>>
      tpu.wait_indirect_dma semaphore(%arg19 : memref<!tpu.dma_semaphore, #tpu.memory_space<semaphore_mem>>) src(%dma_wait3A_242 : memref<80x128xf32, #tpu.memory_space<vmem>>) dst(%dma_wait3A_248 : memref<256x128xf32, #tpu.memory_space<vmem_shared>>)
      %dma_wait3A_249 = arith.constant 3 : i32
      %dma_wait3A_250 = arith.constant 0 : i32
      %dma_wait3A_251 = tpu.memref_slice %arg10[%dma_wait3A_249, %dma_wait3A_250] : memref<5x80xi32, #tpu.memory_space<vmem>> -> memref<1x80xi32, #tpu.memory_space<vmem>>
      %dma_wait3A_252 = tpu.memref_squeeze %dma_wait3A_251 : memref<1x80xi32, #tpu.memory_space<vmem>> -> memref<80xi32, #tpu.memory_space<vmem>>
      %dma_wait3A_253 = arith.constant 0 : i32
      %dma_wait3A_254 = arith.constant 0 : i32
      %dma_wait3A_255 = tpu.memref_slice %arg7[%dma_wait3A_253, %dma_wait3A_254] : memref<256x16xf32, #tpu.memory_space<vmem_shared>> -> memref<256x16xf32, #tpu.memory_space<vmem_shared>>
      tpu.wait_indirect_dma semaphore(%arg19 : memref<!tpu.dma_semaphore, #tpu.memory_space<semaphore_mem>>) src(%arg12 : memref<80x16xf32, #tpu.memory_space<vmem>>) dst(%dma_wait3A_255 : memref<256x16xf32, #tpu.memory_space<vmem_shared>>)
      %dma_wait3A_256 = arith.constant 4 : i32
      %dma_wait3A_257 = arith.constant 320 : i32
      %dma_wait3A_258 = arith.constant 0 : i32
      %dma_wait3A_259 = tpu.memref_slice %arg13[%dma_wait3A_257, %dma_wait3A_258] : memref<400x128xf32, #tpu.memory_space<vmem>> -> memref<80x128xf32, #tpu.memory_space<vmem>>
      %dma_wait3A_260 = arith.constant 0 : i32
      %dma_wait3A_261 = tpu.memref_slice %arg10[%dma_wait3A_256, %dma_wait3A_260] : memref<5x80xi32, #tpu.memory_space<vmem>> -> memref<1x80xi32, #tpu.memory_space<vmem>>
      %dma_wait3A_262 = tpu.memref_squeeze %dma_wait3A_261 : memref<1x80xi32, #tpu.memory_space<vmem>> -> memref<80xi32, #tpu.memory_space<vmem>>
      %dma_wait3A_263 = arith.constant 0 : i32
      %dma_wait3A_264 = arith.constant 0 : i32
      %dma_wait3A_265 = tpu.memref_slice %arg6[%dma_wait3A_263, %dma_wait3A_264] : memref<256x128xf32, #tpu.memory_space<vmem_shared>> -> memref<256x128xf32, #tpu.memory_space<vmem_shared>>
      tpu.wait_indirect_dma semaphore(%arg19 : memref<!tpu.dma_semaphore, #tpu.memory_space<semaphore_mem>>) src(%dma_wait3A_259 : memref<80x128xf32, #tpu.memory_space<vmem>>) dst(%dma_wait3A_265 : memref<256x128xf32, #tpu.memory_space<vmem_shared>>)
      %dma_wait3A_266 = arith.constant 4 : i32
      %dma_wait3A_267 = arith.constant 0 : i32
      %dma_wait3A_268 = tpu.memref_slice %arg10[%dma_wait3A_266, %dma_wait3A_267] : memref<5x80xi32, #tpu.memory_space<vmem>> -> memref<1x80xi32, #tpu.memory_space<vmem>>
      %dma_wait3A_269 = tpu.memref_squeeze %dma_wait3A_268 : memref<1x80xi32, #tpu.memory_space<vmem>> -> memref<80xi32, #tpu.memory_space<vmem>>
      %dma_wait3A_270 = arith.constant 0 : i32
      %dma_wait3A_271 = arith.constant 0 : i32
      %dma_wait3A_272 = tpu.memref_slice %arg7[%dma_wait3A_270, %dma_wait3A_271] : memref<256x16xf32, #tpu.memory_space<vmem_shared>> -> memref<256x16xf32, #tpu.memory_space<vmem_shared>>
      tpu.wait_indirect_dma semaphore(%arg19 : memref<!tpu.dma_semaphore, #tpu.memory_space<semaphore_mem>>) src(%arg12 : memref<80x16xf32, #tpu.memory_space<vmem>>) dst(%dma_wait3A_272 : memref<256x16xf32, #tpu.memory_space<vmem_shared>>)
    } else {
    }
    %add3A_44 = arith.constant 64 : i32
    %add3A_45 = arith.addi %add3A, %add3A_44 : i32
    %lt3A_46 = arith.constant 250 : i32
    %lt3A_47 = arith.cmpi slt, %add3A_45, %lt3A_46 : i32
    %convert_element_type3A_48 = arith.extui %lt3A_47 : i1 to i32
    %cond3A_49 = arith.constant 0 : i32
    %cond3A_50 = arith.cmpi ne, %convert_element_type3A_48, %cond3A_49 : i32
    scf.if %cond3A_50 {
      %mul3A_189 = arith.constant 400 : i32
      %mul3A_190 = arith.muli %add3A_45, %mul3A_189 : i32
      %dma_start3A = arith.constant 0 : i32
      %dma_start3A_191 = tpu.memref_slice %arg2[%mul3A_190, %dma_start3A] : memref<100000x128xf32, #tpu.memory_space<hbm>> -> memref<400x128xf32, #tpu.memory_space<hbm>>
      %dma_start3A_192 = arith.constant 0 : i32
      %dma_start3A_193 = tpu.memref_slice %arg2[%mul3A_190, %dma_start3A_192] : memref<100000x128xf32, #tpu.memory_space<hbm>> -> memref<400x128xf32, #tpu.memory_space<hbm>>
      tpu.enqueue_dma source(%dma_start3A_193 : memref<400x128xf32, #tpu.memory_space<hbm>>) target(%arg13 : memref<400x128xf32, #tpu.memory_space<vmem>>) target_semaphore(%arg17 : memref<!tpu.dma_semaphore, #tpu.memory_space<semaphore_mem>>)
      %mul3A_194 = arith.constant 400 : i32
      %mul3A_195 = arith.muli %add3A_45, %mul3A_194 : i32
      %dma_start3A_196 = tpu.memref_slice %arg3[%mul3A_195] : memref<100000xi32, #tpu.memory_space<hbm>> -> memref<400xi32, #tpu.memory_space<hbm>>
      %dma_start3A_197 = tpu.memref_slice %arg3[%mul3A_195] : memref<100000xi32, #tpu.memory_space<hbm>> -> memref<400xi32, #tpu.memory_space<hbm>>
      tpu.enqueue_dma source(%dma_start3A_197 : memref<400xi32, #tpu.memory_space<hbm>>) target(%arg8 : memref<400xi32, #tpu.memory_space<vmem>>) target_semaphore(%arg15 : memref<!tpu.dma_semaphore, #tpu.memory_space<semaphore_mem>>)
    } else {
    }
    %add3A_51 = arith.constant 32 : i32
    %add3A_52 = arith.addi %add3A, %add3A_51 : i32
    %lt3A_53 = arith.constant 250 : i32
    %lt3A_54 = arith.cmpi slt, %add3A_52, %lt3A_53 : i32
    %convert_element_type3A_55 = arith.extui %lt3A_54 : i1 to i32
    %cond3A_56 = arith.constant 0 : i32
    %cond3A_57 = arith.cmpi ne, %convert_element_type3A_55, %cond3A_56 : i32
    scf.if %cond3A_57 {
      %mul3A_189 = arith.constant 400 : i32
      %mul3A_190 = arith.muli %add3A_52, %mul3A_189 : i32
      %dma_wait3A = tpu.memref_slice %arg3[%mul3A_190] : memref<100000xi32, #tpu.memory_space<hbm>> -> memref<400xi32, #tpu.memory_space<hbm>>
      %dma_wait3A_191 = tpu.memref_slice %arg3[%mul3A_190] : memref<100000xi32, #tpu.memory_space<hbm>> -> memref<400xi32, #tpu.memory_space<hbm>>
      tpu.wait_dma2 semaphore(%arg16 : memref<!tpu.dma_semaphore, #tpu.memory_space<semaphore_mem>>) src(%dma_wait3A_191 : memref<400xi32, #tpu.memory_space<hbm>>) dst(%arg9 : memref<400xi32, #tpu.memory_space<vmem>>)
      %get3A = arith.constant 0 : index
      %get3A_192 = tpu.vector_load %arg9[%get3A] {strides = array<i32>} : memref<400xi32, #tpu.memory_space<vmem>>, vector<16xi32>,
      %get3A_193 = vector.shape_cast %get3A_192 : vector<16xi32> to vector<16xi32>
      %swap3A = arith.constant 0 : i32
      %swap3A_194 = arith.index_cast %swap3A : i32 to index
      %swap3A_195 = arith.constant 0 : index
      %swap3A_196 = tpu.vector_load %arg11[%swap3A_194, %swap3A_195] {strides = array<i32>} : memref<5x80xi32, #tpu.memory_space<vmem>>, vector<1x16xi32>,
      %swap3A_197 = vector.shape_cast %swap3A_196 : vector<1x16xi32> to vector<16xi32>
      %swap3A_198 = vector.shape_cast %get3A_193 : vector<16xi32> to vector<1x16xi32>
      tpu.vector_store %arg11[%swap3A_194, %swap3A_195], %swap3A_198 {strides = array<i32>} : memref<5x80xi32, #tpu.memory_space<vmem>>, vector<1x16xi32>,
      %get3A_199 = arith.constant 16 : index
      %get3A_200 = tpu.vector_load %arg9[%get3A_199] {strides = array<i32>} : memref<400xi32, #tpu.memory_space<vmem>>, vector<16xi32>,
      %get3A_201 = vector.shape_cast %get3A_200 : vector<16xi32> to vector<16xi32>
      %swap3A_202 = arith.constant 0 : i32
      %swap3A_203 = arith.index_cast %swap3A_202 : i32 to index
      %swap3A_204 = arith.constant 16 : index
      %swap3A_205 = tpu.vector_load %arg11[%swap3A_203, %swap3A_204] {strides = array<i32>} : memref<5x80xi32, #tpu.memory_space<vmem>>, vector<1x16xi32>,
      %swap3A_206 = vector.shape_cast %swap3A_205 : vector<1x16xi32> to vector<16xi32>
      %swap3A_207 = vector.shape_cast %get3A_201 : vector<16xi32> to vector<1x16xi32>
      tpu.vector_store %arg11[%swap3A_203, %swap3A_204], %swap3A_207 {strides = array<i32>} : memref<5x80xi32, #tpu.memory_space<vmem>>, vector<1x16xi32>,
      %get3A_208 = arith.constant 32 : index
      %get3A_209 = tpu.vector_load %arg9[%get3A_208] {strides = array<i32>} : memref<400xi32, #tpu.memory_space<vmem>>, vector<16xi32>,
      %get3A_210 = vector.shape_cast %get3A_209 : vector<16xi32> to vector<16xi32>
      %swap3A_211 = arith.constant 0 : i32
      %swap3A_212 = arith.index_cast %swap3A_211 : i32 to index
      %swap3A_213 = arith.constant 32 : index
      %swap3A_214 = tpu.vector_load %arg11[%swap3A_212, %swap3A_213] {strides = array<i32>} : memref<5x80xi32, #tpu.memory_space<vmem>>, vector<1x16xi32>,
      %swap3A_215 = vector.shape_cast %swap3A_214 : vector<1x16xi32> to vector<16xi32>
      %swap3A_216 = vector.shape_cast %get3A_210 : vector<16xi32> to vector<1x16xi32>
      tpu.vector_store %arg11[%swap3A_212, %swap3A_213], %swap3A_216 {strides = array<i32>} : memref<5x80xi32, #tpu.memory_space<vmem>>, vector<1x16xi32>,
      %get3A_217 = arith.constant 48 : index
      %get3A_218 = tpu.vector_load %arg9[%get3A_217] {strides = array<i32>} : memref<400xi32, #tpu.memory_space<vmem>>, vector<16xi32>,
      %get3A_219 = vector.shape_cast %get3A_218 : vector<16xi32> to vector<16xi32>
      %swap3A_220 = arith.constant 0 : i32
      %swap3A_221 = arith.index_cast %swap3A_220 : i32 to index
      %swap3A_222 = arith.constant 48 : index
      %swap3A_223 = tpu.vector_load %arg11[%swap3A_221, %swap3A_222] {strides = array<i32>} : memref<5x80xi32, #tpu.memory_space<vmem>>, vector<1x16xi32>,
      %swap3A_224 = vector.shape_cast %swap3A_223 : vector<1x16xi32> to vector<16xi32>
      %swap3A_225 = vector.shape_cast %get3A_219 : vector<16xi32> to vector<1x16xi32>
      tpu.vector_store %arg11[%swap3A_221, %swap3A_222], %swap3A_225 {strides = array<i32>} : memref<5x80xi32, #tpu.memory_space<vmem>>, vector<1x16xi32>,
      %get3A_226 = arith.constant 64 : index
      %get3A_227 = tpu.vector_load %arg9[%get3A_226] {strides = array<i32>} : memref<400xi32, #tpu.memory_space<vmem>>, vector<16xi32>,
      %get3A_228 = vector.shape_cast %get3A_227 : vector<16xi32> to vector<16xi32>
      %swap3A_229 = arith.constant 0 : i32
      %swap3A_230 = arith.index_cast %swap3A_229 : i32 to index
      %swap3A_231 = arith.constant 64 : index
      %swap3A_232 = tpu.vector_load %arg11[%swap3A_230, %swap3A_231] {strides = array<i32>} : memref<5x80xi32, #tpu.memory_space<vmem>>, vector<1x16xi32>,
      %swap3A_233 = vector.shape_cast %swap3A_232 : vector<1x16xi32> to vector<16xi32>
      %swap3A_234 = vector.shape_cast %get3A_228 : vector<16xi32> to vector<1x16xi32>
      tpu.vector_store %arg11[%swap3A_230, %swap3A_231], %swap3A_234 {strides = array<i32>} : memref<5x80xi32, #tpu.memory_space<vmem>>, vector<1x16xi32>,
      %get3A_235 = arith.constant 80 : index
      %get3A_236 = tpu.vector_load %arg9[%get3A_235] {strides = array<i32>} : memref<400xi32, #tpu.memory_space<vmem>>, vector<16xi32>,
      %get3A_237 = vector.shape_cast %get3A_236 : vector<16xi32> to vector<16xi32>
      %swap3A_238 = arith.constant 1 : i32
      %swap3A_239 = arith.index_cast %swap3A_238 : i32 to index
      %swap3A_240 = arith.constant 0 : index
      %swap3A_241 = tpu.vector_load %arg11[%swap3A_239, %swap3A_240] {strides = array<i32>} : memref<5x80xi32, #tpu.memory_space<vmem>>, vector<1x16xi32>,
      %swap3A_242 = vector.shape_cast %swap3A_241 : vector<1x16xi32> to vector<16xi32>
      %swap3A_243 = vector.shape_cast %get3A_237 : vector<16xi32> to vector<1x16xi32>
      tpu.vector_store %arg11[%swap3A_239, %swap3A_240], %swap3A_243 {strides = array<i32>} : memref<5x80xi32, #tpu.memory_space<vmem>>, vector<1x16xi32>,
      %get3A_244 = arith.constant 96 : index
      %get3A_245 = tpu.vector_load %arg9[%get3A_244] {strides = array<i32>} : memref<400xi32, #tpu.memory_space<vmem>>, vector<16xi32>,
      %get3A_246 = vector.shape_cast %get3A_245 : vector<16xi32> to vector<16xi32>
      %swap3A_247 = arith.constant 1 : i32
      %swap3A_248 = arith.index_cast %swap3A_247 : i32 to index
      %swap3A_249 = arith.constant 16 : index
      %swap3A_250 = tpu.vector_load %arg11[%swap3A_248, %swap3A_249] {strides = array<i32>} : memref<5x80xi32, #tpu.memory_space<vmem>>, vector<1x16xi32>,
      %swap3A_251 = vector.shape_cast %swap3A_250 : vector<1x16xi32> to vector<16xi32>
      %swap3A_252 = vector.shape_cast %get3A_246 : vector<16xi32> to vector<1x16xi32>
      tpu.vector_store %arg11[%swap3A_248, %swap3A_249], %swap3A_252 {strides = array<i32>} : memref<5x80xi32, #tpu.memory_space<vmem>>, vector<1x16xi32>,
      %get3A_253 = arith.constant 112 : index
      %get3A_254 = tpu.vector_load %arg9[%get3A_253] {strides = array<i32>} : memref<400xi32, #tpu.memory_space<vmem>>, vector<16xi32>,
      %get3A_255 = vector.shape_cast %get3A_254 : vector<16xi32> to vector<16xi32>
      %swap3A_256 = arith.constant 1 : i32
      %swap3A_257 = arith.index_cast %swap3A_256 : i32 to index
      %swap3A_258 = arith.constant 32 : index
      %swap3A_259 = tpu.vector_load %arg11[%swap3A_257, %swap3A_258] {strides = array<i32>} : memref<5x80xi32, #tpu.memory_space<vmem>>, vector<1x16xi32>,
      %swap3A_260 = vector.shape_cast %swap3A_259 : vector<1x16xi32> to vector<16xi32>
      %swap3A_261 = vector.shape_cast %get3A_255 : vector<16xi32> to vector<1x16xi32>
      tpu.vector_store %arg11[%swap3A_257, %swap3A_258], %swap3A_261 {strides = array<i32>} : memref<5x80xi32, #tpu.memory_space<vmem>>, vector<1x16xi32>,
      %get3A_262 = arith.constant 128 : index
      %get3A_263 = tpu.vector_load %arg9[%get3A_262] {strides = array<i32>} : memref<400xi32, #tpu.memory_space<vmem>>, vector<16xi32>,
      %get3A_264 = vector.shape_cast %get3A_263 : vector<16xi32> to vector<16xi32>
      %swap3A_265 = arith.constant 1 : i32
      %swap3A_266 = arith.index_cast %swap3A_265 : i32 to index
      %swap3A_267 = arith.constant 48 : index
      %swap3A_268 = tpu.vector_load %arg11[%swap3A_266, %swap3A_267] {strides = array<i32>} : memref<5x80xi32, #tpu.memory_space<vmem>>, vector<1x16xi32>,
      %swap3A_269 = vector.shape_cast %swap3A_268 : vector<1x16xi32> to vector<16xi32>
      %swap3A_270 = vector.shape_cast %get3A_264 : vector<16xi32> to vector<1x16xi32>
      tpu.vector_store %arg11[%swap3A_266, %swap3A_267], %swap3A_270 {strides = array<i32>} : memref<5x80xi32, #tpu.memory_space<vmem>>, vector<1x16xi32>,
      %get3A_271 = arith.constant 144 : index
      %get3A_272 = tpu.vector_load %arg9[%get3A_271] {strides = array<i32>} : memref<400xi32, #tpu.memory_space<vmem>>, vector<16xi32>,
      %get3A_273 = vector.shape_cast %get3A_272 : vector<16xi32> to vector<16xi32>
      %swap3A_274 = arith.constant 1 : i32
      %swap3A_275 = arith.index_cast %swap3A_274 : i32 to index
      %swap3A_276 = arith.constant 64 : index
      %swap3A_277 = tpu.vector_load %arg11[%swap3A_275, %swap3A_276] {strides = array<i32>} : memref<5x80xi32, #tpu.memory_space<vmem>>, vector<1x16xi32>,
      %swap3A_278 = vector.shape_cast %swap3A_277 : vector<1x16xi32> to vector<16xi32>
      %swap3A_279 = vector.shape_cast %get3A_273 : vector<16xi32> to vector<1x16xi32>
      tpu.vector_store %arg11[%swap3A_275, %swap3A_276], %swap3A_279 {strides = array<i32>} : memref<5x80xi32, #tpu.memory_space<vmem>>, vector<1x16xi32>,
      %get3A_280 = arith.constant 160 : index
      %get3A_281 = tpu.vector_load %arg9[%get3A_280] {strides = array<i32>} : memref<400xi32, #tpu.memory_space<vmem>>, vector<16xi32>,
      %get3A_282 = vector.shape_cast %get3A_281 : vector<16xi32> to vector<16xi32>
      %swap3A_283 = arith.constant 2 : i32
      %swap3A_284 = arith.index_cast %swap3A_283 : i32 to index
      %swap3A_285 = arith.constant 0 : index
      %swap3A_286 = tpu.vector_load %arg11[%swap3A_284, %swap3A_285] {strides = array<i32>} : memref<5x80xi32, #tpu.memory_space<vmem>>, vector<1x16xi32>,
      %swap3A_287 = vector.shape_cast %swap3A_286 : vector<1x16xi32> to vector<16xi32>
      %swap3A_288 = vector.shape_cast %get3A_282 : vector<16xi32> to vector<1x16xi32>
      tpu.vector_store %arg11[%swap3A_284, %swap3A_285], %swap3A_288 {strides = array<i32>} : memref<5x80xi32, #tpu.memory_space<vmem>>, vector<1x16xi32>,
      %get3A_289 = arith.constant 176 : index
      %get3A_290 = tpu.vector_load %arg9[%get3A_289] {strides = array<i32>} : memref<400xi32, #tpu.memory_space<vmem>>, vector<16xi32>,
      %get3A_291 = vector.shape_cast %get3A_290 : vector<16xi32> to vector<16xi32>
      %swap3A_292 = arith.constant 2 : i32
      %swap3A_293 = arith.index_cast %swap3A_292 : i32 to index
      %swap3A_294 = arith.constant 16 : index
      %swap3A_295 = tpu.vector_load %arg11[%swap3A_293, %swap3A_294] {strides = array<i32>} : memref<5x80xi32, #tpu.memory_space<vmem>>, vector<1x16xi32>,
      %swap3A_296 = vector.shape_cast %swap3A_295 : vector<1x16xi32> to vector<16xi32>
      %swap3A_297 = vector.shape_cast %get3A_291 : vector<16xi32> to vector<1x16xi32>
      tpu.vector_store %arg11[%swap3A_293, %swap3A_294], %swap3A_297 {strides = array<i32>} : memref<5x80xi32, #tpu.memory_space<vmem>>, vector<1x16xi32>,
      %get3A_298 = arith.constant 192 : index
      %get3A_299 = tpu.vector_load %arg9[%get3A_298] {strides = array<i32>} : memref<400xi32, #tpu.memory_space<vmem>>, vector<16xi32>,
      %get3A_300 = vector.shape_cast %get3A_299 : vector<16xi32> to vector<16xi32>
      %swap3A_301 = arith.constant 2 : i32
      %swap3A_302 = arith.index_cast %swap3A_301 : i32 to index
      %swap3A_303 = arith.constant 32 : index
      %swap3A_304 = tpu.vector_load %arg11[%swap3A_302, %swap3A_303] {strides = array<i32>} : memref<5x80xi32, #tpu.memory_space<vmem>>, vector<1x16xi32>,
      %swap3A_305 = vector.shape_cast %swap3A_304 : vector<1x16xi32> to vector<16xi32>
      %swap3A_306 = vector.shape_cast %get3A_300 : vector<16xi32> to vector<1x16xi32>
      tpu.vector_store %arg11[%swap3A_302, %swap3A_303], %swap3A_306 {strides = array<i32>} : memref<5x80xi32, #tpu.memory_space<vmem>>, vector<1x16xi32>,
      %get3A_307 = arith.constant 208 : index
      %get3A_308 = tpu.vector_load %arg9[%get3A_307] {strides = array<i32>} : memref<400xi32, #tpu.memory_space<vmem>>, vector<16xi32>,
      %get3A_309 = vector.shape_cast %get3A_308 : vector<16xi32> to vector<16xi32>
      %swap3A_310 = arith.constant 2 : i32
      %swap3A_311 = arith.index_cast %swap3A_310 : i32 to index
      %swap3A_312 = arith.constant 48 : index
      %swap3A_313 = tpu.vector_load %arg11[%swap3A_311, %swap3A_312] {strides = array<i32>} : memref<5x80xi32, #tpu.memory_space<vmem>>, vector<1x16xi32>,
      %swap3A_314 = vector.shape_cast %swap3A_313 : vector<1x16xi32> to vector<16xi32>
      %swap3A_315 = vector.shape_cast %get3A_309 : vector<16xi32> to vector<1x16xi32>
      tpu.vector_store %arg11[%swap3A_311, %swap3A_312], %swap3A_315 {strides = array<i32>} : memref<5x80xi32, #tpu.memory_space<vmem>>, vector<1x16xi32>,
      %get3A_316 = arith.constant 224 : index
      %get3A_317 = tpu.vector_load %arg9[%get3A_316] {strides = array<i32>} : memref<400xi32, #tpu.memory_space<vmem>>, vector<16xi32>,
      %get3A_318 = vector.shape_cast %get3A_317 : vector<16xi32> to vector<16xi32>
      %swap3A_319 = arith.constant 2 : i32
      %swap3A_320 = arith.index_cast %swap3A_319 : i32 to index
      %swap3A_321 = arith.constant 64 : index
      %swap3A_322 = tpu.vector_load %arg11[%swap3A_320, %swap3A_321] {strides = array<i32>} : memref<5x80xi32, #tpu.memory_space<vmem>>, vector<1x16xi32>,
      %swap3A_323 = vector.shape_cast %swap3A_322 : vector<1x16xi32> to vector<16xi32>
      %swap3A_324 = vector.shape_cast %get3A_318 : vector<16xi32> to vector<1x16xi32>
      tpu.vector_store %arg11[%swap3A_320, %swap3A_321], %swap3A_324 {strides = array<i32>} : memref<5x80xi32, #tpu.memory_space<vmem>>, vector<1x16xi32>,
      %get3A_325 = arith.constant 240 : index
      %get3A_326 = tpu.vector_load %arg9[%get3A_325] {strides = array<i32>} : memref<400xi32, #tpu.memory_space<vmem>>, vector<16xi32>,
      %get3A_327 = vector.shape_cast %get3A_326 : vector<16xi32> to vector<16xi32>
      %swap3A_328 = arith.constant 3 : i32
      %swap3A_329 = arith.index_cast %swap3A_328 : i32 to index
      %swap3A_330 = arith.constant 0 : index
      %swap3A_331 = tpu.vector_load %arg11[%swap3A_329, %swap3A_330] {strides = array<i32>} : memref<5x80xi32, #tpu.memory_space<vmem>>, vector<1x16xi32>,
      %swap3A_332 = vector.shape_cast %swap3A_331 : vector<1x16xi32> to vector<16xi32>
      %swap3A_333 = vector.shape_cast %get3A_327 : vector<16xi32> to vector<1x16xi32>
      tpu.vector_store %arg11[%swap3A_329, %swap3A_330], %swap3A_333 {strides = array<i32>} : memref<5x80xi32, #tpu.memory_space<vmem>>, vector<1x16xi32>,
      %get3A_334 = arith.constant 256 : index
      %get3A_335 = tpu.vector_load %arg9[%get3A_334] {strides = array<i32>} : memref<400xi32, #tpu.memory_space<vmem>>, vector<16xi32>,
      %get3A_336 = vector.shape_cast %get3A_335 : vector<16xi32> to vector<16xi32>
      %swap3A_337 = arith.constant 3 : i32
      %swap3A_338 = arith.index_cast %swap3A_337 : i32 to index
      %swap3A_339 = arith.constant 16 : index
      %swap3A_340 = tpu.vector_load %arg11[%swap3A_338, %swap3A_339] {strides = array<i32>} : memref<5x80xi32, #tpu.memory_space<vmem>>, vector<1x16xi32>,
      %swap3A_341 = vector.shape_cast %swap3A_340 : vector<1x16xi32> to vector<16xi32>
      %swap3A_342 = vector.shape_cast %get3A_336 : vector<16xi32> to vector<1x16xi32>
      tpu.vector_store %arg11[%swap3A_338, %swap3A_339], %swap3A_342 {strides = array<i32>} : memref<5x80xi32, #tpu.memory_space<vmem>>, vector<1x16xi32>,
      %get3A_343 = arith.constant 272 : index
      %get3A_344 = tpu.vector_load %arg9[%get3A_343] {strides = array<i32>} : memref<400xi32, #tpu.memory_space<vmem>>, vector<16xi32>,
      %get3A_345 = vector.shape_cast %get3A_344 : vector<16xi32> to vector<16xi32>
      %swap3A_346 = arith.constant 3 : i32
      %swap3A_347 = arith.index_cast %swap3A_346 : i32 to index
      %swap3A_348 = arith.constant 32 : index
      %swap3A_349 = tpu.vector_load %arg11[%swap3A_347, %swap3A_348] {strides = array<i32>} : memref<5x80xi32, #tpu.memory_space<vmem>>, vector<1x16xi32>,
      %swap3A_350 = vector.shape_cast %swap3A_349 : vector<1x16xi32> to vector<16xi32>
      %swap3A_351 = vector.shape_cast %get3A_345 : vector<16xi32> to vector<1x16xi32>
      tpu.vector_store %arg11[%swap3A_347, %swap3A_348], %swap3A_351 {strides = array<i32>} : memref<5x80xi32, #tpu.memory_space<vmem>>, vector<1x16xi32>,
      %get3A_352 = arith.constant 288 : index
      %get3A_353 = tpu.vector_load %arg9[%get3A_352] {strides = array<i32>} : memref<400xi32, #tpu.memory_space<vmem>>, vector<16xi32>,
      %get3A_354 = vector.shape_cast %get3A_353 : vector<16xi32> to vector<16xi32>
      %swap3A_355 = arith.constant 3 : i32
      %swap3A_356 = arith.index_cast %swap3A_355 : i32 to index
      %swap3A_357 = arith.constant 48 : index
      %swap3A_358 = tpu.vector_load %arg11[%swap3A_356, %swap3A_357] {strides = array<i32>} : memref<5x80xi32, #tpu.memory_space<vmem>>, vector<1x16xi32>,
      %swap3A_359 = vector.shape_cast %swap3A_358 : vector<1x16xi32> to vector<16xi32>
      %swap3A_360 = vector.shape_cast %get3A_354 : vector<16xi32> to vector<1x16xi32>
      tpu.vector_store %arg11[%swap3A_356, %swap3A_357], %swap3A_360 {strides = array<i32>} : memref<5x80xi32, #tpu.memory_space<vmem>>, vector<1x16xi32>,
      %get3A_361 = arith.constant 304 : index
      %get3A_362 = tpu.vector_load %arg9[%get3A_361] {strides = array<i32>} : memref<400xi32, #tpu.memory_space<vmem>>, vector<16xi32>,
      %get3A_363 = vector.shape_cast %get3A_362 : vector<16xi32> to vector<16xi32>
      %swap3A_364 = arith.constant 3 : i32
      %swap3A_365 = arith.index_cast %swap3A_364 : i32 to index
      %swap3A_366 = arith.constant 64 : index
      %swap3A_367 = tpu.vector_load %arg11[%swap3A_365, %swap3A_366] {strides = array<i32>} : memref<5x80xi32, #tpu.memory_space<vmem>>, vector<1x16xi32>,
      %swap3A_368 = vector.shape_cast %swap3A_367 : vector<1x16xi32> to vector<16xi32>
      %swap3A_369 = vector.shape_cast %get3A_363 : vector<16xi32> to vector<1x16xi32>
      tpu.vector_store %arg11[%swap3A_365, %swap3A_366], %swap3A_369 {strides = array<i32>} : memref<5x80xi32, #tpu.memory_space<vmem>>, vector<1x16xi32>,
      %get3A_370 = arith.constant 320 : index
      %get3A_371 = tpu.vector_load %arg9[%get3A_370] {strides = array<i32>} : memref<400xi32, #tpu.memory_space<vmem>>, vector<16xi32>,
      %get3A_372 = vector.shape_cast %get3A_371 : vector<16xi32> to vector<16xi32>
      %swap3A_373 = arith.constant 4 : i32
      %swap3A_374 = arith.index_cast %swap3A_373 : i32 to index
      %swap3A_375 = arith.constant 0 : index
      %swap3A_376 = tpu.vector_load %arg11[%swap3A_374, %swap3A_375] {strides = array<i32>} : memref<5x80xi32, #tpu.memory_space<vmem>>, vector<1x16xi32>,
      %swap3A_377 = vector.shape_cast %swap3A_376 : vector<1x16xi32> to vector<16xi32>
      %swap3A_378 = vector.shape_cast %get3A_372 : vector<16xi32> to vector<1x16xi32>
      tpu.vector_store %arg11[%swap3A_374, %swap3A_375], %swap3A_378 {strides = array<i32>} : memref<5x80xi32, #tpu.memory_space<vmem>>, vector<1x16xi32>,
      %get3A_379 = arith.constant 336 : index
      %get3A_380 = tpu.vector_load %arg9[%get3A_379] {strides = array<i32>} : memref<400xi32, #tpu.memory_space<vmem>>, vector<16xi32>,
      %get3A_381 = vector.shape_cast %get3A_380 : vector<16xi32> to vector<16xi32>
      %swap3A_382 = arith.constant 4 : i32
      %swap3A_383 = arith.index_cast %swap3A_382 : i32 to index
      %swap3A_384 = arith.constant 16 : index
      %swap3A_385 = tpu.vector_load %arg11[%swap3A_383, %swap3A_384] {strides = array<i32>} : memref<5x80xi32, #tpu.memory_space<vmem>>, vector<1x16xi32>,
      %swap3A_386 = vector.shape_cast %swap3A_385 : vector<1x16xi32> to vector<16xi32>
      %swap3A_387 = vector.shape_cast %get3A_381 : vector<16xi32> to vector<1x16xi32>
      tpu.vector_store %arg11[%swap3A_383, %swap3A_384], %swap3A_387 {strides = array<i32>} : memref<5x80xi32, #tpu.memory_space<vmem>>, vector<1x16xi32>,
      %get3A_388 = arith.constant 352 : index
      %get3A_389 = tpu.vector_load %arg9[%get3A_388] {strides = array<i32>} : memref<400xi32, #tpu.memory_space<vmem>>, vector<16xi32>,
      %get3A_390 = vector.shape_cast %get3A_389 : vector<16xi32> to vector<16xi32>
      %swap3A_391 = arith.constant 4 : i32
      %swap3A_392 = arith.index_cast %swap3A_391 : i32 to index
      %swap3A_393 = arith.constant 32 : index
      %swap3A_394 = tpu.vector_load %arg11[%swap3A_392, %swap3A_393] {strides = array<i32>} : memref<5x80xi32, #tpu.memory_space<vmem>>, vector<1x16xi32>,
      %swap3A_395 = vector.shape_cast %swap3A_394 : vector<1x16xi32> to vector<16xi32>
      %swap3A_396 = vector.shape_cast %get3A_390 : vector<16xi32> to vector<1x16xi32>
      tpu.vector_store %arg11[%swap3A_392, %swap3A_393], %swap3A_396 {strides = array<i32>} : memref<5x80xi32, #tpu.memory_space<vmem>>, vector<1x16xi32>,
      %get3A_397 = arith.constant 368 : index
      %get3A_398 = tpu.vector_load %arg9[%get3A_397] {strides = array<i32>} : memref<400xi32, #tpu.memory_space<vmem>>, vector<16xi32>,
      %get3A_399 = vector.shape_cast %get3A_398 : vector<16xi32> to vector<16xi32>
      %swap3A_400 = arith.constant 4 : i32
      %swap3A_401 = arith.index_cast %swap3A_400 : i32 to index
      %swap3A_402 = arith.constant 48 : index
      %swap3A_403 = tpu.vector_load %arg11[%swap3A_401, %swap3A_402] {strides = array<i32>} : memref<5x80xi32, #tpu.memory_space<vmem>>, vector<1x16xi32>,
      %swap3A_404 = vector.shape_cast %swap3A_403 : vector<1x16xi32> to vector<16xi32>
      %swap3A_405 = vector.shape_cast %get3A_399 : vector<16xi32> to vector<1x16xi32>
      tpu.vector_store %arg11[%swap3A_401, %swap3A_402], %swap3A_405 {strides = array<i32>} : memref<5x80xi32, #tpu.memory_space<vmem>>, vector<1x16xi32>,
      %get3A_406 = arith.constant 384 : index
      %get3A_407 = tpu.vector_load %arg9[%get3A_406] {strides = array<i32>} : memref<400xi32, #tpu.memory_space<vmem>>, vector<16xi32>,
      %get3A_408 = vector.shape_cast %get3A_407 : vector<16xi32> to vector<16xi32>
      %swap3A_409 = arith.constant 4 : i32
      %swap3A_410 = arith.index_cast %swap3A_409 : i32 to index
      %swap3A_411 = arith.constant 64 : index
      %swap3A_412 = tpu.vector_load %arg11[%swap3A_410, %swap3A_411] {strides = array<i32>} : memref<5x80xi32, #tpu.memory_space<vmem>>, vector<1x16xi32>,
      %swap3A_413 = vector.shape_cast %swap3A_412 : vector<1x16xi32> to vector<16xi32>
      %swap3A_414 = vector.shape_cast %get3A_408 : vector<16xi32> to vector<1x16xi32>
      tpu.vector_store %arg11[%swap3A_410, %swap3A_411], %swap3A_414 {strides = array<i32>} : memref<5x80xi32, #tpu.memory_space<vmem>>, vector<1x16xi32>,
      %mul3A_415 = arith.constant 400 : i32
      %mul3A_416 = arith.muli %add3A_52, %mul3A_415 : i32
      %dma_wait3A_417 = arith.constant 0 : i32
      %dma_wait3A_418 = tpu.memref_slice %arg2[%mul3A_416, %dma_wait3A_417] : memref<100000x128xf32, #tpu.memory_space<hbm>> -> memref<400x128xf32, #tpu.memory_space<hbm>>
      %dma_wait3A_419 = arith.constant 0 : i32
      %dma_wait3A_420 = tpu.memref_slice %arg2[%mul3A_416, %dma_wait3A_419] : memref<100000x128xf32, #tpu.memory_space<hbm>> -> memref<400x128xf32, #tpu.memory_space<hbm>>
      tpu.wait_dma2 semaphore(%arg18 : memref<!tpu.dma_semaphore, #tpu.memory_space<semaphore_mem>>) src(%dma_wait3A_420 : memref<400x128xf32, #tpu.memory_space<hbm>>) dst(%arg14 : memref<400x128xf32, #tpu.memory_space<vmem>>)
      %dma_start3A = arith.constant 0 : i32
      %dma_start3A_421 = arith.constant 0 : i32
      %dma_start3A_422 = arith.constant 0 : i32
      %dma_start3A_423 = tpu.memref_slice %arg14[%dma_start3A_421, %dma_start3A_422] : memref<400x128xf32, #tpu.memory_space<vmem>> -> memref<80x128xf32, #tpu.memory_space<vmem>>
      %dma_start3A_424 = arith.constant 0 : i32
      %dma_start3A_425 = tpu.memref_slice %arg11[%dma_start3A, %dma_start3A_424] : memref<5x80xi32, #tpu.memory_space<vmem>> -> memref<1x80xi32, #tpu.memory_space<vmem>>
      %dma_start3A_426 = tpu.memref_squeeze %dma_start3A_425 : memref<1x80xi32, #tpu.memory_space<vmem>> -> memref<80xi32, #tpu.memory_space<vmem>>
      %dma_start3A_427 = arith.constant 0 : i32
      %dma_start3A_428 = arith.constant 0 : i32
      %dma_start3A_429 = tpu.memref_slice %arg6[%dma_start3A_427, %dma_start3A_428] : memref<256x128xf32, #tpu.memory_space<vmem_shared>> -> memref<256x128xf32, #tpu.memory_space<vmem_shared>>
      tpu.enqueue_indirect_dma source(%dma_start3A_423 : memref<80x128xf32, #tpu.memory_space<vmem>>) target(%dma_start3A_429 : memref<256x128xf32, #tpu.memory_space<vmem_shared>>) offsets(%dma_start3A_426 : memref<80xi32, #tpu.memory_space<vmem>>) semaphore(%arg20 : memref<!tpu.dma_semaphore, #tpu.memory_space<semaphore_mem>>) {add = true}
      %dma_start3A_430 = arith.constant 0 : i32
      %dma_start3A_431 = arith.constant 0 : i32
      %dma_start3A_432 = tpu.memref_slice %arg11[%dma_start3A_430, %dma_start3A_431] : memref<5x80xi32, #tpu.memory_space<vmem>> -> memref<1x80xi32, #tpu.memory_space<vmem>>
      %dma_start3A_433 = tpu.memref_squeeze %dma_start3A_432 : memref<1x80xi32, #tpu.memory_space<vmem>> -> memref<80xi32, #tpu.memory_space<vmem>>
      %dma_start3A_434 = arith.constant 0 : i32
      %dma_start3A_435 = arith.constant 0 : i32
      %dma_start3A_436 = tpu.memref_slice %arg7[%dma_start3A_434, %dma_start3A_435] : memref<256x16xf32, #tpu.memory_space<vmem_shared>> -> memref<256x16xf32, #tpu.memory_space<vmem_shared>>
      tpu.enqueue_indirect_dma source(%arg12 : memref<80x16xf32, #tpu.memory_space<vmem>>) target(%dma_start3A_436 : memref<256x16xf32, #tpu.memory_space<vmem_shared>>) offsets(%dma_start3A_433 : memref<80xi32, #tpu.memory_space<vmem>>) semaphore(%arg20 : memref<!tpu.dma_semaphore, #tpu.memory_space<semaphore_mem>>) {add = true}
      %dma_start3A_437 = arith.constant 1 : i32
      %dma_start3A_438 = arith.constant 80 : i32
      %dma_start3A_439 = arith.constant 0 : i32
      %dma_start3A_440 = tpu.memref_slice %arg14[%dma_start3A_438, %dma_start3A_439] : memref<400x128xf32, #tpu.memory_space<vmem>> -> memref<80x128xf32, #tpu.memory_space<vmem>>
      %dma_start3A_441 = arith.constant 0 : i32
      %dma_start3A_442 = tpu.memref_slice %arg11[%dma_start3A_437, %dma_start3A_441] : memref<5x80xi32, #tpu.memory_space<vmem>> -> memref<1x80xi32, #tpu.memory_space<vmem>>
      %dma_start3A_443 = tpu.memref_squeeze %dma_start3A_442 : memref<1x80xi32, #tpu.memory_space<vmem>> -> memref<80xi32, #tpu.memory_space<vmem>>
      %dma_start3A_444 = arith.constant 0 : i32
      %dma_start3A_445 = arith.constant 0 : i32
      %dma_start3A_446 = tpu.memref_slice %arg6[%dma_start3A_444, %dma_start3A_445] : memref<256x128xf32, #tpu.memory_space<vmem_shared>> -> memref<256x128xf32, #tpu.memory_space<vmem_shared>>
      tpu.enqueue_indirect_dma source(%dma_start3A_440 : memref<80x128xf32, #tpu.memory_space<vmem>>) target(%dma_start3A_446 : memref<256x128xf32, #tpu.memory_space<vmem_shared>>) offsets(%dma_start3A_443 : memref<80xi32, #tpu.memory_space<vmem>>) semaphore(%arg20 : memref<!tpu.dma_semaphore, #tpu.memory_space<semaphore_mem>>) {add = true}
      %dma_start3A_447 = arith.constant 1 : i32
      %dma_start3A_448 = arith.constant 0 : i32
      %dma_start3A_449 = tpu.memref_slice %arg11[%dma_start3A_447, %dma_start3A_448] : memref<5x80xi32, #tpu.memory_space<vmem>> -> memref<1x80xi32, #tpu.memory_space<vmem>>
      %dma_start3A_450 = tpu.memref_squeeze %dma_start3A_449 : memref<1x80xi32, #tpu.memory_space<vmem>> -> memref<80xi32, #tpu.memory_space<vmem>>
      %dma_start3A_451 = arith.constant 0 : i32
      %dma_start3A_452 = arith.constant 0 : i32
      %dma_start3A_453 = tpu.memref_slice %arg7[%dma_start3A_451, %dma_start3A_452] : memref<256x16xf32, #tpu.memory_space<vmem_shared>> -> memref<256x16xf32, #tpu.memory_space<vmem_shared>>
      tpu.enqueue_indirect_dma source(%arg12 : memref<80x16xf32, #tpu.memory_space<vmem>>) target(%dma_start3A_453 : memref<256x16xf32, #tpu.memory_space<vmem_shared>>) offsets(%dma_start3A_450 : memref<80xi32, #tpu.memory_space<vmem>>) semaphore(%arg20 : memref<!tpu.dma_semaphore, #tpu.memory_space<semaphore_mem>>) {add = true}
      %dma_start3A_454 = arith.constant 2 : i32
      %dma_start3A_455 = arith.constant 160 : i32
      %dma_start3A_456 = arith.constant 0 : i32
      %dma_start3A_457 = tpu.memref_slice %arg14[%dma_start3A_455, %dma_start3A_456] : memref<400x128xf32, #tpu.memory_space<vmem>> -> memref<80x128xf32, #tpu.memory_space<vmem>>
      %dma_start3A_458 = arith.constant 0 : i32
      %dma_start3A_459 = tpu.memref_slice %arg11[%dma_start3A_454, %dma_start3A_458] : memref<5x80xi32, #tpu.memory_space<vmem>> -> memref<1x80xi32, #tpu.memory_space<vmem>>
      %dma_start3A_460 = tpu.memref_squeeze %dma_start3A_459 : memref<1x80xi32, #tpu.memory_space<vmem>> -> memref<80xi32, #tpu.memory_space<vmem>>
      %dma_start3A_461 = arith.constant 0 : i32
      %dma_start3A_462 = arith.constant 0 : i32
      %dma_start3A_463 = tpu.memref_slice %arg6[%dma_start3A_461, %dma_start3A_462] : memref<256x128xf32, #tpu.memory_space<vmem_shared>> -> memref<256x128xf32, #tpu.memory_space<vmem_shared>>
      tpu.enqueue_indirect_dma source(%dma_start3A_457 : memref<80x128xf32, #tpu.memory_space<vmem>>) target(%dma_start3A_463 : memref<256x128xf32, #tpu.memory_space<vmem_shared>>) offsets(%dma_start3A_460 : memref<80xi32, #tpu.memory_space<vmem>>) semaphore(%arg20 : memref<!tpu.dma_semaphore, #tpu.memory_space<semaphore_mem>>) {add = true}
      %dma_start3A_464 = arith.constant 2 : i32
      %dma_start3A_465 = arith.constant 0 : i32
      %dma_start3A_466 = tpu.memref_slice %arg11[%dma_start3A_464, %dma_start3A_465] : memref<5x80xi32, #tpu.memory_space<vmem>> -> memref<1x80xi32, #tpu.memory_space<vmem>>
      %dma_start3A_467 = tpu.memref_squeeze %dma_start3A_466 : memref<1x80xi32, #tpu.memory_space<vmem>> -> memref<80xi32, #tpu.memory_space<vmem>>
      %dma_start3A_468 = arith.constant 0 : i32
      %dma_start3A_469 = arith.constant 0 : i32
      %dma_start3A_470 = tpu.memref_slice %arg7[%dma_start3A_468, %dma_start3A_469] : memref<256x16xf32, #tpu.memory_space<vmem_shared>> -> memref<256x16xf32, #tpu.memory_space<vmem_shared>>
      tpu.enqueue_indirect_dma source(%arg12 : memref<80x16xf32, #tpu.memory_space<vmem>>) target(%dma_start3A_470 : memref<256x16xf32, #tpu.memory_space<vmem_shared>>) offsets(%dma_start3A_467 : memref<80xi32, #tpu.memory_space<vmem>>) semaphore(%arg20 : memref<!tpu.dma_semaphore, #tpu.memory_space<semaphore_mem>>) {add = true}
      %dma_start3A_471 = arith.constant 3 : i32
      %dma_start3A_472 = arith.constant 240 : i32
      %dma_start3A_473 = arith.constant 0 : i32
      %dma_start3A_474 = tpu.memref_slice %arg14[%dma_start3A_472, %dma_start3A_473] : memref<400x128xf32, #tpu.memory_space<vmem>> -> memref<80x128xf32, #tpu.memory_space<vmem>>
      %dma_start3A_475 = arith.constant 0 : i32
      %dma_start3A_476 = tpu.memref_slice %arg11[%dma_start3A_471, %dma_start3A_475] : memref<5x80xi32, #tpu.memory_space<vmem>> -> memref<1x80xi32, #tpu.memory_space<vmem>>
      %dma_start3A_477 = tpu.memref_squeeze %dma_start3A_476 : memref<1x80xi32, #tpu.memory_space<vmem>> -> memref<80xi32, #tpu.memory_space<vmem>>
      %dma_start3A_478 = arith.constant 0 : i32
      %dma_start3A_479 = arith.constant 0 : i32
      %dma_start3A_480 = tpu.memref_slice %arg6[%dma_start3A_478, %dma_start3A_479] : memref<256x128xf32, #tpu.memory_space<vmem_shared>> -> memref<256x128xf32, #tpu.memory_space<vmem_shared>>
      tpu.enqueue_indirect_dma source(%dma_start3A_474 : memref<80x128xf32, #tpu.memory_space<vmem>>) target(%dma_start3A_480 : memref<256x128xf32, #tpu.memory_space<vmem_shared>>) offsets(%dma_start3A_477 : memref<80xi32, #tpu.memory_space<vmem>>) semaphore(%arg20 : memref<!tpu.dma_semaphore, #tpu.memory_space<semaphore_mem>>) {add = true}
      %dma_start3A_481 = arith.constant 3 : i32
      %dma_start3A_482 = arith.constant 0 : i32
      %dma_start3A_483 = tpu.memref_slice %arg11[%dma_start3A_481, %dma_start3A_482] : memref<5x80xi32, #tpu.memory_space<vmem>> -> memref<1x80xi32, #tpu.memory_space<vmem>>
      %dma_start3A_484 = tpu.memref_squeeze %dma_start3A_483 : memref<1x80xi32, #tpu.memory_space<vmem>> -> memref<80xi32, #tpu.memory_space<vmem>>
      %dma_start3A_485 = arith.constant 0 : i32
      %dma_start3A_486 = arith.constant 0 : i32
      %dma_start3A_487 = tpu.memref_slice %arg7[%dma_start3A_485, %dma_start3A_486] : memref<256x16xf32, #tpu.memory_space<vmem_shared>> -> memref<256x16xf32, #tpu.memory_space<vmem_shared>>
      tpu.enqueue_indirect_dma source(%arg12 : memref<80x16xf32, #tpu.memory_space<vmem>>) target(%dma_start3A_487 : memref<256x16xf32, #tpu.memory_space<vmem_shared>>) offsets(%dma_start3A_484 : memref<80xi32, #tpu.memory_space<vmem>>) semaphore(%arg20 : memref<!tpu.dma_semaphore, #tpu.memory_space<semaphore_mem>>) {add = true}
      %dma_start3A_488 = arith.constant 4 : i32
      %dma_start3A_489 = arith.constant 320 : i32
      %dma_start3A_490 = arith.constant 0 : i32
      %dma_start3A_491 = tpu.memref_slice %arg14[%dma_start3A_489, %dma_start3A_490] : memref<400x128xf32, #tpu.memory_space<vmem>> -> memref<80x128xf32, #tpu.memory_space<vmem>>
      %dma_start3A_492 = arith.constant 0 : i32
      %dma_start3A_493 = tpu.memref_slice %arg11[%dma_start3A_488, %dma_start3A_492] : memref<5x80xi32, #tpu.memory_space<vmem>> -> memref<1x80xi32, #tpu.memory_space<vmem>>
      %dma_start3A_494 = tpu.memref_squeeze %dma_start3A_493 : memref<1x80xi32, #tpu.memory_space<vmem>> -> memref<80xi32, #tpu.memory_space<vmem>>
      %dma_start3A_495 = arith.constant 0 : i32
      %dma_start3A_496 = arith.constant 0 : i32
      %dma_start3A_497 = tpu.memref_slice %arg6[%dma_start3A_495, %dma_start3A_496] : memref<256x128xf32, #tpu.memory_space<vmem_shared>> -> memref<256x128xf32, #tpu.memory_space<vmem_shared>>
      tpu.enqueue_indirect_dma source(%dma_start3A_491 : memref<80x128xf32, #tpu.memory_space<vmem>>) target(%dma_start3A_497 : memref<256x128xf32, #tpu.memory_space<vmem_shared>>) offsets(%dma_start3A_494 : memref<80xi32, #tpu.memory_space<vmem>>) semaphore(%arg20 : memref<!tpu.dma_semaphore, #tpu.memory_space<semaphore_mem>>) {add = true}
      %dma_start3A_498 = arith.constant 4 : i32
      %dma_start3A_499 = arith.constant 0 : i32
      %dma_start3A_500 = tpu.memref_slice %arg11[%dma_start3A_498, %dma_start3A_499] : memref<5x80xi32, #tpu.memory_space<vmem>> -> memref<1x80xi32, #tpu.memory_space<vmem>>
      %dma_start3A_501 = tpu.memref_squeeze %dma_start3A_500 : memref<1x80xi32, #tpu.memory_space<vmem>> -> memref<80xi32, #tpu.memory_space<vmem>>
      %dma_start3A_502 = arith.constant 0 : i32
      %dma_start3A_503 = arith.constant 0 : i32
      %dma_start3A_504 = tpu.memref_slice %arg7[%dma_start3A_502, %dma_start3A_503] : memref<256x16xf32, #tpu.memory_space<vmem_shared>> -> memref<256x16xf32, #tpu.memory_space<vmem_shared>>
      tpu.enqueue_indirect_dma source(%arg12 : memref<80x16xf32, #tpu.memory_space<vmem>>) target(%dma_start3A_504 : memref<256x16xf32, #tpu.memory_space<vmem_shared>>) offsets(%dma_start3A_501 : memref<80xi32, #tpu.memory_space<vmem>>) semaphore(%arg20 : memref<!tpu.dma_semaphore, #tpu.memory_space<semaphore_mem>>) {add = true}
    } else {
    }
    %add3A_58 = arith.constant 32 : i32
    %add3A_59 = arith.addi %add3A, %add3A_58 : i32
    %lt3A_60 = arith.constant 250 : i32
    %lt3A_61 = arith.cmpi slt, %add3A_59, %lt3A_60 : i32
    %convert_element_type3A_62 = arith.extui %lt3A_61 : i1 to i32
    %cond3A_63 = arith.constant 0 : i32
    %cond3A_64 = arith.cmpi ne, %convert_element_type3A_62, %cond3A_63 : i32
    scf.if %cond3A_64 {
      %dma_wait3A = arith.constant 0 : i32
      %dma_wait3A_189 = arith.constant 0 : i32
      %dma_wait3A_190 = arith.constant 0 : i32
      %dma_wait3A_191 = tpu.memref_slice %arg14[%dma_wait3A_189, %dma_wait3A_190] : memref<400x128xf32, #tpu.memory_space<vmem>> -> memref<80x128xf32, #tpu.memory_space<vmem>>
      %dma_wait3A_192 = arith.constant 0 : i32
      %dma_wait3A_193 = tpu.memref_slice %arg11[%dma_wait3A, %dma_wait3A_192] : memref<5x80xi32, #tpu.memory_space<vmem>> -> memref<1x80xi32, #tpu.memory_space<vmem>>
      %dma_wait3A_194 = tpu.memref_squeeze %dma_wait3A_193 : memref<1x80xi32, #tpu.memory_space<vmem>> -> memref<80xi32, #tpu.memory_space<vmem>>
      %dma_wait3A_195 = arith.constant 0 : i32
      %dma_wait3A_196 = arith.constant 0 : i32
      %dma_wait3A_197 = tpu.memref_slice %arg6[%dma_wait3A_195, %dma_wait3A_196] : memref<256x128xf32, #tpu.memory_space<vmem_shared>> -> memref<256x128xf32, #tpu.memory_space<vmem_shared>>
      tpu.wait_indirect_dma semaphore(%arg20 : memref<!tpu.dma_semaphore, #tpu.memory_space<semaphore_mem>>) src(%dma_wait3A_191 : memref<80x128xf32, #tpu.memory_space<vmem>>) dst(%dma_wait3A_197 : memref<256x128xf32, #tpu.memory_space<vmem_shared>>)
      %dma_wait3A_198 = arith.constant 0 : i32
      %dma_wait3A_199 = arith.constant 0 : i32
      %dma_wait3A_200 = tpu.memref_slice %arg11[%dma_wait3A_198, %dma_wait3A_199] : memref<5x80xi32, #tpu.memory_space<vmem>> -> memref<1x80xi32, #tpu.memory_space<vmem>>
      %dma_wait3A_201 = tpu.memref_squeeze %dma_wait3A_200 : memref<1x80xi32, #tpu.memory_space<vmem>> -> memref<80xi32, #tpu.memory_space<vmem>>
      %dma_wait3A_202 = arith.constant 0 : i32
      %dma_wait3A_203 = arith.constant 0 : i32
      %dma_wait3A_204 = tpu.memref_slice %arg7[%dma_wait3A_202, %dma_wait3A_203] : memref<256x16xf32, #tpu.memory_space<vmem_shared>> -> memref<256x16xf32, #tpu.memory_space<vmem_shared>>
      tpu.wait_indirect_dma semaphore(%arg20 : memref<!tpu.dma_semaphore, #tpu.memory_space<semaphore_mem>>) src(%arg12 : memref<80x16xf32, #tpu.memory_space<vmem>>) dst(%dma_wait3A_204 : memref<256x16xf32, #tpu.memory_space<vmem_shared>>)
      %dma_wait3A_205 = arith.constant 1 : i32
      %dma_wait3A_206 = arith.constant 80 : i32
      %dma_wait3A_207 = arith.constant 0 : i32
      %dma_wait3A_208 = tpu.memref_slice %arg14[%dma_wait3A_206, %dma_wait3A_207] : memref<400x128xf32, #tpu.memory_space<vmem>> -> memref<80x128xf32, #tpu.memory_space<vmem>>
      %dma_wait3A_209 = arith.constant 0 : i32
      %dma_wait3A_210 = tpu.memref_slice %arg11[%dma_wait3A_205, %dma_wait3A_209] : memref<5x80xi32, #tpu.memory_space<vmem>> -> memref<1x80xi32, #tpu.memory_space<vmem>>
      %dma_wait3A_211 = tpu.memref_squeeze %dma_wait3A_210 : memref<1x80xi32, #tpu.memory_space<vmem>> -> memref<80xi32, #tpu.memory_space<vmem>>
      %dma_wait3A_212 = arith.constant 0 : i32
      %dma_wait3A_213 = arith.constant 0 : i32
      %dma_wait3A_214 = tpu.memref_slice %arg6[%dma_wait3A_212, %dma_wait3A_213] : memref<256x128xf32, #tpu.memory_space<vmem_shared>> -> memref<256x128xf32, #tpu.memory_space<vmem_shared>>
      tpu.wait_indirect_dma semaphore(%arg20 : memref<!tpu.dma_semaphore, #tpu.memory_space<semaphore_mem>>) src(%dma_wait3A_208 : memref<80x128xf32, #tpu.memory_space<vmem>>) dst(%dma_wait3A_214 : memref<256x128xf32, #tpu.memory_space<vmem_shared>>)
      %dma_wait3A_215 = arith.constant 1 : i32
      %dma_wait3A_216 = arith.constant 0 : i32
      %dma_wait3A_217 = tpu.memref_slice %arg11[%dma_wait3A_215, %dma_wait3A_216] : memref<5x80xi32, #tpu.memory_space<vmem>> -> memref<1x80xi32, #tpu.memory_space<vmem>>
      %dma_wait3A_218 = tpu.memref_squeeze %dma_wait3A_217 : memref<1x80xi32, #tpu.memory_space<vmem>> -> memref<80xi32, #tpu.memory_space<vmem>>
      %dma_wait3A_219 = arith.constant 0 : i32
      %dma_wait3A_220 = arith.constant 0 : i32
      %dma_wait3A_221 = tpu.memref_slice %arg7[%dma_wait3A_219, %dma_wait3A_220] : memref<256x16xf32, #tpu.memory_space<vmem_shared>> -> memref<256x16xf32, #tpu.memory_space<vmem_shared>>
      tpu.wait_indirect_dma semaphore(%arg20 : memref<!tpu.dma_semaphore, #tpu.memory_space<semaphore_mem>>) src(%arg12 : memref<80x16xf32, #tpu.memory_space<vmem>>) dst(%dma_wait3A_221 : memref<256x16xf32, #tpu.memory_space<vmem_shared>>)
      %dma_wait3A_222 = arith.constant 2 : i32
      %dma_wait3A_223 = arith.constant 160 : i32
      %dma_wait3A_224 = arith.constant 0 : i32
      %dma_wait3A_225 = tpu.memref_slice %arg14[%dma_wait3A_223, %dma_wait3A_224] : memref<400x128xf32, #tpu.memory_space<vmem>> -> memref<80x128xf32, #tpu.memory_space<vmem>>
      %dma_wait3A_226 = arith.constant 0 : i32
      %dma_wait3A_227 = tpu.memref_slice %arg11[%dma_wait3A_222, %dma_wait3A_226] : memref<5x80xi32, #tpu.memory_space<vmem>> -> memref<1x80xi32, #tpu.memory_space<vmem>>
      %dma_wait3A_228 = tpu.memref_squeeze %dma_wait3A_227 : memref<1x80xi32, #tpu.memory_space<vmem>> -> memref<80xi32, #tpu.memory_space<vmem>>
      %dma_wait3A_229 = arith.constant 0 : i32
      %dma_wait3A_230 = arith.constant 0 : i32
      %dma_wait3A_231 = tpu.memref_slice %arg6[%dma_wait3A_229, %dma_wait3A_230] : memref<256x128xf32, #tpu.memory_space<vmem_shared>> -> memref<256x128xf32, #tpu.memory_space<vmem_shared>>
      tpu.wait_indirect_dma semaphore(%arg20 : memref<!tpu.dma_semaphore, #tpu.memory_space<semaphore_mem>>) src(%dma_wait3A_225 : memref<80x128xf32, #tpu.memory_space<vmem>>) dst(%dma_wait3A_231 : memref<256x128xf32, #tpu.memory_space<vmem_shared>>)
      %dma_wait3A_232 = arith.constant 2 : i32
      %dma_wait3A_233 = arith.constant 0 : i32
      %dma_wait3A_234 = tpu.memref_slice %arg11[%dma_wait3A_232, %dma_wait3A_233] : memref<5x80xi32, #tpu.memory_space<vmem>> -> memref<1x80xi32, #tpu.memory_space<vmem>>
      %dma_wait3A_235 = tpu.memref_squeeze %dma_wait3A_234 : memref<1x80xi32, #tpu.memory_space<vmem>> -> memref<80xi32, #tpu.memory_space<vmem>>
      %dma_wait3A_236 = arith.constant 0 : i32
      %dma_wait3A_237 = arith.constant 0 : i32
      %dma_wait3A_238 = tpu.memref_slice %arg7[%dma_wait3A_236, %dma_wait3A_237] : memref<256x16xf32, #tpu.memory_space<vmem_shared>> -> memref<256x16xf32, #tpu.memory_space<vmem_shared>>
      tpu.wait_indirect_dma semaphore(%arg20 : memref<!tpu.dma_semaphore, #tpu.memory_space<semaphore_mem>>) src(%arg12 : memref<80x16xf32, #tpu.memory_space<vmem>>) dst(%dma_wait3A_238 : memref<256x16xf32, #tpu.memory_space<vmem_shared>>)
      %dma_wait3A_239 = arith.constant 3 : i32
      %dma_wait3A_240 = arith.constant 240 : i32
      %dma_wait3A_241 = arith.constant 0 : i32
      %dma_wait3A_242 = tpu.memref_slice %arg14[%dma_wait3A_240, %dma_wait3A_241] : memref<400x128xf32, #tpu.memory_space<vmem>> -> memref<80x128xf32, #tpu.memory_space<vmem>>
      %dma_wait3A_243 = arith.constant 0 : i32
      %dma_wait3A_244 = tpu.memref_slice %arg11[%dma_wait3A_239, %dma_wait3A_243] : memref<5x80xi32, #tpu.memory_space<vmem>> -> memref<1x80xi32, #tpu.memory_space<vmem>>
      %dma_wait3A_245 = tpu.memref_squeeze %dma_wait3A_244 : memref<1x80xi32, #tpu.memory_space<vmem>> -> memref<80xi32, #tpu.memory_space<vmem>>
      %dma_wait3A_246 = arith.constant 0 : i32
      %dma_wait3A_247 = arith.constant 0 : i32
      %dma_wait3A_248 = tpu.memref_slice %arg6[%dma_wait3A_246, %dma_wait3A_247] : memref<256x128xf32, #tpu.memory_space<vmem_shared>> -> memref<256x128xf32, #tpu.memory_space<vmem_shared>>
      tpu.wait_indirect_dma semaphore(%arg20 : memref<!tpu.dma_semaphore, #tpu.memory_space<semaphore_mem>>) src(%dma_wait3A_242 : memref<80x128xf32, #tpu.memory_space<vmem>>) dst(%dma_wait3A_248 : memref<256x128xf32, #tpu.memory_space<vmem_shared>>)
      %dma_wait3A_249 = arith.constant 3 : i32
      %dma_wait3A_250 = arith.constant 0 : i32
      %dma_wait3A_251 = tpu.memref_slice %arg11[%dma_wait3A_249, %dma_wait3A_250] : memref<5x80xi32, #tpu.memory_space<vmem>> -> memref<1x80xi32, #tpu.memory_space<vmem>>
      %dma_wait3A_252 = tpu.memref_squeeze %dma_wait3A_251 : memref<1x80xi32, #tpu.memory_space<vmem>> -> memref<80xi32, #tpu.memory_space<vmem>>
      %dma_wait3A_253 = arith.constant 0 : i32
      %dma_wait3A_254 = arith.constant 0 : i32
      %dma_wait3A_255 = tpu.memref_slice %arg7[%dma_wait3A_253, %dma_wait3A_254] : memref<256x16xf32, #tpu.memory_space<vmem_shared>> -> memref<256x16xf32, #tpu.memory_space<vmem_shared>>
      tpu.wait_indirect_dma semaphore(%arg20 : memref<!tpu.dma_semaphore, #tpu.memory_space<semaphore_mem>>) src(%arg12 : memref<80x16xf32, #tpu.memory_space<vmem>>) dst(%dma_wait3A_255 : memref<256x16xf32, #tpu.memory_space<vmem_shared>>)
      %dma_wait3A_256 = arith.constant 4 : i32
      %dma_wait3A_257 = arith.constant 320 : i32
      %dma_wait3A_258 = arith.constant 0 : i32
      %dma_wait3A_259 = tpu.memref_slice %arg14[%dma_wait3A_257, %dma_wait3A_258] : memref<400x128xf32, #tpu.memory_space<vmem>> -> memref<80x128xf32, #tpu.memory_space<vmem>>
      %dma_wait3A_260 = arith.constant 0 : i32
      %dma_wait3A_261 = tpu.memref_slice %arg11[%dma_wait3A_256, %dma_wait3A_260] : memref<5x80xi32, #tpu.memory_space<vmem>> -> memref<1x80xi32, #tpu.memory_space<vmem>>
      %dma_wait3A_262 = tpu.memref_squeeze %dma_wait3A_261 : memref<1x80xi32, #tpu.memory_space<vmem>> -> memref<80xi32, #tpu.memory_space<vmem>>
      %dma_wait3A_263 = arith.constant 0 : i32
      %dma_wait3A_264 = arith.constant 0 : i32
      %dma_wait3A_265 = tpu.memref_slice %arg6[%dma_wait3A_263, %dma_wait3A_264] : memref<256x128xf32, #tpu.memory_space<vmem_shared>> -> memref<256x128xf32, #tpu.memory_space<vmem_shared>>
      tpu.wait_indirect_dma semaphore(%arg20 : memref<!tpu.dma_semaphore, #tpu.memory_space<semaphore_mem>>) src(%dma_wait3A_259 : memref<80x128xf32, #tpu.memory_space<vmem>>) dst(%dma_wait3A_265 : memref<256x128xf32, #tpu.memory_space<vmem_shared>>)
      %dma_wait3A_266 = arith.constant 4 : i32
      %dma_wait3A_267 = arith.constant 0 : i32
      %dma_wait3A_268 = tpu.memref_slice %arg11[%dma_wait3A_266, %dma_wait3A_267] : memref<5x80xi32, #tpu.memory_space<vmem>> -> memref<1x80xi32, #tpu.memory_space<vmem>>
      %dma_wait3A_269 = tpu.memref_squeeze %dma_wait3A_268 : memref<1x80xi32, #tpu.memory_space<vmem>> -> memref<80xi32, #tpu.memory_space<vmem>>
      %dma_wait3A_270 = arith.constant 0 : i32
      %dma_wait3A_271 = arith.constant 0 : i32
      %dma_wait3A_272 = tpu.memref_slice %arg7[%dma_wait3A_270, %dma_wait3A_271] : memref<256x16xf32, #tpu.memory_space<vmem_shared>> -> memref<256x16xf32, #tpu.memory_space<vmem_shared>>
      tpu.wait_indirect_dma semaphore(%arg20 : memref<!tpu.dma_semaphore, #tpu.memory_space<semaphore_mem>>) src(%arg12 : memref<80x16xf32, #tpu.memory_space<vmem>>) dst(%dma_wait3A_272 : memref<256x16xf32, #tpu.memory_space<vmem_shared>>)
    } else {
    }
    %add3A_65 = arith.constant 96 : i32
    %add3A_66 = arith.addi %add3A, %add3A_65 : i32
    %lt3A_67 = arith.constant 250 : i32
    %lt3A_68 = arith.cmpi slt, %add3A_66, %lt3A_67 : i32
    %convert_element_type3A_69 = arith.extui %lt3A_68 : i1 to i32
    %cond3A_70 = arith.constant 0 : i32
    %cond3A_71 = arith.cmpi ne, %convert_element_type3A_69, %cond3A_70 : i32
    scf.if %cond3A_71 {
      %mul3A_189 = arith.constant 400 : i32
      %mul3A_190 = arith.muli %add3A_66, %mul3A_189 : i32
      %dma_start3A = arith.constant 0 : i32
      %dma_start3A_191 = tpu.memref_slice %arg2[%mul3A_190, %dma_start3A] : memref<100000x128xf32, #tpu.memory_space<hbm>> -> memref<400x128xf32, #tpu.memory_space<hbm>>
      %dma_start3A_192 = arith.constant 0 : i32
      %dma_start3A_193 = tpu.memref_slice %arg2[%mul3A_190, %dma_start3A_192] : memref<100000x128xf32, #tpu.memory_space<hbm>> -> memref<400x128xf32, #tpu.memory_space<hbm>>
      tpu.enqueue_dma source(%dma_start3A_193 : memref<400x128xf32, #tpu.memory_space<hbm>>) target(%arg14 : memref<400x128xf32, #tpu.memory_space<vmem>>) target_semaphore(%arg18 : memref<!tpu.dma_semaphore, #tpu.memory_space<semaphore_mem>>)
      %mul3A_194 = arith.constant 400 : i32
      %mul3A_195 = arith.muli %add3A_66, %mul3A_194 : i32
      %dma_start3A_196 = tpu.memref_slice %arg3[%mul3A_195] : memref<100000xi32, #tpu.memory_space<hbm>> -> memref<400xi32, #tpu.memory_space<hbm>>
      %dma_start3A_197 = tpu.memref_slice %arg3[%mul3A_195] : memref<100000xi32, #tpu.memory_space<hbm>> -> memref<400xi32, #tpu.memory_space<hbm>>
      tpu.enqueue_dma source(%dma_start3A_197 : memref<400xi32, #tpu.memory_space<hbm>>) target(%arg9 : memref<400xi32, #tpu.memory_space<vmem>>) target_semaphore(%arg16 : memref<!tpu.dma_semaphore, #tpu.memory_space<semaphore_mem>>)
    } else {
    }
    %add3A_72 = arith.constant 64 : i32
    %add3A_73 = arith.addi %add3A, %add3A_72 : i32
    %lt3A_74 = arith.constant 250 : i32
    %lt3A_75 = arith.cmpi slt, %add3A_73, %lt3A_74 : i32
    %convert_element_type3A_76 = arith.extui %lt3A_75 : i1 to i32
    %cond3A_77 = arith.constant 0 : i32
    %cond3A_78 = arith.cmpi ne, %convert_element_type3A_76, %cond3A_77 : i32
    scf.if %cond3A_78 {
      %mul3A_189 = arith.constant 400 : i32
      %mul3A_190 = arith.muli %add3A_73, %mul3A_189 : i32
      %dma_wait3A = tpu.memref_slice %arg3[%mul3A_190] : memref<100000xi32, #tpu.memory_space<hbm>> -> memref<400xi32, #tpu.memory_space<hbm>>
      %dma_wait3A_191 = tpu.memref_slice %arg3[%mul3A_190] : memref<100000xi32, #tpu.memory_space<hbm>> -> memref<400xi32, #tpu.memory_space<hbm>>
      tpu.wait_dma2 semaphore(%arg15 : memref<!tpu.dma_semaphore, #tpu.memory_space<semaphore_mem>>) src(%dma_wait3A_191 : memref<400xi32, #tpu.memory_space<hbm>>) dst(%arg8 : memref<400xi32, #tpu.memory_space<vmem>>)
      %get3A = arith.constant 0 : index
      %get3A_192 = tpu.vector_load %arg8[%get3A] {strides = array<i32>} : memref<400xi32, #tpu.memory_space<vmem>>, vector<16xi32>,
      %get3A_193 = vector.shape_cast %get3A_192 : vector<16xi32> to vector<16xi32>
      %swap3A = arith.constant 0 : i32
      %swap3A_194 = arith.index_cast %swap3A : i32 to index
      %swap3A_195 = arith.constant 0 : index
      %swap3A_196 = tpu.vector_load %arg10[%swap3A_194, %swap3A_195] {strides = array<i32>} : memref<5x80xi32, #tpu.memory_space<vmem>>, vector<1x16xi32>,
      %swap3A_197 = vector.shape_cast %swap3A_196 : vector<1x16xi32> to vector<16xi32>
      %swap3A_198 = vector.shape_cast %get3A_193 : vector<16xi32> to vector<1x16xi32>
      tpu.vector_store %arg10[%swap3A_194, %swap3A_195], %swap3A_198 {strides = array<i32>} : memref<5x80xi32, #tpu.memory_space<vmem>>, vector<1x16xi32>,
      %get3A_199 = arith.constant 16 : index
      %get3A_200 = tpu.vector_load %arg8[%get3A_199] {strides = array<i32>} : memref<400xi32, #tpu.memory_space<vmem>>, vector<16xi32>,
      %get3A_201 = vector.shape_cast %get3A_200 : vector<16xi32> to vector<16xi32>
      %swap3A_202 = arith.constant 0 : i32
      %swap3A_203 = arith.index_cast %swap3A_202 : i32 to index
      %swap3A_204 = arith.constant 16 : index
      %swap3A_205 = tpu.vector_load %arg10[%swap3A_203, %swap3A_204] {strides = array<i32>} : memref<5x80xi32, #tpu.memory_space<vmem>>, vector<1x16xi32>,
      %swap3A_206 = vector.shape_cast %swap3A_205 : vector<1x16xi32> to vector<16xi32>
      %swap3A_207 = vector.shape_cast %get3A_201 : vector<16xi32> to vector<1x16xi32>
      tpu.vector_store %arg10[%swap3A_203, %swap3A_204], %swap3A_207 {strides = array<i32>} : memref<5x80xi32, #tpu.memory_space<vmem>>, vector<1x16xi32>,
      %get3A_208 = arith.constant 32 : index
      %get3A_209 = tpu.vector_load %arg8[%get3A_208] {strides = array<i32>} : memref<400xi32, #tpu.memory_space<vmem>>, vector<16xi32>,
      %get3A_210 = vector.shape_cast %get3A_209 : vector<16xi32> to vector<16xi32>
      %swap3A_211 = arith.constant 0 : i32
      %swap3A_212 = arith.index_cast %swap3A_211 : i32 to index
      %swap3A_213 = arith.constant 32 : index
      %swap3A_214 = tpu.vector_load %arg10[%swap3A_212, %swap3A_213] {strides = array<i32>} : memref<5x80xi32, #tpu.memory_space<vmem>>, vector<1x16xi32>,
      %swap3A_215 = vector.shape_cast %swap3A_214 : vector<1x16xi32> to vector<16xi32>
      %swap3A_216 = vector.shape_cast %get3A_210 : vector<16xi32> to vector<1x16xi32>
      tpu.vector_store %arg10[%swap3A_212, %swap3A_213], %swap3A_216 {strides = array<i32>} : memref<5x80xi32, #tpu.memory_space<vmem>>, vector<1x16xi32>,
      %get3A_217 = arith.constant 48 : index
      %get3A_218 = tpu.vector_load %arg8[%get3A_217] {strides = array<i32>} : memref<400xi32, #tpu.memory_space<vmem>>, vector<16xi32>,
      %get3A_219 = vector.shape_cast %get3A_218 : vector<16xi32> to vector<16xi32>
      %swap3A_220 = arith.constant 0 : i32
      %swap3A_221 = arith.index_cast %swap3A_220 : i32 to index
      %swap3A_222 = arith.constant 48 : index
      %swap3A_223 = tpu.vector_load %arg10[%swap3A_221, %swap3A_222] {strides = array<i32>} : memref<5x80xi32, #tpu.memory_space<vmem>>, vector<1x16xi32>,
      %swap3A_224 = vector.shape_cast %swap3A_223 : vector<1x16xi32> to vector<16xi32>
      %swap3A_225 = vector.shape_cast %get3A_219 : vector<16xi32> to vector<1x16xi32>
      tpu.vector_store %arg10[%swap3A_221, %swap3A_222], %swap3A_225 {strides = array<i32>} : memref<5x80xi32, #tpu.memory_space<vmem>>, vector<1x16xi32>,
      %get3A_226 = arith.constant 64 : index
      %get3A_227 = tpu.vector_load %arg8[%get3A_226] {strides = array<i32>} : memref<400xi32, #tpu.memory_space<vmem>>, vector<16xi32>,
      %get3A_228 = vector.shape_cast %get3A_227 : vector<16xi32> to vector<16xi32>
      %swap3A_229 = arith.constant 0 : i32
      %swap3A_230 = arith.index_cast %swap3A_229 : i32 to index
      %swap3A_231 = arith.constant 64 : index
      %swap3A_232 = tpu.vector_load %arg10[%swap3A_230, %swap3A_231] {strides = array<i32>} : memref<5x80xi32, #tpu.memory_space<vmem>>, vector<1x16xi32>,
      %swap3A_233 = vector.shape_cast %swap3A_232 : vector<1x16xi32> to vector<16xi32>
      %swap3A_234 = vector.shape_cast %get3A_228 : vector<16xi32> to vector<1x16xi32>
      tpu.vector_store %arg10[%swap3A_230, %swap3A_231], %swap3A_234 {strides = array<i32>} : memref<5x80xi32, #tpu.memory_space<vmem>>, vector<1x16xi32>,
      %get3A_235 = arith.constant 80 : index
      %get3A_236 = tpu.vector_load %arg8[%get3A_235] {strides = array<i32>} : memref<400xi32, #tpu.memory_space<vmem>>, vector<16xi32>,
      %get3A_237 = vector.shape_cast %get3A_236 : vector<16xi32> to vector<16xi32>
      %swap3A_238 = arith.constant 1 : i32
      %swap3A_239 = arith.index_cast %swap3A_238 : i32 to index
      %swap3A_240 = arith.constant 0 : index
      %swap3A_241 = tpu.vector_load %arg10[%swap3A_239, %swap3A_240] {strides = array<i32>} : memref<5x80xi32, #tpu.memory_space<vmem>>, vector<1x16xi32>,
      %swap3A_242 = vector.shape_cast %swap3A_241 : vector<1x16xi32> to vector<16xi32>
      %swap3A_243 = vector.shape_cast %get3A_237 : vector<16xi32> to vector<1x16xi32>
      tpu.vector_store %arg10[%swap3A_239, %swap3A_240], %swap3A_243 {strides = array<i32>} : memref<5x80xi32, #tpu.memory_space<vmem>>, vector<1x16xi32>,
      %get3A_244 = arith.constant 96 : index
      %get3A_245 = tpu.vector_load %arg8[%get3A_244] {strides = array<i32>} : memref<400xi32, #tpu.memory_space<vmem>>, vector<16xi32>,
      %get3A_246 = vector.shape_cast %get3A_245 : vector<16xi32> to vector<16xi32>
      %swap3A_247 = arith.constant 1 : i32
      %swap3A_248 = arith.index_cast %swap3A_247 : i32 to index
      %swap3A_249 = arith.constant 16 : index
      %swap3A_250 = tpu.vector_load %arg10[%swap3A_248, %swap3A_249] {strides = array<i32>} : memref<5x80xi32, #tpu.memory_space<vmem>>, vector<1x16xi32>,
      %swap3A_251 = vector.shape_cast %swap3A_250 : vector<1x16xi32> to vector<16xi32>
      %swap3A_252 = vector.shape_cast %get3A_246 : vector<16xi32> to vector<1x16xi32>
      tpu.vector_store %arg10[%swap3A_248, %swap3A_249], %swap3A_252 {strides = array<i32>} : memref<5x80xi32, #tpu.memory_space<vmem>>, vector<1x16xi32>,
      %get3A_253 = arith.constant 112 : index
      %get3A_254 = tpu.vector_load %arg8[%get3A_253] {strides = array<i32>} : memref<400xi32, #tpu.memory_space<vmem>>, vector<16xi32>,
      %get3A_255 = vector.shape_cast %get3A_254 : vector<16xi32> to vector<16xi32>
      %swap3A_256 = arith.constant 1 : i32
      %swap3A_257 = arith.index_cast %swap3A_256 : i32 to index
      %swap3A_258 = arith.constant 32 : index
      %swap3A_259 = tpu.vector_load %arg10[%swap3A_257, %swap3A_258] {strides = array<i32>} : memref<5x80xi32, #tpu.memory_space<vmem>>, vector<1x16xi32>,
      %swap3A_260 = vector.shape_cast %swap3A_259 : vector<1x16xi32> to vector<16xi32>
      %swap3A_261 = vector.shape_cast %get3A_255 : vector<16xi32> to vector<1x16xi32>
      tpu.vector_store %arg10[%swap3A_257, %swap3A_258], %swap3A_261 {strides = array<i32>} : memref<5x80xi32, #tpu.memory_space<vmem>>, vector<1x16xi32>,
      %get3A_262 = arith.constant 128 : index
      %get3A_263 = tpu.vector_load %arg8[%get3A_262] {strides = array<i32>} : memref<400xi32, #tpu.memory_space<vmem>>, vector<16xi32>,
      %get3A_264 = vector.shape_cast %get3A_263 : vector<16xi32> to vector<16xi32>
      %swap3A_265 = arith.constant 1 : i32
      %swap3A_266 = arith.index_cast %swap3A_265 : i32 to index
      %swap3A_267 = arith.constant 48 : index
      %swap3A_268 = tpu.vector_load %arg10[%swap3A_266, %swap3A_267] {strides = array<i32>} : memref<5x80xi32, #tpu.memory_space<vmem>>, vector<1x16xi32>,
      %swap3A_269 = vector.shape_cast %swap3A_268 : vector<1x16xi32> to vector<16xi32>
      %swap3A_270 = vector.shape_cast %get3A_264 : vector<16xi32> to vector<1x16xi32>
      tpu.vector_store %arg10[%swap3A_266, %swap3A_267], %swap3A_270 {strides = array<i32>} : memref<5x80xi32, #tpu.memory_space<vmem>>, vector<1x16xi32>,
      %get3A_271 = arith.constant 144 : index
      %get3A_272 = tpu.vector_load %arg8[%get3A_271] {strides = array<i32>} : memref<400xi32, #tpu.memory_space<vmem>>, vector<16xi32>,
      %get3A_273 = vector.shape_cast %get3A_272 : vector<16xi32> to vector<16xi32>
      %swap3A_274 = arith.constant 1 : i32
      %swap3A_275 = arith.index_cast %swap3A_274 : i32 to index
      %swap3A_276 = arith.constant 64 : index
      %swap3A_277 = tpu.vector_load %arg10[%swap3A_275, %swap3A_276] {strides = array<i32>} : memref<5x80xi32, #tpu.memory_space<vmem>>, vector<1x16xi32>,
      %swap3A_278 = vector.shape_cast %swap3A_277 : vector<1x16xi32> to vector<16xi32>
      %swap3A_279 = vector.shape_cast %get3A_273 : vector<16xi32> to vector<1x16xi32>
      tpu.vector_store %arg10[%swap3A_275, %swap3A_276], %swap3A_279 {strides = array<i32>} : memref<5x80xi32, #tpu.memory_space<vmem>>, vector<1x16xi32>,
      %get3A_280 = arith.constant 160 : index
      %get3A_281 = tpu.vector_load %arg8[%get3A_280] {strides = array<i32>} : memref<400xi32, #tpu.memory_space<vmem>>, vector<16xi32>,
      %get3A_282 = vector.shape_cast %get3A_281 : vector<16xi32> to vector<16xi32>
      %swap3A_283 = arith.constant 2 : i32
      %swap3A_284 = arith.index_cast %swap3A_283 : i32 to index
      %swap3A_285 = arith.constant 0 : index
      %swap3A_286 = tpu.vector_load %arg10[%swap3A_284, %swap3A_285] {strides = array<i32>} : memref<5x80xi32, #tpu.memory_space<vmem>>, vector<1x16xi32>,
      %swap3A_287 = vector.shape_cast %swap3A_286 : vector<1x16xi32> to vector<16xi32>
      %swap3A_288 = vector.shape_cast %get3A_282 : vector<16xi32> to vector<1x16xi32>
      tpu.vector_store %arg10[%swap3A_284, %swap3A_285], %swap3A_288 {strides = array<i32>} : memref<5x80xi32, #tpu.memory_space<vmem>>, vector<1x16xi32>,
      %get3A_289 = arith.constant 176 : index
      %get3A_290 = tpu.vector_load %arg8[%get3A_289] {strides = array<i32>} : memref<400xi32, #tpu.memory_space<vmem>>, vector<16xi32>,
      %get3A_291 = vector.shape_cast %get3A_290 : vector<16xi32> to vector<16xi32>
      %swap3A_292 = arith.constant 2 : i32
      %swap3A_293 = arith.index_cast %swap3A_292 : i32 to index
      %swap3A_294 = arith.constant 16 : index
      %swap3A_295 = tpu.vector_load %arg10[%swap3A_293, %swap3A_294] {strides = array<i32>} : memref<5x80xi32, #tpu.memory_space<vmem>>, vector<1x16xi32>,
      %swap3A_296 = vector.shape_cast %swap3A_295 : vector<1x16xi32> to vector<16xi32>
      %swap3A_297 = vector.shape_cast %get3A_291 : vector<16xi32> to vector<1x16xi32>
      tpu.vector_store %arg10[%swap3A_293, %swap3A_294], %swap3A_297 {strides = array<i32>} : memref<5x80xi32, #tpu.memory_space<vmem>>, vector<1x16xi32>,
      %get3A_298 = arith.constant 192 : index
      %get3A_299 = tpu.vector_load %arg8[%get3A_298] {strides = array<i32>} : memref<400xi32, #tpu.memory_space<vmem>>, vector<16xi32>,
      %get3A_300 = vector.shape_cast %get3A_299 : vector<16xi32> to vector<16xi32>
      %swap3A_301 = arith.constant 2 : i32
      %swap3A_302 = arith.index_cast %swap3A_301 : i32 to index
      %swap3A_303 = arith.constant 32 : index
      %swap3A_304 = tpu.vector_load %arg10[%swap3A_302, %swap3A_303] {strides = array<i32>} : memref<5x80xi32, #tpu.memory_space<vmem>>, vector<1x16xi32>,
      %swap3A_305 = vector.shape_cast %swap3A_304 : vector<1x16xi32> to vector<16xi32>
      %swap3A_306 = vector.shape_cast %get3A_300 : vector<16xi32> to vector<1x16xi32>
      tpu.vector_store %arg10[%swap3A_302, %swap3A_303], %swap3A_306 {strides = array<i32>} : memref<5x80xi32, #tpu.memory_space<vmem>>, vector<1x16xi32>,
      %get3A_307 = arith.constant 208 : index
      %get3A_308 = tpu.vector_load %arg8[%get3A_307] {strides = array<i32>} : memref<400xi32, #tpu.memory_space<vmem>>, vector<16xi32>,
      %get3A_309 = vector.shape_cast %get3A_308 : vector<16xi32> to vector<16xi32>
      %swap3A_310 = arith.constant 2 : i32
      %swap3A_311 = arith.index_cast %swap3A_310 : i32 to index
      %swap3A_312 = arith.constant 48 : index
      %swap3A_313 = tpu.vector_load %arg10[%swap3A_311, %swap3A_312] {strides = array<i32>} : memref<5x80xi32, #tpu.memory_space<vmem>>, vector<1x16xi32>,
      %swap3A_314 = vector.shape_cast %swap3A_313 : vector<1x16xi32> to vector<16xi32>
      %swap3A_315 = vector.shape_cast %get3A_309 : vector<16xi32> to vector<1x16xi32>
      tpu.vector_store %arg10[%swap3A_311, %swap3A_312], %swap3A_315 {strides = array<i32>} : memref<5x80xi32, #tpu.memory_space<vmem>>, vector<1x16xi32>,
      %get3A_316 = arith.constant 224 : index
      %get3A_317 = tpu.vector_load %arg8[%get3A_316] {strides = array<i32>} : memref<400xi32, #tpu.memory_space<vmem>>, vector<16xi32>,
      %get3A_318 = vector.shape_cast %get3A_317 : vector<16xi32> to vector<16xi32>
      %swap3A_319 = arith.constant 2 : i32
      %swap3A_320 = arith.index_cast %swap3A_319 : i32 to index
      %swap3A_321 = arith.constant 64 : index
      %swap3A_322 = tpu.vector_load %arg10[%swap3A_320, %swap3A_321] {strides = array<i32>} : memref<5x80xi32, #tpu.memory_space<vmem>>, vector<1x16xi32>,
      %swap3A_323 = vector.shape_cast %swap3A_322 : vector<1x16xi32> to vector<16xi32>
      %swap3A_324 = vector.shape_cast %get3A_318 : vector<16xi32> to vector<1x16xi32>
      tpu.vector_store %arg10[%swap3A_320, %swap3A_321], %swap3A_324 {strides = array<i32>} : memref<5x80xi32, #tpu.memory_space<vmem>>, vector<1x16xi32>,
      %get3A_325 = arith.constant 240 : index
      %get3A_326 = tpu.vector_load %arg8[%get3A_325] {strides = array<i32>} : memref<400xi32, #tpu.memory_space<vmem>>, vector<16xi32>,
      %get3A_327 = vector.shape_cast %get3A_326 : vector<16xi32> to vector<16xi32>
      %swap3A_328 = arith.constant 3 : i32
      %swap3A_329 = arith.index_cast %swap3A_328 : i32 to index
      %swap3A_330 = arith.constant 0 : index
      %swap3A_331 = tpu.vector_load %arg10[%swap3A_329, %swap3A_330] {strides = array<i32>} : memref<5x80xi32, #tpu.memory_space<vmem>>, vector<1x16xi32>,
      %swap3A_332 = vector.shape_cast %swap3A_331 : vector<1x16xi32> to vector<16xi32>
      %swap3A_333 = vector.shape_cast %get3A_327 : vector<16xi32> to vector<1x16xi32>
      tpu.vector_store %arg10[%swap3A_329, %swap3A_330], %swap3A_333 {strides = array<i32>} : memref<5x80xi32, #tpu.memory_space<vmem>>, vector<1x16xi32>,
      %get3A_334 = arith.constant 256 : index
      %get3A_335 = tpu.vector_load %arg8[%get3A_334] {strides = array<i32>} : memref<400xi32, #tpu.memory_space<vmem>>, vector<16xi32>,
      %get3A_336 = vector.shape_cast %get3A_335 : vector<16xi32> to vector<16xi32>
      %swap3A_337 = arith.constant 3 : i32
      %swap3A_338 = arith.index_cast %swap3A_337 : i32 to index
      %swap3A_339 = arith.constant 16 : index
      %swap3A_340 = tpu.vector_load %arg10[%swap3A_338, %swap3A_339] {strides = array<i32>} : memref<5x80xi32, #tpu.memory_space<vmem>>, vector<1x16xi32>,
      %swap3A_341 = vector.shape_cast %swap3A_340 : vector<1x16xi32> to vector<16xi32>
      %swap3A_342 = vector.shape_cast %get3A_336 : vector<16xi32> to vector<1x16xi32>
      tpu.vector_store %arg10[%swap3A_338, %swap3A_339], %swap3A_342 {strides = array<i32>} : memref<5x80xi32, #tpu.memory_space<vmem>>, vector<1x16xi32>,
      %get3A_343 = arith.constant 272 : index
      %get3A_344 = tpu.vector_load %arg8[%get3A_343] {strides = array<i32>} : memref<400xi32, #tpu.memory_space<vmem>>, vector<16xi32>,
      %get3A_345 = vector.shape_cast %get3A_344 : vector<16xi32> to vector<16xi32>
      %swap3A_346 = arith.constant 3 : i32
      %swap3A_347 = arith.index_cast %swap3A_346 : i32 to index
      %swap3A_348 = arith.constant 32 : index
      %swap3A_349 = tpu.vector_load %arg10[%swap3A_347, %swap3A_348] {strides = array<i32>} : memref<5x80xi32, #tpu.memory_space<vmem>>, vector<1x16xi32>,
      %swap3A_350 = vector.shape_cast %swap3A_349 : vector<1x16xi32> to vector<16xi32>
      %swap3A_351 = vector.shape_cast %get3A_345 : vector<16xi32> to vector<1x16xi32>
      tpu.vector_store %arg10[%swap3A_347, %swap3A_348], %swap3A_351 {strides = array<i32>} : memref<5x80xi32, #tpu.memory_space<vmem>>, vector<1x16xi32>,
      %get3A_352 = arith.constant 288 : index
      %get3A_353 = tpu.vector_load %arg8[%get3A_352] {strides = array<i32>} : memref<400xi32, #tpu.memory_space<vmem>>, vector<16xi32>,
      %get3A_354 = vector.shape_cast %get3A_353 : vector<16xi32> to vector<16xi32>
      %swap3A_355 = arith.constant 3 : i32
      %swap3A_356 = arith.index_cast %swap3A_355 : i32 to index
      %swap3A_357 = arith.constant 48 : index
      %swap3A_358 = tpu.vector_load %arg10[%swap3A_356, %swap3A_357] {strides = array<i32>} : memref<5x80xi32, #tpu.memory_space<vmem>>, vector<1x16xi32>,
      %swap3A_359 = vector.shape_cast %swap3A_358 : vector<1x16xi32> to vector<16xi32>
      %swap3A_360 = vector.shape_cast %get3A_354 : vector<16xi32> to vector<1x16xi32>
      tpu.vector_store %arg10[%swap3A_356, %swap3A_357], %swap3A_360 {strides = array<i32>} : memref<5x80xi32, #tpu.memory_space<vmem>>, vector<1x16xi32>,
      %get3A_361 = arith.constant 304 : index
      %get3A_362 = tpu.vector_load %arg8[%get3A_361] {strides = array<i32>} : memref<400xi32, #tpu.memory_space<vmem>>, vector<16xi32>,
      %get3A_363 = vector.shape_cast %get3A_362 : vector<16xi32> to vector<16xi32>
      %swap3A_364 = arith.constant 3 : i32
      %swap3A_365 = arith.index_cast %swap3A_364 : i32 to index
      %swap3A_366 = arith.constant 64 : index
      %swap3A_367 = tpu.vector_load %arg10[%swap3A_365, %swap3A_366] {strides = array<i32>} : memref<5x80xi32, #tpu.memory_space<vmem>>, vector<1x16xi32>,
      %swap3A_368 = vector.shape_cast %swap3A_367 : vector<1x16xi32> to vector<16xi32>
      %swap3A_369 = vector.shape_cast %get3A_363 : vector<16xi32> to vector<1x16xi32>
      tpu.vector_store %arg10[%swap3A_365, %swap3A_366], %swap3A_369 {strides = array<i32>} : memref<5x80xi32, #tpu.memory_space<vmem>>, vector<1x16xi32>,
      %get3A_370 = arith.constant 320 : index
      %get3A_371 = tpu.vector_load %arg8[%get3A_370] {strides = array<i32>} : memref<400xi32, #tpu.memory_space<vmem>>, vector<16xi32>,
      %get3A_372 = vector.shape_cast %get3A_371 : vector<16xi32> to vector<16xi32>
      %swap3A_373 = arith.constant 4 : i32
      %swap3A_374 = arith.index_cast %swap3A_373 : i32 to index
      %swap3A_375 = arith.constant 0 : index
      %swap3A_376 = tpu.vector_load %arg10[%swap3A_374, %swap3A_375] {strides = array<i32>} : memref<5x80xi32, #tpu.memory_space<vmem>>, vector<1x16xi32>,
      %swap3A_377 = vector.shape_cast %swap3A_376 : vector<1x16xi32> to vector<16xi32>
      %swap3A_378 = vector.shape_cast %get3A_372 : vector<16xi32> to vector<1x16xi32>
      tpu.vector_store %arg10[%swap3A_374, %swap3A_375], %swap3A_378 {strides = array<i32>} : memref<5x80xi32, #tpu.memory_space<vmem>>, vector<1x16xi32>,
      %get3A_379 = arith.constant 336 : index
      %get3A_380 = tpu.vector_load %arg8[%get3A_379] {strides = array<i32>} : memref<400xi32, #tpu.memory_space<vmem>>, vector<16xi32>,
      %get3A_381 = vector.shape_cast %get3A_380 : vector<16xi32> to vector<16xi32>
      %swap3A_382 = arith.constant 4 : i32
      %swap3A_383 = arith.index_cast %swap3A_382 : i32 to index
      %swap3A_384 = arith.constant 16 : index
      %swap3A_385 = tpu.vector_load %arg10[%swap3A_383, %swap3A_384] {strides = array<i32>} : memref<5x80xi32, #tpu.memory_space<vmem>>, vector<1x16xi32>,
      %swap3A_386 = vector.shape_cast %swap3A_385 : vector<1x16xi32> to vector<16xi32>
      %swap3A_387 = vector.shape_cast %get3A_381 : vector<16xi32> to vector<1x16xi32>
      tpu.vector_store %arg10[%swap3A_383, %swap3A_384], %swap3A_387 {strides = array<i32>} : memref<5x80xi32, #tpu.memory_space<vmem>>, vector<1x16xi32>,
      %get3A_388 = arith.constant 352 : index
      %get3A_389 = tpu.vector_load %arg8[%get3A_388] {strides = array<i32>} : memref<400xi32, #tpu.memory_space<vmem>>, vector<16xi32>,
      %get3A_390 = vector.shape_cast %get3A_389 : vector<16xi32> to vector<16xi32>
      %swap3A_391 = arith.constant 4 : i32
      %swap3A_392 = arith.index_cast %swap3A_391 : i32 to index
      %swap3A_393 = arith.constant 32 : index
      %swap3A_394 = tpu.vector_load %arg10[%swap3A_392, %swap3A_393] {strides = array<i32>} : memref<5x80xi32, #tpu.memory_space<vmem>>, vector<1x16xi32>,
      %swap3A_395 = vector.shape_cast %swap3A_394 : vector<1x16xi32> to vector<16xi32>
      %swap3A_396 = vector.shape_cast %get3A_390 : vector<16xi32> to vector<1x16xi32>
      tpu.vector_store %arg10[%swap3A_392, %swap3A_393], %swap3A_396 {strides = array<i32>} : memref<5x80xi32, #tpu.memory_space<vmem>>, vector<1x16xi32>,
      %get3A_397 = arith.constant 368 : index
      %get3A_398 = tpu.vector_load %arg8[%get3A_397] {strides = array<i32>} : memref<400xi32, #tpu.memory_space<vmem>>, vector<16xi32>,
      %get3A_399 = vector.shape_cast %get3A_398 : vector<16xi32> to vector<16xi32>
      %swap3A_400 = arith.constant 4 : i32
      %swap3A_401 = arith.index_cast %swap3A_400 : i32 to index
      %swap3A_402 = arith.constant 48 : index
      %swap3A_403 = tpu.vector_load %arg10[%swap3A_401, %swap3A_402] {strides = array<i32>} : memref<5x80xi32, #tpu.memory_space<vmem>>, vector<1x16xi32>,
      %swap3A_404 = vector.shape_cast %swap3A_403 : vector<1x16xi32> to vector<16xi32>
      %swap3A_405 = vector.shape_cast %get3A_399 : vector<16xi32> to vector<1x16xi32>
      tpu.vector_store %arg10[%swap3A_401, %swap3A_402], %swap3A_405 {strides = array<i32>} : memref<5x80xi32, #tpu.memory_space<vmem>>, vector<1x16xi32>,
      %get3A_406 = arith.constant 384 : index
      %get3A_407 = tpu.vector_load %arg8[%get3A_406] {strides = array<i32>} : memref<400xi32, #tpu.memory_space<vmem>>, vector<16xi32>,
      %get3A_408 = vector.shape_cast %get3A_407 : vector<16xi32> to vector<16xi32>
      %swap3A_409 = arith.constant 4 : i32
      %swap3A_410 = arith.index_cast %swap3A_409 : i32 to index
      %swap3A_411 = arith.constant 64 : index
      %swap3A_412 = tpu.vector_load %arg10[%swap3A_410, %swap3A_411] {strides = array<i32>} : memref<5x80xi32, #tpu.memory_space<vmem>>, vector<1x16xi32>,
      %swap3A_413 = vector.shape_cast %swap3A_412 : vector<1x16xi32> to vector<16xi32>
      %swap3A_414 = vector.shape_cast %get3A_408 : vector<16xi32> to vector<1x16xi32>
      tpu.vector_store %arg10[%swap3A_410, %swap3A_411], %swap3A_414 {strides = array<i32>} : memref<5x80xi32, #tpu.memory_space<vmem>>, vector<1x16xi32>,
      %mul3A_415 = arith.constant 400 : i32
      %mul3A_416 = arith.muli %add3A_73, %mul3A_415 : i32
      %dma_wait3A_417 = arith.constant 0 : i32
      %dma_wait3A_418 = tpu.memref_slice %arg2[%mul3A_416, %dma_wait3A_417] : memref<100000x128xf32, #tpu.memory_space<hbm>> -> memref<400x128xf32, #tpu.memory_space<hbm>>
      %dma_wait3A_419 = arith.constant 0 : i32
      %dma_wait3A_420 = tpu.memref_slice %arg2[%mul3A_416, %dma_wait3A_419] : memref<100000x128xf32, #tpu.memory_space<hbm>> -> memref<400x128xf32, #tpu.memory_space<hbm>>
      tpu.wait_dma2 semaphore(%arg17 : memref<!tpu.dma_semaphore, #tpu.memory_space<semaphore_mem>>) src(%dma_wait3A_420 : memref<400x128xf32, #tpu.memory_space<hbm>>) dst(%arg13 : memref<400x128xf32, #tpu.memory_space<vmem>>)
      %dma_start3A = arith.constant 0 : i32
      %dma_start3A_421 = arith.constant 0 : i32
      %dma_start3A_422 = arith.constant 0 : i32
      %dma_start3A_423 = tpu.memref_slice %arg13[%dma_start3A_421, %dma_start3A_422] : memref<400x128xf32, #tpu.memory_space<vmem>> -> memref<80x128xf32, #tpu.memory_space<vmem>>
      %dma_start3A_424 = arith.constant 0 : i32
      %dma_start3A_425 = tpu.memref_slice %arg10[%dma_start3A, %dma_start3A_424] : memref<5x80xi32, #tpu.memory_space<vmem>> -> memref<1x80xi32, #tpu.memory_space<vmem>>
      %dma_start3A_426 = tpu.memref_squeeze %dma_start3A_425 : memref<1x80xi32, #tpu.memory_space<vmem>> -> memref<80xi32, #tpu.memory_space<vmem>>
      %dma_start3A_427 = arith.constant 0 : i32
      %dma_start3A_428 = arith.constant 0 : i32
      %dma_start3A_429 = tpu.memref_slice %arg6[%dma_start3A_427, %dma_start3A_428] : memref<256x128xf32, #tpu.memory_space<vmem_shared>> -> memref<256x128xf32, #tpu.memory_space<vmem_shared>>
      tpu.enqueue_indirect_dma source(%dma_start3A_423 : memref<80x128xf32, #tpu.memory_space<vmem>>) target(%dma_start3A_429 : memref<256x128xf32, #tpu.memory_space<vmem_shared>>) offsets(%dma_start3A_426 : memref<80xi32, #tpu.memory_space<vmem>>) semaphore(%arg19 : memref<!tpu.dma_semaphore, #tpu.memory_space<semaphore_mem>>) {add = true}
      %dma_start3A_430 = arith.constant 0 : i32
      %dma_start3A_431 = arith.constant 0 : i32
      %dma_start3A_432 = tpu.memref_slice %arg10[%dma_start3A_430, %dma_start3A_431] : memref<5x80xi32, #tpu.memory_space<vmem>> -> memref<1x80xi32, #tpu.memory_space<vmem>>
      %dma_start3A_433 = tpu.memref_squeeze %dma_start3A_432 : memref<1x80xi32, #tpu.memory_space<vmem>> -> memref<80xi32, #tpu.memory_space<vmem>>
      %dma_start3A_434 = arith.constant 0 : i32
      %dma_start3A_435 = arith.constant 0 : i32
      %dma_start3A_436 = tpu.memref_slice %arg7[%dma_start3A_434, %dma_start3A_435] : memref<256x16xf32, #tpu.memory_space<vmem_shared>> -> memref<256x16xf32, #tpu.memory_space<vmem_shared>>
      tpu.enqueue_indirect_dma source(%arg12 : memref<80x16xf32, #tpu.memory_space<vmem>>) target(%dma_start3A_436 : memref<256x16xf32, #tpu.memory_space<vmem_shared>>) offsets(%dma_start3A_433 : memref<80xi32, #tpu.memory_space<vmem>>) semaphore(%arg19 : memref<!tpu.dma_semaphore, #tpu.memory_space<semaphore_mem>>) {add = true}
      %dma_start3A_437 = arith.constant 1 : i32
      %dma_start3A_438 = arith.constant 80 : i32
      %dma_start3A_439 = arith.constant 0 : i32
      %dma_start3A_440 = tpu.memref_slice %arg13[%dma_start3A_438, %dma_start3A_439] : memref<400x128xf32, #tpu.memory_space<vmem>> -> memref<80x128xf32, #tpu.memory_space<vmem>>
      %dma_start3A_441 = arith.constant 0 : i32
      %dma_start3A_442 = tpu.memref_slice %arg10[%dma_start3A_437, %dma_start3A_441] : memref<5x80xi32, #tpu.memory_space<vmem>> -> memref<1x80xi32, #tpu.memory_space<vmem>>
      %dma_start3A_443 = tpu.memref_squeeze %dma_start3A_442 : memref<1x80xi32, #tpu.memory_space<vmem>> -> memref<80xi32, #tpu.memory_space<vmem>>
      %dma_start3A_444 = arith.constant 0 : i32
      %dma_start3A_445 = arith.constant 0 : i32
      %dma_start3A_446 = tpu.memref_slice %arg6[%dma_start3A_444, %dma_start3A_445] : memref<256x128xf32, #tpu.memory_space<vmem_shared>> -> memref<256x128xf32, #tpu.memory_space<vmem_shared>>
      tpu.enqueue_indirect_dma source(%dma_start3A_440 : memref<80x128xf32, #tpu.memory_space<vmem>>) target(%dma_start3A_446 : memref<256x128xf32, #tpu.memory_space<vmem_shared>>) offsets(%dma_start3A_443 : memref<80xi32, #tpu.memory_space<vmem>>) semaphore(%arg19 : memref<!tpu.dma_semaphore, #tpu.memory_space<semaphore_mem>>) {add = true}
      %dma_start3A_447 = arith.constant 1 : i32
      %dma_start3A_448 = arith.constant 0 : i32
      %dma_start3A_449 = tpu.memref_slice %arg10[%dma_start3A_447, %dma_start3A_448] : memref<5x80xi32, #tpu.memory_space<vmem>> -> memref<1x80xi32, #tpu.memory_space<vmem>>
      %dma_start3A_450 = tpu.memref_squeeze %dma_start3A_449 : memref<1x80xi32, #tpu.memory_space<vmem>> -> memref<80xi32, #tpu.memory_space<vmem>>
      %dma_start3A_451 = arith.constant 0 : i32
      %dma_start3A_452 = arith.constant 0 : i32
      %dma_start3A_453 = tpu.memref_slice %arg7[%dma_start3A_451, %dma_start3A_452] : memref<256x16xf32, #tpu.memory_space<vmem_shared>> -> memref<256x16xf32, #tpu.memory_space<vmem_shared>>
      tpu.enqueue_indirect_dma source(%arg12 : memref<80x16xf32, #tpu.memory_space<vmem>>) target(%dma_start3A_453 : memref<256x16xf32, #tpu.memory_space<vmem_shared>>) offsets(%dma_start3A_450 : memref<80xi32, #tpu.memory_space<vmem>>) semaphore(%arg19 : memref<!tpu.dma_semaphore, #tpu.memory_space<semaphore_mem>>) {add = true}
      %dma_start3A_454 = arith.constant 2 : i32
      %dma_start3A_455 = arith.constant 160 : i32
      %dma_start3A_456 = arith.constant 0 : i32
      %dma_start3A_457 = tpu.memref_slice %arg13[%dma_start3A_455, %dma_start3A_456] : memref<400x128xf32, #tpu.memory_space<vmem>> -> memref<80x128xf32, #tpu.memory_space<vmem>>
      %dma_start3A_458 = arith.constant 0 : i32
      %dma_start3A_459 = tpu.memref_slice %arg10[%dma_start3A_454, %dma_start3A_458] : memref<5x80xi32, #tpu.memory_space<vmem>> -> memref<1x80xi32, #tpu.memory_space<vmem>>
      %dma_start3A_460 = tpu.memref_squeeze %dma_start3A_459 : memref<1x80xi32, #tpu.memory_space<vmem>> -> memref<80xi32, #tpu.memory_space<vmem>>
      %dma_start3A_461 = arith.constant 0 : i32
      %dma_start3A_462 = arith.constant 0 : i32
      %dma_start3A_463 = tpu.memref_slice %arg6[%dma_start3A_461, %dma_start3A_462] : memref<256x128xf32, #tpu.memory_space<vmem_shared>> -> memref<256x128xf32, #tpu.memory_space<vmem_shared>>
      tpu.enqueue_indirect_dma source(%dma_start3A_457 : memref<80x128xf32, #tpu.memory_space<vmem>>) target(%dma_start3A_463 : memref<256x128xf32, #tpu.memory_space<vmem_shared>>) offsets(%dma_start3A_460 : memref<80xi32, #tpu.memory_space<vmem>>) semaphore(%arg19 : memref<!tpu.dma_semaphore, #tpu.memory_space<semaphore_mem>>) {add = true}
      %dma_start3A_464 = arith.constant 2 : i32
      %dma_start3A_465 = arith.constant 0 : i32
      %dma_start3A_466 = tpu.memref_slice %arg10[%dma_start3A_464, %dma_start3A_465] : memref<5x80xi32, #tpu.memory_space<vmem>> -> memref<1x80xi32, #tpu.memory_space<vmem>>
      %dma_start3A_467 = tpu.memref_squeeze %dma_start3A_466 : memref<1x80xi32, #tpu.memory_space<vmem>> -> memref<80xi32, #tpu.memory_space<vmem>>
      %dma_start3A_468 = arith.constant 0 : i32
      %dma_start3A_469 = arith.constant 0 : i32
      %dma_start3A_470 = tpu.memref_slice %arg7[%dma_start3A_468, %dma_start3A_469] : memref<256x16xf32, #tpu.memory_space<vmem_shared>> -> memref<256x16xf32, #tpu.memory_space<vmem_shared>>
      tpu.enqueue_indirect_dma source(%arg12 : memref<80x16xf32, #tpu.memory_space<vmem>>) target(%dma_start3A_470 : memref<256x16xf32, #tpu.memory_space<vmem_shared>>) offsets(%dma_start3A_467 : memref<80xi32, #tpu.memory_space<vmem>>) semaphore(%arg19 : memref<!tpu.dma_semaphore, #tpu.memory_space<semaphore_mem>>) {add = true}
      %dma_start3A_471 = arith.constant 3 : i32
      %dma_start3A_472 = arith.constant 240 : i32
      %dma_start3A_473 = arith.constant 0 : i32
      %dma_start3A_474 = tpu.memref_slice %arg13[%dma_start3A_472, %dma_start3A_473] : memref<400x128xf32, #tpu.memory_space<vmem>> -> memref<80x128xf32, #tpu.memory_space<vmem>>
      %dma_start3A_475 = arith.constant 0 : i32
      %dma_start3A_476 = tpu.memref_slice %arg10[%dma_start3A_471, %dma_start3A_475] : memref<5x80xi32, #tpu.memory_space<vmem>> -> memref<1x80xi32, #tpu.memory_space<vmem>>
      %dma_start3A_477 = tpu.memref_squeeze %dma_start3A_476 : memref<1x80xi32, #tpu.memory_space<vmem>> -> memref<80xi32, #tpu.memory_space<vmem>>
      %dma_start3A_478 = arith.constant 0 : i32
      %dma_start3A_479 = arith.constant 0 : i32
      %dma_start3A_480 = tpu.memref_slice %arg6[%dma_start3A_478, %dma_start3A_479] : memref<256x128xf32, #tpu.memory_space<vmem_shared>> -> memref<256x128xf32, #tpu.memory_space<vmem_shared>>
      tpu.enqueue_indirect_dma source(%dma_start3A_474 : memref<80x128xf32, #tpu.memory_space<vmem>>) target(%dma_start3A_480 : memref<256x128xf32, #tpu.memory_space<vmem_shared>>) offsets(%dma_start3A_477 : memref<80xi32, #tpu.memory_space<vmem>>) semaphore(%arg19 : memref<!tpu.dma_semaphore, #tpu.memory_space<semaphore_mem>>) {add = true}
      %dma_start3A_481 = arith.constant 3 : i32
      %dma_start3A_482 = arith.constant 0 : i32
      %dma_start3A_483 = tpu.memref_slice %arg10[%dma_start3A_481, %dma_start3A_482] : memref<5x80xi32, #tpu.memory_space<vmem>> -> memref<1x80xi32, #tpu.memory_space<vmem>>
      %dma_start3A_484 = tpu.memref_squeeze %dma_start3A_483 : memref<1x80xi32, #tpu.memory_space<vmem>> -> memref<80xi32, #tpu.memory_space<vmem>>
      %dma_start3A_485 = arith.constant 0 : i32
      %dma_start3A_486 = arith.constant 0 : i32
      %dma_start3A_487 = tpu.memref_slice %arg7[%dma_start3A_485, %dma_start3A_486] : memref<256x16xf32, #tpu.memory_space<vmem_shared>> -> memref<256x16xf32, #tpu.memory_space<vmem_shared>>
      tpu.enqueue_indirect_dma source(%arg12 : memref<80x16xf32, #tpu.memory_space<vmem>>) target(%dma_start3A_487 : memref<256x16xf32, #tpu.memory_space<vmem_shared>>) offsets(%dma_start3A_484 : memref<80xi32, #tpu.memory_space<vmem>>) semaphore(%arg19 : memref<!tpu.dma_semaphore, #tpu.memory_space<semaphore_mem>>) {add = true}
      %dma_start3A_488 = arith.constant 4 : i32
      %dma_start3A_489 = arith.constant 320 : i32
      %dma_start3A_490 = arith.constant 0 : i32
      %dma_start3A_491 = tpu.memref_slice %arg13[%dma_start3A_489, %dma_start3A_490] : memref<400x128xf32, #tpu.memory_space<vmem>> -> memref<80x128xf32, #tpu.memory_space<vmem>>
      %dma_start3A_492 = arith.constant 0 : i32
      %dma_start3A_493 = tpu.memref_slice %arg10[%dma_start3A_488, %dma_start3A_492] : memref<5x80xi32, #tpu.memory_space<vmem>> -> memref<1x80xi32, #tpu.memory_space<vmem>>
      %dma_start3A_494 = tpu.memref_squeeze %dma_start3A_493 : memref<1x80xi32, #tpu.memory_space<vmem>> -> memref<80xi32, #tpu.memory_space<vmem>>
      %dma_start3A_495 = arith.constant 0 : i32
      %dma_start3A_496 = arith.constant 0 : i32
      %dma_start3A_497 = tpu.memref_slice %arg6[%dma_start3A_495, %dma_start3A_496] : memref<256x128xf32, #tpu.memory_space<vmem_shared>> -> memref<256x128xf32, #tpu.memory_space<vmem_shared>>
      tpu.enqueue_indirect_dma source(%dma_start3A_491 : memref<80x128xf32, #tpu.memory_space<vmem>>) target(%dma_start3A_497 : memref<256x128xf32, #tpu.memory_space<vmem_shared>>) offsets(%dma_start3A_494 : memref<80xi32, #tpu.memory_space<vmem>>) semaphore(%arg19 : memref<!tpu.dma_semaphore, #tpu.memory_space<semaphore_mem>>) {add = true}
      %dma_start3A_498 = arith.constant 4 : i32
      %dma_start3A_499 = arith.constant 0 : i32
      %dma_start3A_500 = tpu.memref_slice %arg10[%dma_start3A_498, %dma_start3A_499] : memref<5x80xi32, #tpu.memory_space<vmem>> -> memref<1x80xi32, #tpu.memory_space<vmem>>
      %dma_start3A_501 = tpu.memref_squeeze %dma_start3A_500 : memref<1x80xi32, #tpu.memory_space<vmem>> -> memref<80xi32, #tpu.memory_space<vmem>>
      %dma_start3A_502 = arith.constant 0 : i32
      %dma_start3A_503 = arith.constant 0 : i32
      %dma_start3A_504 = tpu.memref_slice %arg7[%dma_start3A_502, %dma_start3A_503] : memref<256x16xf32, #tpu.memory_space<vmem_shared>> -> memref<256x16xf32, #tpu.memory_space<vmem_shared>>
      tpu.enqueue_indirect_dma source(%arg12 : memref<80x16xf32, #tpu.memory_space<vmem>>) target(%dma_start3A_504 : memref<256x16xf32, #tpu.memory_space<vmem_shared>>) offsets(%dma_start3A_501 : memref<80xi32, #tpu.memory_space<vmem>>) semaphore(%arg19 : memref<!tpu.dma_semaphore, #tpu.memory_space<semaphore_mem>>) {add = true}
    } else {
    }
    %add3A_79 = arith.constant 64 : i32
    %add3A_80 = arith.addi %add3A, %add3A_79 : i32
    %lt3A_81 = arith.constant 250 : i32
    %lt3A_82 = arith.cmpi slt, %add3A_80, %lt3A_81 : i32
    %convert_element_type3A_83 = arith.extui %lt3A_82 : i1 to i32
    %cond3A_84 = arith.constant 0 : i32
    %cond3A_85 = arith.cmpi ne, %convert_element_type3A_83, %cond3A_84 : i32
    scf.if %cond3A_85 {
      %dma_wait3A = arith.constant 0 : i32
      %dma_wait3A_189 = arith.constant 0 : i32
      %dma_wait3A_190 = arith.constant 0 : i32
      %dma_wait3A_191 = tpu.memref_slice %arg13[%dma_wait3A_189, %dma_wait3A_190] : memref<400x128xf32, #tpu.memory_space<vmem>> -> memref<80x128xf32, #tpu.memory_space<vmem>>
      %dma_wait3A_192 = arith.constant 0 : i32
      %dma_wait3A_193 = tpu.memref_slice %arg10[%dma_wait3A, %dma_wait3A_192] : memref<5x80xi32, #tpu.memory_space<vmem>> -> memref<1x80xi32, #tpu.memory_space<vmem>>
      %dma_wait3A_194 = tpu.memref_squeeze %dma_wait3A_193 : memref<1x80xi32, #tpu.memory_space<vmem>> -> memref<80xi32, #tpu.memory_space<vmem>>
      %dma_wait3A_195 = arith.constant 0 : i32
      %dma_wait3A_196 = arith.constant 0 : i32
      %dma_wait3A_197 = tpu.memref_slice %arg6[%dma_wait3A_195, %dma_wait3A_196] : memref<256x128xf32, #tpu.memory_space<vmem_shared>> -> memref<256x128xf32, #tpu.memory_space<vmem_shared>>
      tpu.wait_indirect_dma semaphore(%arg19 : memref<!tpu.dma_semaphore, #tpu.memory_space<semaphore_mem>>) src(%dma_wait3A_191 : memref<80x128xf32, #tpu.memory_space<vmem>>) dst(%dma_wait3A_197 : memref<256x128xf32, #tpu.memory_space<vmem_shared>>)
      %dma_wait3A_198 = arith.constant 0 : i32
      %dma_wait3A_199 = arith.constant 0 : i32
      %dma_wait3A_200 = tpu.memref_slice %arg10[%dma_wait3A_198, %dma_wait3A_199] : memref<5x80xi32, #tpu.memory_space<vmem>> -> memref<1x80xi32, #tpu.memory_space<vmem>>
      %dma_wait3A_201 = tpu.memref_squeeze %dma_wait3A_200 : memref<1x80xi32, #tpu.memory_space<vmem>> -> memref<80xi32, #tpu.memory_space<vmem>>
      %dma_wait3A_202 = arith.constant 0 : i32
      %dma_wait3A_203 = arith.constant 0 : i32
      %dma_wait3A_204 = tpu.memref_slice %arg7[%dma_wait3A_202, %dma_wait3A_203] : memref<256x16xf32, #tpu.memory_space<vmem_shared>> -> memref<256x16xf32, #tpu.memory_space<vmem_shared>>
      tpu.wait_indirect_dma semaphore(%arg19 : memref<!tpu.dma_semaphore, #tpu.memory_space<semaphore_mem>>) src(%arg12 : memref<80x16xf32, #tpu.memory_space<vmem>>) dst(%dma_wait3A_204 : memref<256x16xf32, #tpu.memory_space<vmem_shared>>)
      %dma_wait3A_205 = arith.constant 1 : i32
      %dma_wait3A_206 = arith.constant 80 : i32
      %dma_wait3A_207 = arith.constant 0 : i32
      %dma_wait3A_208 = tpu.memref_slice %arg13[%dma_wait3A_206, %dma_wait3A_207] : memref<400x128xf32, #tpu.memory_space<vmem>> -> memref<80x128xf32, #tpu.memory_space<vmem>>
      %dma_wait3A_209 = arith.constant 0 : i32
      %dma_wait3A_210 = tpu.memref_slice %arg10[%dma_wait3A_205, %dma_wait3A_209] : memref<5x80xi32, #tpu.memory_space<vmem>> -> memref<1x80xi32, #tpu.memory_space<vmem>>
      %dma_wait3A_211 = tpu.memref_squeeze %dma_wait3A_210 : memref<1x80xi32, #tpu.memory_space<vmem>> -> memref<80xi32, #tpu.memory_space<vmem>>
      %dma_wait3A_212 = arith.constant 0 : i32
      %dma_wait3A_213 = arith.constant 0 : i32
      %dma_wait3A_214 = tpu.memref_slice %arg6[%dma_wait3A_212, %dma_wait3A_213] : memref<256x128xf32, #tpu.memory_space<vmem_shared>> -> memref<256x128xf32, #tpu.memory_space<vmem_shared>>
      tpu.wait_indirect_dma semaphore(%arg19 : memref<!tpu.dma_semaphore, #tpu.memory_space<semaphore_mem>>) src(%dma_wait3A_208 : memref<80x128xf32, #tpu.memory_space<vmem>>) dst(%dma_wait3A_214 : memref<256x128xf32, #tpu.memory_space<vmem_shared>>)
      %dma_wait3A_215 = arith.constant 1 : i32
      %dma_wait3A_216 = arith.constant 0 : i32
      %dma_wait3A_217 = tpu.memref_slice %arg10[%dma_wait3A_215, %dma_wait3A_216] : memref<5x80xi32, #tpu.memory_space<vmem>> -> memref<1x80xi32, #tpu.memory_space<vmem>>
      %dma_wait3A_218 = tpu.memref_squeeze %dma_wait3A_217 : memref<1x80xi32, #tpu.memory_space<vmem>> -> memref<80xi32, #tpu.memory_space<vmem>>
      %dma_wait3A_219 = arith.constant 0 : i32
      %dma_wait3A_220 = arith.constant 0 : i32
      %dma_wait3A_221 = tpu.memref_slice %arg7[%dma_wait3A_219, %dma_wait3A_220] : memref<256x16xf32, #tpu.memory_space<vmem_shared>> -> memref<256x16xf32, #tpu.memory_space<vmem_shared>>
      tpu.wait_indirect_dma semaphore(%arg19 : memref<!tpu.dma_semaphore, #tpu.memory_space<semaphore_mem>>) src(%arg12 : memref<80x16xf32, #tpu.memory_space<vmem>>) dst(%dma_wait3A_221 : memref<256x16xf32, #tpu.memory_space<vmem_shared>>)
      %dma_wait3A_222 = arith.constant 2 : i32
      %dma_wait3A_223 = arith.constant 160 : i32
      %dma_wait3A_224 = arith.constant 0 : i32
      %dma_wait3A_225 = tpu.memref_slice %arg13[%dma_wait3A_223, %dma_wait3A_224] : memref<400x128xf32, #tpu.memory_space<vmem>> -> memref<80x128xf32, #tpu.memory_space<vmem>>
      %dma_wait3A_226 = arith.constant 0 : i32
      %dma_wait3A_227 = tpu.memref_slice %arg10[%dma_wait3A_222, %dma_wait3A_226] : memref<5x80xi32, #tpu.memory_space<vmem>> -> memref<1x80xi32, #tpu.memory_space<vmem>>
      %dma_wait3A_228 = tpu.memref_squeeze %dma_wait3A_227 : memref<1x80xi32, #tpu.memory_space<vmem>> -> memref<80xi32, #tpu.memory_space<vmem>>
      %dma_wait3A_229 = arith.constant 0 : i32
      %dma_wait3A_230 = arith.constant 0 : i32
      %dma_wait3A_231 = tpu.memref_slice %arg6[%dma_wait3A_229, %dma_wait3A_230] : memref<256x128xf32, #tpu.memory_space<vmem_shared>> -> memref<256x128xf32, #tpu.memory_space<vmem_shared>>
      tpu.wait_indirect_dma semaphore(%arg19 : memref<!tpu.dma_semaphore, #tpu.memory_space<semaphore_mem>>) src(%dma_wait3A_225 : memref<80x128xf32, #tpu.memory_space<vmem>>) dst(%dma_wait3A_231 : memref<256x128xf32, #tpu.memory_space<vmem_shared>>)
      %dma_wait3A_232 = arith.constant 2 : i32
      %dma_wait3A_233 = arith.constant 0 : i32
      %dma_wait3A_234 = tpu.memref_slice %arg10[%dma_wait3A_232, %dma_wait3A_233] : memref<5x80xi32, #tpu.memory_space<vmem>> -> memref<1x80xi32, #tpu.memory_space<vmem>>
      %dma_wait3A_235 = tpu.memref_squeeze %dma_wait3A_234 : memref<1x80xi32, #tpu.memory_space<vmem>> -> memref<80xi32, #tpu.memory_space<vmem>>
      %dma_wait3A_236 = arith.constant 0 : i32
      %dma_wait3A_237 = arith.constant 0 : i32
      %dma_wait3A_238 = tpu.memref_slice %arg7[%dma_wait3A_236, %dma_wait3A_237] : memref<256x16xf32, #tpu.memory_space<vmem_shared>> -> memref<256x16xf32, #tpu.memory_space<vmem_shared>>
      tpu.wait_indirect_dma semaphore(%arg19 : memref<!tpu.dma_semaphore, #tpu.memory_space<semaphore_mem>>) src(%arg12 : memref<80x16xf32, #tpu.memory_space<vmem>>) dst(%dma_wait3A_238 : memref<256x16xf32, #tpu.memory_space<vmem_shared>>)
      %dma_wait3A_239 = arith.constant 3 : i32
      %dma_wait3A_240 = arith.constant 240 : i32
      %dma_wait3A_241 = arith.constant 0 : i32
      %dma_wait3A_242 = tpu.memref_slice %arg13[%dma_wait3A_240, %dma_wait3A_241] : memref<400x128xf32, #tpu.memory_space<vmem>> -> memref<80x128xf32, #tpu.memory_space<vmem>>
      %dma_wait3A_243 = arith.constant 0 : i32
      %dma_wait3A_244 = tpu.memref_slice %arg10[%dma_wait3A_239, %dma_wait3A_243] : memref<5x80xi32, #tpu.memory_space<vmem>> -> memref<1x80xi32, #tpu.memory_space<vmem>>
      %dma_wait3A_245 = tpu.memref_squeeze %dma_wait3A_244 : memref<1x80xi32, #tpu.memory_space<vmem>> -> memref<80xi32, #tpu.memory_space<vmem>>
      %dma_wait3A_246 = arith.constant 0 : i32
      %dma_wait3A_247 = arith.constant 0 : i32
      %dma_wait3A_248 = tpu.memref_slice %arg6[%dma_wait3A_246, %dma_wait3A_247] : memref<256x128xf32, #tpu.memory_space<vmem_shared>> -> memref<256x128xf32, #tpu.memory_space<vmem_shared>>
      tpu.wait_indirect_dma semaphore(%arg19 : memref<!tpu.dma_semaphore, #tpu.memory_space<semaphore_mem>>) src(%dma_wait3A_242 : memref<80x128xf32, #tpu.memory_space<vmem>>) dst(%dma_wait3A_248 : memref<256x128xf32, #tpu.memory_space<vmem_shared>>)
      %dma_wait3A_249 = arith.constant 3 : i32
      %dma_wait3A_250 = arith.constant 0 : i32
      %dma_wait3A_251 = tpu.memref_slice %arg10[%dma_wait3A_249, %dma_wait3A_250] : memref<5x80xi32, #tpu.memory_space<vmem>> -> memref<1x80xi32, #tpu.memory_space<vmem>>
      %dma_wait3A_252 = tpu.memref_squeeze %dma_wait3A_251 : memref<1x80xi32, #tpu.memory_space<vmem>> -> memref<80xi32, #tpu.memory_space<vmem>>
      %dma_wait3A_253 = arith.constant 0 : i32
      %dma_wait3A_254 = arith.constant 0 : i32
      %dma_wait3A_255 = tpu.memref_slice %arg7[%dma_wait3A_253, %dma_wait3A_254] : memref<256x16xf32, #tpu.memory_space<vmem_shared>> -> memref<256x16xf32, #tpu.memory_space<vmem_shared>>
      tpu.wait_indirect_dma semaphore(%arg19 : memref<!tpu.dma_semaphore, #tpu.memory_space<semaphore_mem>>) src(%arg12 : memref<80x16xf32, #tpu.memory_space<vmem>>) dst(%dma_wait3A_255 : memref<256x16xf32, #tpu.memory_space<vmem_shared>>)
      %dma_wait3A_256 = arith.constant 4 : i32
      %dma_wait3A_257 = arith.constant 320 : i32
      %dma_wait3A_258 = arith.constant 0 : i32
      %dma_wait3A_259 = tpu.memref_slice %arg13[%dma_wait3A_257, %dma_wait3A_258] : memref<400x128xf32, #tpu.memory_space<vmem>> -> memref<80x128xf32, #tpu.memory_space<vmem>>
      %dma_wait3A_260 = arith.constant 0 : i32
      %dma_wait3A_261 = tpu.memref_slice %arg10[%dma_wait3A_256, %dma_wait3A_260] : memref<5x80xi32, #tpu.memory_space<vmem>> -> memref<1x80xi32, #tpu.memory_space<vmem>>
      %dma_wait3A_262 = tpu.memref_squeeze %dma_wait3A_261 : memref<1x80xi32, #tpu.memory_space<vmem>> -> memref<80xi32, #tpu.memory_space<vmem>>
      %dma_wait3A_263 = arith.constant 0 : i32
      %dma_wait3A_264 = arith.constant 0 : i32
      %dma_wait3A_265 = tpu.memref_slice %arg6[%dma_wait3A_263, %dma_wait3A_264] : memref<256x128xf32, #tpu.memory_space<vmem_shared>> -> memref<256x128xf32, #tpu.memory_space<vmem_shared>>
      tpu.wait_indirect_dma semaphore(%arg19 : memref<!tpu.dma_semaphore, #tpu.memory_space<semaphore_mem>>) src(%dma_wait3A_259 : memref<80x128xf32, #tpu.memory_space<vmem>>) dst(%dma_wait3A_265 : memref<256x128xf32, #tpu.memory_space<vmem_shared>>)
      %dma_wait3A_266 = arith.constant 4 : i32
      %dma_wait3A_267 = arith.constant 0 : i32
      %dma_wait3A_268 = tpu.memref_slice %arg10[%dma_wait3A_266, %dma_wait3A_267] : memref<5x80xi32, #tpu.memory_space<vmem>> -> memref<1x80xi32, #tpu.memory_space<vmem>>
      %dma_wait3A_269 = tpu.memref_squeeze %dma_wait3A_268 : memref<1x80xi32, #tpu.memory_space<vmem>> -> memref<80xi32, #tpu.memory_space<vmem>>
      %dma_wait3A_270 = arith.constant 0 : i32
      %dma_wait3A_271 = arith.constant 0 : i32
      %dma_wait3A_272 = tpu.memref_slice %arg7[%dma_wait3A_270, %dma_wait3A_271] : memref<256x16xf32, #tpu.memory_space<vmem_shared>> -> memref<256x16xf32, #tpu.memory_space<vmem_shared>>
      tpu.wait_indirect_dma semaphore(%arg19 : memref<!tpu.dma_semaphore, #tpu.memory_space<semaphore_mem>>) src(%arg12 : memref<80x16xf32, #tpu.memory_space<vmem>>) dst(%dma_wait3A_272 : memref<256x16xf32, #tpu.memory_space<vmem_shared>>)
    } else {
    }
    %add3A_86 = arith.constant 128 : i32
    %add3A_87 = arith.addi %add3A, %add3A_86 : i32
    %lt3A_88 = arith.constant 250 : i32
    %lt3A_89 = arith.cmpi slt, %add3A_87, %lt3A_88 : i32
    %convert_element_type3A_90 = arith.extui %lt3A_89 : i1 to i32
    %cond3A_91 = arith.constant 0 : i32
    %cond3A_92 = arith.cmpi ne, %convert_element_type3A_90, %cond3A_91 : i32
    scf.if %cond3A_92 {
      %mul3A_189 = arith.constant 400 : i32
      %mul3A_190 = arith.muli %add3A_87, %mul3A_189 : i32
      %dma_start3A = arith.constant 0 : i32
      %dma_start3A_191 = tpu.memref_slice %arg2[%mul3A_190, %dma_start3A] : memref<100000x128xf32, #tpu.memory_space<hbm>> -> memref<400x128xf32, #tpu.memory_space<hbm>>
      %dma_start3A_192 = arith.constant 0 : i32
      %dma_start3A_193 = tpu.memref_slice %arg2[%mul3A_190, %dma_start3A_192] : memref<100000x128xf32, #tpu.memory_space<hbm>> -> memref<400x128xf32, #tpu.memory_space<hbm>>
      tpu.enqueue_dma source(%dma_start3A_193 : memref<400x128xf32, #tpu.memory_space<hbm>>) target(%arg13 : memref<400x128xf32, #tpu.memory_space<vmem>>) target_semaphore(%arg17 : memref<!tpu.dma_semaphore, #tpu.memory_space<semaphore_mem>>)
      %mul3A_194 = arith.constant 400 : i32
      %mul3A_195 = arith.muli %add3A_87, %mul3A_194 : i32
      %dma_start3A_196 = tpu.memref_slice %arg3[%mul3A_195] : memref<100000xi32, #tpu.memory_space<hbm>> -> memref<400xi32, #tpu.memory_space<hbm>>
      %dma_start3A_197 = tpu.memref_slice %arg3[%mul3A_195] : memref<100000xi32, #tpu.memory_space<hbm>> -> memref<400xi32, #tpu.memory_space<hbm>>
      tpu.enqueue_dma source(%dma_start3A_197 : memref<400xi32, #tpu.memory_space<hbm>>) target(%arg8 : memref<400xi32, #tpu.memory_space<vmem>>) target_semaphore(%arg15 : memref<!tpu.dma_semaphore, #tpu.memory_space<semaphore_mem>>)
    } else {
    }
    %add3A_93 = arith.constant 96 : i32
    %add3A_94 = arith.addi %add3A, %add3A_93 : i32
    %lt3A_95 = arith.constant 250 : i32
    %lt3A_96 = arith.cmpi slt, %add3A_94, %lt3A_95 : i32
    %convert_element_type3A_97 = arith.extui %lt3A_96 : i1 to i32
    %cond3A_98 = arith.constant 0 : i32
    %cond3A_99 = arith.cmpi ne, %convert_element_type3A_97, %cond3A_98 : i32
    scf.if %cond3A_99 {
      %mul3A_189 = arith.constant 400 : i32
      %mul3A_190 = arith.muli %add3A_94, %mul3A_189 : i32
      %dma_wait3A = tpu.memref_slice %arg3[%mul3A_190] : memref<100000xi32, #tpu.memory_space<hbm>> -> memref<400xi32, #tpu.memory_space<hbm>>
      %dma_wait3A_191 = tpu.memref_slice %arg3[%mul3A_190] : memref<100000xi32, #tpu.memory_space<hbm>> -> memref<400xi32, #tpu.memory_space<hbm>>
      tpu.wait_dma2 semaphore(%arg16 : memref<!tpu.dma_semaphore, #tpu.memory_space<semaphore_mem>>) src(%dma_wait3A_191 : memref<400xi32, #tpu.memory_space<hbm>>) dst(%arg9 : memref<400xi32, #tpu.memory_space<vmem>>)
      %get3A = arith.constant 0 : index
      %get3A_192 = tpu.vector_load %arg9[%get3A] {strides = array<i32>} : memref<400xi32, #tpu.memory_space<vmem>>, vector<16xi32>,
      %get3A_193 = vector.shape_cast %get3A_192 : vector<16xi32> to vector<16xi32>
      %swap3A = arith.constant 0 : i32
      %swap3A_194 = arith.index_cast %swap3A : i32 to index
      %swap3A_195 = arith.constant 0 : index
      %swap3A_196 = tpu.vector_load %arg11[%swap3A_194, %swap3A_195] {strides = array<i32>} : memref<5x80xi32, #tpu.memory_space<vmem>>, vector<1x16xi32>,
      %swap3A_197 = vector.shape_cast %swap3A_196 : vector<1x16xi32> to vector<16xi32>
      %swap3A_198 = vector.shape_cast %get3A_193 : vector<16xi32> to vector<1x16xi32>
      tpu.vector_store %arg11[%swap3A_194, %swap3A_195], %swap3A_198 {strides = array<i32>} : memref<5x80xi32, #tpu.memory_space<vmem>>, vector<1x16xi32>,
      %get3A_199 = arith.constant 16 : index
      %get3A_200 = tpu.vector_load %arg9[%get3A_199] {strides = array<i32>} : memref<400xi32, #tpu.memory_space<vmem>>, vector<16xi32>,
      %get3A_201 = vector.shape_cast %get3A_200 : vector<16xi32> to vector<16xi32>
      %swap3A_202 = arith.constant 0 : i32
      %swap3A_203 = arith.index_cast %swap3A_202 : i32 to index
      %swap3A_204 = arith.constant 16 : index
      %swap3A_205 = tpu.vector_load %arg11[%swap3A_203, %swap3A_204] {strides = array<i32>} : memref<5x80xi32, #tpu.memory_space<vmem>>, vector<1x16xi32>,
      %swap3A_206 = vector.shape_cast %swap3A_205 : vector<1x16xi32> to vector<16xi32>
      %swap3A_207 = vector.shape_cast %get3A_201 : vector<16xi32> to vector<1x16xi32>
      tpu.vector_store %arg11[%swap3A_203, %swap3A_204], %swap3A_207 {strides = array<i32>} : memref<5x80xi32, #tpu.memory_space<vmem>>, vector<1x16xi32>,
      %get3A_208 = arith.constant 32 : index
      %get3A_209 = tpu.vector_load %arg9[%get3A_208] {strides = array<i32>} : memref<400xi32, #tpu.memory_space<vmem>>, vector<16xi32>,
      %get3A_210 = vector.shape_cast %get3A_209 : vector<16xi32> to vector<16xi32>
      %swap3A_211 = arith.constant 0 : i32
      %swap3A_212 = arith.index_cast %swap3A_211 : i32 to index
      %swap3A_213 = arith.constant 32 : index
      %swap3A_214 = tpu.vector_load %arg11[%swap3A_212, %swap3A_213] {strides = array<i32>} : memref<5x80xi32, #tpu.memory_space<vmem>>, vector<1x16xi32>,
      %swap3A_215 = vector.shape_cast %swap3A_214 : vector<1x16xi32> to vector<16xi32>
      %swap3A_216 = vector.shape_cast %get3A_210 : vector<16xi32> to vector<1x16xi32>
      tpu.vector_store %arg11[%swap3A_212, %swap3A_213], %swap3A_216 {strides = array<i32>} : memref<5x80xi32, #tpu.memory_space<vmem>>, vector<1x16xi32>,
      %get3A_217 = arith.constant 48 : index
      %get3A_218 = tpu.vector_load %arg9[%get3A_217] {strides = array<i32>} : memref<400xi32, #tpu.memory_space<vmem>>, vector<16xi32>,
      %get3A_219 = vector.shape_cast %get3A_218 : vector<16xi32> to vector<16xi32>
      %swap3A_220 = arith.constant 0 : i32
      %swap3A_221 = arith.index_cast %swap3A_220 : i32 to index
      %swap3A_222 = arith.constant 48 : index
      %swap3A_223 = tpu.vector_load %arg11[%swap3A_221, %swap3A_222] {strides = array<i32>} : memref<5x80xi32, #tpu.memory_space<vmem>>, vector<1x16xi32>,
      %swap3A_224 = vector.shape_cast %swap3A_223 : vector<1x16xi32> to vector<16xi32>
      %swap3A_225 = vector.shape_cast %get3A_219 : vector<16xi32> to vector<1x16xi32>
      tpu.vector_store %arg11[%swap3A_221, %swap3A_222], %swap3A_225 {strides = array<i32>} : memref<5x80xi32, #tpu.memory_space<vmem>>, vector<1x16xi32>,
      %get3A_226 = arith.constant 64 : index
      %get3A_227 = tpu.vector_load %arg9[%get3A_226] {strides = array<i32>} : memref<400xi32, #tpu.memory_space<vmem>>, vector<16xi32>,
      %get3A_228 = vector.shape_cast %get3A_227 : vector<16xi32> to vector<16xi32>
      %swap3A_229 = arith.constant 0 : i32
      %swap3A_230 = arith.index_cast %swap3A_229 : i32 to index
      %swap3A_231 = arith.constant 64 : index
      %swap3A_232 = tpu.vector_load %arg11[%swap3A_230, %swap3A_231] {strides = array<i32>} : memref<5x80xi32, #tpu.memory_space<vmem>>, vector<1x16xi32>,
      %swap3A_233 = vector.shape_cast %swap3A_232 : vector<1x16xi32> to vector<16xi32>
      %swap3A_234 = vector.shape_cast %get3A_228 : vector<16xi32> to vector<1x16xi32>
      tpu.vector_store %arg11[%swap3A_230, %swap3A_231], %swap3A_234 {strides = array<i32>} : memref<5x80xi32, #tpu.memory_space<vmem>>, vector<1x16xi32>,
      %get3A_235 = arith.constant 80 : index
      %get3A_236 = tpu.vector_load %arg9[%get3A_235] {strides = array<i32>} : memref<400xi32, #tpu.memory_space<vmem>>, vector<16xi32>,
      %get3A_237 = vector.shape_cast %get3A_236 : vector<16xi32> to vector<16xi32>
      %swap3A_238 = arith.constant 1 : i32
      %swap3A_239 = arith.index_cast %swap3A_238 : i32 to index
      %swap3A_240 = arith.constant 0 : index
      %swap3A_241 = tpu.vector_load %arg11[%swap3A_239, %swap3A_240] {strides = array<i32>} : memref<5x80xi32, #tpu.memory_space<vmem>>, vector<1x16xi32>,
      %swap3A_242 = vector.shape_cast %swap3A_241 : vector<1x16xi32> to vector<16xi32>
      %swap3A_243 = vector.shape_cast %get3A_237 : vector<16xi32> to vector<1x16xi32>
      tpu.vector_store %arg11[%swap3A_239, %swap3A_240], %swap3A_243 {strides = array<i32>} : memref<5x80xi32, #tpu.memory_space<vmem>>, vector<1x16xi32>,
      %get3A_244 = arith.constant 96 : index
      %get3A_245 = tpu.vector_load %arg9[%get3A_244] {strides = array<i32>} : memref<400xi32, #tpu.memory_space<vmem>>, vector<16xi32>,
      %get3A_246 = vector.shape_cast %get3A_245 : vector<16xi32> to vector<16xi32>
      %swap3A_247 = arith.constant 1 : i32
      %swap3A_248 = arith.index_cast %swap3A_247 : i32 to index
      %swap3A_249 = arith.constant 16 : index
      %swap3A_250 = tpu.vector_load %arg11[%swap3A_248, %swap3A_249] {strides = array<i32>} : memref<5x80xi32, #tpu.memory_space<vmem>>, vector<1x16xi32>,
      %swap3A_251 = vector.shape_cast %swap3A_250 : vector<1x16xi32> to vector<16xi32>
      %swap3A_252 = vector.shape_cast %get3A_246 : vector<16xi32> to vector<1x16xi32>
      tpu.vector_store %arg11[%swap3A_248, %swap3A_249], %swap3A_252 {strides = array<i32>} : memref<5x80xi32, #tpu.memory_space<vmem>>, vector<1x16xi32>,
      %get3A_253 = arith.constant 112 : index
      %get3A_254 = tpu.vector_load %arg9[%get3A_253] {strides = array<i32>} : memref<400xi32, #tpu.memory_space<vmem>>, vector<16xi32>,
      %get3A_255 = vector.shape_cast %get3A_254 : vector<16xi32> to vector<16xi32>
      %swap3A_256 = arith.constant 1 : i32
      %swap3A_257 = arith.index_cast %swap3A_256 : i32 to index
      %swap3A_258 = arith.constant 32 : index
      %swap3A_259 = tpu.vector_load %arg11[%swap3A_257, %swap3A_258] {strides = array<i32>} : memref<5x80xi32, #tpu.memory_space<vmem>>, vector<1x16xi32>,
      %swap3A_260 = vector.shape_cast %swap3A_259 : vector<1x16xi32> to vector<16xi32>
      %swap3A_261 = vector.shape_cast %get3A_255 : vector<16xi32> to vector<1x16xi32>
      tpu.vector_store %arg11[%swap3A_257, %swap3A_258], %swap3A_261 {strides = array<i32>} : memref<5x80xi32, #tpu.memory_space<vmem>>, vector<1x16xi32>,
      %get3A_262 = arith.constant 128 : index
      %get3A_263 = tpu.vector_load %arg9[%get3A_262] {strides = array<i32>} : memref<400xi32, #tpu.memory_space<vmem>>, vector<16xi32>,
      %get3A_264 = vector.shape_cast %get3A_263 : vector<16xi32> to vector<16xi32>
      %swap3A_265 = arith.constant 1 : i32
      %swap3A_266 = arith.index_cast %swap3A_265 : i32 to index
      %swap3A_267 = arith.constant 48 : index
      %swap3A_268 = tpu.vector_load %arg11[%swap3A_266, %swap3A_267] {strides = array<i32>} : memref<5x80xi32, #tpu.memory_space<vmem>>, vector<1x16xi32>,
      %swap3A_269 = vector.shape_cast %swap3A_268 : vector<1x16xi32> to vector<16xi32>
      %swap3A_270 = vector.shape_cast %get3A_264 : vector<16xi32> to vector<1x16xi32>
      tpu.vector_store %arg11[%swap3A_266, %swap3A_267], %swap3A_270 {strides = array<i32>} : memref<5x80xi32, #tpu.memory_space<vmem>>, vector<1x16xi32>,
      %get3A_271 = arith.constant 144 : index
      %get3A_272 = tpu.vector_load %arg9[%get3A_271] {strides = array<i32>} : memref<400xi32, #tpu.memory_space<vmem>>, vector<16xi32>,
      %get3A_273 = vector.shape_cast %get3A_272 : vector<16xi32> to vector<16xi32>
      %swap3A_274 = arith.constant 1 : i32
      %swap3A_275 = arith.index_cast %swap3A_274 : i32 to index
      %swap3A_276 = arith.constant 64 : index
      %swap3A_277 = tpu.vector_load %arg11[%swap3A_275, %swap3A_276] {strides = array<i32>} : memref<5x80xi32, #tpu.memory_space<vmem>>, vector<1x16xi32>,
      %swap3A_278 = vector.shape_cast %swap3A_277 : vector<1x16xi32> to vector<16xi32>
      %swap3A_279 = vector.shape_cast %get3A_273 : vector<16xi32> to vector<1x16xi32>
      tpu.vector_store %arg11[%swap3A_275, %swap3A_276], %swap3A_279 {strides = array<i32>} : memref<5x80xi32, #tpu.memory_space<vmem>>, vector<1x16xi32>,
      %get3A_280 = arith.constant 160 : index
      %get3A_281 = tpu.vector_load %arg9[%get3A_280] {strides = array<i32>} : memref<400xi32, #tpu.memory_space<vmem>>, vector<16xi32>,
      %get3A_282 = vector.shape_cast %get3A_281 : vector<16xi32> to vector<16xi32>
      %swap3A_283 = arith.constant 2 : i32
      %swap3A_284 = arith.index_cast %swap3A_283 : i32 to index
      %swap3A_285 = arith.constant 0 : index
      %swap3A_286 = tpu.vector_load %arg11[%swap3A_284, %swap3A_285] {strides = array<i32>} : memref<5x80xi32, #tpu.memory_space<vmem>>, vector<1x16xi32>,
      %swap3A_287 = vector.shape_cast %swap3A_286 : vector<1x16xi32> to vector<16xi32>
      %swap3A_288 = vector.shape_cast %get3A_282 : vector<16xi32> to vector<1x16xi32>
      tpu.vector_store %arg11[%swap3A_284, %swap3A_285], %swap3A_288 {strides = array<i32>} : memref<5x80xi32, #tpu.memory_space<vmem>>, vector<1x16xi32>,
      %get3A_289 = arith.constant 176 : index
      %get3A_290 = tpu.vector_load %arg9[%get3A_289] {strides = array<i32>} : memref<400xi32, #tpu.memory_space<vmem>>, vector<16xi32>,
      %get3A_291 = vector.shape_cast %get3A_290 : vector<16xi32> to vector<16xi32>
      %swap3A_292 = arith.constant 2 : i32
      %swap3A_293 = arith.index_cast %swap3A_292 : i32 to index
      %swap3A_294 = arith.constant 16 : index
      %swap3A_295 = tpu.vector_load %arg11[%swap3A_293, %swap3A_294] {strides = array<i32>} : memref<5x80xi32, #tpu.memory_space<vmem>>, vector<1x16xi32>,
      %swap3A_296 = vector.shape_cast %swap3A_295 : vector<1x16xi32> to vector<16xi32>
      %swap3A_297 = vector.shape_cast %get3A_291 : vector<16xi32> to vector<1x16xi32>
      tpu.vector_store %arg11[%swap3A_293, %swap3A_294], %swap3A_297 {strides = array<i32>} : memref<5x80xi32, #tpu.memory_space<vmem>>, vector<1x16xi32>,
      %get3A_298 = arith.constant 192 : index
      %get3A_299 = tpu.vector_load %arg9[%get3A_298] {strides = array<i32>} : memref<400xi32, #tpu.memory_space<vmem>>, vector<16xi32>,
      %get3A_300 = vector.shape_cast %get3A_299 : vector<16xi32> to vector<16xi32>
      %swap3A_301 = arith.constant 2 : i32
      %swap3A_302 = arith.index_cast %swap3A_301 : i32 to index
      %swap3A_303 = arith.constant 32 : index
      %swap3A_304 = tpu.vector_load %arg11[%swap3A_302, %swap3A_303] {strides = array<i32>} : memref<5x80xi32, #tpu.memory_space<vmem>>, vector<1x16xi32>,
      %swap3A_305 = vector.shape_cast %swap3A_304 : vector<1x16xi32> to vector<16xi32>
      %swap3A_306 = vector.shape_cast %get3A_300 : vector<16xi32> to vector<1x16xi32>
      tpu.vector_store %arg11[%swap3A_302, %swap3A_303], %swap3A_306 {strides = array<i32>} : memref<5x80xi32, #tpu.memory_space<vmem>>, vector<1x16xi32>,
      %get3A_307 = arith.constant 208 : index
      %get3A_308 = tpu.vector_load %arg9[%get3A_307] {strides = array<i32>} : memref<400xi32, #tpu.memory_space<vmem>>, vector<16xi32>,
      %get3A_309 = vector.shape_cast %get3A_308 : vector<16xi32> to vector<16xi32>
      %swap3A_310 = arith.constant 2 : i32
      %swap3A_311 = arith.index_cast %swap3A_310 : i32 to index
      %swap3A_312 = arith.constant 48 : index
      %swap3A_313 = tpu.vector_load %arg11[%swap3A_311, %swap3A_312] {strides = array<i32>} : memref<5x80xi32, #tpu.memory_space<vmem>>, vector<1x16xi32>,
      %swap3A_314 = vector.shape_cast %swap3A_313 : vector<1x16xi32> to vector<16xi32>
      %swap3A_315 = vector.shape_cast %get3A_309 : vector<16xi32> to vector<1x16xi32>
      tpu.vector_store %arg11[%swap3A_311, %swap3A_312], %swap3A_315 {strides = array<i32>} : memref<5x80xi32, #tpu.memory_space<vmem>>, vector<1x16xi32>,
      %get3A_316 = arith.constant 224 : index
      %get3A_317 = tpu.vector_load %arg9[%get3A_316] {strides = array<i32>} : memref<400xi32, #tpu.memory_space<vmem>>, vector<16xi32>,
      %get3A_318 = vector.shape_cast %get3A_317 : vector<16xi32> to vector<16xi32>
      %swap3A_319 = arith.constant 2 : i32
      %swap3A_320 = arith.index_cast %swap3A_319 : i32 to index
      %swap3A_321 = arith.constant 64 : index
      %swap3A_322 = tpu.vector_load %arg11[%swap3A_320, %swap3A_321] {strides = array<i32>} : memref<5x80xi32, #tpu.memory_space<vmem>>, vector<1x16xi32>,
      %swap3A_323 = vector.shape_cast %swap3A_322 : vector<1x16xi32> to vector<16xi32>
      %swap3A_324 = vector.shape_cast %get3A_318 : vector<16xi32> to vector<1x16xi32>
      tpu.vector_store %arg11[%swap3A_320, %swap3A_321], %swap3A_324 {strides = array<i32>} : memref<5x80xi32, #tpu.memory_space<vmem>>, vector<1x16xi32>,
      %get3A_325 = arith.constant 240 : index
      %get3A_326 = tpu.vector_load %arg9[%get3A_325] {strides = array<i32>} : memref<400xi32, #tpu.memory_space<vmem>>, vector<16xi32>,
      %get3A_327 = vector.shape_cast %get3A_326 : vector<16xi32> to vector<16xi32>
      %swap3A_328 = arith.constant 3 : i32
      %swap3A_329 = arith.index_cast %swap3A_328 : i32 to index
      %swap3A_330 = arith.constant 0 : index
      %swap3A_331 = tpu.vector_load %arg11[%swap3A_329, %swap3A_330] {strides = array<i32>} : memref<5x80xi32, #tpu.memory_space<vmem>>, vector<1x16xi32>,
      %swap3A_332 = vector.shape_cast %swap3A_331 : vector<1x16xi32> to vector<16xi32>
      %swap3A_333 = vector.shape_cast %get3A_327 : vector<16xi32> to vector<1x16xi32>
      tpu.vector_store %arg11[%swap3A_329, %swap3A_330], %swap3A_333 {strides = array<i32>} : memref<5x80xi32, #tpu.memory_space<vmem>>, vector<1x16xi32>,
      %get3A_334 = arith.constant 256 : index
      %get3A_335 = tpu.vector_load %arg9[%get3A_334] {strides = array<i32>} : memref<400xi32, #tpu.memory_space<vmem>>, vector<16xi32>,
      %get3A_336 = vector.shape_cast %get3A_335 : vector<16xi32> to vector<16xi32>
      %swap3A_337 = arith.constant 3 : i32
      %swap3A_338 = arith.index_cast %swap3A_337 : i32 to index
      %swap3A_339 = arith.constant 16 : index
      %swap3A_340 = tpu.vector_load %arg11[%swap3A_338, %swap3A_339] {strides = array<i32>} : memref<5x80xi32, #tpu.memory_space<vmem>>, vector<1x16xi32>,
      %swap3A_341 = vector.shape_cast %swap3A_340 : vector<1x16xi32> to vector<16xi32>
      %swap3A_342 = vector.shape_cast %get3A_336 : vector<16xi32> to vector<1x16xi32>
      tpu.vector_store %arg11[%swap3A_338, %swap3A_339], %swap3A_342 {strides = array<i32>} : memref<5x80xi32, #tpu.memory_space<vmem>>, vector<1x16xi32>,
      %get3A_343 = arith.constant 272 : index
      %get3A_344 = tpu.vector_load %arg9[%get3A_343] {strides = array<i32>} : memref<400xi32, #tpu.memory_space<vmem>>, vector<16xi32>,
      %get3A_345 = vector.shape_cast %get3A_344 : vector<16xi32> to vector<16xi32>
      %swap3A_346 = arith.constant 3 : i32
      %swap3A_347 = arith.index_cast %swap3A_346 : i32 to index
      %swap3A_348 = arith.constant 32 : index
      %swap3A_349 = tpu.vector_load %arg11[%swap3A_347, %swap3A_348] {strides = array<i32>} : memref<5x80xi32, #tpu.memory_space<vmem>>, vector<1x16xi32>,
      %swap3A_350 = vector.shape_cast %swap3A_349 : vector<1x16xi32> to vector<16xi32>
      %swap3A_351 = vector.shape_cast %get3A_345 : vector<16xi32> to vector<1x16xi32>
      tpu.vector_store %arg11[%swap3A_347, %swap3A_348], %swap3A_351 {strides = array<i32>} : memref<5x80xi32, #tpu.memory_space<vmem>>, vector<1x16xi32>,
      %get3A_352 = arith.constant 288 : index
      %get3A_353 = tpu.vector_load %arg9[%get3A_352] {strides = array<i32>} : memref<400xi32, #tpu.memory_space<vmem>>, vector<16xi32>,
      %get3A_354 = vector.shape_cast %get3A_353 : vector<16xi32> to vector<16xi32>
      %swap3A_355 = arith.constant 3 : i32
      %swap3A_356 = arith.index_cast %swap3A_355 : i32 to index
      %swap3A_357 = arith.constant 48 : index
      %swap3A_358 = tpu.vector_load %arg11[%swap3A_356, %swap3A_357] {strides = array<i32>} : memref<5x80xi32, #tpu.memory_space<vmem>>, vector<1x16xi32>,
      %swap3A_359 = vector.shape_cast %swap3A_358 : vector<1x16xi32> to vector<16xi32>
      %swap3A_360 = vector.shape_cast %get3A_354 : vector<16xi32> to vector<1x16xi32>
      tpu.vector_store %arg11[%swap3A_356, %swap3A_357], %swap3A_360 {strides = array<i32>} : memref<5x80xi32, #tpu.memory_space<vmem>>, vector<1x16xi32>,
      %get3A_361 = arith.constant 304 : index
      %get3A_362 = tpu.vector_load %arg9[%get3A_361] {strides = array<i32>} : memref<400xi32, #tpu.memory_space<vmem>>, vector<16xi32>,
      %get3A_363 = vector.shape_cast %get3A_362 : vector<16xi32> to vector<16xi32>
      %swap3A_364 = arith.constant 3 : i32
      %swap3A_365 = arith.index_cast %swap3A_364 : i32 to index
      %swap3A_366 = arith.constant 64 : index
      %swap3A_367 = tpu.vector_load %arg11[%swap3A_365, %swap3A_366] {strides = array<i32>} : memref<5x80xi32, #tpu.memory_space<vmem>>, vector<1x16xi32>,
      %swap3A_368 = vector.shape_cast %swap3A_367 : vector<1x16xi32> to vector<16xi32>
      %swap3A_369 = vector.shape_cast %get3A_363 : vector<16xi32> to vector<1x16xi32>
      tpu.vector_store %arg11[%swap3A_365, %swap3A_366], %swap3A_369 {strides = array<i32>} : memref<5x80xi32, #tpu.memory_space<vmem>>, vector<1x16xi32>,
      %get3A_370 = arith.constant 320 : index
      %get3A_371 = tpu.vector_load %arg9[%get3A_370] {strides = array<i32>} : memref<400xi32, #tpu.memory_space<vmem>>, vector<16xi32>,
      %get3A_372 = vector.shape_cast %get3A_371 : vector<16xi32> to vector<16xi32>
      %swap3A_373 = arith.constant 4 : i32
      %swap3A_374 = arith.index_cast %swap3A_373 : i32 to index
      %swap3A_375 = arith.constant 0 : index
      %swap3A_376 = tpu.vector_load %arg11[%swap3A_374, %swap3A_375] {strides = array<i32>} : memref<5x80xi32, #tpu.memory_space<vmem>>, vector<1x16xi32>,
      %swap3A_377 = vector.shape_cast %swap3A_376 : vector<1x16xi32> to vector<16xi32>
      %swap3A_378 = vector.shape_cast %get3A_372 : vector<16xi32> to vector<1x16xi32>
      tpu.vector_store %arg11[%swap3A_374, %swap3A_375], %swap3A_378 {strides = array<i32>} : memref<5x80xi32, #tpu.memory_space<vmem>>, vector<1x16xi32>,
      %get3A_379 = arith.constant 336 : index
      %get3A_380 = tpu.vector_load %arg9[%get3A_379] {strides = array<i32>} : memref<400xi32, #tpu.memory_space<vmem>>, vector<16xi32>,
      %get3A_381 = vector.shape_cast %get3A_380 : vector<16xi32> to vector<16xi32>
      %swap3A_382 = arith.constant 4 : i32
      %swap3A_383 = arith.index_cast %swap3A_382 : i32 to index
      %swap3A_384 = arith.constant 16 : index
      %swap3A_385 = tpu.vector_load %arg11[%swap3A_383, %swap3A_384] {strides = array<i32>} : memref<5x80xi32, #tpu.memory_space<vmem>>, vector<1x16xi32>,
      %swap3A_386 = vector.shape_cast %swap3A_385 : vector<1x16xi32> to vector<16xi32>
      %swap3A_387 = vector.shape_cast %get3A_381 : vector<16xi32> to vector<1x16xi32>
      tpu.vector_store %arg11[%swap3A_383, %swap3A_384], %swap3A_387 {strides = array<i32>} : memref<5x80xi32, #tpu.memory_space<vmem>>, vector<1x16xi32>,
      %get3A_388 = arith.constant 352 : index
      %get3A_389 = tpu.vector_load %arg9[%get3A_388] {strides = array<i32>} : memref<400xi32, #tpu.memory_space<vmem>>, vector<16xi32>,
      %get3A_390 = vector.shape_cast %get3A_389 : vector<16xi32> to vector<16xi32>
      %swap3A_391 = arith.constant 4 : i32
      %swap3A_392 = arith.index_cast %swap3A_391 : i32 to index
      %swap3A_393 = arith.constant 32 : index
      %swap3A_394 = tpu.vector_load %arg11[%swap3A_392, %swap3A_393] {strides = array<i32>} : memref<5x80xi32, #tpu.memory_space<vmem>>, vector<1x16xi32>,
      %swap3A_395 = vector.shape_cast %swap3A_394 : vector<1x16xi32> to vector<16xi32>
      %swap3A_396 = vector.shape_cast %get3A_390 : vector<16xi32> to vector<1x16xi32>
      tpu.vector_store %arg11[%swap3A_392, %swap3A_393], %swap3A_396 {strides = array<i32>} : memref<5x80xi32, #tpu.memory_space<vmem>>, vector<1x16xi32>,
      %get3A_397 = arith.constant 368 : index
      %get3A_398 = tpu.vector_load %arg9[%get3A_397] {strides = array<i32>} : memref<400xi32, #tpu.memory_space<vmem>>, vector<16xi32>,
      %get3A_399 = vector.shape_cast %get3A_398 : vector<16xi32> to vector<16xi32>
      %swap3A_400 = arith.constant 4 : i32
      %swap3A_401 = arith.index_cast %swap3A_400 : i32 to index
      %swap3A_402 = arith.constant 48 : index
      %swap3A_403 = tpu.vector_load %arg11[%swap3A_401, %swap3A_402] {strides = array<i32>} : memref<5x80xi32, #tpu.memory_space<vmem>>, vector<1x16xi32>,
      %swap3A_404 = vector.shape_cast %swap3A_403 : vector<1x16xi32> to vector<16xi32>
      %swap3A_405 = vector.shape_cast %get3A_399 : vector<16xi32> to vector<1x16xi32>
      tpu.vector_store %arg11[%swap3A_401, %swap3A_402], %swap3A_405 {strides = array<i32>} : memref<5x80xi32, #tpu.memory_space<vmem>>, vector<1x16xi32>,
      %get3A_406 = arith.constant 384 : index
      %get3A_407 = tpu.vector_load %arg9[%get3A_406] {strides = array<i32>} : memref<400xi32, #tpu.memory_space<vmem>>, vector<16xi32>,
      %get3A_408 = vector.shape_cast %get3A_407 : vector<16xi32> to vector<16xi32>
      %swap3A_409 = arith.constant 4 : i32
      %swap3A_410 = arith.index_cast %swap3A_409 : i32 to index
      %swap3A_411 = arith.constant 64 : index
      %swap3A_412 = tpu.vector_load %arg11[%swap3A_410, %swap3A_411] {strides = array<i32>} : memref<5x80xi32, #tpu.memory_space<vmem>>, vector<1x16xi32>,
      %swap3A_413 = vector.shape_cast %swap3A_412 : vector<1x16xi32> to vector<16xi32>
      %swap3A_414 = vector.shape_cast %get3A_408 : vector<16xi32> to vector<1x16xi32>
      tpu.vector_store %arg11[%swap3A_410, %swap3A_411], %swap3A_414 {strides = array<i32>} : memref<5x80xi32, #tpu.memory_space<vmem>>, vector<1x16xi32>,
      %mul3A_415 = arith.constant 400 : i32
      %mul3A_416 = arith.muli %add3A_94, %mul3A_415 : i32
      %dma_wait3A_417 = arith.constant 0 : i32
      %dma_wait3A_418 = tpu.memref_slice %arg2[%mul3A_416, %dma_wait3A_417] : memref<100000x128xf32, #tpu.memory_space<hbm>> -> memref<400x128xf32, #tpu.memory_space<hbm>>
      %dma_wait3A_419 = arith.constant 0 : i32
      %dma_wait3A_420 = tpu.memref_slice %arg2[%mul3A_416, %dma_wait3A_419] : memref<100000x128xf32, #tpu.memory_space<hbm>> -> memref<400x128xf32, #tpu.memory_space<hbm>>
      tpu.wait_dma2 semaphore(%arg18 : memref<!tpu.dma_semaphore, #tpu.memory_space<semaphore_mem>>) src(%dma_wait3A_420 : memref<400x128xf32, #tpu.memory_space<hbm>>) dst(%arg14 : memref<400x128xf32, #tpu.memory_space<vmem>>)
      %dma_start3A = arith.constant 0 : i32
      %dma_start3A_421 = arith.constant 0 : i32
      %dma_start3A_422 = arith.constant 0 : i32
      %dma_start3A_423 = tpu.memref_slice %arg14[%dma_start3A_421, %dma_start3A_422] : memref<400x128xf32, #tpu.memory_space<vmem>> -> memref<80x128xf32, #tpu.memory_space<vmem>>
      %dma_start3A_424 = arith.constant 0 : i32
      %dma_start3A_425 = tpu.memref_slice %arg11[%dma_start3A, %dma_start3A_424] : memref<5x80xi32, #tpu.memory_space<vmem>> -> memref<1x80xi32, #tpu.memory_space<vmem>>
      %dma_start3A_426 = tpu.memref_squeeze %dma_start3A_425 : memref<1x80xi32, #tpu.memory_space<vmem>> -> memref<80xi32, #tpu.memory_space<vmem>>
      %dma_start3A_427 = arith.constant 0 : i32
      %dma_start3A_428 = arith.constant 0 : i32
      %dma_start3A_429 = tpu.memref_slice %arg6[%dma_start3A_427, %dma_start3A_428] : memref<256x128xf32, #tpu.memory_space<vmem_shared>> -> memref<256x128xf32, #tpu.memory_space<vmem_shared>>
      tpu.enqueue_indirect_dma source(%dma_start3A_423 : memref<80x128xf32, #tpu.memory_space<vmem>>) target(%dma_start3A_429 : memref<256x128xf32, #tpu.memory_space<vmem_shared>>) offsets(%dma_start3A_426 : memref<80xi32, #tpu.memory_space<vmem>>) semaphore(%arg20 : memref<!tpu.dma_semaphore, #tpu.memory_space<semaphore_mem>>) {add = true}
      %dma_start3A_430 = arith.constant 0 : i32
      %dma_start3A_431 = arith.constant 0 : i32
      %dma_start3A_432 = tpu.memref_slice %arg11[%dma_start3A_430, %dma_start3A_431] : memref<5x80xi32, #tpu.memory_space<vmem>> -> memref<1x80xi32, #tpu.memory_space<vmem>>
      %dma_start3A_433 = tpu.memref_squeeze %dma_start3A_432 : memref<1x80xi32, #tpu.memory_space<vmem>> -> memref<80xi32, #tpu.memory_space<vmem>>
      %dma_start3A_434 = arith.constant 0 : i32
      %dma_start3A_435 = arith.constant 0 : i32
      %dma_start3A_436 = tpu.memref_slice %arg7[%dma_start3A_434, %dma_start3A_435] : memref<256x16xf32, #tpu.memory_space<vmem_shared>> -> memref<256x16xf32, #tpu.memory_space<vmem_shared>>
      tpu.enqueue_indirect_dma source(%arg12 : memref<80x16xf32, #tpu.memory_space<vmem>>) target(%dma_start3A_436 : memref<256x16xf32, #tpu.memory_space<vmem_shared>>) offsets(%dma_start3A_433 : memref<80xi32, #tpu.memory_space<vmem>>) semaphore(%arg20 : memref<!tpu.dma_semaphore, #tpu.memory_space<semaphore_mem>>) {add = true}
      %dma_start3A_437 = arith.constant 1 : i32
      %dma_start3A_438 = arith.constant 80 : i32
      %dma_start3A_439 = arith.constant 0 : i32
      %dma_start3A_440 = tpu.memref_slice %arg14[%dma_start3A_438, %dma_start3A_439] : memref<400x128xf32, #tpu.memory_space<vmem>> -> memref<80x128xf32, #tpu.memory_space<vmem>>
      %dma_start3A_441 = arith.constant 0 : i32
      %dma_start3A_442 = tpu.memref_slice %arg11[%dma_start3A_437, %dma_start3A_441] : memref<5x80xi32, #tpu.memory_space<vmem>> -> memref<1x80xi32, #tpu.memory_space<vmem>>
      %dma_start3A_443 = tpu.memref_squeeze %dma_start3A_442 : memref<1x80xi32, #tpu.memory_space<vmem>> -> memref<80xi32, #tpu.memory_space<vmem>>
      %dma_start3A_444 = arith.constant 0 : i32
      %dma_start3A_445 = arith.constant 0 : i32
      %dma_start3A_446 = tpu.memref_slice %arg6[%dma_start3A_444, %dma_start3A_445] : memref<256x128xf32, #tpu.memory_space<vmem_shared>> -> memref<256x128xf32, #tpu.memory_space<vmem_shared>>
      tpu.enqueue_indirect_dma source(%dma_start3A_440 : memref<80x128xf32, #tpu.memory_space<vmem>>) target(%dma_start3A_446 : memref<256x128xf32, #tpu.memory_space<vmem_shared>>) offsets(%dma_start3A_443 : memref<80xi32, #tpu.memory_space<vmem>>) semaphore(%arg20 : memref<!tpu.dma_semaphore, #tpu.memory_space<semaphore_mem>>) {add = true}
      %dma_start3A_447 = arith.constant 1 : i32
      %dma_start3A_448 = arith.constant 0 : i32
      %dma_start3A_449 = tpu.memref_slice %arg11[%dma_start3A_447, %dma_start3A_448] : memref<5x80xi32, #tpu.memory_space<vmem>> -> memref<1x80xi32, #tpu.memory_space<vmem>>
      %dma_start3A_450 = tpu.memref_squeeze %dma_start3A_449 : memref<1x80xi32, #tpu.memory_space<vmem>> -> memref<80xi32, #tpu.memory_space<vmem>>
      %dma_start3A_451 = arith.constant 0 : i32
      %dma_start3A_452 = arith.constant 0 : i32
      %dma_start3A_453 = tpu.memref_slice %arg7[%dma_start3A_451, %dma_start3A_452] : memref<256x16xf32, #tpu.memory_space<vmem_shared>> -> memref<256x16xf32, #tpu.memory_space<vmem_shared>>
      tpu.enqueue_indirect_dma source(%arg12 : memref<80x16xf32, #tpu.memory_space<vmem>>) target(%dma_start3A_453 : memref<256x16xf32, #tpu.memory_space<vmem_shared>>) offsets(%dma_start3A_450 : memref<80xi32, #tpu.memory_space<vmem>>) semaphore(%arg20 : memref<!tpu.dma_semaphore, #tpu.memory_space<semaphore_mem>>) {add = true}
      %dma_start3A_454 = arith.constant 2 : i32
      %dma_start3A_455 = arith.constant 160 : i32
      %dma_start3A_456 = arith.constant 0 : i32
      %dma_start3A_457 = tpu.memref_slice %arg14[%dma_start3A_455, %dma_start3A_456] : memref<400x128xf32, #tpu.memory_space<vmem>> -> memref<80x128xf32, #tpu.memory_space<vmem>>
      %dma_start3A_458 = arith.constant 0 : i32
      %dma_start3A_459 = tpu.memref_slice %arg11[%dma_start3A_454, %dma_start3A_458] : memref<5x80xi32, #tpu.memory_space<vmem>> -> memref<1x80xi32, #tpu.memory_space<vmem>>
      %dma_start3A_460 = tpu.memref_squeeze %dma_start3A_459 : memref<1x80xi32, #tpu.memory_space<vmem>> -> memref<80xi32, #tpu.memory_space<vmem>>
      %dma_start3A_461 = arith.constant 0 : i32
      %dma_start3A_462 = arith.constant 0 : i32
      %dma_start3A_463 = tpu.memref_slice %arg6[%dma_start3A_461, %dma_start3A_462] : memref<256x128xf32, #tpu.memory_space<vmem_shared>> -> memref<256x128xf32, #tpu.memory_space<vmem_shared>>
      tpu.enqueue_indirect_dma source(%dma_start3A_457 : memref<80x128xf32, #tpu.memory_space<vmem>>) target(%dma_start3A_463 : memref<256x128xf32, #tpu.memory_space<vmem_shared>>) offsets(%dma_start3A_460 : memref<80xi32, #tpu.memory_space<vmem>>) semaphore(%arg20 : memref<!tpu.dma_semaphore, #tpu.memory_space<semaphore_mem>>) {add = true}
      %dma_start3A_464 = arith.constant 2 : i32
      %dma_start3A_465 = arith.constant 0 : i32
      %dma_start3A_466 = tpu.memref_slice %arg11[%dma_start3A_464, %dma_start3A_465] : memref<5x80xi32, #tpu.memory_space<vmem>> -> memref<1x80xi32, #tpu.memory_space<vmem>>
      %dma_start3A_467 = tpu.memref_squeeze %dma_start3A_466 : memref<1x80xi32, #tpu.memory_space<vmem>> -> memref<80xi32, #tpu.memory_space<vmem>>
      %dma_start3A_468 = arith.constant 0 : i32
      %dma_start3A_469 = arith.constant 0 : i32
      %dma_start3A_470 = tpu.memref_slice %arg7[%dma_start3A_468, %dma_start3A_469] : memref<256x16xf32, #tpu.memory_space<vmem_shared>> -> memref<256x16xf32, #tpu.memory_space<vmem_shared>>
      tpu.enqueue_indirect_dma source(%arg12 : memref<80x16xf32, #tpu.memory_space<vmem>>) target(%dma_start3A_470 : memref<256x16xf32, #tpu.memory_space<vmem_shared>>) offsets(%dma_start3A_467 : memref<80xi32, #tpu.memory_space<vmem>>) semaphore(%arg20 : memref<!tpu.dma_semaphore, #tpu.memory_space<semaphore_mem>>) {add = true}
      %dma_start3A_471 = arith.constant 3 : i32
      %dma_start3A_472 = arith.constant 240 : i32
      %dma_start3A_473 = arith.constant 0 : i32
      %dma_start3A_474 = tpu.memref_slice %arg14[%dma_start3A_472, %dma_start3A_473] : memref<400x128xf32, #tpu.memory_space<vmem>> -> memref<80x128xf32, #tpu.memory_space<vmem>>
      %dma_start3A_475 = arith.constant 0 : i32
      %dma_start3A_476 = tpu.memref_slice %arg11[%dma_start3A_471, %dma_start3A_475] : memref<5x80xi32, #tpu.memory_space<vmem>> -> memref<1x80xi32, #tpu.memory_space<vmem>>
      %dma_start3A_477 = tpu.memref_squeeze %dma_start3A_476 : memref<1x80xi32, #tpu.memory_space<vmem>> -> memref<80xi32, #tpu.memory_space<vmem>>
      %dma_start3A_478 = arith.constant 0 : i32
      %dma_start3A_479 = arith.constant 0 : i32
      %dma_start3A_480 = tpu.memref_slice %arg6[%dma_start3A_478, %dma_start3A_479] : memref<256x128xf32, #tpu.memory_space<vmem_shared>> -> memref<256x128xf32, #tpu.memory_space<vmem_shared>>
      tpu.enqueue_indirect_dma source(%dma_start3A_474 : memref<80x128xf32, #tpu.memory_space<vmem>>) target(%dma_start3A_480 : memref<256x128xf32, #tpu.memory_space<vmem_shared>>) offsets(%dma_start3A_477 : memref<80xi32, #tpu.memory_space<vmem>>) semaphore(%arg20 : memref<!tpu.dma_semaphore, #tpu.memory_space<semaphore_mem>>) {add = true}
      %dma_start3A_481 = arith.constant 3 : i32
      %dma_start3A_482 = arith.constant 0 : i32
      %dma_start3A_483 = tpu.memref_slice %arg11[%dma_start3A_481, %dma_start3A_482] : memref<5x80xi32, #tpu.memory_space<vmem>> -> memref<1x80xi32, #tpu.memory_space<vmem>>
      %dma_start3A_484 = tpu.memref_squeeze %dma_start3A_483 : memref<1x80xi32, #tpu.memory_space<vmem>> -> memref<80xi32, #tpu.memory_space<vmem>>
      %dma_start3A_485 = arith.constant 0 : i32
      %dma_start3A_486 = arith.constant 0 : i32
      %dma_start3A_487 = tpu.memref_slice %arg7[%dma_start3A_485, %dma_start3A_486] : memref<256x16xf32, #tpu.memory_space<vmem_shared>> -> memref<256x16xf32, #tpu.memory_space<vmem_shared>>
      tpu.enqueue_indirect_dma source(%arg12 : memref<80x16xf32, #tpu.memory_space<vmem>>) target(%dma_start3A_487 : memref<256x16xf32, #tpu.memory_space<vmem_shared>>) offsets(%dma_start3A_484 : memref<80xi32, #tpu.memory_space<vmem>>) semaphore(%arg20 : memref<!tpu.dma_semaphore, #tpu.memory_space<semaphore_mem>>) {add = true}
      %dma_start3A_488 = arith.constant 4 : i32
      %dma_start3A_489 = arith.constant 320 : i32
      %dma_start3A_490 = arith.constant 0 : i32
      %dma_start3A_491 = tpu.memref_slice %arg14[%dma_start3A_489, %dma_start3A_490] : memref<400x128xf32, #tpu.memory_space<vmem>> -> memref<80x128xf32, #tpu.memory_space<vmem>>
      %dma_start3A_492 = arith.constant 0 : i32
      %dma_start3A_493 = tpu.memref_slice %arg11[%dma_start3A_488, %dma_start3A_492] : memref<5x80xi32, #tpu.memory_space<vmem>> -> memref<1x80xi32, #tpu.memory_space<vmem>>
      %dma_start3A_494 = tpu.memref_squeeze %dma_start3A_493 : memref<1x80xi32, #tpu.memory_space<vmem>> -> memref<80xi32, #tpu.memory_space<vmem>>
      %dma_start3A_495 = arith.constant 0 : i32
      %dma_start3A_496 = arith.constant 0 : i32
      %dma_start3A_497 = tpu.memref_slice %arg6[%dma_start3A_495, %dma_start3A_496] : memref<256x128xf32, #tpu.memory_space<vmem_shared>> -> memref<256x128xf32, #tpu.memory_space<vmem_shared>>
      tpu.enqueue_indirect_dma source(%dma_start3A_491 : memref<80x128xf32, #tpu.memory_space<vmem>>) target(%dma_start3A_497 : memref<256x128xf32, #tpu.memory_space<vmem_shared>>) offsets(%dma_start3A_494 : memref<80xi32, #tpu.memory_space<vmem>>) semaphore(%arg20 : memref<!tpu.dma_semaphore, #tpu.memory_space<semaphore_mem>>) {add = true}
      %dma_start3A_498 = arith.constant 4 : i32
      %dma_start3A_499 = arith.constant 0 : i32
      %dma_start3A_500 = tpu.memref_slice %arg11[%dma_start3A_498, %dma_start3A_499] : memref<5x80xi32, #tpu.memory_space<vmem>> -> memref<1x80xi32, #tpu.memory_space<vmem>>
      %dma_start3A_501 = tpu.memref_squeeze %dma_start3A_500 : memref<1x80xi32, #tpu.memory_space<vmem>> -> memref<80xi32, #tpu.memory_space<vmem>>
      %dma_start3A_502 = arith.constant 0 : i32
      %dma_start3A_503 = arith.constant 0 : i32
      %dma_start3A_504 = tpu.memref_slice %arg7[%dma_start3A_502, %dma_start3A_503] : memref<256x16xf32, #tpu.memory_space<vmem_shared>> -> memref<256x16xf32, #tpu.memory_space<vmem_shared>>
      tpu.enqueue_indirect_dma source(%arg12 : memref<80x16xf32, #tpu.memory_space<vmem>>) target(%dma_start3A_504 : memref<256x16xf32, #tpu.memory_space<vmem_shared>>) offsets(%dma_start3A_501 : memref<80xi32, #tpu.memory_space<vmem>>) semaphore(%arg20 : memref<!tpu.dma_semaphore, #tpu.memory_space<semaphore_mem>>) {add = true}
    } else {
    }
    %add3A_100 = arith.constant 96 : i32
    %add3A_101 = arith.addi %add3A, %add3A_100 : i32
    %lt3A_102 = arith.constant 250 : i32
    %lt3A_103 = arith.cmpi slt, %add3A_101, %lt3A_102 : i32
    %convert_element_type3A_104 = arith.extui %lt3A_103 : i1 to i32
    %cond3A_105 = arith.constant 0 : i32
    %cond3A_106 = arith.cmpi ne, %convert_element_type3A_104, %cond3A_105 : i32
    scf.if %cond3A_106 {
      %dma_wait3A = arith.constant 0 : i32
      %dma_wait3A_189 = arith.constant 0 : i32
      %dma_wait3A_190 = arith.constant 0 : i32
      %dma_wait3A_191 = tpu.memref_slice %arg14[%dma_wait3A_189, %dma_wait3A_190] : memref<400x128xf32, #tpu.memory_space<vmem>> -> memref<80x128xf32, #tpu.memory_space<vmem>>
      %dma_wait3A_192 = arith.constant 0 : i32
      %dma_wait3A_193 = tpu.memref_slice %arg11[%dma_wait3A, %dma_wait3A_192] : memref<5x80xi32, #tpu.memory_space<vmem>> -> memref<1x80xi32, #tpu.memory_space<vmem>>
      %dma_wait3A_194 = tpu.memref_squeeze %dma_wait3A_193 : memref<1x80xi32, #tpu.memory_space<vmem>> -> memref<80xi32, #tpu.memory_space<vmem>>
      %dma_wait3A_195 = arith.constant 0 : i32
      %dma_wait3A_196 = arith.constant 0 : i32
      %dma_wait3A_197 = tpu.memref_slice %arg6[%dma_wait3A_195, %dma_wait3A_196] : memref<256x128xf32, #tpu.memory_space<vmem_shared>> -> memref<256x128xf32, #tpu.memory_space<vmem_shared>>
      tpu.wait_indirect_dma semaphore(%arg20 : memref<!tpu.dma_semaphore, #tpu.memory_space<semaphore_mem>>) src(%dma_wait3A_191 : memref<80x128xf32, #tpu.memory_space<vmem>>) dst(%dma_wait3A_197 : memref<256x128xf32, #tpu.memory_space<vmem_shared>>)
      %dma_wait3A_198 = arith.constant 0 : i32
      %dma_wait3A_199 = arith.constant 0 : i32
      %dma_wait3A_200 = tpu.memref_slice %arg11[%dma_wait3A_198, %dma_wait3A_199] : memref<5x80xi32, #tpu.memory_space<vmem>> -> memref<1x80xi32, #tpu.memory_space<vmem>>
      %dma_wait3A_201 = tpu.memref_squeeze %dma_wait3A_200 : memref<1x80xi32, #tpu.memory_space<vmem>> -> memref<80xi32, #tpu.memory_space<vmem>>
      %dma_wait3A_202 = arith.constant 0 : i32
      %dma_wait3A_203 = arith.constant 0 : i32
      %dma_wait3A_204 = tpu.memref_slice %arg7[%dma_wait3A_202, %dma_wait3A_203] : memref<256x16xf32, #tpu.memory_space<vmem_shared>> -> memref<256x16xf32, #tpu.memory_space<vmem_shared>>
      tpu.wait_indirect_dma semaphore(%arg20 : memref<!tpu.dma_semaphore, #tpu.memory_space<semaphore_mem>>) src(%arg12 : memref<80x16xf32, #tpu.memory_space<vmem>>) dst(%dma_wait3A_204 : memref<256x16xf32, #tpu.memory_space<vmem_shared>>)
      %dma_wait3A_205 = arith.constant 1 : i32
      %dma_wait3A_206 = arith.constant 80 : i32
      %dma_wait3A_207 = arith.constant 0 : i32
      %dma_wait3A_208 = tpu.memref_slice %arg14[%dma_wait3A_206, %dma_wait3A_207] : memref<400x128xf32, #tpu.memory_space<vmem>> -> memref<80x128xf32, #tpu.memory_space<vmem>>
      %dma_wait3A_209 = arith.constant 0 : i32
      %dma_wait3A_210 = tpu.memref_slice %arg11[%dma_wait3A_205, %dma_wait3A_209] : memref<5x80xi32, #tpu.memory_space<vmem>> -> memref<1x80xi32, #tpu.memory_space<vmem>>
      %dma_wait3A_211 = tpu.memref_squeeze %dma_wait3A_210 : memref<1x80xi32, #tpu.memory_space<vmem>> -> memref<80xi32, #tpu.memory_space<vmem>>
      %dma_wait3A_212 = arith.constant 0 : i32
      %dma_wait3A_213 = arith.constant 0 : i32
      %dma_wait3A_214 = tpu.memref_slice %arg6[%dma_wait3A_212, %dma_wait3A_213] : memref<256x128xf32, #tpu.memory_space<vmem_shared>> -> memref<256x128xf32, #tpu.memory_space<vmem_shared>>
      tpu.wait_indirect_dma semaphore(%arg20 : memref<!tpu.dma_semaphore, #tpu.memory_space<semaphore_mem>>) src(%dma_wait3A_208 : memref<80x128xf32, #tpu.memory_space<vmem>>) dst(%dma_wait3A_214 : memref<256x128xf32, #tpu.memory_space<vmem_shared>>)
      %dma_wait3A_215 = arith.constant 1 : i32
      %dma_wait3A_216 = arith.constant 0 : i32
      %dma_wait3A_217 = tpu.memref_slice %arg11[%dma_wait3A_215, %dma_wait3A_216] : memref<5x80xi32, #tpu.memory_space<vmem>> -> memref<1x80xi32, #tpu.memory_space<vmem>>
      %dma_wait3A_218 = tpu.memref_squeeze %dma_wait3A_217 : memref<1x80xi32, #tpu.memory_space<vmem>> -> memref<80xi32, #tpu.memory_space<vmem>>
      %dma_wait3A_219 = arith.constant 0 : i32
      %dma_wait3A_220 = arith.constant 0 : i32
      %dma_wait3A_221 = tpu.memref_slice %arg7[%dma_wait3A_219, %dma_wait3A_220] : memref<256x16xf32, #tpu.memory_space<vmem_shared>> -> memref<256x16xf32, #tpu.memory_space<vmem_shared>>
      tpu.wait_indirect_dma semaphore(%arg20 : memref<!tpu.dma_semaphore, #tpu.memory_space<semaphore_mem>>) src(%arg12 : memref<80x16xf32, #tpu.memory_space<vmem>>) dst(%dma_wait3A_221 : memref<256x16xf32, #tpu.memory_space<vmem_shared>>)
      %dma_wait3A_222 = arith.constant 2 : i32
      %dma_wait3A_223 = arith.constant 160 : i32
      %dma_wait3A_224 = arith.constant 0 : i32
      %dma_wait3A_225 = tpu.memref_slice %arg14[%dma_wait3A_223, %dma_wait3A_224] : memref<400x128xf32, #tpu.memory_space<vmem>> -> memref<80x128xf32, #tpu.memory_space<vmem>>
      %dma_wait3A_226 = arith.constant 0 : i32
      %dma_wait3A_227 = tpu.memref_slice %arg11[%dma_wait3A_222, %dma_wait3A_226] : memref<5x80xi32, #tpu.memory_space<vmem>> -> memref<1x80xi32, #tpu.memory_space<vmem>>
      %dma_wait3A_228 = tpu.memref_squeeze %dma_wait3A_227 : memref<1x80xi32, #tpu.memory_space<vmem>> -> memref<80xi32, #tpu.memory_space<vmem>>
      %dma_wait3A_229 = arith.constant 0 : i32
      %dma_wait3A_230 = arith.constant 0 : i32
      %dma_wait3A_231 = tpu.memref_slice %arg6[%dma_wait3A_229, %dma_wait3A_230] : memref<256x128xf32, #tpu.memory_space<vmem_shared>> -> memref<256x128xf32, #tpu.memory_space<vmem_shared>>
      tpu.wait_indirect_dma semaphore(%arg20 : memref<!tpu.dma_semaphore, #tpu.memory_space<semaphore_mem>>) src(%dma_wait3A_225 : memref<80x128xf32, #tpu.memory_space<vmem>>) dst(%dma_wait3A_231 : memref<256x128xf32, #tpu.memory_space<vmem_shared>>)
      %dma_wait3A_232 = arith.constant 2 : i32
      %dma_wait3A_233 = arith.constant 0 : i32
      %dma_wait3A_234 = tpu.memref_slice %arg11[%dma_wait3A_232, %dma_wait3A_233] : memref<5x80xi32, #tpu.memory_space<vmem>> -> memref<1x80xi32, #tpu.memory_space<vmem>>
      %dma_wait3A_235 = tpu.memref_squeeze %dma_wait3A_234 : memref<1x80xi32, #tpu.memory_space<vmem>> -> memref<80xi32, #tpu.memory_space<vmem>>
      %dma_wait3A_236 = arith.constant 0 : i32
      %dma_wait3A_237 = arith.constant 0 : i32
      %dma_wait3A_238 = tpu.memref_slice %arg7[%dma_wait3A_236, %dma_wait3A_237] : memref<256x16xf32, #tpu.memory_space<vmem_shared>> -> memref<256x16xf32, #tpu.memory_space<vmem_shared>>
      tpu.wait_indirect_dma semaphore(%arg20 : memref<!tpu.dma_semaphore, #tpu.memory_space<semaphore_mem>>) src(%arg12 : memref<80x16xf32, #tpu.memory_space<vmem>>) dst(%dma_wait3A_238 : memref<256x16xf32, #tpu.memory_space<vmem_shared>>)
      %dma_wait3A_239 = arith.constant 3 : i32
      %dma_wait3A_240 = arith.constant 240 : i32
      %dma_wait3A_241 = arith.constant 0 : i32
      %dma_wait3A_242 = tpu.memref_slice %arg14[%dma_wait3A_240, %dma_wait3A_241] : memref<400x128xf32, #tpu.memory_space<vmem>> -> memref<80x128xf32, #tpu.memory_space<vmem>>
      %dma_wait3A_243 = arith.constant 0 : i32
      %dma_wait3A_244 = tpu.memref_slice %arg11[%dma_wait3A_239, %dma_wait3A_243] : memref<5x80xi32, #tpu.memory_space<vmem>> -> memref<1x80xi32, #tpu.memory_space<vmem>>
      %dma_wait3A_245 = tpu.memref_squeeze %dma_wait3A_244 : memref<1x80xi32, #tpu.memory_space<vmem>> -> memref<80xi32, #tpu.memory_space<vmem>>
      %dma_wait3A_246 = arith.constant 0 : i32
      %dma_wait3A_247 = arith.constant 0 : i32
      %dma_wait3A_248 = tpu.memref_slice %arg6[%dma_wait3A_246, %dma_wait3A_247] : memref<256x128xf32, #tpu.memory_space<vmem_shared>> -> memref<256x128xf32, #tpu.memory_space<vmem_shared>>
      tpu.wait_indirect_dma semaphore(%arg20 : memref<!tpu.dma_semaphore, #tpu.memory_space<semaphore_mem>>) src(%dma_wait3A_242 : memref<80x128xf32, #tpu.memory_space<vmem>>) dst(%dma_wait3A_248 : memref<256x128xf32, #tpu.memory_space<vmem_shared>>)
      %dma_wait3A_249 = arith.constant 3 : i32
      %dma_wait3A_250 = arith.constant 0 : i32
      %dma_wait3A_251 = tpu.memref_slice %arg11[%dma_wait3A_249, %dma_wait3A_250] : memref<5x80xi32, #tpu.memory_space<vmem>> -> memref<1x80xi32, #tpu.memory_space<vmem>>
      %dma_wait3A_252 = tpu.memref_squeeze %dma_wait3A_251 : memref<1x80xi32, #tpu.memory_space<vmem>> -> memref<80xi32, #tpu.memory_space<vmem>>
      %dma_wait3A_253 = arith.constant 0 : i32
      %dma_wait3A_254 = arith.constant 0 : i32
      %dma_wait3A_255 = tpu.memref_slice %arg7[%dma_wait3A_253, %dma_wait3A_254] : memref<256x16xf32, #tpu.memory_space<vmem_shared>> -> memref<256x16xf32, #tpu.memory_space<vmem_shared>>
      tpu.wait_indirect_dma semaphore(%arg20 : memref<!tpu.dma_semaphore, #tpu.memory_space<semaphore_mem>>) src(%arg12 : memref<80x16xf32, #tpu.memory_space<vmem>>) dst(%dma_wait3A_255 : memref<256x16xf32, #tpu.memory_space<vmem_shared>>)
      %dma_wait3A_256 = arith.constant 4 : i32
      %dma_wait3A_257 = arith.constant 320 : i32
      %dma_wait3A_258 = arith.constant 0 : i32
      %dma_wait3A_259 = tpu.memref_slice %arg14[%dma_wait3A_257, %dma_wait3A_258] : memref<400x128xf32, #tpu.memory_space<vmem>> -> memref<80x128xf32, #tpu.memory_space<vmem>>
      %dma_wait3A_260 = arith.constant 0 : i32
      %dma_wait3A_261 = tpu.memref_slice %arg11[%dma_wait3A_256, %dma_wait3A_260] : memref<5x80xi32, #tpu.memory_space<vmem>> -> memref<1x80xi32, #tpu.memory_space<vmem>>
      %dma_wait3A_262 = tpu.memref_squeeze %dma_wait3A_261 : memref<1x80xi32, #tpu.memory_space<vmem>> -> memref<80xi32, #tpu.memory_space<vmem>>
      %dma_wait3A_263 = arith.constant 0 : i32
      %dma_wait3A_264 = arith.constant 0 : i32
      %dma_wait3A_265 = tpu.memref_slice %arg6[%dma_wait3A_263, %dma_wait3A_264] : memref<256x128xf32, #tpu.memory_space<vmem_shared>> -> memref<256x128xf32, #tpu.memory_space<vmem_shared>>
      tpu.wait_indirect_dma semaphore(%arg20 : memref<!tpu.dma_semaphore, #tpu.memory_space<semaphore_mem>>) src(%dma_wait3A_259 : memref<80x128xf32, #tpu.memory_space<vmem>>) dst(%dma_wait3A_265 : memref<256x128xf32, #tpu.memory_space<vmem_shared>>)
      %dma_wait3A_266 = arith.constant 4 : i32
      %dma_wait3A_267 = arith.constant 0 : i32
      %dma_wait3A_268 = tpu.memref_slice %arg11[%dma_wait3A_266, %dma_wait3A_267] : memref<5x80xi32, #tpu.memory_space<vmem>> -> memref<1x80xi32, #tpu.memory_space<vmem>>
      %dma_wait3A_269 = tpu.memref_squeeze %dma_wait3A_268 : memref<1x80xi32, #tpu.memory_space<vmem>> -> memref<80xi32, #tpu.memory_space<vmem>>
      %dma_wait3A_270 = arith.constant 0 : i32
      %dma_wait3A_271 = arith.constant 0 : i32
      %dma_wait3A_272 = tpu.memref_slice %arg7[%dma_wait3A_270, %dma_wait3A_271] : memref<256x16xf32, #tpu.memory_space<vmem_shared>> -> memref<256x16xf32, #tpu.memory_space<vmem_shared>>
      tpu.wait_indirect_dma semaphore(%arg20 : memref<!tpu.dma_semaphore, #tpu.memory_space<semaphore_mem>>) src(%arg12 : memref<80x16xf32, #tpu.memory_space<vmem>>) dst(%dma_wait3A_272 : memref<256x16xf32, #tpu.memory_space<vmem_shared>>)
    } else {
    }
    %add3A_107 = arith.constant 160 : i32
    %add3A_108 = arith.addi %add3A, %add3A_107 : i32
    %lt3A_109 = arith.constant 250 : i32
    %lt3A_110 = arith.cmpi slt, %add3A_108, %lt3A_109 : i32
    %convert_element_type3A_111 = arith.extui %lt3A_110 : i1 to i32
    %cond3A_112 = arith.constant 0 : i32
    %cond3A_113 = arith.cmpi ne, %convert_element_type3A_111, %cond3A_112 : i32
    scf.if %cond3A_113 {
      %mul3A_189 = arith.constant 400 : i32
      %mul3A_190 = arith.muli %add3A_108, %mul3A_189 : i32
      %dma_start3A = arith.constant 0 : i32
      %dma_start3A_191 = tpu.memref_slice %arg2[%mul3A_190, %dma_start3A] : memref<100000x128xf32, #tpu.memory_space<hbm>> -> memref<400x128xf32, #tpu.memory_space<hbm>>
      %dma_start3A_192 = arith.constant 0 : i32
      %dma_start3A_193 = tpu.memref_slice %arg2[%mul3A_190, %dma_start3A_192] : memref<100000x128xf32, #tpu.memory_space<hbm>> -> memref<400x128xf32, #tpu.memory_space<hbm>>
      tpu.enqueue_dma source(%dma_start3A_193 : memref<400x128xf32, #tpu.memory_space<hbm>>) target(%arg14 : memref<400x128xf32, #tpu.memory_space<vmem>>) target_semaphore(%arg18 : memref<!tpu.dma_semaphore, #tpu.memory_space<semaphore_mem>>)
      %mul3A_194 = arith.constant 400 : i32
      %mul3A_195 = arith.muli %add3A_108, %mul3A_194 : i32
      %dma_start3A_196 = tpu.memref_slice %arg3[%mul3A_195] : memref<100000xi32, #tpu.memory_space<hbm>> -> memref<400xi32, #tpu.memory_space<hbm>>
      %dma_start3A_197 = tpu.memref_slice %arg3[%mul3A_195] : memref<100000xi32, #tpu.memory_space<hbm>> -> memref<400xi32, #tpu.memory_space<hbm>>
      tpu.enqueue_dma source(%dma_start3A_197 : memref<400xi32, #tpu.memory_space<hbm>>) target(%arg9 : memref<400xi32, #tpu.memory_space<vmem>>) target_semaphore(%arg16 : memref<!tpu.dma_semaphore, #tpu.memory_space<semaphore_mem>>)
    } else {
    }
    %add3A_114 = arith.constant 128 : i32
    %add3A_115 = arith.addi %add3A, %add3A_114 : i32
    %lt3A_116 = arith.constant 250 : i32
    %lt3A_117 = arith.cmpi slt, %add3A_115, %lt3A_116 : i32
    %convert_element_type3A_118 = arith.extui %lt3A_117 : i1 to i32
    %cond3A_119 = arith.constant 0 : i32
    %cond3A_120 = arith.cmpi ne, %convert_element_type3A_118, %cond3A_119 : i32
    scf.if %cond3A_120 {
      %mul3A_189 = arith.constant 400 : i32
      %mul3A_190 = arith.muli %add3A_115, %mul3A_189 : i32
      %dma_wait3A = tpu.memref_slice %arg3[%mul3A_190] : memref<100000xi32, #tpu.memory_space<hbm>> -> memref<400xi32, #tpu.memory_space<hbm>>
      %dma_wait3A_191 = tpu.memref_slice %arg3[%mul3A_190] : memref<100000xi32, #tpu.memory_space<hbm>> -> memref<400xi32, #tpu.memory_space<hbm>>
      tpu.wait_dma2 semaphore(%arg15 : memref<!tpu.dma_semaphore, #tpu.memory_space<semaphore_mem>>) src(%dma_wait3A_191 : memref<400xi32, #tpu.memory_space<hbm>>) dst(%arg8 : memref<400xi32, #tpu.memory_space<vmem>>)
      %get3A = arith.constant 0 : index
      %get3A_192 = tpu.vector_load %arg8[%get3A] {strides = array<i32>} : memref<400xi32, #tpu.memory_space<vmem>>, vector<16xi32>,
      %get3A_193 = vector.shape_cast %get3A_192 : vector<16xi32> to vector<16xi32>
      %swap3A = arith.constant 0 : i32
      %swap3A_194 = arith.index_cast %swap3A : i32 to index
      %swap3A_195 = arith.constant 0 : index
      %swap3A_196 = tpu.vector_load %arg10[%swap3A_194, %swap3A_195] {strides = array<i32>} : memref<5x80xi32, #tpu.memory_space<vmem>>, vector<1x16xi32>,
      %swap3A_197 = vector.shape_cast %swap3A_196 : vector<1x16xi32> to vector<16xi32>
      %swap3A_198 = vector.shape_cast %get3A_193 : vector<16xi32> to vector<1x16xi32>
      tpu.vector_store %arg10[%swap3A_194, %swap3A_195], %swap3A_198 {strides = array<i32>} : memref<5x80xi32, #tpu.memory_space<vmem>>, vector<1x16xi32>,
      %get3A_199 = arith.constant 16 : index
      %get3A_200 = tpu.vector_load %arg8[%get3A_199] {strides = array<i32>} : memref<400xi32, #tpu.memory_space<vmem>>, vector<16xi32>,
      %get3A_201 = vector.shape_cast %get3A_200 : vector<16xi32> to vector<16xi32>
      %swap3A_202 = arith.constant 0 : i32
      %swap3A_203 = arith.index_cast %swap3A_202 : i32 to index
      %swap3A_204 = arith.constant 16 : index
      %swap3A_205 = tpu.vector_load %arg10[%swap3A_203, %swap3A_204] {strides = array<i32>} : memref<5x80xi32, #tpu.memory_space<vmem>>, vector<1x16xi32>,
      %swap3A_206 = vector.shape_cast %swap3A_205 : vector<1x16xi32> to vector<16xi32>
      %swap3A_207 = vector.shape_cast %get3A_201 : vector<16xi32> to vector<1x16xi32>
      tpu.vector_store %arg10[%swap3A_203, %swap3A_204], %swap3A_207 {strides = array<i32>} : memref<5x80xi32, #tpu.memory_space<vmem>>, vector<1x16xi32>,
      %get3A_208 = arith.constant 32 : index
      %get3A_209 = tpu.vector_load %arg8[%get3A_208] {strides = array<i32>} : memref<400xi32, #tpu.memory_space<vmem>>, vector<16xi32>,
      %get3A_210 = vector.shape_cast %get3A_209 : vector<16xi32> to vector<16xi32>
      %swap3A_211 = arith.constant 0 : i32
      %swap3A_212 = arith.index_cast %swap3A_211 : i32 to index
      %swap3A_213 = arith.constant 32 : index
      %swap3A_214 = tpu.vector_load %arg10[%swap3A_212, %swap3A_213] {strides = array<i32>} : memref<5x80xi32, #tpu.memory_space<vmem>>, vector<1x16xi32>,
      %swap3A_215 = vector.shape_cast %swap3A_214 : vector<1x16xi32> to vector<16xi32>
      %swap3A_216 = vector.shape_cast %get3A_210 : vector<16xi32> to vector<1x16xi32>
      tpu.vector_store %arg10[%swap3A_212, %swap3A_213], %swap3A_216 {strides = array<i32>} : memref<5x80xi32, #tpu.memory_space<vmem>>, vector<1x16xi32>,
      %get3A_217 = arith.constant 48 : index
      %get3A_218 = tpu.vector_load %arg8[%get3A_217] {strides = array<i32>} : memref<400xi32, #tpu.memory_space<vmem>>, vector<16xi32>,
      %get3A_219 = vector.shape_cast %get3A_218 : vector<16xi32> to vector<16xi32>
      %swap3A_220 = arith.constant 0 : i32
      %swap3A_221 = arith.index_cast %swap3A_220 : i32 to index
      %swap3A_222 = arith.constant 48 : index
      %swap3A_223 = tpu.vector_load %arg10[%swap3A_221, %swap3A_222] {strides = array<i32>} : memref<5x80xi32, #tpu.memory_space<vmem>>, vector<1x16xi32>,
      %swap3A_224 = vector.shape_cast %swap3A_223 : vector<1x16xi32> to vector<16xi32>
      %swap3A_225 = vector.shape_cast %get3A_219 : vector<16xi32> to vector<1x16xi32>
      tpu.vector_store %arg10[%swap3A_221, %swap3A_222], %swap3A_225 {strides = array<i32>} : memref<5x80xi32, #tpu.memory_space<vmem>>, vector<1x16xi32>,
      %get3A_226 = arith.constant 64 : index
      %get3A_227 = tpu.vector_load %arg8[%get3A_226] {strides = array<i32>} : memref<400xi32, #tpu.memory_space<vmem>>, vector<16xi32>,
      %get3A_228 = vector.shape_cast %get3A_227 : vector<16xi32> to vector<16xi32>
      %swap3A_229 = arith.constant 0 : i32
      %swap3A_230 = arith.index_cast %swap3A_229 : i32 to index
      %swap3A_231 = arith.constant 64 : index
      %swap3A_232 = tpu.vector_load %arg10[%swap3A_230, %swap3A_231] {strides = array<i32>} : memref<5x80xi32, #tpu.memory_space<vmem>>, vector<1x16xi32>,
      %swap3A_233 = vector.shape_cast %swap3A_232 : vector<1x16xi32> to vector<16xi32>
      %swap3A_234 = vector.shape_cast %get3A_228 : vector<16xi32> to vector<1x16xi32>
      tpu.vector_store %arg10[%swap3A_230, %swap3A_231], %swap3A_234 {strides = array<i32>} : memref<5x80xi32, #tpu.memory_space<vmem>>, vector<1x16xi32>,
      %get3A_235 = arith.constant 80 : index
      %get3A_236 = tpu.vector_load %arg8[%get3A_235] {strides = array<i32>} : memref<400xi32, #tpu.memory_space<vmem>>, vector<16xi32>,
      %get3A_237 = vector.shape_cast %get3A_236 : vector<16xi32> to vector<16xi32>
      %swap3A_238 = arith.constant 1 : i32
      %swap3A_239 = arith.index_cast %swap3A_238 : i32 to index
      %swap3A_240 = arith.constant 0 : index
      %swap3A_241 = tpu.vector_load %arg10[%swap3A_239, %swap3A_240] {strides = array<i32>} : memref<5x80xi32, #tpu.memory_space<vmem>>, vector<1x16xi32>,
      %swap3A_242 = vector.shape_cast %swap3A_241 : vector<1x16xi32> to vector<16xi32>
      %swap3A_243 = vector.shape_cast %get3A_237 : vector<16xi32> to vector<1x16xi32>
      tpu.vector_store %arg10[%swap3A_239, %swap3A_240], %swap3A_243 {strides = array<i32>} : memref<5x80xi32, #tpu.memory_space<vmem>>, vector<1x16xi32>,
      %get3A_244 = arith.constant 96 : index
      %get3A_245 = tpu.vector_load %arg8[%get3A_244] {strides = array<i32>} : memref<400xi32, #tpu.memory_space<vmem>>, vector<16xi32>,
      %get3A_246 = vector.shape_cast %get3A_245 : vector<16xi32> to vector<16xi32>
      %swap3A_247 = arith.constant 1 : i32
      %swap3A_248 = arith.index_cast %swap3A_247 : i32 to index
      %swap3A_249 = arith.constant 16 : index
      %swap3A_250 = tpu.vector_load %arg10[%swap3A_248, %swap3A_249] {strides = array<i32>} : memref<5x80xi32, #tpu.memory_space<vmem>>, vector<1x16xi32>,
      %swap3A_251 = vector.shape_cast %swap3A_250 : vector<1x16xi32> to vector<16xi32>
      %swap3A_252 = vector.shape_cast %get3A_246 : vector<16xi32> to vector<1x16xi32>
      tpu.vector_store %arg10[%swap3A_248, %swap3A_249], %swap3A_252 {strides = array<i32>} : memref<5x80xi32, #tpu.memory_space<vmem>>, vector<1x16xi32>,
      %get3A_253 = arith.constant 112 : index
      %get3A_254 = tpu.vector_load %arg8[%get3A_253] {strides = array<i32>} : memref<400xi32, #tpu.memory_space<vmem>>, vector<16xi32>,
      %get3A_255 = vector.shape_cast %get3A_254 : vector<16xi32> to vector<16xi32>
      %swap3A_256 = arith.constant 1 : i32
      %swap3A_257 = arith.index_cast %swap3A_256 : i32 to index
      %swap3A_258 = arith.constant 32 : index
      %swap3A_259 = tpu.vector_load %arg10[%swap3A_257, %swap3A_258] {strides = array<i32>} : memref<5x80xi32, #tpu.memory_space<vmem>>, vector<1x16xi32>,
      %swap3A_260 = vector.shape_cast %swap3A_259 : vector<1x16xi32> to vector<16xi32>
      %swap3A_261 = vector.shape_cast %get3A_255 : vector<16xi32> to vector<1x16xi32>
      tpu.vector_store %arg10[%swap3A_257, %swap3A_258], %swap3A_261 {strides = array<i32>} : memref<5x80xi32, #tpu.memory_space<vmem>>, vector<1x16xi32>,
      %get3A_262 = arith.constant 128 : index
      %get3A_263 = tpu.vector_load %arg8[%get3A_262] {strides = array<i32>} : memref<400xi32, #tpu.memory_space<vmem>>, vector<16xi32>,
      %get3A_264 = vector.shape_cast %get3A_263 : vector<16xi32> to vector<16xi32>
      %swap3A_265 = arith.constant 1 : i32
      %swap3A_266 = arith.index_cast %swap3A_265 : i32 to index
      %swap3A_267 = arith.constant 48 : index
      %swap3A_268 = tpu.vector_load %arg10[%swap3A_266, %swap3A_267] {strides = array<i32>} : memref<5x80xi32, #tpu.memory_space<vmem>>, vector<1x16xi32>,
      %swap3A_269 = vector.shape_cast %swap3A_268 : vector<1x16xi32> to vector<16xi32>
      %swap3A_270 = vector.shape_cast %get3A_264 : vector<16xi32> to vector<1x16xi32>
      tpu.vector_store %arg10[%swap3A_266, %swap3A_267], %swap3A_270 {strides = array<i32>} : memref<5x80xi32, #tpu.memory_space<vmem>>, vector<1x16xi32>,
      %get3A_271 = arith.constant 144 : index
      %get3A_272 = tpu.vector_load %arg8[%get3A_271] {strides = array<i32>} : memref<400xi32, #tpu.memory_space<vmem>>, vector<16xi32>,
      %get3A_273 = vector.shape_cast %get3A_272 : vector<16xi32> to vector<16xi32>
      %swap3A_274 = arith.constant 1 : i32
      %swap3A_275 = arith.index_cast %swap3A_274 : i32 to index
      %swap3A_276 = arith.constant 64 : index
      %swap3A_277 = tpu.vector_load %arg10[%swap3A_275, %swap3A_276] {strides = array<i32>} : memref<5x80xi32, #tpu.memory_space<vmem>>, vector<1x16xi32>,
      %swap3A_278 = vector.shape_cast %swap3A_277 : vector<1x16xi32> to vector<16xi32>
      %swap3A_279 = vector.shape_cast %get3A_273 : vector<16xi32> to vector<1x16xi32>
      tpu.vector_store %arg10[%swap3A_275, %swap3A_276], %swap3A_279 {strides = array<i32>} : memref<5x80xi32, #tpu.memory_space<vmem>>, vector<1x16xi32>,
      %get3A_280 = arith.constant 160 : index
      %get3A_281 = tpu.vector_load %arg8[%get3A_280] {strides = array<i32>} : memref<400xi32, #tpu.memory_space<vmem>>, vector<16xi32>,
      %get3A_282 = vector.shape_cast %get3A_281 : vector<16xi32> to vector<16xi32>
      %swap3A_283 = arith.constant 2 : i32
      %swap3A_284 = arith.index_cast %swap3A_283 : i32 to index
      %swap3A_285 = arith.constant 0 : index
      %swap3A_286 = tpu.vector_load %arg10[%swap3A_284, %swap3A_285] {strides = array<i32>} : memref<5x80xi32, #tpu.memory_space<vmem>>, vector<1x16xi32>,
      %swap3A_287 = vector.shape_cast %swap3A_286 : vector<1x16xi32> to vector<16xi32>
      %swap3A_288 = vector.shape_cast %get3A_282 : vector<16xi32> to vector<1x16xi32>
      tpu.vector_store %arg10[%swap3A_284, %swap3A_285], %swap3A_288 {strides = array<i32>} : memref<5x80xi32, #tpu.memory_space<vmem>>, vector<1x16xi32>,
      %get3A_289 = arith.constant 176 : index
      %get3A_290 = tpu.vector_load %arg8[%get3A_289] {strides = array<i32>} : memref<400xi32, #tpu.memory_space<vmem>>, vector<16xi32>,
      %get3A_291 = vector.shape_cast %get3A_290 : vector<16xi32> to vector<16xi32>
      %swap3A_292 = arith.constant 2 : i32
      %swap3A_293 = arith.index_cast %swap3A_292 : i32 to index
      %swap3A_294 = arith.constant 16 : index
      %swap3A_295 = tpu.vector_load %arg10[%swap3A_293, %swap3A_294] {strides = array<i32>} : memref<5x80xi32, #tpu.memory_space<vmem>>, vector<1x16xi32>,
      %swap3A_296 = vector.shape_cast %swap3A_295 : vector<1x16xi32> to vector<16xi32>
      %swap3A_297 = vector.shape_cast %get3A_291 : vector<16xi32> to vector<1x16xi32>
      tpu.vector_store %arg10[%swap3A_293, %swap3A_294], %swap3A_297 {strides = array<i32>} : memref<5x80xi32, #tpu.memory_space<vmem>>, vector<1x16xi32>,
      %get3A_298 = arith.constant 192 : index
      %get3A_299 = tpu.vector_load %arg8[%get3A_298] {strides = array<i32>} : memref<400xi32, #tpu.memory_space<vmem>>, vector<16xi32>,
      %get3A_300 = vector.shape_cast %get3A_299 : vector<16xi32> to vector<16xi32>
      %swap3A_301 = arith.constant 2 : i32
      %swap3A_302 = arith.index_cast %swap3A_301 : i32 to index
      %swap3A_303 = arith.constant 32 : index
      %swap3A_304 = tpu.vector_load %arg10[%swap3A_302, %swap3A_303] {strides = array<i32>} : memref<5x80xi32, #tpu.memory_space<vmem>>, vector<1x16xi32>,
      %swap3A_305 = vector.shape_cast %swap3A_304 : vector<1x16xi32> to vector<16xi32>
      %swap3A_306 = vector.shape_cast %get3A_300 : vector<16xi32> to vector<1x16xi32>
      tpu.vector_store %arg10[%swap3A_302, %swap3A_303], %swap3A_306 {strides = array<i32>} : memref<5x80xi32, #tpu.memory_space<vmem>>, vector<1x16xi32>,
      %get3A_307 = arith.constant 208 : index
      %get3A_308 = tpu.vector_load %arg8[%get3A_307] {strides = array<i32>} : memref<400xi32, #tpu.memory_space<vmem>>, vector<16xi32>,
      %get3A_309 = vector.shape_cast %get3A_308 : vector<16xi32> to vector<16xi32>
      %swap3A_310 = arith.constant 2 : i32
      %swap3A_311 = arith.index_cast %swap3A_310 : i32 to index
      %swap3A_312 = arith.constant 48 : index
      %swap3A_313 = tpu.vector_load %arg10[%swap3A_311, %swap3A_312] {strides = array<i32>} : memref<5x80xi32, #tpu.memory_space<vmem>>, vector<1x16xi32>,
      %swap3A_314 = vector.shape_cast %swap3A_313 : vector<1x16xi32> to vector<16xi32>
      %swap3A_315 = vector.shape_cast %get3A_309 : vector<16xi32> to vector<1x16xi32>
      tpu.vector_store %arg10[%swap3A_311, %swap3A_312], %swap3A_315 {strides = array<i32>} : memref<5x80xi32, #tpu.memory_space<vmem>>, vector<1x16xi32>,
      %get3A_316 = arith.constant 224 : index
      %get3A_317 = tpu.vector_load %arg8[%get3A_316] {strides = array<i32>} : memref<400xi32, #tpu.memory_space<vmem>>, vector<16xi32>,
      %get3A_318 = vector.shape_cast %get3A_317 : vector<16xi32> to vector<16xi32>
      %swap3A_319 = arith.constant 2 : i32
      %swap3A_320 = arith.index_cast %swap3A_319 : i32 to index
      %swap3A_321 = arith.constant 64 : index
      %swap3A_322 = tpu.vector_load %arg10[%swap3A_320, %swap3A_321] {strides = array<i32>} : memref<5x80xi32, #tpu.memory_space<vmem>>, vector<1x16xi32>,
      %swap3A_323 = vector.shape_cast %swap3A_322 : vector<1x16xi32> to vector<16xi32>
      %swap3A_324 = vector.shape_cast %get3A_318 : vector<16xi32> to vector<1x16xi32>
      tpu.vector_store %arg10[%swap3A_320, %swap3A_321], %swap3A_324 {strides = array<i32>} : memref<5x80xi32, #tpu.memory_space<vmem>>, vector<1x16xi32>,
      %get3A_325 = arith.constant 240 : index
      %get3A_326 = tpu.vector_load %arg8[%get3A_325] {strides = array<i32>} : memref<400xi32, #tpu.memory_space<vmem>>, vector<16xi32>,
      %get3A_327 = vector.shape_cast %get3A_326 : vector<16xi32> to vector<16xi32>
      %swap3A_328 = arith.constant 3 : i32
      %swap3A_329 = arith.index_cast %swap3A_328 : i32 to index
      %swap3A_330 = arith.constant 0 : index
      %swap3A_331 = tpu.vector_load %arg10[%swap3A_329, %swap3A_330] {strides = array<i32>} : memref<5x80xi32, #tpu.memory_space<vmem>>, vector<1x16xi32>,
      %swap3A_332 = vector.shape_cast %swap3A_331 : vector<1x16xi32> to vector<16xi32>
      %swap3A_333 = vector.shape_cast %get3A_327 : vector<16xi32> to vector<1x16xi32>
      tpu.vector_store %arg10[%swap3A_329, %swap3A_330], %swap3A_333 {strides = array<i32>} : memref<5x80xi32, #tpu.memory_space<vmem>>, vector<1x16xi32>,
      %get3A_334 = arith.constant 256 : index
      %get3A_335 = tpu.vector_load %arg8[%get3A_334] {strides = array<i32>} : memref<400xi32, #tpu.memory_space<vmem>>, vector<16xi32>,
      %get3A_336 = vector.shape_cast %get3A_335 : vector<16xi32> to vector<16xi32>
      %swap3A_337 = arith.constant 3 : i32
      %swap3A_338 = arith.index_cast %swap3A_337 : i32 to index
      %swap3A_339 = arith.constant 16 : index
      %swap3A_340 = tpu.vector_load %arg10[%swap3A_338, %swap3A_339] {strides = array<i32>} : memref<5x80xi32, #tpu.memory_space<vmem>>, vector<1x16xi32>,
      %swap3A_341 = vector.shape_cast %swap3A_340 : vector<1x16xi32> to vector<16xi32>
      %swap3A_342 = vector.shape_cast %get3A_336 : vector<16xi32> to vector<1x16xi32>
      tpu.vector_store %arg10[%swap3A_338, %swap3A_339], %swap3A_342 {strides = array<i32>} : memref<5x80xi32, #tpu.memory_space<vmem>>, vector<1x16xi32>,
      %get3A_343 = arith.constant 272 : index
      %get3A_344 = tpu.vector_load %arg8[%get3A_343] {strides = array<i32>} : memref<400xi32, #tpu.memory_space<vmem>>, vector<16xi32>,
      %get3A_345 = vector.shape_cast %get3A_344 : vector<16xi32> to vector<16xi32>
      %swap3A_346 = arith.constant 3 : i32
      %swap3A_347 = arith.index_cast %swap3A_346 : i32 to index
      %swap3A_348 = arith.constant 32 : index
      %swap3A_349 = tpu.vector_load %arg10[%swap3A_347, %swap3A_348] {strides = array<i32>} : memref<5x80xi32, #tpu.memory_space<vmem>>, vector<1x16xi32>,
      %swap3A_350 = vector.shape_cast %swap3A_349 : vector<1x16xi32> to vector<16xi32>
      %swap3A_351 = vector.shape_cast %get3A_345 : vector<16xi32> to vector<1x16xi32>
      tpu.vector_store %arg10[%swap3A_347, %swap3A_348], %swap3A_351 {strides = array<i32>} : memref<5x80xi32, #tpu.memory_space<vmem>>, vector<1x16xi32>,
      %get3A_352 = arith.constant 288 : index
      %get3A_353 = tpu.vector_load %arg8[%get3A_352] {strides = array<i32>} : memref<400xi32, #tpu.memory_space<vmem>>, vector<16xi32>,
      %get3A_354 = vector.shape_cast %get3A_353 : vector<16xi32> to vector<16xi32>
      %swap3A_355 = arith.constant 3 : i32
      %swap3A_356 = arith.index_cast %swap3A_355 : i32 to index
      %swap3A_357 = arith.constant 48 : index
      %swap3A_358 = tpu.vector_load %arg10[%swap3A_356, %swap3A_357] {strides = array<i32>} : memref<5x80xi32, #tpu.memory_space<vmem>>, vector<1x16xi32>,
      %swap3A_359 = vector.shape_cast %swap3A_358 : vector<1x16xi32> to vector<16xi32>
      %swap3A_360 = vector.shape_cast %get3A_354 : vector<16xi32> to vector<1x16xi32>
      tpu.vector_store %arg10[%swap3A_356, %swap3A_357], %swap3A_360 {strides = array<i32>} : memref<5x80xi32, #tpu.memory_space<vmem>>, vector<1x16xi32>,
      %get3A_361 = arith.constant 304 : index
      %get3A_362 = tpu.vector_load %arg8[%get3A_361] {strides = array<i32>} : memref<400xi32, #tpu.memory_space<vmem>>, vector<16xi32>,
      %get3A_363 = vector.shape_cast %get3A_362 : vector<16xi32> to vector<16xi32>
      %swap3A_364 = arith.constant 3 : i32
      %swap3A_365 = arith.index_cast %swap3A_364 : i32 to index
      %swap3A_366 = arith.constant 64 : index
      %swap3A_367 = tpu.vector_load %arg10[%swap3A_365, %swap3A_366] {strides = array<i32>} : memref<5x80xi32, #tpu.memory_space<vmem>>, vector<1x16xi32>,
      %swap3A_368 = vector.shape_cast %swap3A_367 : vector<1x16xi32> to vector<16xi32>
      %swap3A_369 = vector.shape_cast %get3A_363 : vector<16xi32> to vector<1x16xi32>
      tpu.vector_store %arg10[%swap3A_365, %swap3A_366], %swap3A_369 {strides = array<i32>} : memref<5x80xi32, #tpu.memory_space<vmem>>, vector<1x16xi32>,
      %get3A_370 = arith.constant 320 : index
      %get3A_371 = tpu.vector_load %arg8[%get3A_370] {strides = array<i32>} : memref<400xi32, #tpu.memory_space<vmem>>, vector<16xi32>,
      %get3A_372 = vector.shape_cast %get3A_371 : vector<16xi32> to vector<16xi32>
      %swap3A_373 = arith.constant 4 : i32
      %swap3A_374 = arith.index_cast %swap3A_373 : i32 to index
      %swap3A_375 = arith.constant 0 : index
      %swap3A_376 = tpu.vector_load %arg10[%swap3A_374, %swap3A_375] {strides = array<i32>} : memref<5x80xi32, #tpu.memory_space<vmem>>, vector<1x16xi32>,
      %swap3A_377 = vector.shape_cast %swap3A_376 : vector<1x16xi32> to vector<16xi32>
      %swap3A_378 = vector.shape_cast %get3A_372 : vector<16xi32> to vector<1x16xi32>
      tpu.vector_store %arg10[%swap3A_374, %swap3A_375], %swap3A_378 {strides = array<i32>} : memref<5x80xi32, #tpu.memory_space<vmem>>, vector<1x16xi32>,
      %get3A_379 = arith.constant 336 : index
      %get3A_380 = tpu.vector_load %arg8[%get3A_379] {strides = array<i32>} : memref<400xi32, #tpu.memory_space<vmem>>, vector<16xi32>,
      %get3A_381 = vector.shape_cast %get3A_380 : vector<16xi32> to vector<16xi32>
      %swap3A_382 = arith.constant 4 : i32
      %swap3A_383 = arith.index_cast %swap3A_382 : i32 to index
      %swap3A_384 = arith.constant 16 : index
      %swap3A_385 = tpu.vector_load %arg10[%swap3A_383, %swap3A_384] {strides = array<i32>} : memref<5x80xi32, #tpu.memory_space<vmem>>, vector<1x16xi32>,
      %swap3A_386 = vector.shape_cast %swap3A_385 : vector<1x16xi32> to vector<16xi32>
      %swap3A_387 = vector.shape_cast %get3A_381 : vector<16xi32> to vector<1x16xi32>
      tpu.vector_store %arg10[%swap3A_383, %swap3A_384], %swap3A_387 {strides = array<i32>} : memref<5x80xi32, #tpu.memory_space<vmem>>, vector<1x16xi32>,
      %get3A_388 = arith.constant 352 : index
      %get3A_389 = tpu.vector_load %arg8[%get3A_388] {strides = array<i32>} : memref<400xi32, #tpu.memory_space<vmem>>, vector<16xi32>,
      %get3A_390 = vector.shape_cast %get3A_389 : vector<16xi32> to vector<16xi32>
      %swap3A_391 = arith.constant 4 : i32
      %swap3A_392 = arith.index_cast %swap3A_391 : i32 to index
      %swap3A_393 = arith.constant 32 : index
      %swap3A_394 = tpu.vector_load %arg10[%swap3A_392, %swap3A_393] {strides = array<i32>} : memref<5x80xi32, #tpu.memory_space<vmem>>, vector<1x16xi32>,
      %swap3A_395 = vector.shape_cast %swap3A_394 : vector<1x16xi32> to vector<16xi32>
      %swap3A_396 = vector.shape_cast %get3A_390 : vector<16xi32> to vector<1x16xi32>
      tpu.vector_store %arg10[%swap3A_392, %swap3A_393], %swap3A_396 {strides = array<i32>} : memref<5x80xi32, #tpu.memory_space<vmem>>, vector<1x16xi32>,
      %get3A_397 = arith.constant 368 : index
      %get3A_398 = tpu.vector_load %arg8[%get3A_397] {strides = array<i32>} : memref<400xi32, #tpu.memory_space<vmem>>, vector<16xi32>,
      %get3A_399 = vector.shape_cast %get3A_398 : vector<16xi32> to vector<16xi32>
      %swap3A_400 = arith.constant 4 : i32
      %swap3A_401 = arith.index_cast %swap3A_400 : i32 to index
      %swap3A_402 = arith.constant 48 : index
      %swap3A_403 = tpu.vector_load %arg10[%swap3A_401, %swap3A_402] {strides = array<i32>} : memref<5x80xi32, #tpu.memory_space<vmem>>, vector<1x16xi32>,
      %swap3A_404 = vector.shape_cast %swap3A_403 : vector<1x16xi32> to vector<16xi32>
      %swap3A_405 = vector.shape_cast %get3A_399 : vector<16xi32> to vector<1x16xi32>
      tpu.vector_store %arg10[%swap3A_401, %swap3A_402], %swap3A_405 {strides = array<i32>} : memref<5x80xi32, #tpu.memory_space<vmem>>, vector<1x16xi32>,
      %get3A_406 = arith.constant 384 : index
      %get3A_407 = tpu.vector_load %arg8[%get3A_406] {strides = array<i32>} : memref<400xi32, #tpu.memory_space<vmem>>, vector<16xi32>,
      %get3A_408 = vector.shape_cast %get3A_407 : vector<16xi32> to vector<16xi32>
      %swap3A_409 = arith.constant 4 : i32
      %swap3A_410 = arith.index_cast %swap3A_409 : i32 to index
      %swap3A_411 = arith.constant 64 : index
      %swap3A_412 = tpu.vector_load %arg10[%swap3A_410, %swap3A_411] {strides = array<i32>} : memref<5x80xi32, #tpu.memory_space<vmem>>, vector<1x16xi32>,
      %swap3A_413 = vector.shape_cast %swap3A_412 : vector<1x16xi32> to vector<16xi32>
      %swap3A_414 = vector.shape_cast %get3A_408 : vector<16xi32> to vector<1x16xi32>
      tpu.vector_store %arg10[%swap3A_410, %swap3A_411], %swap3A_414 {strides = array<i32>} : memref<5x80xi32, #tpu.memory_space<vmem>>, vector<1x16xi32>,
      %mul3A_415 = arith.constant 400 : i32
      %mul3A_416 = arith.muli %add3A_115, %mul3A_415 : i32
      %dma_wait3A_417 = arith.constant 0 : i32
      %dma_wait3A_418 = tpu.memref_slice %arg2[%mul3A_416, %dma_wait3A_417] : memref<100000x128xf32, #tpu.memory_space<hbm>> -> memref<400x128xf32, #tpu.memory_space<hbm>>
      %dma_wait3A_419 = arith.constant 0 : i32
      %dma_wait3A_420 = tpu.memref_slice %arg2[%mul3A_416, %dma_wait3A_419] : memref<100000x128xf32, #tpu.memory_space<hbm>> -> memref<400x128xf32, #tpu.memory_space<hbm>>
      tpu.wait_dma2 semaphore(%arg17 : memref<!tpu.dma_semaphore, #tpu.memory_space<semaphore_mem>>) src(%dma_wait3A_420 : memref<400x128xf32, #tpu.memory_space<hbm>>) dst(%arg13 : memref<400x128xf32, #tpu.memory_space<vmem>>)
      %dma_start3A = arith.constant 0 : i32
      %dma_start3A_421 = arith.constant 0 : i32
      %dma_start3A_422 = arith.constant 0 : i32
      %dma_start3A_423 = tpu.memref_slice %arg13[%dma_start3A_421, %dma_start3A_422] : memref<400x128xf32, #tpu.memory_space<vmem>> -> memref<80x128xf32, #tpu.memory_space<vmem>>
      %dma_start3A_424 = arith.constant 0 : i32
      %dma_start3A_425 = tpu.memref_slice %arg10[%dma_start3A, %dma_start3A_424] : memref<5x80xi32, #tpu.memory_space<vmem>> -> memref<1x80xi32, #tpu.memory_space<vmem>>
      %dma_start3A_426 = tpu.memref_squeeze %dma_start3A_425 : memref<1x80xi32, #tpu.memory_space<vmem>> -> memref<80xi32, #tpu.memory_space<vmem>>
      %dma_start3A_427 = arith.constant 0 : i32
      %dma_start3A_428 = arith.constant 0 : i32
      %dma_start3A_429 = tpu.memref_slice %arg6[%dma_start3A_427, %dma_start3A_428] : memref<256x128xf32, #tpu.memory_space<vmem_shared>> -> memref<256x128xf32, #tpu.memory_space<vmem_shared>>
      tpu.enqueue_indirect_dma source(%dma_start3A_423 : memref<80x128xf32, #tpu.memory_space<vmem>>) target(%dma_start3A_429 : memref<256x128xf32, #tpu.memory_space<vmem_shared>>) offsets(%dma_start3A_426 : memref<80xi32, #tpu.memory_space<vmem>>) semaphore(%arg19 : memref<!tpu.dma_semaphore, #tpu.memory_space<semaphore_mem>>) {add = true}
      %dma_start3A_430 = arith.constant 0 : i32
      %dma_start3A_431 = arith.constant 0 : i32
      %dma_start3A_432 = tpu.memref_slice %arg10[%dma_start3A_430, %dma_start3A_431] : memref<5x80xi32, #tpu.memory_space<vmem>> -> memref<1x80xi32, #tpu.memory_space<vmem>>
      %dma_start3A_433 = tpu.memref_squeeze %dma_start3A_432 : memref<1x80xi32, #tpu.memory_space<vmem>> -> memref<80xi32, #tpu.memory_space<vmem>>
      %dma_start3A_434 = arith.constant 0 : i32
      %dma_start3A_435 = arith.constant 0 : i32
      %dma_start3A_436 = tpu.memref_slice %arg7[%dma_start3A_434, %dma_start3A_435] : memref<256x16xf32, #tpu.memory_space<vmem_shared>> -> memref<256x16xf32, #tpu.memory_space<vmem_shared>>
      tpu.enqueue_indirect_dma source(%arg12 : memref<80x16xf32, #tpu.memory_space<vmem>>) target(%dma_start3A_436 : memref<256x16xf32, #tpu.memory_space<vmem_shared>>) offsets(%dma_start3A_433 : memref<80xi32, #tpu.memory_space<vmem>>) semaphore(%arg19 : memref<!tpu.dma_semaphore, #tpu.memory_space<semaphore_mem>>) {add = true}
      %dma_start3A_437 = arith.constant 1 : i32
      %dma_start3A_438 = arith.constant 80 : i32
      %dma_start3A_439 = arith.constant 0 : i32
      %dma_start3A_440 = tpu.memref_slice %arg13[%dma_start3A_438, %dma_start3A_439] : memref<400x128xf32, #tpu.memory_space<vmem>> -> memref<80x128xf32, #tpu.memory_space<vmem>>
      %dma_start3A_441 = arith.constant 0 : i32
      %dma_start3A_442 = tpu.memref_slice %arg10[%dma_start3A_437, %dma_start3A_441] : memref<5x80xi32, #tpu.memory_space<vmem>> -> memref<1x80xi32, #tpu.memory_space<vmem>>
      %dma_start3A_443 = tpu.memref_squeeze %dma_start3A_442 : memref<1x80xi32, #tpu.memory_space<vmem>> -> memref<80xi32, #tpu.memory_space<vmem>>
      %dma_start3A_444 = arith.constant 0 : i32
      %dma_start3A_445 = arith.constant 0 : i32
      %dma_start3A_446 = tpu.memref_slice %arg6[%dma_start3A_444, %dma_start3A_445] : memref<256x128xf32, #tpu.memory_space<vmem_shared>> -> memref<256x128xf32, #tpu.memory_space<vmem_shared>>
      tpu.enqueue_indirect_dma source(%dma_start3A_440 : memref<80x128xf32, #tpu.memory_space<vmem>>) target(%dma_start3A_446 : memref<256x128xf32, #tpu.memory_space<vmem_shared>>) offsets(%dma_start3A_443 : memref<80xi32, #tpu.memory_space<vmem>>) semaphore(%arg19 : memref<!tpu.dma_semaphore, #tpu.memory_space<semaphore_mem>>) {add = true}
      %dma_start3A_447 = arith.constant 1 : i32
      %dma_start3A_448 = arith.constant 0 : i32
      %dma_start3A_449 = tpu.memref_slice %arg10[%dma_start3A_447, %dma_start3A_448] : memref<5x80xi32, #tpu.memory_space<vmem>> -> memref<1x80xi32, #tpu.memory_space<vmem>>
      %dma_start3A_450 = tpu.memref_squeeze %dma_start3A_449 : memref<1x80xi32, #tpu.memory_space<vmem>> -> memref<80xi32, #tpu.memory_space<vmem>>
      %dma_start3A_451 = arith.constant 0 : i32
      %dma_start3A_452 = arith.constant 0 : i32
      %dma_start3A_453 = tpu.memref_slice %arg7[%dma_start3A_451, %dma_start3A_452] : memref<256x16xf32, #tpu.memory_space<vmem_shared>> -> memref<256x16xf32, #tpu.memory_space<vmem_shared>>
      tpu.enqueue_indirect_dma source(%arg12 : memref<80x16xf32, #tpu.memory_space<vmem>>) target(%dma_start3A_453 : memref<256x16xf32, #tpu.memory_space<vmem_shared>>) offsets(%dma_start3A_450 : memref<80xi32, #tpu.memory_space<vmem>>) semaphore(%arg19 : memref<!tpu.dma_semaphore, #tpu.memory_space<semaphore_mem>>) {add = true}
      %dma_start3A_454 = arith.constant 2 : i32
      %dma_start3A_455 = arith.constant 160 : i32
      %dma_start3A_456 = arith.constant 0 : i32
      %dma_start3A_457 = tpu.memref_slice %arg13[%dma_start3A_455, %dma_start3A_456] : memref<400x128xf32, #tpu.memory_space<vmem>> -> memref<80x128xf32, #tpu.memory_space<vmem>>
      %dma_start3A_458 = arith.constant 0 : i32
      %dma_start3A_459 = tpu.memref_slice %arg10[%dma_start3A_454, %dma_start3A_458] : memref<5x80xi32, #tpu.memory_space<vmem>> -> memref<1x80xi32, #tpu.memory_space<vmem>>
      %dma_start3A_460 = tpu.memref_squeeze %dma_start3A_459 : memref<1x80xi32, #tpu.memory_space<vmem>> -> memref<80xi32, #tpu.memory_space<vmem>>
      %dma_start3A_461 = arith.constant 0 : i32
      %dma_start3A_462 = arith.constant 0 : i32
      %dma_start3A_463 = tpu.memref_slice %arg6[%dma_start3A_461, %dma_start3A_462] : memref<256x128xf32, #tpu.memory_space<vmem_shared>> -> memref<256x128xf32, #tpu.memory_space<vmem_shared>>
      tpu.enqueue_indirect_dma source(%dma_start3A_457 : memref<80x128xf32, #tpu.memory_space<vmem>>) target(%dma_start3A_463 : memref<256x128xf32, #tpu.memory_space<vmem_shared>>) offsets(%dma_start3A_460 : memref<80xi32, #tpu.memory_space<vmem>>) semaphore(%arg19 : memref<!tpu.dma_semaphore, #tpu.memory_space<semaphore_mem>>) {add = true}
      %dma_start3A_464 = arith.constant 2 : i32
      %dma_start3A_465 = arith.constant 0 : i32
      %dma_start3A_466 = tpu.memref_slice %arg10[%dma_start3A_464, %dma_start3A_465] : memref<5x80xi32, #tpu.memory_space<vmem>> -> memref<1x80xi32, #tpu.memory_space<vmem>>
      %dma_start3A_467 = tpu.memref_squeeze %dma_start3A_466 : memref<1x80xi32, #tpu.memory_space<vmem>> -> memref<80xi32, #tpu.memory_space<vmem>>
      %dma_start3A_468 = arith.constant 0 : i32
      %dma_start3A_469 = arith.constant 0 : i32
      %dma_start3A_470 = tpu.memref_slice %arg7[%dma_start3A_468, %dma_start3A_469] : memref<256x16xf32, #tpu.memory_space<vmem_shared>> -> memref<256x16xf32, #tpu.memory_space<vmem_shared>>
      tpu.enqueue_indirect_dma source(%arg12 : memref<80x16xf32, #tpu.memory_space<vmem>>) target(%dma_start3A_470 : memref<256x16xf32, #tpu.memory_space<vmem_shared>>) offsets(%dma_start3A_467 : memref<80xi32, #tpu.memory_space<vmem>>) semaphore(%arg19 : memref<!tpu.dma_semaphore, #tpu.memory_space<semaphore_mem>>) {add = true}
      %dma_start3A_471 = arith.constant 3 : i32
      %dma_start3A_472 = arith.constant 240 : i32
      %dma_start3A_473 = arith.constant 0 : i32
      %dma_start3A_474 = tpu.memref_slice %arg13[%dma_start3A_472, %dma_start3A_473] : memref<400x128xf32, #tpu.memory_space<vmem>> -> memref<80x128xf32, #tpu.memory_space<vmem>>
      %dma_start3A_475 = arith.constant 0 : i32
      %dma_start3A_476 = tpu.memref_slice %arg10[%dma_start3A_471, %dma_start3A_475] : memref<5x80xi32, #tpu.memory_space<vmem>> -> memref<1x80xi32, #tpu.memory_space<vmem>>
      %dma_start3A_477 = tpu.memref_squeeze %dma_start3A_476 : memref<1x80xi32, #tpu.memory_space<vmem>> -> memref<80xi32, #tpu.memory_space<vmem>>
      %dma_start3A_478 = arith.constant 0 : i32
      %dma_start3A_479 = arith.constant 0 : i32
      %dma_start3A_480 = tpu.memref_slice %arg6[%dma_start3A_478, %dma_start3A_479] : memref<256x128xf32, #tpu.memory_space<vmem_shared>> -> memref<256x128xf32, #tpu.memory_space<vmem_shared>>
      tpu.enqueue_indirect_dma source(%dma_start3A_474 : memref<80x128xf32, #tpu.memory_space<vmem>>) target(%dma_start3A_480 : memref<256x128xf32, #tpu.memory_space<vmem_shared>>) offsets(%dma_start3A_477 : memref<80xi32, #tpu.memory_space<vmem>>) semaphore(%arg19 : memref<!tpu.dma_semaphore, #tpu.memory_space<semaphore_mem>>) {add = true}
      %dma_start3A_481 = arith.constant 3 : i32
      %dma_start3A_482 = arith.constant 0 : i32
      %dma_start3A_483 = tpu.memref_slice %arg10[%dma_start3A_481, %dma_start3A_482] : memref<5x80xi32, #tpu.memory_space<vmem>> -> memref<1x80xi32, #tpu.memory_space<vmem>>
      %dma_start3A_484 = tpu.memref_squeeze %dma_start3A_483 : memref<1x80xi32, #tpu.memory_space<vmem>> -> memref<80xi32, #tpu.memory_space<vmem>>
      %dma_start3A_485 = arith.constant 0 : i32
      %dma_start3A_486 = arith.constant 0 : i32
      %dma_start3A_487 = tpu.memref_slice %arg7[%dma_start3A_485, %dma_start3A_486] : memref<256x16xf32, #tpu.memory_space<vmem_shared>> -> memref<256x16xf32, #tpu.memory_space<vmem_shared>>
      tpu.enqueue_indirect_dma source(%arg12 : memref<80x16xf32, #tpu.memory_space<vmem>>) target(%dma_start3A_487 : memref<256x16xf32, #tpu.memory_space<vmem_shared>>) offsets(%dma_start3A_484 : memref<80xi32, #tpu.memory_space<vmem>>) semaphore(%arg19 : memref<!tpu.dma_semaphore, #tpu.memory_space<semaphore_mem>>) {add = true}
      %dma_start3A_488 = arith.constant 4 : i32
      %dma_start3A_489 = arith.constant 320 : i32
      %dma_start3A_490 = arith.constant 0 : i32
      %dma_start3A_491 = tpu.memref_slice %arg13[%dma_start3A_489, %dma_start3A_490] : memref<400x128xf32, #tpu.memory_space<vmem>> -> memref<80x128xf32, #tpu.memory_space<vmem>>
      %dma_start3A_492 = arith.constant 0 : i32
      %dma_start3A_493 = tpu.memref_slice %arg10[%dma_start3A_488, %dma_start3A_492] : memref<5x80xi32, #tpu.memory_space<vmem>> -> memref<1x80xi32, #tpu.memory_space<vmem>>
      %dma_start3A_494 = tpu.memref_squeeze %dma_start3A_493 : memref<1x80xi32, #tpu.memory_space<vmem>> -> memref<80xi32, #tpu.memory_space<vmem>>
      %dma_start3A_495 = arith.constant 0 : i32
      %dma_start3A_496 = arith.constant 0 : i32
      %dma_start3A_497 = tpu.memref_slice %arg6[%dma_start3A_495, %dma_start3A_496] : memref<256x128xf32, #tpu.memory_space<vmem_shared>> -> memref<256x128xf32, #tpu.memory_space<vmem_shared>>
      tpu.enqueue_indirect_dma source(%dma_start3A_491 : memref<80x128xf32, #tpu.memory_space<vmem>>) target(%dma_start3A_497 : memref<256x128xf32, #tpu.memory_space<vmem_shared>>) offsets(%dma_start3A_494 : memref<80xi32, #tpu.memory_space<vmem>>) semaphore(%arg19 : memref<!tpu.dma_semaphore, #tpu.memory_space<semaphore_mem>>) {add = true}
      %dma_start3A_498 = arith.constant 4 : i32
      %dma_start3A_499 = arith.constant 0 : i32
      %dma_start3A_500 = tpu.memref_slice %arg10[%dma_start3A_498, %dma_start3A_499] : memref<5x80xi32, #tpu.memory_space<vmem>> -> memref<1x80xi32, #tpu.memory_space<vmem>>
      %dma_start3A_501 = tpu.memref_squeeze %dma_start3A_500 : memref<1x80xi32, #tpu.memory_space<vmem>> -> memref<80xi32, #tpu.memory_space<vmem>>
      %dma_start3A_502 = arith.constant 0 : i32
      %dma_start3A_503 = arith.constant 0 : i32
      %dma_start3A_504 = tpu.memref_slice %arg7[%dma_start3A_502, %dma_start3A_503] : memref<256x16xf32, #tpu.memory_space<vmem_shared>> -> memref<256x16xf32, #tpu.memory_space<vmem_shared>>
      tpu.enqueue_indirect_dma source(%arg12 : memref<80x16xf32, #tpu.memory_space<vmem>>) target(%dma_start3A_504 : memref<256x16xf32, #tpu.memory_space<vmem_shared>>) offsets(%dma_start3A_501 : memref<80xi32, #tpu.memory_space<vmem>>) semaphore(%arg19 : memref<!tpu.dma_semaphore, #tpu.memory_space<semaphore_mem>>) {add = true}
    } else {
    }
    %add3A_121 = arith.constant 128 : i32
    %add3A_122 = arith.addi %add3A, %add3A_121 : i32
    %lt3A_123 = arith.constant 250 : i32
    %lt3A_124 = arith.cmpi slt, %add3A_122, %lt3A_123 : i32
    %convert_element_type3A_125 = arith.extui %lt3A_124 : i1 to i32
    %cond3A_126 = arith.constant 0 : i32
    %cond3A_127 = arith.cmpi ne, %convert_element_type3A_125, %cond3A_126 : i32
    scf.if %cond3A_127 {
      %dma_wait3A = arith.constant 0 : i32
      %dma_wait3A_189 = arith.constant 0 : i32
      %dma_wait3A_190 = arith.constant 0 : i32
      %dma_wait3A_191 = tpu.memref_slice %arg13[%dma_wait3A_189, %dma_wait3A_190] : memref<400x128xf32, #tpu.memory_space<vmem>> -> memref<80x128xf32, #tpu.memory_space<vmem>>
      %dma_wait3A_192 = arith.constant 0 : i32
      %dma_wait3A_193 = tpu.memref_slice %arg10[%dma_wait3A, %dma_wait3A_192] : memref<5x80xi32, #tpu.memory_space<vmem>> -> memref<1x80xi32, #tpu.memory_space<vmem>>
      %dma_wait3A_194 = tpu.memref_squeeze %dma_wait3A_193 : memref<1x80xi32, #tpu.memory_space<vmem>> -> memref<80xi32, #tpu.memory_space<vmem>>
      %dma_wait3A_195 = arith.constant 0 : i32
      %dma_wait3A_196 = arith.constant 0 : i32
      %dma_wait3A_197 = tpu.memref_slice %arg6[%dma_wait3A_195, %dma_wait3A_196] : memref<256x128xf32, #tpu.memory_space<vmem_shared>> -> memref<256x128xf32, #tpu.memory_space<vmem_shared>>
      tpu.wait_indirect_dma semaphore(%arg19 : memref<!tpu.dma_semaphore, #tpu.memory_space<semaphore_mem>>) src(%dma_wait3A_191 : memref<80x128xf32, #tpu.memory_space<vmem>>) dst(%dma_wait3A_197 : memref<256x128xf32, #tpu.memory_space<vmem_shared>>)
      %dma_wait3A_198 = arith.constant 0 : i32
      %dma_wait3A_199 = arith.constant 0 : i32
      %dma_wait3A_200 = tpu.memref_slice %arg10[%dma_wait3A_198, %dma_wait3A_199] : memref<5x80xi32, #tpu.memory_space<vmem>> -> memref<1x80xi32, #tpu.memory_space<vmem>>
      %dma_wait3A_201 = tpu.memref_squeeze %dma_wait3A_200 : memref<1x80xi32, #tpu.memory_space<vmem>> -> memref<80xi32, #tpu.memory_space<vmem>>
      %dma_wait3A_202 = arith.constant 0 : i32
      %dma_wait3A_203 = arith.constant 0 : i32
      %dma_wait3A_204 = tpu.memref_slice %arg7[%dma_wait3A_202, %dma_wait3A_203] : memref<256x16xf32, #tpu.memory_space<vmem_shared>> -> memref<256x16xf32, #tpu.memory_space<vmem_shared>>
      tpu.wait_indirect_dma semaphore(%arg19 : memref<!tpu.dma_semaphore, #tpu.memory_space<semaphore_mem>>) src(%arg12 : memref<80x16xf32, #tpu.memory_space<vmem>>) dst(%dma_wait3A_204 : memref<256x16xf32, #tpu.memory_space<vmem_shared>>)
      %dma_wait3A_205 = arith.constant 1 : i32
      %dma_wait3A_206 = arith.constant 80 : i32
      %dma_wait3A_207 = arith.constant 0 : i32
      %dma_wait3A_208 = tpu.memref_slice %arg13[%dma_wait3A_206, %dma_wait3A_207] : memref<400x128xf32, #tpu.memory_space<vmem>> -> memref<80x128xf32, #tpu.memory_space<vmem>>
      %dma_wait3A_209 = arith.constant 0 : i32
      %dma_wait3A_210 = tpu.memref_slice %arg10[%dma_wait3A_205, %dma_wait3A_209] : memref<5x80xi32, #tpu.memory_space<vmem>> -> memref<1x80xi32, #tpu.memory_space<vmem>>
      %dma_wait3A_211 = tpu.memref_squeeze %dma_wait3A_210 : memref<1x80xi32, #tpu.memory_space<vmem>> -> memref<80xi32, #tpu.memory_space<vmem>>
      %dma_wait3A_212 = arith.constant 0 : i32
      %dma_wait3A_213 = arith.constant 0 : i32
      %dma_wait3A_214 = tpu.memref_slice %arg6[%dma_wait3A_212, %dma_wait3A_213] : memref<256x128xf32, #tpu.memory_space<vmem_shared>> -> memref<256x128xf32, #tpu.memory_space<vmem_shared>>
      tpu.wait_indirect_dma semaphore(%arg19 : memref<!tpu.dma_semaphore, #tpu.memory_space<semaphore_mem>>) src(%dma_wait3A_208 : memref<80x128xf32, #tpu.memory_space<vmem>>) dst(%dma_wait3A_214 : memref<256x128xf32, #tpu.memory_space<vmem_shared>>)
      %dma_wait3A_215 = arith.constant 1 : i32
      %dma_wait3A_216 = arith.constant 0 : i32
      %dma_wait3A_217 = tpu.memref_slice %arg10[%dma_wait3A_215, %dma_wait3A_216] : memref<5x80xi32, #tpu.memory_space<vmem>> -> memref<1x80xi32, #tpu.memory_space<vmem>>
      %dma_wait3A_218 = tpu.memref_squeeze %dma_wait3A_217 : memref<1x80xi32, #tpu.memory_space<vmem>> -> memref<80xi32, #tpu.memory_space<vmem>>
      %dma_wait3A_219 = arith.constant 0 : i32
      %dma_wait3A_220 = arith.constant 0 : i32
      %dma_wait3A_221 = tpu.memref_slice %arg7[%dma_wait3A_219, %dma_wait3A_220] : memref<256x16xf32, #tpu.memory_space<vmem_shared>> -> memref<256x16xf32, #tpu.memory_space<vmem_shared>>
      tpu.wait_indirect_dma semaphore(%arg19 : memref<!tpu.dma_semaphore, #tpu.memory_space<semaphore_mem>>) src(%arg12 : memref<80x16xf32, #tpu.memory_space<vmem>>) dst(%dma_wait3A_221 : memref<256x16xf32, #tpu.memory_space<vmem_shared>>)
      %dma_wait3A_222 = arith.constant 2 : i32
      %dma_wait3A_223 = arith.constant 160 : i32
      %dma_wait3A_224 = arith.constant 0 : i32
      %dma_wait3A_225 = tpu.memref_slice %arg13[%dma_wait3A_223, %dma_wait3A_224] : memref<400x128xf32, #tpu.memory_space<vmem>> -> memref<80x128xf32, #tpu.memory_space<vmem>>
      %dma_wait3A_226 = arith.constant 0 : i32
      %dma_wait3A_227 = tpu.memref_slice %arg10[%dma_wait3A_222, %dma_wait3A_226] : memref<5x80xi32, #tpu.memory_space<vmem>> -> memref<1x80xi32, #tpu.memory_space<vmem>>
      %dma_wait3A_228 = tpu.memref_squeeze %dma_wait3A_227 : memref<1x80xi32, #tpu.memory_space<vmem>> -> memref<80xi32, #tpu.memory_space<vmem>>
      %dma_wait3A_229 = arith.constant 0 : i32
      %dma_wait3A_230 = arith.constant 0 : i32
      %dma_wait3A_231 = tpu.memref_slice %arg6[%dma_wait3A_229, %dma_wait3A_230] : memref<256x128xf32, #tpu.memory_space<vmem_shared>> -> memref<256x128xf32, #tpu.memory_space<vmem_shared>>
      tpu.wait_indirect_dma semaphore(%arg19 : memref<!tpu.dma_semaphore, #tpu.memory_space<semaphore_mem>>) src(%dma_wait3A_225 : memref<80x128xf32, #tpu.memory_space<vmem>>) dst(%dma_wait3A_231 : memref<256x128xf32, #tpu.memory_space<vmem_shared>>)
      %dma_wait3A_232 = arith.constant 2 : i32
      %dma_wait3A_233 = arith.constant 0 : i32
      %dma_wait3A_234 = tpu.memref_slice %arg10[%dma_wait3A_232, %dma_wait3A_233] : memref<5x80xi32, #tpu.memory_space<vmem>> -> memref<1x80xi32, #tpu.memory_space<vmem>>
      %dma_wait3A_235 = tpu.memref_squeeze %dma_wait3A_234 : memref<1x80xi32, #tpu.memory_space<vmem>> -> memref<80xi32, #tpu.memory_space<vmem>>
      %dma_wait3A_236 = arith.constant 0 : i32
      %dma_wait3A_237 = arith.constant 0 : i32
      %dma_wait3A_238 = tpu.memref_slice %arg7[%dma_wait3A_236, %dma_wait3A_237] : memref<256x16xf32, #tpu.memory_space<vmem_shared>> -> memref<256x16xf32, #tpu.memory_space<vmem_shared>>
      tpu.wait_indirect_dma semaphore(%arg19 : memref<!tpu.dma_semaphore, #tpu.memory_space<semaphore_mem>>) src(%arg12 : memref<80x16xf32, #tpu.memory_space<vmem>>) dst(%dma_wait3A_238 : memref<256x16xf32, #tpu.memory_space<vmem_shared>>)
      %dma_wait3A_239 = arith.constant 3 : i32
      %dma_wait3A_240 = arith.constant 240 : i32
      %dma_wait3A_241 = arith.constant 0 : i32
      %dma_wait3A_242 = tpu.memref_slice %arg13[%dma_wait3A_240, %dma_wait3A_241] : memref<400x128xf32, #tpu.memory_space<vmem>> -> memref<80x128xf32, #tpu.memory_space<vmem>>
      %dma_wait3A_243 = arith.constant 0 : i32
      %dma_wait3A_244 = tpu.memref_slice %arg10[%dma_wait3A_239, %dma_wait3A_243] : memref<5x80xi32, #tpu.memory_space<vmem>> -> memref<1x80xi32, #tpu.memory_space<vmem>>
      %dma_wait3A_245 = tpu.memref_squeeze %dma_wait3A_244 : memref<1x80xi32, #tpu.memory_space<vmem>> -> memref<80xi32, #tpu.memory_space<vmem>>
      %dma_wait3A_246 = arith.constant 0 : i32
      %dma_wait3A_247 = arith.constant 0 : i32
      %dma_wait3A_248 = tpu.memref_slice %arg6[%dma_wait3A_246, %dma_wait3A_247] : memref<256x128xf32, #tpu.memory_space<vmem_shared>> -> memref<256x128xf32, #tpu.memory_space<vmem_shared>>
      tpu.wait_indirect_dma semaphore(%arg19 : memref<!tpu.dma_semaphore, #tpu.memory_space<semaphore_mem>>) src(%dma_wait3A_242 : memref<80x128xf32, #tpu.memory_space<vmem>>) dst(%dma_wait3A_248 : memref<256x128xf32, #tpu.memory_space<vmem_shared>>)
      %dma_wait3A_249 = arith.constant 3 : i32
      %dma_wait3A_250 = arith.constant 0 : i32
      %dma_wait3A_251 = tpu.memref_slice %arg10[%dma_wait3A_249, %dma_wait3A_250] : memref<5x80xi32, #tpu.memory_space<vmem>> -> memref<1x80xi32, #tpu.memory_space<vmem>>
      %dma_wait3A_252 = tpu.memref_squeeze %dma_wait3A_251 : memref<1x80xi32, #tpu.memory_space<vmem>> -> memref<80xi32, #tpu.memory_space<vmem>>
      %dma_wait3A_253 = arith.constant 0 : i32
      %dma_wait3A_254 = arith.constant 0 : i32
      %dma_wait3A_255 = tpu.memref_slice %arg7[%dma_wait3A_253, %dma_wait3A_254] : memref<256x16xf32, #tpu.memory_space<vmem_shared>> -> memref<256x16xf32, #tpu.memory_space<vmem_shared>>
      tpu.wait_indirect_dma semaphore(%arg19 : memref<!tpu.dma_semaphore, #tpu.memory_space<semaphore_mem>>) src(%arg12 : memref<80x16xf32, #tpu.memory_space<vmem>>) dst(%dma_wait3A_255 : memref<256x16xf32, #tpu.memory_space<vmem_shared>>)
      %dma_wait3A_256 = arith.constant 4 : i32
      %dma_wait3A_257 = arith.constant 320 : i32
      %dma_wait3A_258 = arith.constant 0 : i32
      %dma_wait3A_259 = tpu.memref_slice %arg13[%dma_wait3A_257, %dma_wait3A_258] : memref<400x128xf32, #tpu.memory_space<vmem>> -> memref<80x128xf32, #tpu.memory_space<vmem>>
      %dma_wait3A_260 = arith.constant 0 : i32
      %dma_wait3A_261 = tpu.memref_slice %arg10[%dma_wait3A_256, %dma_wait3A_260] : memref<5x80xi32, #tpu.memory_space<vmem>> -> memref<1x80xi32, #tpu.memory_space<vmem>>
      %dma_wait3A_262 = tpu.memref_squeeze %dma_wait3A_261 : memref<1x80xi32, #tpu.memory_space<vmem>> -> memref<80xi32, #tpu.memory_space<vmem>>
      %dma_wait3A_263 = arith.constant 0 : i32
      %dma_wait3A_264 = arith.constant 0 : i32
      %dma_wait3A_265 = tpu.memref_slice %arg6[%dma_wait3A_263, %dma_wait3A_264] : memref<256x128xf32, #tpu.memory_space<vmem_shared>> -> memref<256x128xf32, #tpu.memory_space<vmem_shared>>
      tpu.wait_indirect_dma semaphore(%arg19 : memref<!tpu.dma_semaphore, #tpu.memory_space<semaphore_mem>>) src(%dma_wait3A_259 : memref<80x128xf32, #tpu.memory_space<vmem>>) dst(%dma_wait3A_265 : memref<256x128xf32, #tpu.memory_space<vmem_shared>>)
      %dma_wait3A_266 = arith.constant 4 : i32
      %dma_wait3A_267 = arith.constant 0 : i32
      %dma_wait3A_268 = tpu.memref_slice %arg10[%dma_wait3A_266, %dma_wait3A_267] : memref<5x80xi32, #tpu.memory_space<vmem>> -> memref<1x80xi32, #tpu.memory_space<vmem>>
      %dma_wait3A_269 = tpu.memref_squeeze %dma_wait3A_268 : memref<1x80xi32, #tpu.memory_space<vmem>> -> memref<80xi32, #tpu.memory_space<vmem>>
      %dma_wait3A_270 = arith.constant 0 : i32
      %dma_wait3A_271 = arith.constant 0 : i32
      %dma_wait3A_272 = tpu.memref_slice %arg7[%dma_wait3A_270, %dma_wait3A_271] : memref<256x16xf32, #tpu.memory_space<vmem_shared>> -> memref<256x16xf32, #tpu.memory_space<vmem_shared>>
      tpu.wait_indirect_dma semaphore(%arg19 : memref<!tpu.dma_semaphore, #tpu.memory_space<semaphore_mem>>) src(%arg12 : memref<80x16xf32, #tpu.memory_space<vmem>>) dst(%dma_wait3A_272 : memref<256x16xf32, #tpu.memory_space<vmem_shared>>)
    } else {
    }
    %add3A_128 = arith.constant 192 : i32
    %add3A_129 = arith.addi %add3A, %add3A_128 : i32
    %lt3A_130 = arith.constant 250 : i32
    %lt3A_131 = arith.cmpi slt, %add3A_129, %lt3A_130 : i32
    %convert_element_type3A_132 = arith.extui %lt3A_131 : i1 to i32
    %cond3A_133 = arith.constant 0 : i32
    %cond3A_134 = arith.cmpi ne, %convert_element_type3A_132, %cond3A_133 : i32
    scf.if %cond3A_134 {
      %mul3A_189 = arith.constant 400 : i32
      %mul3A_190 = arith.muli %add3A_129, %mul3A_189 : i32
      %dma_start3A = arith.constant 0 : i32
      %dma_start3A_191 = tpu.memref_slice %arg2[%mul3A_190, %dma_start3A] : memref<100000x128xf32, #tpu.memory_space<hbm>> -> memref<400x128xf32, #tpu.memory_space<hbm>>
      %dma_start3A_192 = arith.constant 0 : i32
      %dma_start3A_193 = tpu.memref_slice %arg2[%mul3A_190, %dma_start3A_192] : memref<100000x128xf32, #tpu.memory_space<hbm>> -> memref<400x128xf32, #tpu.memory_space<hbm>>
      tpu.enqueue_dma source(%dma_start3A_193 : memref<400x128xf32, #tpu.memory_space<hbm>>) target(%arg13 : memref<400x128xf32, #tpu.memory_space<vmem>>) target_semaphore(%arg17 : memref<!tpu.dma_semaphore, #tpu.memory_space<semaphore_mem>>)
      %mul3A_194 = arith.constant 400 : i32
      %mul3A_195 = arith.muli %add3A_129, %mul3A_194 : i32
      %dma_start3A_196 = tpu.memref_slice %arg3[%mul3A_195] : memref<100000xi32, #tpu.memory_space<hbm>> -> memref<400xi32, #tpu.memory_space<hbm>>
      %dma_start3A_197 = tpu.memref_slice %arg3[%mul3A_195] : memref<100000xi32, #tpu.memory_space<hbm>> -> memref<400xi32, #tpu.memory_space<hbm>>
      tpu.enqueue_dma source(%dma_start3A_197 : memref<400xi32, #tpu.memory_space<hbm>>) target(%arg8 : memref<400xi32, #tpu.memory_space<vmem>>) target_semaphore(%arg15 : memref<!tpu.dma_semaphore, #tpu.memory_space<semaphore_mem>>)
    } else {
    }
    %add3A_135 = arith.constant 160 : i32
    %add3A_136 = arith.addi %add3A, %add3A_135 : i32
    %lt3A_137 = arith.constant 250 : i32
    %lt3A_138 = arith.cmpi slt, %add3A_136, %lt3A_137 : i32
    %convert_element_type3A_139 = arith.extui %lt3A_138 : i1 to i32
    %cond3A_140 = arith.constant 0 : i32
    %cond3A_141 = arith.cmpi ne, %convert_element_type3A_139, %cond3A_140 : i32
    scf.if %cond3A_141 {
      %mul3A_189 = arith.constant 400 : i32
      %mul3A_190 = arith.muli %add3A_136, %mul3A_189 : i32
      %dma_wait3A = tpu.memref_slice %arg3[%mul3A_190] : memref<100000xi32, #tpu.memory_space<hbm>> -> memref<400xi32, #tpu.memory_space<hbm>>
      %dma_wait3A_191 = tpu.memref_slice %arg3[%mul3A_190] : memref<100000xi32, #tpu.memory_space<hbm>> -> memref<400xi32, #tpu.memory_space<hbm>>
      tpu.wait_dma2 semaphore(%arg16 : memref<!tpu.dma_semaphore, #tpu.memory_space<semaphore_mem>>) src(%dma_wait3A_191 : memref<400xi32, #tpu.memory_space<hbm>>) dst(%arg9 : memref<400xi32, #tpu.memory_space<vmem>>)
      %get3A = arith.constant 0 : index
      %get3A_192 = tpu.vector_load %arg9[%get3A] {strides = array<i32>} : memref<400xi32, #tpu.memory_space<vmem>>, vector<16xi32>,
      %get3A_193 = vector.shape_cast %get3A_192 : vector<16xi32> to vector<16xi32>
      %swap3A = arith.constant 0 : i32
      %swap3A_194 = arith.index_cast %swap3A : i32 to index
      %swap3A_195 = arith.constant 0 : index
      %swap3A_196 = tpu.vector_load %arg11[%swap3A_194, %swap3A_195] {strides = array<i32>} : memref<5x80xi32, #tpu.memory_space<vmem>>, vector<1x16xi32>,
      %swap3A_197 = vector.shape_cast %swap3A_196 : vector<1x16xi32> to vector<16xi32>
      %swap3A_198 = vector.shape_cast %get3A_193 : vector<16xi32> to vector<1x16xi32>
      tpu.vector_store %arg11[%swap3A_194, %swap3A_195], %swap3A_198 {strides = array<i32>} : memref<5x80xi32, #tpu.memory_space<vmem>>, vector<1x16xi32>,
      %get3A_199 = arith.constant 16 : index
      %get3A_200 = tpu.vector_load %arg9[%get3A_199] {strides = array<i32>} : memref<400xi32, #tpu.memory_space<vmem>>, vector<16xi32>,
      %get3A_201 = vector.shape_cast %get3A_200 : vector<16xi32> to vector<16xi32>
      %swap3A_202 = arith.constant 0 : i32
      %swap3A_203 = arith.index_cast %swap3A_202 : i32 to index
      %swap3A_204 = arith.constant 16 : index
      %swap3A_205 = tpu.vector_load %arg11[%swap3A_203, %swap3A_204] {strides = array<i32>} : memref<5x80xi32, #tpu.memory_space<vmem>>, vector<1x16xi32>,
      %swap3A_206 = vector.shape_cast %swap3A_205 : vector<1x16xi32> to vector<16xi32>
      %swap3A_207 = vector.shape_cast %get3A_201 : vector<16xi32> to vector<1x16xi32>
      tpu.vector_store %arg11[%swap3A_203, %swap3A_204], %swap3A_207 {strides = array<i32>} : memref<5x80xi32, #tpu.memory_space<vmem>>, vector<1x16xi32>,
      %get3A_208 = arith.constant 32 : index
      %get3A_209 = tpu.vector_load %arg9[%get3A_208] {strides = array<i32>} : memref<400xi32, #tpu.memory_space<vmem>>, vector<16xi32>,
      %get3A_210 = vector.shape_cast %get3A_209 : vector<16xi32> to vector<16xi32>
      %swap3A_211 = arith.constant 0 : i32
      %swap3A_212 = arith.index_cast %swap3A_211 : i32 to index
      %swap3A_213 = arith.constant 32 : index
      %swap3A_214 = tpu.vector_load %arg11[%swap3A_212, %swap3A_213] {strides = array<i32>} : memref<5x80xi32, #tpu.memory_space<vmem>>, vector<1x16xi32>,
      %swap3A_215 = vector.shape_cast %swap3A_214 : vector<1x16xi32> to vector<16xi32>
      %swap3A_216 = vector.shape_cast %get3A_210 : vector<16xi32> to vector<1x16xi32>
      tpu.vector_store %arg11[%swap3A_212, %swap3A_213], %swap3A_216 {strides = array<i32>} : memref<5x80xi32, #tpu.memory_space<vmem>>, vector<1x16xi32>,
      %get3A_217 = arith.constant 48 : index
      %get3A_218 = tpu.vector_load %arg9[%get3A_217] {strides = array<i32>} : memref<400xi32, #tpu.memory_space<vmem>>, vector<16xi32>,
      %get3A_219 = vector.shape_cast %get3A_218 : vector<16xi32> to vector<16xi32>
      %swap3A_220 = arith.constant 0 : i32
      %swap3A_221 = arith.index_cast %swap3A_220 : i32 to index
      %swap3A_222 = arith.constant 48 : index
      %swap3A_223 = tpu.vector_load %arg11[%swap3A_221, %swap3A_222] {strides = array<i32>} : memref<5x80xi32, #tpu.memory_space<vmem>>, vector<1x16xi32>,
      %swap3A_224 = vector.shape_cast %swap3A_223 : vector<1x16xi32> to vector<16xi32>
      %swap3A_225 = vector.shape_cast %get3A_219 : vector<16xi32> to vector<1x16xi32>
      tpu.vector_store %arg11[%swap3A_221, %swap3A_222], %swap3A_225 {strides = array<i32>} : memref<5x80xi32, #tpu.memory_space<vmem>>, vector<1x16xi32>,
      %get3A_226 = arith.constant 64 : index
      %get3A_227 = tpu.vector_load %arg9[%get3A_226] {strides = array<i32>} : memref<400xi32, #tpu.memory_space<vmem>>, vector<16xi32>,
      %get3A_228 = vector.shape_cast %get3A_227 : vector<16xi32> to vector<16xi32>
      %swap3A_229 = arith.constant 0 : i32
      %swap3A_230 = arith.index_cast %swap3A_229 : i32 to index
      %swap3A_231 = arith.constant 64 : index
      %swap3A_232 = tpu.vector_load %arg11[%swap3A_230, %swap3A_231] {strides = array<i32>} : memref<5x80xi32, #tpu.memory_space<vmem>>, vector<1x16xi32>,
      %swap3A_233 = vector.shape_cast %swap3A_232 : vector<1x16xi32> to vector<16xi32>
      %swap3A_234 = vector.shape_cast %get3A_228 : vector<16xi32> to vector<1x16xi32>
      tpu.vector_store %arg11[%swap3A_230, %swap3A_231], %swap3A_234 {strides = array<i32>} : memref<5x80xi32, #tpu.memory_space<vmem>>, vector<1x16xi32>,
      %get3A_235 = arith.constant 80 : index
      %get3A_236 = tpu.vector_load %arg9[%get3A_235] {strides = array<i32>} : memref<400xi32, #tpu.memory_space<vmem>>, vector<16xi32>,
      %get3A_237 = vector.shape_cast %get3A_236 : vector<16xi32> to vector<16xi32>
      %swap3A_238 = arith.constant 1 : i32
      %swap3A_239 = arith.index_cast %swap3A_238 : i32 to index
      %swap3A_240 = arith.constant 0 : index
      %swap3A_241 = tpu.vector_load %arg11[%swap3A_239, %swap3A_240] {strides = array<i32>} : memref<5x80xi32, #tpu.memory_space<vmem>>, vector<1x16xi32>,
      %swap3A_242 = vector.shape_cast %swap3A_241 : vector<1x16xi32> to vector<16xi32>
      %swap3A_243 = vector.shape_cast %get3A_237 : vector<16xi32> to vector<1x16xi32>
      tpu.vector_store %arg11[%swap3A_239, %swap3A_240], %swap3A_243 {strides = array<i32>} : memref<5x80xi32, #tpu.memory_space<vmem>>, vector<1x16xi32>,
      %get3A_244 = arith.constant 96 : index
      %get3A_245 = tpu.vector_load %arg9[%get3A_244] {strides = array<i32>} : memref<400xi32, #tpu.memory_space<vmem>>, vector<16xi32>,
      %get3A_246 = vector.shape_cast %get3A_245 : vector<16xi32> to vector<16xi32>
      %swap3A_247 = arith.constant 1 : i32
      %swap3A_248 = arith.index_cast %swap3A_247 : i32 to index
      %swap3A_249 = arith.constant 16 : index
      %swap3A_250 = tpu.vector_load %arg11[%swap3A_248, %swap3A_249] {strides = array<i32>} : memref<5x80xi32, #tpu.memory_space<vmem>>, vector<1x16xi32>,
      %swap3A_251 = vector.shape_cast %swap3A_250 : vector<1x16xi32> to vector<16xi32>
      %swap3A_252 = vector.shape_cast %get3A_246 : vector<16xi32> to vector<1x16xi32>
      tpu.vector_store %arg11[%swap3A_248, %swap3A_249], %swap3A_252 {strides = array<i32>} : memref<5x80xi32, #tpu.memory_space<vmem>>, vector<1x16xi32>,
      %get3A_253 = arith.constant 112 : index
      %get3A_254 = tpu.vector_load %arg9[%get3A_253] {strides = array<i32>} : memref<400xi32, #tpu.memory_space<vmem>>, vector<16xi32>,
      %get3A_255 = vector.shape_cast %get3A_254 : vector<16xi32> to vector<16xi32>
      %swap3A_256 = arith.constant 1 : i32
      %swap3A_257 = arith.index_cast %swap3A_256 : i32 to index
      %swap3A_258 = arith.constant 32 : index
      %swap3A_259 = tpu.vector_load %arg11[%swap3A_257, %swap3A_258] {strides = array<i32>} : memref<5x80xi32, #tpu.memory_space<vmem>>, vector<1x16xi32>,
      %swap3A_260 = vector.shape_cast %swap3A_259 : vector<1x16xi32> to vector<16xi32>
      %swap3A_261 = vector.shape_cast %get3A_255 : vector<16xi32> to vector<1x16xi32>
      tpu.vector_store %arg11[%swap3A_257, %swap3A_258], %swap3A_261 {strides = array<i32>} : memref<5x80xi32, #tpu.memory_space<vmem>>, vector<1x16xi32>,
      %get3A_262 = arith.constant 128 : index
      %get3A_263 = tpu.vector_load %arg9[%get3A_262] {strides = array<i32>} : memref<400xi32, #tpu.memory_space<vmem>>, vector<16xi32>,
      %get3A_264 = vector.shape_cast %get3A_263 : vector<16xi32> to vector<16xi32>
      %swap3A_265 = arith.constant 1 : i32
      %swap3A_266 = arith.index_cast %swap3A_265 : i32 to index
      %swap3A_267 = arith.constant 48 : index
      %swap3A_268 = tpu.vector_load %arg11[%swap3A_266, %swap3A_267] {strides = array<i32>} : memref<5x80xi32, #tpu.memory_space<vmem>>, vector<1x16xi32>,
      %swap3A_269 = vector.shape_cast %swap3A_268 : vector<1x16xi32> to vector<16xi32>
      %swap3A_270 = vector.shape_cast %get3A_264 : vector<16xi32> to vector<1x16xi32>
      tpu.vector_store %arg11[%swap3A_266, %swap3A_267], %swap3A_270 {strides = array<i32>} : memref<5x80xi32, #tpu.memory_space<vmem>>, vector<1x16xi32>,
      %get3A_271 = arith.constant 144 : index
      %get3A_272 = tpu.vector_load %arg9[%get3A_271] {strides = array<i32>} : memref<400xi32, #tpu.memory_space<vmem>>, vector<16xi32>,
      %get3A_273 = vector.shape_cast %get3A_272 : vector<16xi32> to vector<16xi32>
      %swap3A_274 = arith.constant 1 : i32
      %swap3A_275 = arith.index_cast %swap3A_274 : i32 to index
      %swap3A_276 = arith.constant 64 : index
      %swap3A_277 = tpu.vector_load %arg11[%swap3A_275, %swap3A_276] {strides = array<i32>} : memref<5x80xi32, #tpu.memory_space<vmem>>, vector<1x16xi32>,
      %swap3A_278 = vector.shape_cast %swap3A_277 : vector<1x16xi32> to vector<16xi32>
      %swap3A_279 = vector.shape_cast %get3A_273 : vector<16xi32> to vector<1x16xi32>
      tpu.vector_store %arg11[%swap3A_275, %swap3A_276], %swap3A_279 {strides = array<i32>} : memref<5x80xi32, #tpu.memory_space<vmem>>, vector<1x16xi32>,
      %get3A_280 = arith.constant 160 : index
      %get3A_281 = tpu.vector_load %arg9[%get3A_280] {strides = array<i32>} : memref<400xi32, #tpu.memory_space<vmem>>, vector<16xi32>,
      %get3A_282 = vector.shape_cast %get3A_281 : vector<16xi32> to vector<16xi32>
      %swap3A_283 = arith.constant 2 : i32
      %swap3A_284 = arith.index_cast %swap3A_283 : i32 to index
      %swap3A_285 = arith.constant 0 : index
      %swap3A_286 = tpu.vector_load %arg11[%swap3A_284, %swap3A_285] {strides = array<i32>} : memref<5x80xi32, #tpu.memory_space<vmem>>, vector<1x16xi32>,
      %swap3A_287 = vector.shape_cast %swap3A_286 : vector<1x16xi32> to vector<16xi32>
      %swap3A_288 = vector.shape_cast %get3A_282 : vector<16xi32> to vector<1x16xi32>
      tpu.vector_store %arg11[%swap3A_284, %swap3A_285], %swap3A_288 {strides = array<i32>} : memref<5x80xi32, #tpu.memory_space<vmem>>, vector<1x16xi32>,
      %get3A_289 = arith.constant 176 : index
      %get3A_290 = tpu.vector_load %arg9[%get3A_289] {strides = array<i32>} : memref<400xi32, #tpu.memory_space<vmem>>, vector<16xi32>,
      %get3A_291 = vector.shape_cast %get3A_290 : vector<16xi32> to vector<16xi32>
      %swap3A_292 = arith.constant 2 : i32
      %swap3A_293 = arith.index_cast %swap3A_292 : i32 to index
      %swap3A_294 = arith.constant 16 : index
      %swap3A_295 = tpu.vector_load %arg11[%swap3A_293, %swap3A_294] {strides = array<i32>} : memref<5x80xi32, #tpu.memory_space<vmem>>, vector<1x16xi32>,
      %swap3A_296 = vector.shape_cast %swap3A_295 : vector<1x16xi32> to vector<16xi32>
      %swap3A_297 = vector.shape_cast %get3A_291 : vector<16xi32> to vector<1x16xi32>
      tpu.vector_store %arg11[%swap3A_293, %swap3A_294], %swap3A_297 {strides = array<i32>} : memref<5x80xi32, #tpu.memory_space<vmem>>, vector<1x16xi32>,
      %get3A_298 = arith.constant 192 : index
      %get3A_299 = tpu.vector_load %arg9[%get3A_298] {strides = array<i32>} : memref<400xi32, #tpu.memory_space<vmem>>, vector<16xi32>,
      %get3A_300 = vector.shape_cast %get3A_299 : vector<16xi32> to vector<16xi32>
      %swap3A_301 = arith.constant 2 : i32
      %swap3A_302 = arith.index_cast %swap3A_301 : i32 to index
      %swap3A_303 = arith.constant 32 : index
      %swap3A_304 = tpu.vector_load %arg11[%swap3A_302, %swap3A_303] {strides = array<i32>} : memref<5x80xi32, #tpu.memory_space<vmem>>, vector<1x16xi32>,
      %swap3A_305 = vector.shape_cast %swap3A_304 : vector<1x16xi32> to vector<16xi32>
      %swap3A_306 = vector.shape_cast %get3A_300 : vector<16xi32> to vector<1x16xi32>
      tpu.vector_store %arg11[%swap3A_302, %swap3A_303], %swap3A_306 {strides = array<i32>} : memref<5x80xi32, #tpu.memory_space<vmem>>, vector<1x16xi32>,
      %get3A_307 = arith.constant 208 : index
      %get3A_308 = tpu.vector_load %arg9[%get3A_307] {strides = array<i32>} : memref<400xi32, #tpu.memory_space<vmem>>, vector<16xi32>,
      %get3A_309 = vector.shape_cast %get3A_308 : vector<16xi32> to vector<16xi32>
      %swap3A_310 = arith.constant 2 : i32
      %swap3A_311 = arith.index_cast %swap3A_310 : i32 to index
      %swap3A_312 = arith.constant 48 : index
      %swap3A_313 = tpu.vector_load %arg11[%swap3A_311, %swap3A_312] {strides = array<i32>} : memref<5x80xi32, #tpu.memory_space<vmem>>, vector<1x16xi32>,
      %swap3A_314 = vector.shape_cast %swap3A_313 : vector<1x16xi32> to vector<16xi32>
      %swap3A_315 = vector.shape_cast %get3A_309 : vector<16xi32> to vector<1x16xi32>
      tpu.vector_store %arg11[%swap3A_311, %swap3A_312], %swap3A_315 {strides = array<i32>} : memref<5x80xi32, #tpu.memory_space<vmem>>, vector<1x16xi32>,
      %get3A_316 = arith.constant 224 : index
      %get3A_317 = tpu.vector_load %arg9[%get3A_316] {strides = array<i32>} : memref<400xi32, #tpu.memory_space<vmem>>, vector<16xi32>,
      %get3A_318 = vector.shape_cast %get3A_317 : vector<16xi32> to vector<16xi32>
      %swap3A_319 = arith.constant 2 : i32
      %swap3A_320 = arith.index_cast %swap3A_319 : i32 to index
      %swap3A_321 = arith.constant 64 : index
      %swap3A_322 = tpu.vector_load %arg11[%swap3A_320, %swap3A_321] {strides = array<i32>} : memref<5x80xi32, #tpu.memory_space<vmem>>, vector<1x16xi32>,
      %swap3A_323 = vector.shape_cast %swap3A_322 : vector<1x16xi32> to vector<16xi32>
      %swap3A_324 = vector.shape_cast %get3A_318 : vector<16xi32> to vector<1x16xi32>
      tpu.vector_store %arg11[%swap3A_320, %swap3A_321], %swap3A_324 {strides = array<i32>} : memref<5x80xi32, #tpu.memory_space<vmem>>, vector<1x16xi32>,
      %get3A_325 = arith.constant 240 : index
      %get3A_326 = tpu.vector_load %arg9[%get3A_325] {strides = array<i32>} : memref<400xi32, #tpu.memory_space<vmem>>, vector<16xi32>,
      %get3A_327 = vector.shape_cast %get3A_326 : vector<16xi32> to vector<16xi32>
      %swap3A_328 = arith.constant 3 : i32
      %swap3A_329 = arith.index_cast %swap3A_328 : i32 to index
      %swap3A_330 = arith.constant 0 : index
      %swap3A_331 = tpu.vector_load %arg11[%swap3A_329, %swap3A_330] {strides = array<i32>} : memref<5x80xi32, #tpu.memory_space<vmem>>, vector<1x16xi32>,
      %swap3A_332 = vector.shape_cast %swap3A_331 : vector<1x16xi32> to vector<16xi32>
      %swap3A_333 = vector.shape_cast %get3A_327 : vector<16xi32> to vector<1x16xi32>
      tpu.vector_store %arg11[%swap3A_329, %swap3A_330], %swap3A_333 {strides = array<i32>} : memref<5x80xi32, #tpu.memory_space<vmem>>, vector<1x16xi32>,
      %get3A_334 = arith.constant 256 : index
      %get3A_335 = tpu.vector_load %arg9[%get3A_334] {strides = array<i32>} : memref<400xi32, #tpu.memory_space<vmem>>, vector<16xi32>,
      %get3A_336 = vector.shape_cast %get3A_335 : vector<16xi32> to vector<16xi32>
      %swap3A_337 = arith.constant 3 : i32
      %swap3A_338 = arith.index_cast %swap3A_337 : i32 to index
      %swap3A_339 = arith.constant 16 : index
      %swap3A_340 = tpu.vector_load %arg11[%swap3A_338, %swap3A_339] {strides = array<i32>} : memref<5x80xi32, #tpu.memory_space<vmem>>, vector<1x16xi32>,
      %swap3A_341 = vector.shape_cast %swap3A_340 : vector<1x16xi32> to vector<16xi32>
      %swap3A_342 = vector.shape_cast %get3A_336 : vector<16xi32> to vector<1x16xi32>
      tpu.vector_store %arg11[%swap3A_338, %swap3A_339], %swap3A_342 {strides = array<i32>} : memref<5x80xi32, #tpu.memory_space<vmem>>, vector<1x16xi32>,
      %get3A_343 = arith.constant 272 : index
      %get3A_344 = tpu.vector_load %arg9[%get3A_343] {strides = array<i32>} : memref<400xi32, #tpu.memory_space<vmem>>, vector<16xi32>,
      %get3A_345 = vector.shape_cast %get3A_344 : vector<16xi32> to vector<16xi32>
      %swap3A_346 = arith.constant 3 : i32
      %swap3A_347 = arith.index_cast %swap3A_346 : i32 to index
      %swap3A_348 = arith.constant 32 : index
      %swap3A_349 = tpu.vector_load %arg11[%swap3A_347, %swap3A_348] {strides = array<i32>} : memref<5x80xi32, #tpu.memory_space<vmem>>, vector<1x16xi32>,
      %swap3A_350 = vector.shape_cast %swap3A_349 : vector<1x16xi32> to vector<16xi32>
      %swap3A_351 = vector.shape_cast %get3A_345 : vector<16xi32> to vector<1x16xi32>
      tpu.vector_store %arg11[%swap3A_347, %swap3A_348], %swap3A_351 {strides = array<i32>} : memref<5x80xi32, #tpu.memory_space<vmem>>, vector<1x16xi32>,
      %get3A_352 = arith.constant 288 : index
      %get3A_353 = tpu.vector_load %arg9[%get3A_352] {strides = array<i32>} : memref<400xi32, #tpu.memory_space<vmem>>, vector<16xi32>,
      %get3A_354 = vector.shape_cast %get3A_353 : vector<16xi32> to vector<16xi32>
      %swap3A_355 = arith.constant 3 : i32
      %swap3A_356 = arith.index_cast %swap3A_355 : i32 to index
      %swap3A_357 = arith.constant 48 : index
      %swap3A_358 = tpu.vector_load %arg11[%swap3A_356, %swap3A_357] {strides = array<i32>} : memref<5x80xi32, #tpu.memory_space<vmem>>, vector<1x16xi32>,
      %swap3A_359 = vector.shape_cast %swap3A_358 : vector<1x16xi32> to vector<16xi32>
      %swap3A_360 = vector.shape_cast %get3A_354 : vector<16xi32> to vector<1x16xi32>
      tpu.vector_store %arg11[%swap3A_356, %swap3A_357], %swap3A_360 {strides = array<i32>} : memref<5x80xi32, #tpu.memory_space<vmem>>, vector<1x16xi32>,
      %get3A_361 = arith.constant 304 : index
      %get3A_362 = tpu.vector_load %arg9[%get3A_361] {strides = array<i32>} : memref<400xi32, #tpu.memory_space<vmem>>, vector<16xi32>,
      %get3A_363 = vector.shape_cast %get3A_362 : vector<16xi32> to vector<16xi32>
      %swap3A_364 = arith.constant 3 : i32
      %swap3A_365 = arith.index_cast %swap3A_364 : i32 to index
      %swap3A_366 = arith.constant 64 : index
      %swap3A_367 = tpu.vector_load %arg11[%swap3A_365, %swap3A_366] {strides = array<i32>} : memref<5x80xi32, #tpu.memory_space<vmem>>, vector<1x16xi32>,
      %swap3A_368 = vector.shape_cast %swap3A_367 : vector<1x16xi32> to vector<16xi32>
      %swap3A_369 = vector.shape_cast %get3A_363 : vector<16xi32> to vector<1x16xi32>
      tpu.vector_store %arg11[%swap3A_365, %swap3A_366], %swap3A_369 {strides = array<i32>} : memref<5x80xi32, #tpu.memory_space<vmem>>, vector<1x16xi32>,
      %get3A_370 = arith.constant 320 : index
      %get3A_371 = tpu.vector_load %arg9[%get3A_370] {strides = array<i32>} : memref<400xi32, #tpu.memory_space<vmem>>, vector<16xi32>,
      %get3A_372 = vector.shape_cast %get3A_371 : vector<16xi32> to vector<16xi32>
      %swap3A_373 = arith.constant 4 : i32
      %swap3A_374 = arith.index_cast %swap3A_373 : i32 to index
      %swap3A_375 = arith.constant 0 : index
      %swap3A_376 = tpu.vector_load %arg11[%swap3A_374, %swap3A_375] {strides = array<i32>} : memref<5x80xi32, #tpu.memory_space<vmem>>, vector<1x16xi32>,
      %swap3A_377 = vector.shape_cast %swap3A_376 : vector<1x16xi32> to vector<16xi32>
      %swap3A_378 = vector.shape_cast %get3A_372 : vector<16xi32> to vector<1x16xi32>
      tpu.vector_store %arg11[%swap3A_374, %swap3A_375], %swap3A_378 {strides = array<i32>} : memref<5x80xi32, #tpu.memory_space<vmem>>, vector<1x16xi32>,
      %get3A_379 = arith.constant 336 : index
      %get3A_380 = tpu.vector_load %arg9[%get3A_379] {strides = array<i32>} : memref<400xi32, #tpu.memory_space<vmem>>, vector<16xi32>,
      %get3A_381 = vector.shape_cast %get3A_380 : vector<16xi32> to vector<16xi32>
      %swap3A_382 = arith.constant 4 : i32
      %swap3A_383 = arith.index_cast %swap3A_382 : i32 to index
      %swap3A_384 = arith.constant 16 : index
      %swap3A_385 = tpu.vector_load %arg11[%swap3A_383, %swap3A_384] {strides = array<i32>} : memref<5x80xi32, #tpu.memory_space<vmem>>, vector<1x16xi32>,
      %swap3A_386 = vector.shape_cast %swap3A_385 : vector<1x16xi32> to vector<16xi32>
      %swap3A_387 = vector.shape_cast %get3A_381 : vector<16xi32> to vector<1x16xi32>
      tpu.vector_store %arg11[%swap3A_383, %swap3A_384], %swap3A_387 {strides = array<i32>} : memref<5x80xi32, #tpu.memory_space<vmem>>, vector<1x16xi32>,
      %get3A_388 = arith.constant 352 : index
      %get3A_389 = tpu.vector_load %arg9[%get3A_388] {strides = array<i32>} : memref<400xi32, #tpu.memory_space<vmem>>, vector<16xi32>,
      %get3A_390 = vector.shape_cast %get3A_389 : vector<16xi32> to vector<16xi32>
      %swap3A_391 = arith.constant 4 : i32
      %swap3A_392 = arith.index_cast %swap3A_391 : i32 to index
      %swap3A_393 = arith.constant 32 : index
      %swap3A_394 = tpu.vector_load %arg11[%swap3A_392, %swap3A_393] {strides = array<i32>} : memref<5x80xi32, #tpu.memory_space<vmem>>, vector<1x16xi32>,
      %swap3A_395 = vector.shape_cast %swap3A_394 : vector<1x16xi32> to vector<16xi32>
      %swap3A_396 = vector.shape_cast %get3A_390 : vector<16xi32> to vector<1x16xi32>
      tpu.vector_store %arg11[%swap3A_392, %swap3A_393], %swap3A_396 {strides = array<i32>} : memref<5x80xi32, #tpu.memory_space<vmem>>, vector<1x16xi32>,
      %get3A_397 = arith.constant 368 : index
      %get3A_398 = tpu.vector_load %arg9[%get3A_397] {strides = array<i32>} : memref<400xi32, #tpu.memory_space<vmem>>, vector<16xi32>,
      %get3A_399 = vector.shape_cast %get3A_398 : vector<16xi32> to vector<16xi32>
      %swap3A_400 = arith.constant 4 : i32
      %swap3A_401 = arith.index_cast %swap3A_400 : i32 to index
      %swap3A_402 = arith.constant 48 : index
      %swap3A_403 = tpu.vector_load %arg11[%swap3A_401, %swap3A_402] {strides = array<i32>} : memref<5x80xi32, #tpu.memory_space<vmem>>, vector<1x16xi32>,
      %swap3A_404 = vector.shape_cast %swap3A_403 : vector<1x16xi32> to vector<16xi32>
      %swap3A_405 = vector.shape_cast %get3A_399 : vector<16xi32> to vector<1x16xi32>
      tpu.vector_store %arg11[%swap3A_401, %swap3A_402], %swap3A_405 {strides = array<i32>} : memref<5x80xi32, #tpu.memory_space<vmem>>, vector<1x16xi32>,
      %get3A_406 = arith.constant 384 : index
      %get3A_407 = tpu.vector_load %arg9[%get3A_406] {strides = array<i32>} : memref<400xi32, #tpu.memory_space<vmem>>, vector<16xi32>,
      %get3A_408 = vector.shape_cast %get3A_407 : vector<16xi32> to vector<16xi32>
      %swap3A_409 = arith.constant 4 : i32
      %swap3A_410 = arith.index_cast %swap3A_409 : i32 to index
      %swap3A_411 = arith.constant 64 : index
      %swap3A_412 = tpu.vector_load %arg11[%swap3A_410, %swap3A_411] {strides = array<i32>} : memref<5x80xi32, #tpu.memory_space<vmem>>, vector<1x16xi32>,
      %swap3A_413 = vector.shape_cast %swap3A_412 : vector<1x16xi32> to vector<16xi32>
      %swap3A_414 = vector.shape_cast %get3A_408 : vector<16xi32> to vector<1x16xi32>
      tpu.vector_store %arg11[%swap3A_410, %swap3A_411], %swap3A_414 {strides = array<i32>} : memref<5x80xi32, #tpu.memory_space<vmem>>, vector<1x16xi32>,
      %mul3A_415 = arith.constant 400 : i32
      %mul3A_416 = arith.muli %add3A_136, %mul3A_415 : i32
      %dma_wait3A_417 = arith.constant 0 : i32
      %dma_wait3A_418 = tpu.memref_slice %arg2[%mul3A_416, %dma_wait3A_417] : memref<100000x128xf32, #tpu.memory_space<hbm>> -> memref<400x128xf32, #tpu.memory_space<hbm>>
      %dma_wait3A_419 = arith.constant 0 : i32
      %dma_wait3A_420 = tpu.memref_slice %arg2[%mul3A_416, %dma_wait3A_419] : memref<100000x128xf32, #tpu.memory_space<hbm>> -> memref<400x128xf32, #tpu.memory_space<hbm>>
      tpu.wait_dma2 semaphore(%arg18 : memref<!tpu.dma_semaphore, #tpu.memory_space<semaphore_mem>>) src(%dma_wait3A_420 : memref<400x128xf32, #tpu.memory_space<hbm>>) dst(%arg14 : memref<400x128xf32, #tpu.memory_space<vmem>>)
      %dma_start3A = arith.constant 0 : i32
      %dma_start3A_421 = arith.constant 0 : i32
      %dma_start3A_422 = arith.constant 0 : i32
      %dma_start3A_423 = tpu.memref_slice %arg14[%dma_start3A_421, %dma_start3A_422] : memref<400x128xf32, #tpu.memory_space<vmem>> -> memref<80x128xf32, #tpu.memory_space<vmem>>
      %dma_start3A_424 = arith.constant 0 : i32
      %dma_start3A_425 = tpu.memref_slice %arg11[%dma_start3A, %dma_start3A_424] : memref<5x80xi32, #tpu.memory_space<vmem>> -> memref<1x80xi32, #tpu.memory_space<vmem>>
      %dma_start3A_426 = tpu.memref_squeeze %dma_start3A_425 : memref<1x80xi32, #tpu.memory_space<vmem>> -> memref<80xi32, #tpu.memory_space<vmem>>
      %dma_start3A_427 = arith.constant 0 : i32
      %dma_start3A_428 = arith.constant 0 : i32
      %dma_start3A_429 = tpu.memref_slice %arg6[%dma_start3A_427, %dma_start3A_428] : memref<256x128xf32, #tpu.memory_space<vmem_shared>> -> memref<256x128xf32, #tpu.memory_space<vmem_shared>>
      tpu.enqueue_indirect_dma source(%dma_start3A_423 : memref<80x128xf32, #tpu.memory_space<vmem>>) target(%dma_start3A_429 : memref<256x128xf32, #tpu.memory_space<vmem_shared>>) offsets(%dma_start3A_426 : memref<80xi32, #tpu.memory_space<vmem>>) semaphore(%arg20 : memref<!tpu.dma_semaphore, #tpu.memory_space<semaphore_mem>>) {add = true}
      %dma_start3A_430 = arith.constant 0 : i32
      %dma_start3A_431 = arith.constant 0 : i32
      %dma_start3A_432 = tpu.memref_slice %arg11[%dma_start3A_430, %dma_start3A_431] : memref<5x80xi32, #tpu.memory_space<vmem>> -> memref<1x80xi32, #tpu.memory_space<vmem>>
      %dma_start3A_433 = tpu.memref_squeeze %dma_start3A_432 : memref<1x80xi32, #tpu.memory_space<vmem>> -> memref<80xi32, #tpu.memory_space<vmem>>
      %dma_start3A_434 = arith.constant 0 : i32
      %dma_start3A_435 = arith.constant 0 : i32
      %dma_start3A_436 = tpu.memref_slice %arg7[%dma_start3A_434, %dma_start3A_435] : memref<256x16xf32, #tpu.memory_space<vmem_shared>> -> memref<256x16xf32, #tpu.memory_space<vmem_shared>>
      tpu.enqueue_indirect_dma source(%arg12 : memref<80x16xf32, #tpu.memory_space<vmem>>) target(%dma_start3A_436 : memref<256x16xf32, #tpu.memory_space<vmem_shared>>) offsets(%dma_start3A_433 : memref<80xi32, #tpu.memory_space<vmem>>) semaphore(%arg20 : memref<!tpu.dma_semaphore, #tpu.memory_space<semaphore_mem>>) {add = true}
      %dma_start3A_437 = arith.constant 1 : i32
      %dma_start3A_438 = arith.constant 80 : i32
      %dma_start3A_439 = arith.constant 0 : i32
      %dma_start3A_440 = tpu.memref_slice %arg14[%dma_start3A_438, %dma_start3A_439] : memref<400x128xf32, #tpu.memory_space<vmem>> -> memref<80x128xf32, #tpu.memory_space<vmem>>
      %dma_start3A_441 = arith.constant 0 : i32
      %dma_start3A_442 = tpu.memref_slice %arg11[%dma_start3A_437, %dma_start3A_441] : memref<5x80xi32, #tpu.memory_space<vmem>> -> memref<1x80xi32, #tpu.memory_space<vmem>>
      %dma_start3A_443 = tpu.memref_squeeze %dma_start3A_442 : memref<1x80xi32, #tpu.memory_space<vmem>> -> memref<80xi32, #tpu.memory_space<vmem>>
      %dma_start3A_444 = arith.constant 0 : i32
      %dma_start3A_445 = arith.constant 0 : i32
      %dma_start3A_446 = tpu.memref_slice %arg6[%dma_start3A_444, %dma_start3A_445] : memref<256x128xf32, #tpu.memory_space<vmem_shared>> -> memref<256x128xf32, #tpu.memory_space<vmem_shared>>
      tpu.enqueue_indirect_dma source(%dma_start3A_440 : memref<80x128xf32, #tpu.memory_space<vmem>>) target(%dma_start3A_446 : memref<256x128xf32, #tpu.memory_space<vmem_shared>>) offsets(%dma_start3A_443 : memref<80xi32, #tpu.memory_space<vmem>>) semaphore(%arg20 : memref<!tpu.dma_semaphore, #tpu.memory_space<semaphore_mem>>) {add = true}
      %dma_start3A_447 = arith.constant 1 : i32
      %dma_start3A_448 = arith.constant 0 : i32
      %dma_start3A_449 = tpu.memref_slice %arg11[%dma_start3A_447, %dma_start3A_448] : memref<5x80xi32, #tpu.memory_space<vmem>> -> memref<1x80xi32, #tpu.memory_space<vmem>>
      %dma_start3A_450 = tpu.memref_squeeze %dma_start3A_449 : memref<1x80xi32, #tpu.memory_space<vmem>> -> memref<80xi32, #tpu.memory_space<vmem>>
      %dma_start3A_451 = arith.constant 0 : i32
      %dma_start3A_452 = arith.constant 0 : i32
      %dma_start3A_453 = tpu.memref_slice %arg7[%dma_start3A_451, %dma_start3A_452] : memref<256x16xf32, #tpu.memory_space<vmem_shared>> -> memref<256x16xf32, #tpu.memory_space<vmem_shared>>
      tpu.enqueue_indirect_dma source(%arg12 : memref<80x16xf32, #tpu.memory_space<vmem>>) target(%dma_start3A_453 : memref<256x16xf32, #tpu.memory_space<vmem_shared>>) offsets(%dma_start3A_450 : memref<80xi32, #tpu.memory_space<vmem>>) semaphore(%arg20 : memref<!tpu.dma_semaphore, #tpu.memory_space<semaphore_mem>>) {add = true}
      %dma_start3A_454 = arith.constant 2 : i32
      %dma_start3A_455 = arith.constant 160 : i32
      %dma_start3A_456 = arith.constant 0 : i32
      %dma_start3A_457 = tpu.memref_slice %arg14[%dma_start3A_455, %dma_start3A_456] : memref<400x128xf32, #tpu.memory_space<vmem>> -> memref<80x128xf32, #tpu.memory_space<vmem>>
      %dma_start3A_458 = arith.constant 0 : i32
      %dma_start3A_459 = tpu.memref_slice %arg11[%dma_start3A_454, %dma_start3A_458] : memref<5x80xi32, #tpu.memory_space<vmem>> -> memref<1x80xi32, #tpu.memory_space<vmem>>
      %dma_start3A_460 = tpu.memref_squeeze %dma_start3A_459 : memref<1x80xi32, #tpu.memory_space<vmem>> -> memref<80xi32, #tpu.memory_space<vmem>>
      %dma_start3A_461 = arith.constant 0 : i32
      %dma_start3A_462 = arith.constant 0 : i32
      %dma_start3A_463 = tpu.memref_slice %arg6[%dma_start3A_461, %dma_start3A_462] : memref<256x128xf32, #tpu.memory_space<vmem_shared>> -> memref<256x128xf32, #tpu.memory_space<vmem_shared>>
      tpu.enqueue_indirect_dma source(%dma_start3A_457 : memref<80x128xf32, #tpu.memory_space<vmem>>) target(%dma_start3A_463 : memref<256x128xf32, #tpu.memory_space<vmem_shared>>) offsets(%dma_start3A_460 : memref<80xi32, #tpu.memory_space<vmem>>) semaphore(%arg20 : memref<!tpu.dma_semaphore, #tpu.memory_space<semaphore_mem>>) {add = true}
      %dma_start3A_464 = arith.constant 2 : i32
      %dma_start3A_465 = arith.constant 0 : i32
      %dma_start3A_466 = tpu.memref_slice %arg11[%dma_start3A_464, %dma_start3A_465] : memref<5x80xi32, #tpu.memory_space<vmem>> -> memref<1x80xi32, #tpu.memory_space<vmem>>
      %dma_start3A_467 = tpu.memref_squeeze %dma_start3A_466 : memref<1x80xi32, #tpu.memory_space<vmem>> -> memref<80xi32, #tpu.memory_space<vmem>>
      %dma_start3A_468 = arith.constant 0 : i32
      %dma_start3A_469 = arith.constant 0 : i32
      %dma_start3A_470 = tpu.memref_slice %arg7[%dma_start3A_468, %dma_start3A_469] : memref<256x16xf32, #tpu.memory_space<vmem_shared>> -> memref<256x16xf32, #tpu.memory_space<vmem_shared>>
      tpu.enqueue_indirect_dma source(%arg12 : memref<80x16xf32, #tpu.memory_space<vmem>>) target(%dma_start3A_470 : memref<256x16xf32, #tpu.memory_space<vmem_shared>>) offsets(%dma_start3A_467 : memref<80xi32, #tpu.memory_space<vmem>>) semaphore(%arg20 : memref<!tpu.dma_semaphore, #tpu.memory_space<semaphore_mem>>) {add = true}
      %dma_start3A_471 = arith.constant 3 : i32
      %dma_start3A_472 = arith.constant 240 : i32
      %dma_start3A_473 = arith.constant 0 : i32
      %dma_start3A_474 = tpu.memref_slice %arg14[%dma_start3A_472, %dma_start3A_473] : memref<400x128xf32, #tpu.memory_space<vmem>> -> memref<80x128xf32, #tpu.memory_space<vmem>>
      %dma_start3A_475 = arith.constant 0 : i32
      %dma_start3A_476 = tpu.memref_slice %arg11[%dma_start3A_471, %dma_start3A_475] : memref<5x80xi32, #tpu.memory_space<vmem>> -> memref<1x80xi32, #tpu.memory_space<vmem>>
      %dma_start3A_477 = tpu.memref_squeeze %dma_start3A_476 : memref<1x80xi32, #tpu.memory_space<vmem>> -> memref<80xi32, #tpu.memory_space<vmem>>
      %dma_start3A_478 = arith.constant 0 : i32
      %dma_start3A_479 = arith.constant 0 : i32
      %dma_start3A_480 = tpu.memref_slice %arg6[%dma_start3A_478, %dma_start3A_479] : memref<256x128xf32, #tpu.memory_space<vmem_shared>> -> memref<256x128xf32, #tpu.memory_space<vmem_shared>>
      tpu.enqueue_indirect_dma source(%dma_start3A_474 : memref<80x128xf32, #tpu.memory_space<vmem>>) target(%dma_start3A_480 : memref<256x128xf32, #tpu.memory_space<vmem_shared>>) offsets(%dma_start3A_477 : memref<80xi32, #tpu.memory_space<vmem>>) semaphore(%arg20 : memref<!tpu.dma_semaphore, #tpu.memory_space<semaphore_mem>>) {add = true}
      %dma_start3A_481 = arith.constant 3 : i32
      %dma_start3A_482 = arith.constant 0 : i32
      %dma_start3A_483 = tpu.memref_slice %arg11[%dma_start3A_481, %dma_start3A_482] : memref<5x80xi32, #tpu.memory_space<vmem>> -> memref<1x80xi32, #tpu.memory_space<vmem>>
      %dma_start3A_484 = tpu.memref_squeeze %dma_start3A_483 : memref<1x80xi32, #tpu.memory_space<vmem>> -> memref<80xi32, #tpu.memory_space<vmem>>
      %dma_start3A_485 = arith.constant 0 : i32
      %dma_start3A_486 = arith.constant 0 : i32
      %dma_start3A_487 = tpu.memref_slice %arg7[%dma_start3A_485, %dma_start3A_486] : memref<256x16xf32, #tpu.memory_space<vmem_shared>> -> memref<256x16xf32, #tpu.memory_space<vmem_shared>>
      tpu.enqueue_indirect_dma source(%arg12 : memref<80x16xf32, #tpu.memory_space<vmem>>) target(%dma_start3A_487 : memref<256x16xf32, #tpu.memory_space<vmem_shared>>) offsets(%dma_start3A_484 : memref<80xi32, #tpu.memory_space<vmem>>) semaphore(%arg20 : memref<!tpu.dma_semaphore, #tpu.memory_space<semaphore_mem>>) {add = true}
      %dma_start3A_488 = arith.constant 4 : i32
      %dma_start3A_489 = arith.constant 320 : i32
      %dma_start3A_490 = arith.constant 0 : i32
      %dma_start3A_491 = tpu.memref_slice %arg14[%dma_start3A_489, %dma_start3A_490] : memref<400x128xf32, #tpu.memory_space<vmem>> -> memref<80x128xf32, #tpu.memory_space<vmem>>
      %dma_start3A_492 = arith.constant 0 : i32
      %dma_start3A_493 = tpu.memref_slice %arg11[%dma_start3A_488, %dma_start3A_492] : memref<5x80xi32, #tpu.memory_space<vmem>> -> memref<1x80xi32, #tpu.memory_space<vmem>>
      %dma_start3A_494 = tpu.memref_squeeze %dma_start3A_493 : memref<1x80xi32, #tpu.memory_space<vmem>> -> memref<80xi32, #tpu.memory_space<vmem>>
      %dma_start3A_495 = arith.constant 0 : i32
      %dma_start3A_496 = arith.constant 0 : i32
      %dma_start3A_497 = tpu.memref_slice %arg6[%dma_start3A_495, %dma_start3A_496] : memref<256x128xf32, #tpu.memory_space<vmem_shared>> -> memref<256x128xf32, #tpu.memory_space<vmem_shared>>
      tpu.enqueue_indirect_dma source(%dma_start3A_491 : memref<80x128xf32, #tpu.memory_space<vmem>>) target(%dma_start3A_497 : memref<256x128xf32, #tpu.memory_space<vmem_shared>>) offsets(%dma_start3A_494 : memref<80xi32, #tpu.memory_space<vmem>>) semaphore(%arg20 : memref<!tpu.dma_semaphore, #tpu.memory_space<semaphore_mem>>) {add = true}
      %dma_start3A_498 = arith.constant 4 : i32
      %dma_start3A_499 = arith.constant 0 : i32
      %dma_start3A_500 = tpu.memref_slice %arg11[%dma_start3A_498, %dma_start3A_499] : memref<5x80xi32, #tpu.memory_space<vmem>> -> memref<1x80xi32, #tpu.memory_space<vmem>>
      %dma_start3A_501 = tpu.memref_squeeze %dma_start3A_500 : memref<1x80xi32, #tpu.memory_space<vmem>> -> memref<80xi32, #tpu.memory_space<vmem>>
      %dma_start3A_502 = arith.constant 0 : i32
      %dma_start3A_503 = arith.constant 0 : i32
      %dma_start3A_504 = tpu.memref_slice %arg7[%dma_start3A_502, %dma_start3A_503] : memref<256x16xf32, #tpu.memory_space<vmem_shared>> -> memref<256x16xf32, #tpu.memory_space<vmem_shared>>
      tpu.enqueue_indirect_dma source(%arg12 : memref<80x16xf32, #tpu.memory_space<vmem>>) target(%dma_start3A_504 : memref<256x16xf32, #tpu.memory_space<vmem_shared>>) offsets(%dma_start3A_501 : memref<80xi32, #tpu.memory_space<vmem>>) semaphore(%arg20 : memref<!tpu.dma_semaphore, #tpu.memory_space<semaphore_mem>>) {add = true}
    } else {
    }
    %add3A_142 = arith.constant 160 : i32
    %add3A_143 = arith.addi %add3A, %add3A_142 : i32
    %lt3A_144 = arith.constant 250 : i32
    %lt3A_145 = arith.cmpi slt, %add3A_143, %lt3A_144 : i32
    %convert_element_type3A_146 = arith.extui %lt3A_145 : i1 to i32
    %cond3A_147 = arith.constant 0 : i32
    %cond3A_148 = arith.cmpi ne, %convert_element_type3A_146, %cond3A_147 : i32
    scf.if %cond3A_148 {
      %dma_wait3A = arith.constant 0 : i32
      %dma_wait3A_189 = arith.constant 0 : i32
      %dma_wait3A_190 = arith.constant 0 : i32
      %dma_wait3A_191 = tpu.memref_slice %arg14[%dma_wait3A_189, %dma_wait3A_190] : memref<400x128xf32, #tpu.memory_space<vmem>> -> memref<80x128xf32, #tpu.memory_space<vmem>>
      %dma_wait3A_192 = arith.constant 0 : i32
      %dma_wait3A_193 = tpu.memref_slice %arg11[%dma_wait3A, %dma_wait3A_192] : memref<5x80xi32, #tpu.memory_space<vmem>> -> memref<1x80xi32, #tpu.memory_space<vmem>>
      %dma_wait3A_194 = tpu.memref_squeeze %dma_wait3A_193 : memref<1x80xi32, #tpu.memory_space<vmem>> -> memref<80xi32, #tpu.memory_space<vmem>>
      %dma_wait3A_195 = arith.constant 0 : i32
      %dma_wait3A_196 = arith.constant 0 : i32
      %dma_wait3A_197 = tpu.memref_slice %arg6[%dma_wait3A_195, %dma_wait3A_196] : memref<256x128xf32, #tpu.memory_space<vmem_shared>> -> memref<256x128xf32, #tpu.memory_space<vmem_shared>>
      tpu.wait_indirect_dma semaphore(%arg20 : memref<!tpu.dma_semaphore, #tpu.memory_space<semaphore_mem>>) src(%dma_wait3A_191 : memref<80x128xf32, #tpu.memory_space<vmem>>) dst(%dma_wait3A_197 : memref<256x128xf32, #tpu.memory_space<vmem_shared>>)
      %dma_wait3A_198 = arith.constant 0 : i32
      %dma_wait3A_199 = arith.constant 0 : i32
      %dma_wait3A_200 = tpu.memref_slice %arg11[%dma_wait3A_198, %dma_wait3A_199] : memref<5x80xi32, #tpu.memory_space<vmem>> -> memref<1x80xi32, #tpu.memory_space<vmem>>
      %dma_wait3A_201 = tpu.memref_squeeze %dma_wait3A_200 : memref<1x80xi32, #tpu.memory_space<vmem>> -> memref<80xi32, #tpu.memory_space<vmem>>
      %dma_wait3A_202 = arith.constant 0 : i32
      %dma_wait3A_203 = arith.constant 0 : i32
      %dma_wait3A_204 = tpu.memref_slice %arg7[%dma_wait3A_202, %dma_wait3A_203] : memref<256x16xf32, #tpu.memory_space<vmem_shared>> -> memref<256x16xf32, #tpu.memory_space<vmem_shared>>
      tpu.wait_indirect_dma semaphore(%arg20 : memref<!tpu.dma_semaphore, #tpu.memory_space<semaphore_mem>>) src(%arg12 : memref<80x16xf32, #tpu.memory_space<vmem>>) dst(%dma_wait3A_204 : memref<256x16xf32, #tpu.memory_space<vmem_shared>>)
      %dma_wait3A_205 = arith.constant 1 : i32
      %dma_wait3A_206 = arith.constant 80 : i32
      %dma_wait3A_207 = arith.constant 0 : i32
      %dma_wait3A_208 = tpu.memref_slice %arg14[%dma_wait3A_206, %dma_wait3A_207] : memref<400x128xf32, #tpu.memory_space<vmem>> -> memref<80x128xf32, #tpu.memory_space<vmem>>
      %dma_wait3A_209 = arith.constant 0 : i32
      %dma_wait3A_210 = tpu.memref_slice %arg11[%dma_wait3A_205, %dma_wait3A_209] : memref<5x80xi32, #tpu.memory_space<vmem>> -> memref<1x80xi32, #tpu.memory_space<vmem>>
      %dma_wait3A_211 = tpu.memref_squeeze %dma_wait3A_210 : memref<1x80xi32, #tpu.memory_space<vmem>> -> memref<80xi32, #tpu.memory_space<vmem>>
      %dma_wait3A_212 = arith.constant 0 : i32
      %dma_wait3A_213 = arith.constant 0 : i32
      %dma_wait3A_214 = tpu.memref_slice %arg6[%dma_wait3A_212, %dma_wait3A_213] : memref<256x128xf32, #tpu.memory_space<vmem_shared>> -> memref<256x128xf32, #tpu.memory_space<vmem_shared>>
      tpu.wait_indirect_dma semaphore(%arg20 : memref<!tpu.dma_semaphore, #tpu.memory_space<semaphore_mem>>) src(%dma_wait3A_208 : memref<80x128xf32, #tpu.memory_space<vmem>>) dst(%dma_wait3A_214 : memref<256x128xf32, #tpu.memory_space<vmem_shared>>)
      %dma_wait3A_215 = arith.constant 1 : i32
      %dma_wait3A_216 = arith.constant 0 : i32
      %dma_wait3A_217 = tpu.memref_slice %arg11[%dma_wait3A_215, %dma_wait3A_216] : memref<5x80xi32, #tpu.memory_space<vmem>> -> memref<1x80xi32, #tpu.memory_space<vmem>>
      %dma_wait3A_218 = tpu.memref_squeeze %dma_wait3A_217 : memref<1x80xi32, #tpu.memory_space<vmem>> -> memref<80xi32, #tpu.memory_space<vmem>>
      %dma_wait3A_219 = arith.constant 0 : i32
      %dma_wait3A_220 = arith.constant 0 : i32
      %dma_wait3A_221 = tpu.memref_slice %arg7[%dma_wait3A_219, %dma_wait3A_220] : memref<256x16xf32, #tpu.memory_space<vmem_shared>> -> memref<256x16xf32, #tpu.memory_space<vmem_shared>>
      tpu.wait_indirect_dma semaphore(%arg20 : memref<!tpu.dma_semaphore, #tpu.memory_space<semaphore_mem>>) src(%arg12 : memref<80x16xf32, #tpu.memory_space<vmem>>) dst(%dma_wait3A_221 : memref<256x16xf32, #tpu.memory_space<vmem_shared>>)
      %dma_wait3A_222 = arith.constant 2 : i32
      %dma_wait3A_223 = arith.constant 160 : i32
      %dma_wait3A_224 = arith.constant 0 : i32
      %dma_wait3A_225 = tpu.memref_slice %arg14[%dma_wait3A_223, %dma_wait3A_224] : memref<400x128xf32, #tpu.memory_space<vmem>> -> memref<80x128xf32, #tpu.memory_space<vmem>>
      %dma_wait3A_226 = arith.constant 0 : i32
      %dma_wait3A_227 = tpu.memref_slice %arg11[%dma_wait3A_222, %dma_wait3A_226] : memref<5x80xi32, #tpu.memory_space<vmem>> -> memref<1x80xi32, #tpu.memory_space<vmem>>
      %dma_wait3A_228 = tpu.memref_squeeze %dma_wait3A_227 : memref<1x80xi32, #tpu.memory_space<vmem>> -> memref<80xi32, #tpu.memory_space<vmem>>
      %dma_wait3A_229 = arith.constant 0 : i32
      %dma_wait3A_230 = arith.constant 0 : i32
      %dma_wait3A_231 = tpu.memref_slice %arg6[%dma_wait3A_229, %dma_wait3A_230] : memref<256x128xf32, #tpu.memory_space<vmem_shared>> -> memref<256x128xf32, #tpu.memory_space<vmem_shared>>
      tpu.wait_indirect_dma semaphore(%arg20 : memref<!tpu.dma_semaphore, #tpu.memory_space<semaphore_mem>>) src(%dma_wait3A_225 : memref<80x128xf32, #tpu.memory_space<vmem>>) dst(%dma_wait3A_231 : memref<256x128xf32, #tpu.memory_space<vmem_shared>>)
      %dma_wait3A_232 = arith.constant 2 : i32
      %dma_wait3A_233 = arith.constant 0 : i32
      %dma_wait3A_234 = tpu.memref_slice %arg11[%dma_wait3A_232, %dma_wait3A_233] : memref<5x80xi32, #tpu.memory_space<vmem>> -> memref<1x80xi32, #tpu.memory_space<vmem>>
      %dma_wait3A_235 = tpu.memref_squeeze %dma_wait3A_234 : memref<1x80xi32, #tpu.memory_space<vmem>> -> memref<80xi32, #tpu.memory_space<vmem>>
      %dma_wait3A_236 = arith.constant 0 : i32
      %dma_wait3A_237 = arith.constant 0 : i32
      %dma_wait3A_238 = tpu.memref_slice %arg7[%dma_wait3A_236, %dma_wait3A_237] : memref<256x16xf32, #tpu.memory_space<vmem_shared>> -> memref<256x16xf32, #tpu.memory_space<vmem_shared>>
      tpu.wait_indirect_dma semaphore(%arg20 : memref<!tpu.dma_semaphore, #tpu.memory_space<semaphore_mem>>) src(%arg12 : memref<80x16xf32, #tpu.memory_space<vmem>>) dst(%dma_wait3A_238 : memref<256x16xf32, #tpu.memory_space<vmem_shared>>)
      %dma_wait3A_239 = arith.constant 3 : i32
      %dma_wait3A_240 = arith.constant 240 : i32
      %dma_wait3A_241 = arith.constant 0 : i32
      %dma_wait3A_242 = tpu.memref_slice %arg14[%dma_wait3A_240, %dma_wait3A_241] : memref<400x128xf32, #tpu.memory_space<vmem>> -> memref<80x128xf32, #tpu.memory_space<vmem>>
      %dma_wait3A_243 = arith.constant 0 : i32
      %dma_wait3A_244 = tpu.memref_slice %arg11[%dma_wait3A_239, %dma_wait3A_243] : memref<5x80xi32, #tpu.memory_space<vmem>> -> memref<1x80xi32, #tpu.memory_space<vmem>>
      %dma_wait3A_245 = tpu.memref_squeeze %dma_wait3A_244 : memref<1x80xi32, #tpu.memory_space<vmem>> -> memref<80xi32, #tpu.memory_space<vmem>>
      %dma_wait3A_246 = arith.constant 0 : i32
      %dma_wait3A_247 = arith.constant 0 : i32
      %dma_wait3A_248 = tpu.memref_slice %arg6[%dma_wait3A_246, %dma_wait3A_247] : memref<256x128xf32, #tpu.memory_space<vmem_shared>> -> memref<256x128xf32, #tpu.memory_space<vmem_shared>>
      tpu.wait_indirect_dma semaphore(%arg20 : memref<!tpu.dma_semaphore, #tpu.memory_space<semaphore_mem>>) src(%dma_wait3A_242 : memref<80x128xf32, #tpu.memory_space<vmem>>) dst(%dma_wait3A_248 : memref<256x128xf32, #tpu.memory_space<vmem_shared>>)
      %dma_wait3A_249 = arith.constant 3 : i32
      %dma_wait3A_250 = arith.constant 0 : i32
      %dma_wait3A_251 = tpu.memref_slice %arg11[%dma_wait3A_249, %dma_wait3A_250] : memref<5x80xi32, #tpu.memory_space<vmem>> -> memref<1x80xi32, #tpu.memory_space<vmem>>
      %dma_wait3A_252 = tpu.memref_squeeze %dma_wait3A_251 : memref<1x80xi32, #tpu.memory_space<vmem>> -> memref<80xi32, #tpu.memory_space<vmem>>
      %dma_wait3A_253 = arith.constant 0 : i32
      %dma_wait3A_254 = arith.constant 0 : i32
      %dma_wait3A_255 = tpu.memref_slice %arg7[%dma_wait3A_253, %dma_wait3A_254] : memref<256x16xf32, #tpu.memory_space<vmem_shared>> -> memref<256x16xf32, #tpu.memory_space<vmem_shared>>
      tpu.wait_indirect_dma semaphore(%arg20 : memref<!tpu.dma_semaphore, #tpu.memory_space<semaphore_mem>>) src(%arg12 : memref<80x16xf32, #tpu.memory_space<vmem>>) dst(%dma_wait3A_255 : memref<256x16xf32, #tpu.memory_space<vmem_shared>>)
      %dma_wait3A_256 = arith.constant 4 : i32
      %dma_wait3A_257 = arith.constant 320 : i32
      %dma_wait3A_258 = arith.constant 0 : i32
      %dma_wait3A_259 = tpu.memref_slice %arg14[%dma_wait3A_257, %dma_wait3A_258] : memref<400x128xf32, #tpu.memory_space<vmem>> -> memref<80x128xf32, #tpu.memory_space<vmem>>
      %dma_wait3A_260 = arith.constant 0 : i32
      %dma_wait3A_261 = tpu.memref_slice %arg11[%dma_wait3A_256, %dma_wait3A_260] : memref<5x80xi32, #tpu.memory_space<vmem>> -> memref<1x80xi32, #tpu.memory_space<vmem>>
      %dma_wait3A_262 = tpu.memref_squeeze %dma_wait3A_261 : memref<1x80xi32, #tpu.memory_space<vmem>> -> memref<80xi32, #tpu.memory_space<vmem>>
      %dma_wait3A_263 = arith.constant 0 : i32
      %dma_wait3A_264 = arith.constant 0 : i32
      %dma_wait3A_265 = tpu.memref_slice %arg6[%dma_wait3A_263, %dma_wait3A_264] : memref<256x128xf32, #tpu.memory_space<vmem_shared>> -> memref<256x128xf32, #tpu.memory_space<vmem_shared>>
      tpu.wait_indirect_dma semaphore(%arg20 : memref<!tpu.dma_semaphore, #tpu.memory_space<semaphore_mem>>) src(%dma_wait3A_259 : memref<80x128xf32, #tpu.memory_space<vmem>>) dst(%dma_wait3A_265 : memref<256x128xf32, #tpu.memory_space<vmem_shared>>)
      %dma_wait3A_266 = arith.constant 4 : i32
      %dma_wait3A_267 = arith.constant 0 : i32
      %dma_wait3A_268 = tpu.memref_slice %arg11[%dma_wait3A_266, %dma_wait3A_267] : memref<5x80xi32, #tpu.memory_space<vmem>> -> memref<1x80xi32, #tpu.memory_space<vmem>>
      %dma_wait3A_269 = tpu.memref_squeeze %dma_wait3A_268 : memref<1x80xi32, #tpu.memory_space<vmem>> -> memref<80xi32, #tpu.memory_space<vmem>>
      %dma_wait3A_270 = arith.constant 0 : i32
      %dma_wait3A_271 = arith.constant 0 : i32
      %dma_wait3A_272 = tpu.memref_slice %arg7[%dma_wait3A_270, %dma_wait3A_271] : memref<256x16xf32, #tpu.memory_space<vmem_shared>> -> memref<256x16xf32, #tpu.memory_space<vmem_shared>>
      tpu.wait_indirect_dma semaphore(%arg20 : memref<!tpu.dma_semaphore, #tpu.memory_space<semaphore_mem>>) src(%arg12 : memref<80x16xf32, #tpu.memory_space<vmem>>) dst(%dma_wait3A_272 : memref<256x16xf32, #tpu.memory_space<vmem_shared>>)
    } else {
    }
    %add3A_149 = arith.constant 224 : i32
    %add3A_150 = arith.addi %add3A, %add3A_149 : i32
    %lt3A_151 = arith.constant 250 : i32
    %lt3A_152 = arith.cmpi slt, %add3A_150, %lt3A_151 : i32
    %convert_element_type3A_153 = arith.extui %lt3A_152 : i1 to i32
    %cond3A_154 = arith.constant 0 : i32
    %cond3A_155 = arith.cmpi ne, %convert_element_type3A_153, %cond3A_154 : i32
    scf.if %cond3A_155 {
      %mul3A_189 = arith.constant 400 : i32
      %mul3A_190 = arith.muli %add3A_150, %mul3A_189 : i32
      %dma_start3A = arith.constant 0 : i32
      %dma_start3A_191 = tpu.memref_slice %arg2[%mul3A_190, %dma_start3A] : memref<100000x128xf32, #tpu.memory_space<hbm>> -> memref<400x128xf32, #tpu.memory_space<hbm>>
      %dma_start3A_192 = arith.constant 0 : i32
      %dma_start3A_193 = tpu.memref_slice %arg2[%mul3A_190, %dma_start3A_192] : memref<100000x128xf32, #tpu.memory_space<hbm>> -> memref<400x128xf32, #tpu.memory_space<hbm>>
      tpu.enqueue_dma source(%dma_start3A_193 : memref<400x128xf32, #tpu.memory_space<hbm>>) target(%arg14 : memref<400x128xf32, #tpu.memory_space<vmem>>) target_semaphore(%arg18 : memref<!tpu.dma_semaphore, #tpu.memory_space<semaphore_mem>>)
      %mul3A_194 = arith.constant 400 : i32
      %mul3A_195 = arith.muli %add3A_150, %mul3A_194 : i32
      %dma_start3A_196 = tpu.memref_slice %arg3[%mul3A_195] : memref<100000xi32, #tpu.memory_space<hbm>> -> memref<400xi32, #tpu.memory_space<hbm>>
      %dma_start3A_197 = tpu.memref_slice %arg3[%mul3A_195] : memref<100000xi32, #tpu.memory_space<hbm>> -> memref<400xi32, #tpu.memory_space<hbm>>
      tpu.enqueue_dma source(%dma_start3A_197 : memref<400xi32, #tpu.memory_space<hbm>>) target(%arg9 : memref<400xi32, #tpu.memory_space<vmem>>) target_semaphore(%arg16 : memref<!tpu.dma_semaphore, #tpu.memory_space<semaphore_mem>>)
    } else {
    }
    %add3A_156 = arith.constant 192 : i32
    %add3A_157 = arith.addi %add3A, %add3A_156 : i32
    %lt3A_158 = arith.constant 250 : i32
    %lt3A_159 = arith.cmpi slt, %add3A_157, %lt3A_158 : i32
    %convert_element_type3A_160 = arith.extui %lt3A_159 : i1 to i32
    %cond3A_161 = arith.constant 0 : i32
    %cond3A_162 = arith.cmpi ne, %convert_element_type3A_160, %cond3A_161 : i32
    scf.if %cond3A_162 {
      %mul3A_189 = arith.constant 400 : i32
      %mul3A_190 = arith.muli %add3A_157, %mul3A_189 : i32
      %dma_wait3A = tpu.memref_slice %arg3[%mul3A_190] : memref<100000xi32, #tpu.memory_space<hbm>> -> memref<400xi32, #tpu.memory_space<hbm>>
      %dma_wait3A_191 = tpu.memref_slice %arg3[%mul3A_190] : memref<100000xi32, #tpu.memory_space<hbm>> -> memref<400xi32, #tpu.memory_space<hbm>>
      tpu.wait_dma2 semaphore(%arg15 : memref<!tpu.dma_semaphore, #tpu.memory_space<semaphore_mem>>) src(%dma_wait3A_191 : memref<400xi32, #tpu.memory_space<hbm>>) dst(%arg8 : memref<400xi32, #tpu.memory_space<vmem>>)
      %get3A = arith.constant 0 : index
      %get3A_192 = tpu.vector_load %arg8[%get3A] {strides = array<i32>} : memref<400xi32, #tpu.memory_space<vmem>>, vector<16xi32>,
      %get3A_193 = vector.shape_cast %get3A_192 : vector<16xi32> to vector<16xi32>
      %swap3A = arith.constant 0 : i32
      %swap3A_194 = arith.index_cast %swap3A : i32 to index
      %swap3A_195 = arith.constant 0 : index
      %swap3A_196 = tpu.vector_load %arg10[%swap3A_194, %swap3A_195] {strides = array<i32>} : memref<5x80xi32, #tpu.memory_space<vmem>>, vector<1x16xi32>,
      %swap3A_197 = vector.shape_cast %swap3A_196 : vector<1x16xi32> to vector<16xi32>
      %swap3A_198 = vector.shape_cast %get3A_193 : vector<16xi32> to vector<1x16xi32>
      tpu.vector_store %arg10[%swap3A_194, %swap3A_195], %swap3A_198 {strides = array<i32>} : memref<5x80xi32, #tpu.memory_space<vmem>>, vector<1x16xi32>,
      %get3A_199 = arith.constant 16 : index
      %get3A_200 = tpu.vector_load %arg8[%get3A_199] {strides = array<i32>} : memref<400xi32, #tpu.memory_space<vmem>>, vector<16xi32>,
      %get3A_201 = vector.shape_cast %get3A_200 : vector<16xi32> to vector<16xi32>
      %swap3A_202 = arith.constant 0 : i32
      %swap3A_203 = arith.index_cast %swap3A_202 : i32 to index
      %swap3A_204 = arith.constant 16 : index
      %swap3A_205 = tpu.vector_load %arg10[%swap3A_203, %swap3A_204] {strides = array<i32>} : memref<5x80xi32, #tpu.memory_space<vmem>>, vector<1x16xi32>,
      %swap3A_206 = vector.shape_cast %swap3A_205 : vector<1x16xi32> to vector<16xi32>
      %swap3A_207 = vector.shape_cast %get3A_201 : vector<16xi32> to vector<1x16xi32>
      tpu.vector_store %arg10[%swap3A_203, %swap3A_204], %swap3A_207 {strides = array<i32>} : memref<5x80xi32, #tpu.memory_space<vmem>>, vector<1x16xi32>,
      %get3A_208 = arith.constant 32 : index
      %get3A_209 = tpu.vector_load %arg8[%get3A_208] {strides = array<i32>} : memref<400xi32, #tpu.memory_space<vmem>>, vector<16xi32>,
      %get3A_210 = vector.shape_cast %get3A_209 : vector<16xi32> to vector<16xi32>
      %swap3A_211 = arith.constant 0 : i32
      %swap3A_212 = arith.index_cast %swap3A_211 : i32 to index
      %swap3A_213 = arith.constant 32 : index
      %swap3A_214 = tpu.vector_load %arg10[%swap3A_212, %swap3A_213] {strides = array<i32>} : memref<5x80xi32, #tpu.memory_space<vmem>>, vector<1x16xi32>,
      %swap3A_215 = vector.shape_cast %swap3A_214 : vector<1x16xi32> to vector<16xi32>
      %swap3A_216 = vector.shape_cast %get3A_210 : vector<16xi32> to vector<1x16xi32>
      tpu.vector_store %arg10[%swap3A_212, %swap3A_213], %swap3A_216 {strides = array<i32>} : memref<5x80xi32, #tpu.memory_space<vmem>>, vector<1x16xi32>,
      %get3A_217 = arith.constant 48 : index
      %get3A_218 = tpu.vector_load %arg8[%get3A_217] {strides = array<i32>} : memref<400xi32, #tpu.memory_space<vmem>>, vector<16xi32>,
      %get3A_219 = vector.shape_cast %get3A_218 : vector<16xi32> to vector<16xi32>
      %swap3A_220 = arith.constant 0 : i32
      %swap3A_221 = arith.index_cast %swap3A_220 : i32 to index
      %swap3A_222 = arith.constant 48 : index
      %swap3A_223 = tpu.vector_load %arg10[%swap3A_221, %swap3A_222] {strides = array<i32>} : memref<5x80xi32, #tpu.memory_space<vmem>>, vector<1x16xi32>,
      %swap3A_224 = vector.shape_cast %swap3A_223 : vector<1x16xi32> to vector<16xi32>
      %swap3A_225 = vector.shape_cast %get3A_219 : vector<16xi32> to vector<1x16xi32>
      tpu.vector_store %arg10[%swap3A_221, %swap3A_222], %swap3A_225 {strides = array<i32>} : memref<5x80xi32, #tpu.memory_space<vmem>>, vector<1x16xi32>,
      %get3A_226 = arith.constant 64 : index
      %get3A_227 = tpu.vector_load %arg8[%get3A_226] {strides = array<i32>} : memref<400xi32, #tpu.memory_space<vmem>>, vector<16xi32>,
      %get3A_228 = vector.shape_cast %get3A_227 : vector<16xi32> to vector<16xi32>
      %swap3A_229 = arith.constant 0 : i32
      %swap3A_230 = arith.index_cast %swap3A_229 : i32 to index
      %swap3A_231 = arith.constant 64 : index
      %swap3A_232 = tpu.vector_load %arg10[%swap3A_230, %swap3A_231] {strides = array<i32>} : memref<5x80xi32, #tpu.memory_space<vmem>>, vector<1x16xi32>,
      %swap3A_233 = vector.shape_cast %swap3A_232 : vector<1x16xi32> to vector<16xi32>
      %swap3A_234 = vector.shape_cast %get3A_228 : vector<16xi32> to vector<1x16xi32>
      tpu.vector_store %arg10[%swap3A_230, %swap3A_231], %swap3A_234 {strides = array<i32>} : memref<5x80xi32, #tpu.memory_space<vmem>>, vector<1x16xi32>,
      %get3A_235 = arith.constant 80 : index
      %get3A_236 = tpu.vector_load %arg8[%get3A_235] {strides = array<i32>} : memref<400xi32, #tpu.memory_space<vmem>>, vector<16xi32>,
      %get3A_237 = vector.shape_cast %get3A_236 : vector<16xi32> to vector<16xi32>
      %swap3A_238 = arith.constant 1 : i32
      %swap3A_239 = arith.index_cast %swap3A_238 : i32 to index
      %swap3A_240 = arith.constant 0 : index
      %swap3A_241 = tpu.vector_load %arg10[%swap3A_239, %swap3A_240] {strides = array<i32>} : memref<5x80xi32, #tpu.memory_space<vmem>>, vector<1x16xi32>,
      %swap3A_242 = vector.shape_cast %swap3A_241 : vector<1x16xi32> to vector<16xi32>
      %swap3A_243 = vector.shape_cast %get3A_237 : vector<16xi32> to vector<1x16xi32>
      tpu.vector_store %arg10[%swap3A_239, %swap3A_240], %swap3A_243 {strides = array<i32>} : memref<5x80xi32, #tpu.memory_space<vmem>>, vector<1x16xi32>,
      %get3A_244 = arith.constant 96 : index
      %get3A_245 = tpu.vector_load %arg8[%get3A_244] {strides = array<i32>} : memref<400xi32, #tpu.memory_space<vmem>>, vector<16xi32>,
      %get3A_246 = vector.shape_cast %get3A_245 : vector<16xi32> to vector<16xi32>
      %swap3A_247 = arith.constant 1 : i32
      %swap3A_248 = arith.index_cast %swap3A_247 : i32 to index
      %swap3A_249 = arith.constant 16 : index
      %swap3A_250 = tpu.vector_load %arg10[%swap3A_248, %swap3A_249] {strides = array<i32>} : memref<5x80xi32, #tpu.memory_space<vmem>>, vector<1x16xi32>,
      %swap3A_251 = vector.shape_cast %swap3A_250 : vector<1x16xi32> to vector<16xi32>
      %swap3A_252 = vector.shape_cast %get3A_246 : vector<16xi32> to vector<1x16xi32>
      tpu.vector_store %arg10[%swap3A_248, %swap3A_249], %swap3A_252 {strides = array<i32>} : memref<5x80xi32, #tpu.memory_space<vmem>>, vector<1x16xi32>,
      %get3A_253 = arith.constant 112 : index
      %get3A_254 = tpu.vector_load %arg8[%get3A_253] {strides = array<i32>} : memref<400xi32, #tpu.memory_space<vmem>>, vector<16xi32>,
      %get3A_255 = vector.shape_cast %get3A_254 : vector<16xi32> to vector<16xi32>
      %swap3A_256 = arith.constant 1 : i32
      %swap3A_257 = arith.index_cast %swap3A_256 : i32 to index
      %swap3A_258 = arith.constant 32 : index
      %swap3A_259 = tpu.vector_load %arg10[%swap3A_257, %swap3A_258] {strides = array<i32>} : memref<5x80xi32, #tpu.memory_space<vmem>>, vector<1x16xi32>,
      %swap3A_260 = vector.shape_cast %swap3A_259 : vector<1x16xi32> to vector<16xi32>
      %swap3A_261 = vector.shape_cast %get3A_255 : vector<16xi32> to vector<1x16xi32>
      tpu.vector_store %arg10[%swap3A_257, %swap3A_258], %swap3A_261 {strides = array<i32>} : memref<5x80xi32, #tpu.memory_space<vmem>>, vector<1x16xi32>,
      %get3A_262 = arith.constant 128 : index
      %get3A_263 = tpu.vector_load %arg8[%get3A_262] {strides = array<i32>} : memref<400xi32, #tpu.memory_space<vmem>>, vector<16xi32>,
      %get3A_264 = vector.shape_cast %get3A_263 : vector<16xi32> to vector<16xi32>
      %swap3A_265 = arith.constant 1 : i32
      %swap3A_266 = arith.index_cast %swap3A_265 : i32 to index
      %swap3A_267 = arith.constant 48 : index
      %swap3A_268 = tpu.vector_load %arg10[%swap3A_266, %swap3A_267] {strides = array<i32>} : memref<5x80xi32, #tpu.memory_space<vmem>>, vector<1x16xi32>,
      %swap3A_269 = vector.shape_cast %swap3A_268 : vector<1x16xi32> to vector<16xi32>
      %swap3A_270 = vector.shape_cast %get3A_264 : vector<16xi32> to vector<1x16xi32>
      tpu.vector_store %arg10[%swap3A_266, %swap3A_267], %swap3A_270 {strides = array<i32>} : memref<5x80xi32, #tpu.memory_space<vmem>>, vector<1x16xi32>,
      %get3A_271 = arith.constant 144 : index
      %get3A_272 = tpu.vector_load %arg8[%get3A_271] {strides = array<i32>} : memref<400xi32, #tpu.memory_space<vmem>>, vector<16xi32>,
      %get3A_273 = vector.shape_cast %get3A_272 : vector<16xi32> to vector<16xi32>
      %swap3A_274 = arith.constant 1 : i32
      %swap3A_275 = arith.index_cast %swap3A_274 : i32 to index
      %swap3A_276 = arith.constant 64 : index
      %swap3A_277 = tpu.vector_load %arg10[%swap3A_275, %swap3A_276] {strides = array<i32>} : memref<5x80xi32, #tpu.memory_space<vmem>>, vector<1x16xi32>,
      %swap3A_278 = vector.shape_cast %swap3A_277 : vector<1x16xi32> to vector<16xi32>
      %swap3A_279 = vector.shape_cast %get3A_273 : vector<16xi32> to vector<1x16xi32>
      tpu.vector_store %arg10[%swap3A_275, %swap3A_276], %swap3A_279 {strides = array<i32>} : memref<5x80xi32, #tpu.memory_space<vmem>>, vector<1x16xi32>,
      %get3A_280 = arith.constant 160 : index
      %get3A_281 = tpu.vector_load %arg8[%get3A_280] {strides = array<i32>} : memref<400xi32, #tpu.memory_space<vmem>>, vector<16xi32>,
      %get3A_282 = vector.shape_cast %get3A_281 : vector<16xi32> to vector<16xi32>
      %swap3A_283 = arith.constant 2 : i32
      %swap3A_284 = arith.index_cast %swap3A_283 : i32 to index
      %swap3A_285 = arith.constant 0 : index
      %swap3A_286 = tpu.vector_load %arg10[%swap3A_284, %swap3A_285] {strides = array<i32>} : memref<5x80xi32, #tpu.memory_space<vmem>>, vector<1x16xi32>,
      %swap3A_287 = vector.shape_cast %swap3A_286 : vector<1x16xi32> to vector<16xi32>
      %swap3A_288 = vector.shape_cast %get3A_282 : vector<16xi32> to vector<1x16xi32>
      tpu.vector_store %arg10[%swap3A_284, %swap3A_285], %swap3A_288 {strides = array<i32>} : memref<5x80xi32, #tpu.memory_space<vmem>>, vector<1x16xi32>,
      %get3A_289 = arith.constant 176 : index
      %get3A_290 = tpu.vector_load %arg8[%get3A_289] {strides = array<i32>} : memref<400xi32, #tpu.memory_space<vmem>>, vector<16xi32>,
      %get3A_291 = vector.shape_cast %get3A_290 : vector<16xi32> to vector<16xi32>
      %swap3A_292 = arith.constant 2 : i32
      %swap3A_293 = arith.index_cast %swap3A_292 : i32 to index
      %swap3A_294 = arith.constant 16 : index
      %swap3A_295 = tpu.vector_load %arg10[%swap3A_293, %swap3A_294] {strides = array<i32>} : memref<5x80xi32, #tpu.memory_space<vmem>>, vector<1x16xi32>,
      %swap3A_296 = vector.shape_cast %swap3A_295 : vector<1x16xi32> to vector<16xi32>
      %swap3A_297 = vector.shape_cast %get3A_291 : vector<16xi32> to vector<1x16xi32>
      tpu.vector_store %arg10[%swap3A_293, %swap3A_294], %swap3A_297 {strides = array<i32>} : memref<5x80xi32, #tpu.memory_space<vmem>>, vector<1x16xi32>,
      %get3A_298 = arith.constant 192 : index
      %get3A_299 = tpu.vector_load %arg8[%get3A_298] {strides = array<i32>} : memref<400xi32, #tpu.memory_space<vmem>>, vector<16xi32>,
      %get3A_300 = vector.shape_cast %get3A_299 : vector<16xi32> to vector<16xi32>
      %swap3A_301 = arith.constant 2 : i32
      %swap3A_302 = arith.index_cast %swap3A_301 : i32 to index
      %swap3A_303 = arith.constant 32 : index
      %swap3A_304 = tpu.vector_load %arg10[%swap3A_302, %swap3A_303] {strides = array<i32>} : memref<5x80xi32, #tpu.memory_space<vmem>>, vector<1x16xi32>,
      %swap3A_305 = vector.shape_cast %swap3A_304 : vector<1x16xi32> to vector<16xi32>
      %swap3A_306 = vector.shape_cast %get3A_300 : vector<16xi32> to vector<1x16xi32>
      tpu.vector_store %arg10[%swap3A_302, %swap3A_303], %swap3A_306 {strides = array<i32>} : memref<5x80xi32, #tpu.memory_space<vmem>>, vector<1x16xi32>,
      %get3A_307 = arith.constant 208 : index
      %get3A_308 = tpu.vector_load %arg8[%get3A_307] {strides = array<i32>} : memref<400xi32, #tpu.memory_space<vmem>>, vector<16xi32>,
      %get3A_309 = vector.shape_cast %get3A_308 : vector<16xi32> to vector<16xi32>
      %swap3A_310 = arith.constant 2 : i32
      %swap3A_311 = arith.index_cast %swap3A_310 : i32 to index
      %swap3A_312 = arith.constant 48 : index
      %swap3A_313 = tpu.vector_load %arg10[%swap3A_311, %swap3A_312] {strides = array<i32>} : memref<5x80xi32, #tpu.memory_space<vmem>>, vector<1x16xi32>,
      %swap3A_314 = vector.shape_cast %swap3A_313 : vector<1x16xi32> to vector<16xi32>
      %swap3A_315 = vector.shape_cast %get3A_309 : vector<16xi32> to vector<1x16xi32>
      tpu.vector_store %arg10[%swap3A_311, %swap3A_312], %swap3A_315 {strides = array<i32>} : memref<5x80xi32, #tpu.memory_space<vmem>>, vector<1x16xi32>,
      %get3A_316 = arith.constant 224 : index
      %get3A_317 = tpu.vector_load %arg8[%get3A_316] {strides = array<i32>} : memref<400xi32, #tpu.memory_space<vmem>>, vector<16xi32>,
      %get3A_318 = vector.shape_cast %get3A_317 : vector<16xi32> to vector<16xi32>
      %swap3A_319 = arith.constant 2 : i32
      %swap3A_320 = arith.index_cast %swap3A_319 : i32 to index
      %swap3A_321 = arith.constant 64 : index
      %swap3A_322 = tpu.vector_load %arg10[%swap3A_320, %swap3A_321] {strides = array<i32>} : memref<5x80xi32, #tpu.memory_space<vmem>>, vector<1x16xi32>,
      %swap3A_323 = vector.shape_cast %swap3A_322 : vector<1x16xi32> to vector<16xi32>
      %swap3A_324 = vector.shape_cast %get3A_318 : vector<16xi32> to vector<1x16xi32>
      tpu.vector_store %arg10[%swap3A_320, %swap3A_321], %swap3A_324 {strides = array<i32>} : memref<5x80xi32, #tpu.memory_space<vmem>>, vector<1x16xi32>,
      %get3A_325 = arith.constant 240 : index
      %get3A_326 = tpu.vector_load %arg8[%get3A_325] {strides = array<i32>} : memref<400xi32, #tpu.memory_space<vmem>>, vector<16xi32>,
      %get3A_327 = vector.shape_cast %get3A_326 : vector<16xi32> to vector<16xi32>
      %swap3A_328 = arith.constant 3 : i32
      %swap3A_329 = arith.index_cast %swap3A_328 : i32 to index
      %swap3A_330 = arith.constant 0 : index
      %swap3A_331 = tpu.vector_load %arg10[%swap3A_329, %swap3A_330] {strides = array<i32>} : memref<5x80xi32, #tpu.memory_space<vmem>>, vector<1x16xi32>,
      %swap3A_332 = vector.shape_cast %swap3A_331 : vector<1x16xi32> to vector<16xi32>
      %swap3A_333 = vector.shape_cast %get3A_327 : vector<16xi32> to vector<1x16xi32>
      tpu.vector_store %arg10[%swap3A_329, %swap3A_330], %swap3A_333 {strides = array<i32>} : memref<5x80xi32, #tpu.memory_space<vmem>>, vector<1x16xi32>,
      %get3A_334 = arith.constant 256 : index
      %get3A_335 = tpu.vector_load %arg8[%get3A_334] {strides = array<i32>} : memref<400xi32, #tpu.memory_space<vmem>>, vector<16xi32>,
      %get3A_336 = vector.shape_cast %get3A_335 : vector<16xi32> to vector<16xi32>
      %swap3A_337 = arith.constant 3 : i32
      %swap3A_338 = arith.index_cast %swap3A_337 : i32 to index
      %swap3A_339 = arith.constant 16 : index
      %swap3A_340 = tpu.vector_load %arg10[%swap3A_338, %swap3A_339] {strides = array<i32>} : memref<5x80xi32, #tpu.memory_space<vmem>>, vector<1x16xi32>,
      %swap3A_341 = vector.shape_cast %swap3A_340 : vector<1x16xi32> to vector<16xi32>
      %swap3A_342 = vector.shape_cast %get3A_336 : vector<16xi32> to vector<1x16xi32>
      tpu.vector_store %arg10[%swap3A_338, %swap3A_339], %swap3A_342 {strides = array<i32>} : memref<5x80xi32, #tpu.memory_space<vmem>>, vector<1x16xi32>,
      %get3A_343 = arith.constant 272 : index
      %get3A_344 = tpu.vector_load %arg8[%get3A_343] {strides = array<i32>} : memref<400xi32, #tpu.memory_space<vmem>>, vector<16xi32>,
      %get3A_345 = vector.shape_cast %get3A_344 : vector<16xi32> to vector<16xi32>
      %swap3A_346 = arith.constant 3 : i32
      %swap3A_347 = arith.index_cast %swap3A_346 : i32 to index
      %swap3A_348 = arith.constant 32 : index
      %swap3A_349 = tpu.vector_load %arg10[%swap3A_347, %swap3A_348] {strides = array<i32>} : memref<5x80xi32, #tpu.memory_space<vmem>>, vector<1x16xi32>,
      %swap3A_350 = vector.shape_cast %swap3A_349 : vector<1x16xi32> to vector<16xi32>
      %swap3A_351 = vector.shape_cast %get3A_345 : vector<16xi32> to vector<1x16xi32>
      tpu.vector_store %arg10[%swap3A_347, %swap3A_348], %swap3A_351 {strides = array<i32>} : memref<5x80xi32, #tpu.memory_space<vmem>>, vector<1x16xi32>,
      %get3A_352 = arith.constant 288 : index
      %get3A_353 = tpu.vector_load %arg8[%get3A_352] {strides = array<i32>} : memref<400xi32, #tpu.memory_space<vmem>>, vector<16xi32>,
      %get3A_354 = vector.shape_cast %get3A_353 : vector<16xi32> to vector<16xi32>
      %swap3A_355 = arith.constant 3 : i32
      %swap3A_356 = arith.index_cast %swap3A_355 : i32 to index
      %swap3A_357 = arith.constant 48 : index
      %swap3A_358 = tpu.vector_load %arg10[%swap3A_356, %swap3A_357] {strides = array<i32>} : memref<5x80xi32, #tpu.memory_space<vmem>>, vector<1x16xi32>,
      %swap3A_359 = vector.shape_cast %swap3A_358 : vector<1x16xi32> to vector<16xi32>
      %swap3A_360 = vector.shape_cast %get3A_354 : vector<16xi32> to vector<1x16xi32>
      tpu.vector_store %arg10[%swap3A_356, %swap3A_357], %swap3A_360 {strides = array<i32>} : memref<5x80xi32, #tpu.memory_space<vmem>>, vector<1x16xi32>,
      %get3A_361 = arith.constant 304 : index
      %get3A_362 = tpu.vector_load %arg8[%get3A_361] {strides = array<i32>} : memref<400xi32, #tpu.memory_space<vmem>>, vector<16xi32>,
      %get3A_363 = vector.shape_cast %get3A_362 : vector<16xi32> to vector<16xi32>
      %swap3A_364 = arith.constant 3 : i32
      %swap3A_365 = arith.index_cast %swap3A_364 : i32 to index
      %swap3A_366 = arith.constant 64 : index
      %swap3A_367 = tpu.vector_load %arg10[%swap3A_365, %swap3A_366] {strides = array<i32>} : memref<5x80xi32, #tpu.memory_space<vmem>>, vector<1x16xi32>,
      %swap3A_368 = vector.shape_cast %swap3A_367 : vector<1x16xi32> to vector<16xi32>
      %swap3A_369 = vector.shape_cast %get3A_363 : vector<16xi32> to vector<1x16xi32>
      tpu.vector_store %arg10[%swap3A_365, %swap3A_366], %swap3A_369 {strides = array<i32>} : memref<5x80xi32, #tpu.memory_space<vmem>>, vector<1x16xi32>,
      %get3A_370 = arith.constant 320 : index
      %get3A_371 = tpu.vector_load %arg8[%get3A_370] {strides = array<i32>} : memref<400xi32, #tpu.memory_space<vmem>>, vector<16xi32>,
      %get3A_372 = vector.shape_cast %get3A_371 : vector<16xi32> to vector<16xi32>
      %swap3A_373 = arith.constant 4 : i32
      %swap3A_374 = arith.index_cast %swap3A_373 : i32 to index
      %swap3A_375 = arith.constant 0 : index
      %swap3A_376 = tpu.vector_load %arg10[%swap3A_374, %swap3A_375] {strides = array<i32>} : memref<5x80xi32, #tpu.memory_space<vmem>>, vector<1x16xi32>,
      %swap3A_377 = vector.shape_cast %swap3A_376 : vector<1x16xi32> to vector<16xi32>
      %swap3A_378 = vector.shape_cast %get3A_372 : vector<16xi32> to vector<1x16xi32>
      tpu.vector_store %arg10[%swap3A_374, %swap3A_375], %swap3A_378 {strides = array<i32>} : memref<5x80xi32, #tpu.memory_space<vmem>>, vector<1x16xi32>,
      %get3A_379 = arith.constant 336 : index
      %get3A_380 = tpu.vector_load %arg8[%get3A_379] {strides = array<i32>} : memref<400xi32, #tpu.memory_space<vmem>>, vector<16xi32>,
      %get3A_381 = vector.shape_cast %get3A_380 : vector<16xi32> to vector<16xi32>
      %swap3A_382 = arith.constant 4 : i32
      %swap3A_383 = arith.index_cast %swap3A_382 : i32 to index
      %swap3A_384 = arith.constant 16 : index
      %swap3A_385 = tpu.vector_load %arg10[%swap3A_383, %swap3A_384] {strides = array<i32>} : memref<5x80xi32, #tpu.memory_space<vmem>>, vector<1x16xi32>,
      %swap3A_386 = vector.shape_cast %swap3A_385 : vector<1x16xi32> to vector<16xi32>
      %swap3A_387 = vector.shape_cast %get3A_381 : vector<16xi32> to vector<1x16xi32>
      tpu.vector_store %arg10[%swap3A_383, %swap3A_384], %swap3A_387 {strides = array<i32>} : memref<5x80xi32, #tpu.memory_space<vmem>>, vector<1x16xi32>,
      %get3A_388 = arith.constant 352 : index
      %get3A_389 = tpu.vector_load %arg8[%get3A_388] {strides = array<i32>} : memref<400xi32, #tpu.memory_space<vmem>>, vector<16xi32>,
      %get3A_390 = vector.shape_cast %get3A_389 : vector<16xi32> to vector<16xi32>
      %swap3A_391 = arith.constant 4 : i32
      %swap3A_392 = arith.index_cast %swap3A_391 : i32 to index
      %swap3A_393 = arith.constant 32 : index
      %swap3A_394 = tpu.vector_load %arg10[%swap3A_392, %swap3A_393] {strides = array<i32>} : memref<5x80xi32, #tpu.memory_space<vmem>>, vector<1x16xi32>,
      %swap3A_395 = vector.shape_cast %swap3A_394 : vector<1x16xi32> to vector<16xi32>
      %swap3A_396 = vector.shape_cast %get3A_390 : vector<16xi32> to vector<1x16xi32>
      tpu.vector_store %arg10[%swap3A_392, %swap3A_393], %swap3A_396 {strides = array<i32>} : memref<5x80xi32, #tpu.memory_space<vmem>>, vector<1x16xi32>,
      %get3A_397 = arith.constant 368 : index
      %get3A_398 = tpu.vector_load %arg8[%get3A_397] {strides = array<i32>} : memref<400xi32, #tpu.memory_space<vmem>>, vector<16xi32>,
      %get3A_399 = vector.shape_cast %get3A_398 : vector<16xi32> to vector<16xi32>
      %swap3A_400 = arith.constant 4 : i32
      %swap3A_401 = arith.index_cast %swap3A_400 : i32 to index
      %swap3A_402 = arith.constant 48 : index
      %swap3A_403 = tpu.vector_load %arg10[%swap3A_401, %swap3A_402] {strides = array<i32>} : memref<5x80xi32, #tpu.memory_space<vmem>>, vector<1x16xi32>,
      %swap3A_404 = vector.shape_cast %swap3A_403 : vector<1x16xi32> to vector<16xi32>
      %swap3A_405 = vector.shape_cast %get3A_399 : vector<16xi32> to vector<1x16xi32>
      tpu.vector_store %arg10[%swap3A_401, %swap3A_402], %swap3A_405 {strides = array<i32>} : memref<5x80xi32, #tpu.memory_space<vmem>>, vector<1x16xi32>,
      %get3A_406 = arith.constant 384 : index
      %get3A_407 = tpu.vector_load %arg8[%get3A_406] {strides = array<i32>} : memref<400xi32, #tpu.memory_space<vmem>>, vector<16xi32>,
      %get3A_408 = vector.shape_cast %get3A_407 : vector<16xi32> to vector<16xi32>
      %swap3A_409 = arith.constant 4 : i32
      %swap3A_410 = arith.index_cast %swap3A_409 : i32 to index
      %swap3A_411 = arith.constant 64 : index
      %swap3A_412 = tpu.vector_load %arg10[%swap3A_410, %swap3A_411] {strides = array<i32>} : memref<5x80xi32, #tpu.memory_space<vmem>>, vector<1x16xi32>,
      %swap3A_413 = vector.shape_cast %swap3A_412 : vector<1x16xi32> to vector<16xi32>
      %swap3A_414 = vector.shape_cast %get3A_408 : vector<16xi32> to vector<1x16xi32>
      tpu.vector_store %arg10[%swap3A_410, %swap3A_411], %swap3A_414 {strides = array<i32>} : memref<5x80xi32, #tpu.memory_space<vmem>>, vector<1x16xi32>,
      %mul3A_415 = arith.constant 400 : i32
      %mul3A_416 = arith.muli %add3A_157, %mul3A_415 : i32
      %dma_wait3A_417 = arith.constant 0 : i32
      %dma_wait3A_418 = tpu.memref_slice %arg2[%mul3A_416, %dma_wait3A_417] : memref<100000x128xf32, #tpu.memory_space<hbm>> -> memref<400x128xf32, #tpu.memory_space<hbm>>
      %dma_wait3A_419 = arith.constant 0 : i32
      %dma_wait3A_420 = tpu.memref_slice %arg2[%mul3A_416, %dma_wait3A_419] : memref<100000x128xf32, #tpu.memory_space<hbm>> -> memref<400x128xf32, #tpu.memory_space<hbm>>
      tpu.wait_dma2 semaphore(%arg17 : memref<!tpu.dma_semaphore, #tpu.memory_space<semaphore_mem>>) src(%dma_wait3A_420 : memref<400x128xf32, #tpu.memory_space<hbm>>) dst(%arg13 : memref<400x128xf32, #tpu.memory_space<vmem>>)
      %dma_start3A = arith.constant 0 : i32
      %dma_start3A_421 = arith.constant 0 : i32
      %dma_start3A_422 = arith.constant 0 : i32
      %dma_start3A_423 = tpu.memref_slice %arg13[%dma_start3A_421, %dma_start3A_422] : memref<400x128xf32, #tpu.memory_space<vmem>> -> memref<80x128xf32, #tpu.memory_space<vmem>>
      %dma_start3A_424 = arith.constant 0 : i32
      %dma_start3A_425 = tpu.memref_slice %arg10[%dma_start3A, %dma_start3A_424] : memref<5x80xi32, #tpu.memory_space<vmem>> -> memref<1x80xi32, #tpu.memory_space<vmem>>
      %dma_start3A_426 = tpu.memref_squeeze %dma_start3A_425 : memref<1x80xi32, #tpu.memory_space<vmem>> -> memref<80xi32, #tpu.memory_space<vmem>>
      %dma_start3A_427 = arith.constant 0 : i32
      %dma_start3A_428 = arith.constant 0 : i32
      %dma_start3A_429 = tpu.memref_slice %arg6[%dma_start3A_427, %dma_start3A_428] : memref<256x128xf32, #tpu.memory_space<vmem_shared>> -> memref<256x128xf32, #tpu.memory_space<vmem_shared>>
      tpu.enqueue_indirect_dma source(%dma_start3A_423 : memref<80x128xf32, #tpu.memory_space<vmem>>) target(%dma_start3A_429 : memref<256x128xf32, #tpu.memory_space<vmem_shared>>) offsets(%dma_start3A_426 : memref<80xi32, #tpu.memory_space<vmem>>) semaphore(%arg19 : memref<!tpu.dma_semaphore, #tpu.memory_space<semaphore_mem>>) {add = true}
      %dma_start3A_430 = arith.constant 0 : i32
      %dma_start3A_431 = arith.constant 0 : i32
      %dma_start3A_432 = tpu.memref_slice %arg10[%dma_start3A_430, %dma_start3A_431] : memref<5x80xi32, #tpu.memory_space<vmem>> -> memref<1x80xi32, #tpu.memory_space<vmem>>
      %dma_start3A_433 = tpu.memref_squeeze %dma_start3A_432 : memref<1x80xi32, #tpu.memory_space<vmem>> -> memref<80xi32, #tpu.memory_space<vmem>>
      %dma_start3A_434 = arith.constant 0 : i32
      %dma_start3A_435 = arith.constant 0 : i32
      %dma_start3A_436 = tpu.memref_slice %arg7[%dma_start3A_434, %dma_start3A_435] : memref<256x16xf32, #tpu.memory_space<vmem_shared>> -> memref<256x16xf32, #tpu.memory_space<vmem_shared>>
      tpu.enqueue_indirect_dma source(%arg12 : memref<80x16xf32, #tpu.memory_space<vmem>>) target(%dma_start3A_436 : memref<256x16xf32, #tpu.memory_space<vmem_shared>>) offsets(%dma_start3A_433 : memref<80xi32, #tpu.memory_space<vmem>>) semaphore(%arg19 : memref<!tpu.dma_semaphore, #tpu.memory_space<semaphore_mem>>) {add = true}
      %dma_start3A_437 = arith.constant 1 : i32
      %dma_start3A_438 = arith.constant 80 : i32
      %dma_start3A_439 = arith.constant 0 : i32
      %dma_start3A_440 = tpu.memref_slice %arg13[%dma_start3A_438, %dma_start3A_439] : memref<400x128xf32, #tpu.memory_space<vmem>> -> memref<80x128xf32, #tpu.memory_space<vmem>>
      %dma_start3A_441 = arith.constant 0 : i32
      %dma_start3A_442 = tpu.memref_slice %arg10[%dma_start3A_437, %dma_start3A_441] : memref<5x80xi32, #tpu.memory_space<vmem>> -> memref<1x80xi32, #tpu.memory_space<vmem>>
      %dma_start3A_443 = tpu.memref_squeeze %dma_start3A_442 : memref<1x80xi32, #tpu.memory_space<vmem>> -> memref<80xi32, #tpu.memory_space<vmem>>
      %dma_start3A_444 = arith.constant 0 : i32
      %dma_start3A_445 = arith.constant 0 : i32
      %dma_start3A_446 = tpu.memref_slice %arg6[%dma_start3A_444, %dma_start3A_445] : memref<256x128xf32, #tpu.memory_space<vmem_shared>> -> memref<256x128xf32, #tpu.memory_space<vmem_shared>>
      tpu.enqueue_indirect_dma source(%dma_start3A_440 : memref<80x128xf32, #tpu.memory_space<vmem>>) target(%dma_start3A_446 : memref<256x128xf32, #tpu.memory_space<vmem_shared>>) offsets(%dma_start3A_443 : memref<80xi32, #tpu.memory_space<vmem>>) semaphore(%arg19 : memref<!tpu.dma_semaphore, #tpu.memory_space<semaphore_mem>>) {add = true}
      %dma_start3A_447 = arith.constant 1 : i32
      %dma_start3A_448 = arith.constant 0 : i32
      %dma_start3A_449 = tpu.memref_slice %arg10[%dma_start3A_447, %dma_start3A_448] : memref<5x80xi32, #tpu.memory_space<vmem>> -> memref<1x80xi32, #tpu.memory_space<vmem>>
      %dma_start3A_450 = tpu.memref_squeeze %dma_start3A_449 : memref<1x80xi32, #tpu.memory_space<vmem>> -> memref<80xi32, #tpu.memory_space<vmem>>
      %dma_start3A_451 = arith.constant 0 : i32
      %dma_start3A_452 = arith.constant 0 : i32
      %dma_start3A_453 = tpu.memref_slice %arg7[%dma_start3A_451, %dma_start3A_452] : memref<256x16xf32, #tpu.memory_space<vmem_shared>> -> memref<256x16xf32, #tpu.memory_space<vmem_shared>>
      tpu.enqueue_indirect_dma source(%arg12 : memref<80x16xf32, #tpu.memory_space<vmem>>) target(%dma_start3A_453 : memref<256x16xf32, #tpu.memory_space<vmem_shared>>) offsets(%dma_start3A_450 : memref<80xi32, #tpu.memory_space<vmem>>) semaphore(%arg19 : memref<!tpu.dma_semaphore, #tpu.memory_space<semaphore_mem>>) {add = true}
      %dma_start3A_454 = arith.constant 2 : i32
      %dma_start3A_455 = arith.constant 160 : i32
      %dma_start3A_456 = arith.constant 0 : i32
      %dma_start3A_457 = tpu.memref_slice %arg13[%dma_start3A_455, %dma_start3A_456] : memref<400x128xf32, #tpu.memory_space<vmem>> -> memref<80x128xf32, #tpu.memory_space<vmem>>
      %dma_start3A_458 = arith.constant 0 : i32
      %dma_start3A_459 = tpu.memref_slice %arg10[%dma_start3A_454, %dma_start3A_458] : memref<5x80xi32, #tpu.memory_space<vmem>> -> memref<1x80xi32, #tpu.memory_space<vmem>>
      %dma_start3A_460 = tpu.memref_squeeze %dma_start3A_459 : memref<1x80xi32, #tpu.memory_space<vmem>> -> memref<80xi32, #tpu.memory_space<vmem>>
      %dma_start3A_461 = arith.constant 0 : i32
      %dma_start3A_462 = arith.constant 0 : i32
      %dma_start3A_463 = tpu.memref_slice %arg6[%dma_start3A_461, %dma_start3A_462] : memref<256x128xf32, #tpu.memory_space<vmem_shared>> -> memref<256x128xf32, #tpu.memory_space<vmem_shared>>
      tpu.enqueue_indirect_dma source(%dma_start3A_457 : memref<80x128xf32, #tpu.memory_space<vmem>>) target(%dma_start3A_463 : memref<256x128xf32, #tpu.memory_space<vmem_shared>>) offsets(%dma_start3A_460 : memref<80xi32, #tpu.memory_space<vmem>>) semaphore(%arg19 : memref<!tpu.dma_semaphore, #tpu.memory_space<semaphore_mem>>) {add = true}
      %dma_start3A_464 = arith.constant 2 : i32
      %dma_start3A_465 = arith.constant 0 : i32
      %dma_start3A_466 = tpu.memref_slice %arg10[%dma_start3A_464, %dma_start3A_465] : memref<5x80xi32, #tpu.memory_space<vmem>> -> memref<1x80xi32, #tpu.memory_space<vmem>>
      %dma_start3A_467 = tpu.memref_squeeze %dma_start3A_466 : memref<1x80xi32, #tpu.memory_space<vmem>> -> memref<80xi32, #tpu.memory_space<vmem>>
      %dma_start3A_468 = arith.constant 0 : i32
      %dma_start3A_469 = arith.constant 0 : i32
      %dma_start3A_470 = tpu.memref_slice %arg7[%dma_start3A_468, %dma_start3A_469] : memref<256x16xf32, #tpu.memory_space<vmem_shared>> -> memref<256x16xf32, #tpu.memory_space<vmem_shared>>
      tpu.enqueue_indirect_dma source(%arg12 : memref<80x16xf32, #tpu.memory_space<vmem>>) target(%dma_start3A_470 : memref<256x16xf32, #tpu.memory_space<vmem_shared>>) offsets(%dma_start3A_467 : memref<80xi32, #tpu.memory_space<vmem>>) semaphore(%arg19 : memref<!tpu.dma_semaphore, #tpu.memory_space<semaphore_mem>>) {add = true}
      %dma_start3A_471 = arith.constant 3 : i32
      %dma_start3A_472 = arith.constant 240 : i32
      %dma_start3A_473 = arith.constant 0 : i32
      %dma_start3A_474 = tpu.memref_slice %arg13[%dma_start3A_472, %dma_start3A_473] : memref<400x128xf32, #tpu.memory_space<vmem>> -> memref<80x128xf32, #tpu.memory_space<vmem>>
      %dma_start3A_475 = arith.constant 0 : i32
      %dma_start3A_476 = tpu.memref_slice %arg10[%dma_start3A_471, %dma_start3A_475] : memref<5x80xi32, #tpu.memory_space<vmem>> -> memref<1x80xi32, #tpu.memory_space<vmem>>
      %dma_start3A_477 = tpu.memref_squeeze %dma_start3A_476 : memref<1x80xi32, #tpu.memory_space<vmem>> -> memref<80xi32, #tpu.memory_space<vmem>>
      %dma_start3A_478 = arith.constant 0 : i32
      %dma_start3A_479 = arith.constant 0 : i32
      %dma_start3A_480 = tpu.memref_slice %arg6[%dma_start3A_478, %dma_start3A_479] : memref<256x128xf32, #tpu.memory_space<vmem_shared>> -> memref<256x128xf32, #tpu.memory_space<vmem_shared>>
      tpu.enqueue_indirect_dma source(%dma_start3A_474 : memref<80x128xf32, #tpu.memory_space<vmem>>) target(%dma_start3A_480 : memref<256x128xf32, #tpu.memory_space<vmem_shared>>) offsets(%dma_start3A_477 : memref<80xi32, #tpu.memory_space<vmem>>) semaphore(%arg19 : memref<!tpu.dma_semaphore, #tpu.memory_space<semaphore_mem>>) {add = true}
      %dma_start3A_481 = arith.constant 3 : i32
      %dma_start3A_482 = arith.constant 0 : i32
      %dma_start3A_483 = tpu.memref_slice %arg10[%dma_start3A_481, %dma_start3A_482] : memref<5x80xi32, #tpu.memory_space<vmem>> -> memref<1x80xi32, #tpu.memory_space<vmem>>
      %dma_start3A_484 = tpu.memref_squeeze %dma_start3A_483 : memref<1x80xi32, #tpu.memory_space<vmem>> -> memref<80xi32, #tpu.memory_space<vmem>>
      %dma_start3A_485 = arith.constant 0 : i32
      %dma_start3A_486 = arith.constant 0 : i32
      %dma_start3A_487 = tpu.memref_slice %arg7[%dma_start3A_485, %dma_start3A_486] : memref<256x16xf32, #tpu.memory_space<vmem_shared>> -> memref<256x16xf32, #tpu.memory_space<vmem_shared>>
      tpu.enqueue_indirect_dma source(%arg12 : memref<80x16xf32, #tpu.memory_space<vmem>>) target(%dma_start3A_487 : memref<256x16xf32, #tpu.memory_space<vmem_shared>>) offsets(%dma_start3A_484 : memref<80xi32, #tpu.memory_space<vmem>>) semaphore(%arg19 : memref<!tpu.dma_semaphore, #tpu.memory_space<semaphore_mem>>) {add = true}
      %dma_start3A_488 = arith.constant 4 : i32
      %dma_start3A_489 = arith.constant 320 : i32
      %dma_start3A_490 = arith.constant 0 : i32
      %dma_start3A_491 = tpu.memref_slice %arg13[%dma_start3A_489, %dma_start3A_490] : memref<400x128xf32, #tpu.memory_space<vmem>> -> memref<80x128xf32, #tpu.memory_space<vmem>>
      %dma_start3A_492 = arith.constant 0 : i32
      %dma_start3A_493 = tpu.memref_slice %arg10[%dma_start3A_488, %dma_start3A_492] : memref<5x80xi32, #tpu.memory_space<vmem>> -> memref<1x80xi32, #tpu.memory_space<vmem>>
      %dma_start3A_494 = tpu.memref_squeeze %dma_start3A_493 : memref<1x80xi32, #tpu.memory_space<vmem>> -> memref<80xi32, #tpu.memory_space<vmem>>
      %dma_start3A_495 = arith.constant 0 : i32
      %dma_start3A_496 = arith.constant 0 : i32
      %dma_start3A_497 = tpu.memref_slice %arg6[%dma_start3A_495, %dma_start3A_496] : memref<256x128xf32, #tpu.memory_space<vmem_shared>> -> memref<256x128xf32, #tpu.memory_space<vmem_shared>>
      tpu.enqueue_indirect_dma source(%dma_start3A_491 : memref<80x128xf32, #tpu.memory_space<vmem>>) target(%dma_start3A_497 : memref<256x128xf32, #tpu.memory_space<vmem_shared>>) offsets(%dma_start3A_494 : memref<80xi32, #tpu.memory_space<vmem>>) semaphore(%arg19 : memref<!tpu.dma_semaphore, #tpu.memory_space<semaphore_mem>>) {add = true}
      %dma_start3A_498 = arith.constant 4 : i32
      %dma_start3A_499 = arith.constant 0 : i32
      %dma_start3A_500 = tpu.memref_slice %arg10[%dma_start3A_498, %dma_start3A_499] : memref<5x80xi32, #tpu.memory_space<vmem>> -> memref<1x80xi32, #tpu.memory_space<vmem>>
      %dma_start3A_501 = tpu.memref_squeeze %dma_start3A_500 : memref<1x80xi32, #tpu.memory_space<vmem>> -> memref<80xi32, #tpu.memory_space<vmem>>
      %dma_start3A_502 = arith.constant 0 : i32
      %dma_start3A_503 = arith.constant 0 : i32
      %dma_start3A_504 = tpu.memref_slice %arg7[%dma_start3A_502, %dma_start3A_503] : memref<256x16xf32, #tpu.memory_space<vmem_shared>> -> memref<256x16xf32, #tpu.memory_space<vmem_shared>>
      tpu.enqueue_indirect_dma source(%arg12 : memref<80x16xf32, #tpu.memory_space<vmem>>) target(%dma_start3A_504 : memref<256x16xf32, #tpu.memory_space<vmem_shared>>) offsets(%dma_start3A_501 : memref<80xi32, #tpu.memory_space<vmem>>) semaphore(%arg19 : memref<!tpu.dma_semaphore, #tpu.memory_space<semaphore_mem>>) {add = true}
    } else {
    }
    %add3A_163 = arith.constant 224 : i32
    %add3A_164 = arith.addi %add3A, %add3A_163 : i32
    %lt3A_165 = arith.constant 250 : i32
    %lt3A_166 = arith.cmpi slt, %add3A_164, %lt3A_165 : i32
    %convert_element_type3A_167 = arith.extui %lt3A_166 : i1 to i32
    %cond3A_168 = arith.constant 0 : i32
    %cond3A_169 = arith.cmpi ne, %convert_element_type3A_167, %cond3A_168 : i32
    scf.if %cond3A_169 {
      %mul3A_189 = arith.constant 400 : i32
      %mul3A_190 = arith.muli %add3A_164, %mul3A_189 : i32
      %dma_wait3A = tpu.memref_slice %arg3[%mul3A_190] : memref<100000xi32, #tpu.memory_space<hbm>> -> memref<400xi32, #tpu.memory_space<hbm>>
      %dma_wait3A_191 = tpu.memref_slice %arg3[%mul3A_190] : memref<100000xi32, #tpu.memory_space<hbm>> -> memref<400xi32, #tpu.memory_space<hbm>>
      tpu.wait_dma2 semaphore(%arg16 : memref<!tpu.dma_semaphore, #tpu.memory_space<semaphore_mem>>) src(%dma_wait3A_191 : memref<400xi32, #tpu.memory_space<hbm>>) dst(%arg9 : memref<400xi32, #tpu.memory_space<vmem>>)
      %get3A = arith.constant 0 : index
      %get3A_192 = tpu.vector_load %arg9[%get3A] {strides = array<i32>} : memref<400xi32, #tpu.memory_space<vmem>>, vector<16xi32>,
      %get3A_193 = vector.shape_cast %get3A_192 : vector<16xi32> to vector<16xi32>
      %swap3A = arith.constant 0 : i32
      %swap3A_194 = arith.index_cast %swap3A : i32 to index
      %swap3A_195 = arith.constant 0 : index
      %swap3A_196 = tpu.vector_load %arg11[%swap3A_194, %swap3A_195] {strides = array<i32>} : memref<5x80xi32, #tpu.memory_space<vmem>>, vector<1x16xi32>,
      %swap3A_197 = vector.shape_cast %swap3A_196 : vector<1x16xi32> to vector<16xi32>
      %swap3A_198 = vector.shape_cast %get3A_193 : vector<16xi32> to vector<1x16xi32>
      tpu.vector_store %arg11[%swap3A_194, %swap3A_195], %swap3A_198 {strides = array<i32>} : memref<5x80xi32, #tpu.memory_space<vmem>>, vector<1x16xi32>,
      %get3A_199 = arith.constant 16 : index
      %get3A_200 = tpu.vector_load %arg9[%get3A_199] {strides = array<i32>} : memref<400xi32, #tpu.memory_space<vmem>>, vector<16xi32>,
      %get3A_201 = vector.shape_cast %get3A_200 : vector<16xi32> to vector<16xi32>
      %swap3A_202 = arith.constant 0 : i32
      %swap3A_203 = arith.index_cast %swap3A_202 : i32 to index
      %swap3A_204 = arith.constant 16 : index
      %swap3A_205 = tpu.vector_load %arg11[%swap3A_203, %swap3A_204] {strides = array<i32>} : memref<5x80xi32, #tpu.memory_space<vmem>>, vector<1x16xi32>,
      %swap3A_206 = vector.shape_cast %swap3A_205 : vector<1x16xi32> to vector<16xi32>
      %swap3A_207 = vector.shape_cast %get3A_201 : vector<16xi32> to vector<1x16xi32>
      tpu.vector_store %arg11[%swap3A_203, %swap3A_204], %swap3A_207 {strides = array<i32>} : memref<5x80xi32, #tpu.memory_space<vmem>>, vector<1x16xi32>,
      %get3A_208 = arith.constant 32 : index
      %get3A_209 = tpu.vector_load %arg9[%get3A_208] {strides = array<i32>} : memref<400xi32, #tpu.memory_space<vmem>>, vector<16xi32>,
      %get3A_210 = vector.shape_cast %get3A_209 : vector<16xi32> to vector<16xi32>
      %swap3A_211 = arith.constant 0 : i32
      %swap3A_212 = arith.index_cast %swap3A_211 : i32 to index
      %swap3A_213 = arith.constant 32 : index
      %swap3A_214 = tpu.vector_load %arg11[%swap3A_212, %swap3A_213] {strides = array<i32>} : memref<5x80xi32, #tpu.memory_space<vmem>>, vector<1x16xi32>,
      %swap3A_215 = vector.shape_cast %swap3A_214 : vector<1x16xi32> to vector<16xi32>
      %swap3A_216 = vector.shape_cast %get3A_210 : vector<16xi32> to vector<1x16xi32>
      tpu.vector_store %arg11[%swap3A_212, %swap3A_213], %swap3A_216 {strides = array<i32>} : memref<5x80xi32, #tpu.memory_space<vmem>>, vector<1x16xi32>,
      %get3A_217 = arith.constant 48 : index
      %get3A_218 = tpu.vector_load %arg9[%get3A_217] {strides = array<i32>} : memref<400xi32, #tpu.memory_space<vmem>>, vector<16xi32>,
      %get3A_219 = vector.shape_cast %get3A_218 : vector<16xi32> to vector<16xi32>
      %swap3A_220 = arith.constant 0 : i32
      %swap3A_221 = arith.index_cast %swap3A_220 : i32 to index
      %swap3A_222 = arith.constant 48 : index
      %swap3A_223 = tpu.vector_load %arg11[%swap3A_221, %swap3A_222] {strides = array<i32>} : memref<5x80xi32, #tpu.memory_space<vmem>>, vector<1x16xi32>,
      %swap3A_224 = vector.shape_cast %swap3A_223 : vector<1x16xi32> to vector<16xi32>
      %swap3A_225 = vector.shape_cast %get3A_219 : vector<16xi32> to vector<1x16xi32>
      tpu.vector_store %arg11[%swap3A_221, %swap3A_222], %swap3A_225 {strides = array<i32>} : memref<5x80xi32, #tpu.memory_space<vmem>>, vector<1x16xi32>,
      %get3A_226 = arith.constant 64 : index
      %get3A_227 = tpu.vector_load %arg9[%get3A_226] {strides = array<i32>} : memref<400xi32, #tpu.memory_space<vmem>>, vector<16xi32>,
      %get3A_228 = vector.shape_cast %get3A_227 : vector<16xi32> to vector<16xi32>
      %swap3A_229 = arith.constant 0 : i32
      %swap3A_230 = arith.index_cast %swap3A_229 : i32 to index
      %swap3A_231 = arith.constant 64 : index
      %swap3A_232 = tpu.vector_load %arg11[%swap3A_230, %swap3A_231] {strides = array<i32>} : memref<5x80xi32, #tpu.memory_space<vmem>>, vector<1x16xi32>,
      %swap3A_233 = vector.shape_cast %swap3A_232 : vector<1x16xi32> to vector<16xi32>
      %swap3A_234 = vector.shape_cast %get3A_228 : vector<16xi32> to vector<1x16xi32>
      tpu.vector_store %arg11[%swap3A_230, %swap3A_231], %swap3A_234 {strides = array<i32>} : memref<5x80xi32, #tpu.memory_space<vmem>>, vector<1x16xi32>,
      %get3A_235 = arith.constant 80 : index
      %get3A_236 = tpu.vector_load %arg9[%get3A_235] {strides = array<i32>} : memref<400xi32, #tpu.memory_space<vmem>>, vector<16xi32>,
      %get3A_237 = vector.shape_cast %get3A_236 : vector<16xi32> to vector<16xi32>
      %swap3A_238 = arith.constant 1 : i32
      %swap3A_239 = arith.index_cast %swap3A_238 : i32 to index
      %swap3A_240 = arith.constant 0 : index
      %swap3A_241 = tpu.vector_load %arg11[%swap3A_239, %swap3A_240] {strides = array<i32>} : memref<5x80xi32, #tpu.memory_space<vmem>>, vector<1x16xi32>,
      %swap3A_242 = vector.shape_cast %swap3A_241 : vector<1x16xi32> to vector<16xi32>
      %swap3A_243 = vector.shape_cast %get3A_237 : vector<16xi32> to vector<1x16xi32>
      tpu.vector_store %arg11[%swap3A_239, %swap3A_240], %swap3A_243 {strides = array<i32>} : memref<5x80xi32, #tpu.memory_space<vmem>>, vector<1x16xi32>,
      %get3A_244 = arith.constant 96 : index
      %get3A_245 = tpu.vector_load %arg9[%get3A_244] {strides = array<i32>} : memref<400xi32, #tpu.memory_space<vmem>>, vector<16xi32>,
      %get3A_246 = vector.shape_cast %get3A_245 : vector<16xi32> to vector<16xi32>
      %swap3A_247 = arith.constant 1 : i32
      %swap3A_248 = arith.index_cast %swap3A_247 : i32 to index
      %swap3A_249 = arith.constant 16 : index
      %swap3A_250 = tpu.vector_load %arg11[%swap3A_248, %swap3A_249] {strides = array<i32>} : memref<5x80xi32, #tpu.memory_space<vmem>>, vector<1x16xi32>,
      %swap3A_251 = vector.shape_cast %swap3A_250 : vector<1x16xi32> to vector<16xi32>
      %swap3A_252 = vector.shape_cast %get3A_246 : vector<16xi32> to vector<1x16xi32>
      tpu.vector_store %arg11[%swap3A_248, %swap3A_249], %swap3A_252 {strides = array<i32>} : memref<5x80xi32, #tpu.memory_space<vmem>>, vector<1x16xi32>,
      %get3A_253 = arith.constant 112 : index
      %get3A_254 = tpu.vector_load %arg9[%get3A_253] {strides = array<i32>} : memref<400xi32, #tpu.memory_space<vmem>>, vector<16xi32>,
      %get3A_255 = vector.shape_cast %get3A_254 : vector<16xi32> to vector<16xi32>
      %swap3A_256 = arith.constant 1 : i32
      %swap3A_257 = arith.index_cast %swap3A_256 : i32 to index
      %swap3A_258 = arith.constant 32 : index
      %swap3A_259 = tpu.vector_load %arg11[%swap3A_257, %swap3A_258] {strides = array<i32>} : memref<5x80xi32, #tpu.memory_space<vmem>>, vector<1x16xi32>,
      %swap3A_260 = vector.shape_cast %swap3A_259 : vector<1x16xi32> to vector<16xi32>
      %swap3A_261 = vector.shape_cast %get3A_255 : vector<16xi32> to vector<1x16xi32>
      tpu.vector_store %arg11[%swap3A_257, %swap3A_258], %swap3A_261 {strides = array<i32>} : memref<5x80xi32, #tpu.memory_space<vmem>>, vector<1x16xi32>,
      %get3A_262 = arith.constant 128 : index
      %get3A_263 = tpu.vector_load %arg9[%get3A_262] {strides = array<i32>} : memref<400xi32, #tpu.memory_space<vmem>>, vector<16xi32>,
      %get3A_264 = vector.shape_cast %get3A_263 : vector<16xi32> to vector<16xi32>
      %swap3A_265 = arith.constant 1 : i32
      %swap3A_266 = arith.index_cast %swap3A_265 : i32 to index
      %swap3A_267 = arith.constant 48 : index
      %swap3A_268 = tpu.vector_load %arg11[%swap3A_266, %swap3A_267] {strides = array<i32>} : memref<5x80xi32, #tpu.memory_space<vmem>>, vector<1x16xi32>,
      %swap3A_269 = vector.shape_cast %swap3A_268 : vector<1x16xi32> to vector<16xi32>
      %swap3A_270 = vector.shape_cast %get3A_264 : vector<16xi32> to vector<1x16xi32>
      tpu.vector_store %arg11[%swap3A_266, %swap3A_267], %swap3A_270 {strides = array<i32>} : memref<5x80xi32, #tpu.memory_space<vmem>>, vector<1x16xi32>,
      %get3A_271 = arith.constant 144 : index
      %get3A_272 = tpu.vector_load %arg9[%get3A_271] {strides = array<i32>} : memref<400xi32, #tpu.memory_space<vmem>>, vector<16xi32>,
      %get3A_273 = vector.shape_cast %get3A_272 : vector<16xi32> to vector<16xi32>
      %swap3A_274 = arith.constant 1 : i32
      %swap3A_275 = arith.index_cast %swap3A_274 : i32 to index
      %swap3A_276 = arith.constant 64 : index
      %swap3A_277 = tpu.vector_load %arg11[%swap3A_275, %swap3A_276] {strides = array<i32>} : memref<5x80xi32, #tpu.memory_space<vmem>>, vector<1x16xi32>,
      %swap3A_278 = vector.shape_cast %swap3A_277 : vector<1x16xi32> to vector<16xi32>
      %swap3A_279 = vector.shape_cast %get3A_273 : vector<16xi32> to vector<1x16xi32>
      tpu.vector_store %arg11[%swap3A_275, %swap3A_276], %swap3A_279 {strides = array<i32>} : memref<5x80xi32, #tpu.memory_space<vmem>>, vector<1x16xi32>,
      %get3A_280 = arith.constant 160 : index
      %get3A_281 = tpu.vector_load %arg9[%get3A_280] {strides = array<i32>} : memref<400xi32, #tpu.memory_space<vmem>>, vector<16xi32>,
      %get3A_282 = vector.shape_cast %get3A_281 : vector<16xi32> to vector<16xi32>
      %swap3A_283 = arith.constant 2 : i32
      %swap3A_284 = arith.index_cast %swap3A_283 : i32 to index
      %swap3A_285 = arith.constant 0 : index
      %swap3A_286 = tpu.vector_load %arg11[%swap3A_284, %swap3A_285] {strides = array<i32>} : memref<5x80xi32, #tpu.memory_space<vmem>>, vector<1x16xi32>,
      %swap3A_287 = vector.shape_cast %swap3A_286 : vector<1x16xi32> to vector<16xi32>
      %swap3A_288 = vector.shape_cast %get3A_282 : vector<16xi32> to vector<1x16xi32>
      tpu.vector_store %arg11[%swap3A_284, %swap3A_285], %swap3A_288 {strides = array<i32>} : memref<5x80xi32, #tpu.memory_space<vmem>>, vector<1x16xi32>,
      %get3A_289 = arith.constant 176 : index
      %get3A_290 = tpu.vector_load %arg9[%get3A_289] {strides = array<i32>} : memref<400xi32, #tpu.memory_space<vmem>>, vector<16xi32>,
      %get3A_291 = vector.shape_cast %get3A_290 : vector<16xi32> to vector<16xi32>
      %swap3A_292 = arith.constant 2 : i32
      %swap3A_293 = arith.index_cast %swap3A_292 : i32 to index
      %swap3A_294 = arith.constant 16 : index
      %swap3A_295 = tpu.vector_load %arg11[%swap3A_293, %swap3A_294] {strides = array<i32>} : memref<5x80xi32, #tpu.memory_space<vmem>>, vector<1x16xi32>,
      %swap3A_296 = vector.shape_cast %swap3A_295 : vector<1x16xi32> to vector<16xi32>
      %swap3A_297 = vector.shape_cast %get3A_291 : vector<16xi32> to vector<1x16xi32>
      tpu.vector_store %arg11[%swap3A_293, %swap3A_294], %swap3A_297 {strides = array<i32>} : memref<5x80xi32, #tpu.memory_space<vmem>>, vector<1x16xi32>,
      %get3A_298 = arith.constant 192 : index
      %get3A_299 = tpu.vector_load %arg9[%get3A_298] {strides = array<i32>} : memref<400xi32, #tpu.memory_space<vmem>>, vector<16xi32>,
      %get3A_300 = vector.shape_cast %get3A_299 : vector<16xi32> to vector<16xi32>
      %swap3A_301 = arith.constant 2 : i32
      %swap3A_302 = arith.index_cast %swap3A_301 : i32 to index
      %swap3A_303 = arith.constant 32 : index
      %swap3A_304 = tpu.vector_load %arg11[%swap3A_302, %swap3A_303] {strides = array<i32>} : memref<5x80xi32, #tpu.memory_space<vmem>>, vector<1x16xi32>,
      %swap3A_305 = vector.shape_cast %swap3A_304 : vector<1x16xi32> to vector<16xi32>
      %swap3A_306 = vector.shape_cast %get3A_300 : vector<16xi32> to vector<1x16xi32>
      tpu.vector_store %arg11[%swap3A_302, %swap3A_303], %swap3A_306 {strides = array<i32>} : memref<5x80xi32, #tpu.memory_space<vmem>>, vector<1x16xi32>,
      %get3A_307 = arith.constant 208 : index
      %get3A_308 = tpu.vector_load %arg9[%get3A_307] {strides = array<i32>} : memref<400xi32, #tpu.memory_space<vmem>>, vector<16xi32>,
      %get3A_309 = vector.shape_cast %get3A_308 : vector<16xi32> to vector<16xi32>
      %swap3A_310 = arith.constant 2 : i32
      %swap3A_311 = arith.index_cast %swap3A_310 : i32 to index
      %swap3A_312 = arith.constant 48 : index
      %swap3A_313 = tpu.vector_load %arg11[%swap3A_311, %swap3A_312] {strides = array<i32>} : memref<5x80xi32, #tpu.memory_space<vmem>>, vector<1x16xi32>,
      %swap3A_314 = vector.shape_cast %swap3A_313 : vector<1x16xi32> to vector<16xi32>
      %swap3A_315 = vector.shape_cast %get3A_309 : vector<16xi32> to vector<1x16xi32>
      tpu.vector_store %arg11[%swap3A_311, %swap3A_312], %swap3A_315 {strides = array<i32>} : memref<5x80xi32, #tpu.memory_space<vmem>>, vector<1x16xi32>,
      %get3A_316 = arith.constant 224 : index
      %get3A_317 = tpu.vector_load %arg9[%get3A_316] {strides = array<i32>} : memref<400xi32, #tpu.memory_space<vmem>>, vector<16xi32>,
      %get3A_318 = vector.shape_cast %get3A_317 : vector<16xi32> to vector<16xi32>
      %swap3A_319 = arith.constant 2 : i32
      %swap3A_320 = arith.index_cast %swap3A_319 : i32 to index
      %swap3A_321 = arith.constant 64 : index
      %swap3A_322 = tpu.vector_load %arg11[%swap3A_320, %swap3A_321] {strides = array<i32>} : memref<5x80xi32, #tpu.memory_space<vmem>>, vector<1x16xi32>,
      %swap3A_323 = vector.shape_cast %swap3A_322 : vector<1x16xi32> to vector<16xi32>
      %swap3A_324 = vector.shape_cast %get3A_318 : vector<16xi32> to vector<1x16xi32>
      tpu.vector_store %arg11[%swap3A_320, %swap3A_321], %swap3A_324 {strides = array<i32>} : memref<5x80xi32, #tpu.memory_space<vmem>>, vector<1x16xi32>,
      %get3A_325 = arith.constant 240 : index
      %get3A_326 = tpu.vector_load %arg9[%get3A_325] {strides = array<i32>} : memref<400xi32, #tpu.memory_space<vmem>>, vector<16xi32>,
      %get3A_327 = vector.shape_cast %get3A_326 : vector<16xi32> to vector<16xi32>
      %swap3A_328 = arith.constant 3 : i32
      %swap3A_329 = arith.index_cast %swap3A_328 : i32 to index
      %swap3A_330 = arith.constant 0 : index
      %swap3A_331 = tpu.vector_load %arg11[%swap3A_329, %swap3A_330] {strides = array<i32>} : memref<5x80xi32, #tpu.memory_space<vmem>>, vector<1x16xi32>,
      %swap3A_332 = vector.shape_cast %swap3A_331 : vector<1x16xi32> to vector<16xi32>
      %swap3A_333 = vector.shape_cast %get3A_327 : vector<16xi32> to vector<1x16xi32>
      tpu.vector_store %arg11[%swap3A_329, %swap3A_330], %swap3A_333 {strides = array<i32>} : memref<5x80xi32, #tpu.memory_space<vmem>>, vector<1x16xi32>,
      %get3A_334 = arith.constant 256 : index
      %get3A_335 = tpu.vector_load %arg9[%get3A_334] {strides = array<i32>} : memref<400xi32, #tpu.memory_space<vmem>>, vector<16xi32>,
      %get3A_336 = vector.shape_cast %get3A_335 : vector<16xi32> to vector<16xi32>
      %swap3A_337 = arith.constant 3 : i32
      %swap3A_338 = arith.index_cast %swap3A_337 : i32 to index
      %swap3A_339 = arith.constant 16 : index
      %swap3A_340 = tpu.vector_load %arg11[%swap3A_338, %swap3A_339] {strides = array<i32>} : memref<5x80xi32, #tpu.memory_space<vmem>>, vector<1x16xi32>,
      %swap3A_341 = vector.shape_cast %swap3A_340 : vector<1x16xi32> to vector<16xi32>
      %swap3A_342 = vector.shape_cast %get3A_336 : vector<16xi32> to vector<1x16xi32>
      tpu.vector_store %arg11[%swap3A_338, %swap3A_339], %swap3A_342 {strides = array<i32>} : memref<5x80xi32, #tpu.memory_space<vmem>>, vector<1x16xi32>,
      %get3A_343 = arith.constant 272 : index
      %get3A_344 = tpu.vector_load %arg9[%get3A_343] {strides = array<i32>} : memref<400xi32, #tpu.memory_space<vmem>>, vector<16xi32>,
      %get3A_345 = vector.shape_cast %get3A_344 : vector<16xi32> to vector<16xi32>
      %swap3A_346 = arith.constant 3 : i32
      %swap3A_347 = arith.index_cast %swap3A_346 : i32 to index
      %swap3A_348 = arith.constant 32 : index
      %swap3A_349 = tpu.vector_load %arg11[%swap3A_347, %swap3A_348] {strides = array<i32>} : memref<5x80xi32, #tpu.memory_space<vmem>>, vector<1x16xi32>,
      %swap3A_350 = vector.shape_cast %swap3A_349 : vector<1x16xi32> to vector<16xi32>
      %swap3A_351 = vector.shape_cast %get3A_345 : vector<16xi32> to vector<1x16xi32>
      tpu.vector_store %arg11[%swap3A_347, %swap3A_348], %swap3A_351 {strides = array<i32>} : memref<5x80xi32, #tpu.memory_space<vmem>>, vector<1x16xi32>,
      %get3A_352 = arith.constant 288 : index
      %get3A_353 = tpu.vector_load %arg9[%get3A_352] {strides = array<i32>} : memref<400xi32, #tpu.memory_space<vmem>>, vector<16xi32>,
      %get3A_354 = vector.shape_cast %get3A_353 : vector<16xi32> to vector<16xi32>
      %swap3A_355 = arith.constant 3 : i32
      %swap3A_356 = arith.index_cast %swap3A_355 : i32 to index
      %swap3A_357 = arith.constant 48 : index
      %swap3A_358 = tpu.vector_load %arg11[%swap3A_356, %swap3A_357] {strides = array<i32>} : memref<5x80xi32, #tpu.memory_space<vmem>>, vector<1x16xi32>,
      %swap3A_359 = vector.shape_cast %swap3A_358 : vector<1x16xi32> to vector<16xi32>
      %swap3A_360 = vector.shape_cast %get3A_354 : vector<16xi32> to vector<1x16xi32>
      tpu.vector_store %arg11[%swap3A_356, %swap3A_357], %swap3A_360 {strides = array<i32>} : memref<5x80xi32, #tpu.memory_space<vmem>>, vector<1x16xi32>,
      %get3A_361 = arith.constant 304 : index
      %get3A_362 = tpu.vector_load %arg9[%get3A_361] {strides = array<i32>} : memref<400xi32, #tpu.memory_space<vmem>>, vector<16xi32>,
      %get3A_363 = vector.shape_cast %get3A_362 : vector<16xi32> to vector<16xi32>
      %swap3A_364 = arith.constant 3 : i32
      %swap3A_365 = arith.index_cast %swap3A_364 : i32 to index
      %swap3A_366 = arith.constant 64 : index
      %swap3A_367 = tpu.vector_load %arg11[%swap3A_365, %swap3A_366] {strides = array<i32>} : memref<5x80xi32, #tpu.memory_space<vmem>>, vector<1x16xi32>,
      %swap3A_368 = vector.shape_cast %swap3A_367 : vector<1x16xi32> to vector<16xi32>
      %swap3A_369 = vector.shape_cast %get3A_363 : vector<16xi32> to vector<1x16xi32>
      tpu.vector_store %arg11[%swap3A_365, %swap3A_366], %swap3A_369 {strides = array<i32>} : memref<5x80xi32, #tpu.memory_space<vmem>>, vector<1x16xi32>,
      %get3A_370 = arith.constant 320 : index
      %get3A_371 = tpu.vector_load %arg9[%get3A_370] {strides = array<i32>} : memref<400xi32, #tpu.memory_space<vmem>>, vector<16xi32>,
      %get3A_372 = vector.shape_cast %get3A_371 : vector<16xi32> to vector<16xi32>
      %swap3A_373 = arith.constant 4 : i32
      %swap3A_374 = arith.index_cast %swap3A_373 : i32 to index
      %swap3A_375 = arith.constant 0 : index
      %swap3A_376 = tpu.vector_load %arg11[%swap3A_374, %swap3A_375] {strides = array<i32>} : memref<5x80xi32, #tpu.memory_space<vmem>>, vector<1x16xi32>,
      %swap3A_377 = vector.shape_cast %swap3A_376 : vector<1x16xi32> to vector<16xi32>
      %swap3A_378 = vector.shape_cast %get3A_372 : vector<16xi32> to vector<1x16xi32>
      tpu.vector_store %arg11[%swap3A_374, %swap3A_375], %swap3A_378 {strides = array<i32>} : memref<5x80xi32, #tpu.memory_space<vmem>>, vector<1x16xi32>,
      %get3A_379 = arith.constant 336 : index
      %get3A_380 = tpu.vector_load %arg9[%get3A_379] {strides = array<i32>} : memref<400xi32, #tpu.memory_space<vmem>>, vector<16xi32>,
      %get3A_381 = vector.shape_cast %get3A_380 : vector<16xi32> to vector<16xi32>
      %swap3A_382 = arith.constant 4 : i32
      %swap3A_383 = arith.index_cast %swap3A_382 : i32 to index
      %swap3A_384 = arith.constant 16 : index
      %swap3A_385 = tpu.vector_load %arg11[%swap3A_383, %swap3A_384] {strides = array<i32>} : memref<5x80xi32, #tpu.memory_space<vmem>>, vector<1x16xi32>,
      %swap3A_386 = vector.shape_cast %swap3A_385 : vector<1x16xi32> to vector<16xi32>
      %swap3A_387 = vector.shape_cast %get3A_381 : vector<16xi32> to vector<1x16xi32>
      tpu.vector_store %arg11[%swap3A_383, %swap3A_384], %swap3A_387 {strides = array<i32>} : memref<5x80xi32, #tpu.memory_space<vmem>>, vector<1x16xi32>,
      %get3A_388 = arith.constant 352 : index
      %get3A_389 = tpu.vector_load %arg9[%get3A_388] {strides = array<i32>} : memref<400xi32, #tpu.memory_space<vmem>>, vector<16xi32>,
      %get3A_390 = vector.shape_cast %get3A_389 : vector<16xi32> to vector<16xi32>
      %swap3A_391 = arith.constant 4 : i32
      %swap3A_392 = arith.index_cast %swap3A_391 : i32 to index
      %swap3A_393 = arith.constant 32 : index
      %swap3A_394 = tpu.vector_load %arg11[%swap3A_392, %swap3A_393] {strides = array<i32>} : memref<5x80xi32, #tpu.memory_space<vmem>>, vector<1x16xi32>,
      %swap3A_395 = vector.shape_cast %swap3A_394 : vector<1x16xi32> to vector<16xi32>
      %swap3A_396 = vector.shape_cast %get3A_390 : vector<16xi32> to vector<1x16xi32>
      tpu.vector_store %arg11[%swap3A_392, %swap3A_393], %swap3A_396 {strides = array<i32>} : memref<5x80xi32, #tpu.memory_space<vmem>>, vector<1x16xi32>,
      %get3A_397 = arith.constant 368 : index
      %get3A_398 = tpu.vector_load %arg9[%get3A_397] {strides = array<i32>} : memref<400xi32, #tpu.memory_space<vmem>>, vector<16xi32>,
      %get3A_399 = vector.shape_cast %get3A_398 : vector<16xi32> to vector<16xi32>
      %swap3A_400 = arith.constant 4 : i32
      %swap3A_401 = arith.index_cast %swap3A_400 : i32 to index
      %swap3A_402 = arith.constant 48 : index
      %swap3A_403 = tpu.vector_load %arg11[%swap3A_401, %swap3A_402] {strides = array<i32>} : memref<5x80xi32, #tpu.memory_space<vmem>>, vector<1x16xi32>,
      %swap3A_404 = vector.shape_cast %swap3A_403 : vector<1x16xi32> to vector<16xi32>
      %swap3A_405 = vector.shape_cast %get3A_399 : vector<16xi32> to vector<1x16xi32>
      tpu.vector_store %arg11[%swap3A_401, %swap3A_402], %swap3A_405 {strides = array<i32>} : memref<5x80xi32, #tpu.memory_space<vmem>>, vector<1x16xi32>,
      %get3A_406 = arith.constant 384 : index
      %get3A_407 = tpu.vector_load %arg9[%get3A_406] {strides = array<i32>} : memref<400xi32, #tpu.memory_space<vmem>>, vector<16xi32>,
      %get3A_408 = vector.shape_cast %get3A_407 : vector<16xi32> to vector<16xi32>
      %swap3A_409 = arith.constant 4 : i32
      %swap3A_410 = arith.index_cast %swap3A_409 : i32 to index
      %swap3A_411 = arith.constant 64 : index
      %swap3A_412 = tpu.vector_load %arg11[%swap3A_410, %swap3A_411] {strides = array<i32>} : memref<5x80xi32, #tpu.memory_space<vmem>>, vector<1x16xi32>,
      %swap3A_413 = vector.shape_cast %swap3A_412 : vector<1x16xi32> to vector<16xi32>
      %swap3A_414 = vector.shape_cast %get3A_408 : vector<16xi32> to vector<1x16xi32>
      tpu.vector_store %arg11[%swap3A_410, %swap3A_411], %swap3A_414 {strides = array<i32>} : memref<5x80xi32, #tpu.memory_space<vmem>>, vector<1x16xi32>,
      %mul3A_415 = arith.constant 400 : i32
      %mul3A_416 = arith.muli %add3A_164, %mul3A_415 : i32
      %dma_wait3A_417 = arith.constant 0 : i32
      %dma_wait3A_418 = tpu.memref_slice %arg2[%mul3A_416, %dma_wait3A_417] : memref<100000x128xf32, #tpu.memory_space<hbm>> -> memref<400x128xf32, #tpu.memory_space<hbm>>
      %dma_wait3A_419 = arith.constant 0 : i32
      %dma_wait3A_420 = tpu.memref_slice %arg2[%mul3A_416, %dma_wait3A_419] : memref<100000x128xf32, #tpu.memory_space<hbm>> -> memref<400x128xf32, #tpu.memory_space<hbm>>
      tpu.wait_dma2 semaphore(%arg18 : memref<!tpu.dma_semaphore, #tpu.memory_space<semaphore_mem>>) src(%dma_wait3A_420 : memref<400x128xf32, #tpu.memory_space<hbm>>) dst(%arg14 : memref<400x128xf32, #tpu.memory_space<vmem>>)
      %dma_start3A = arith.constant 0 : i32
      %dma_start3A_421 = arith.constant 0 : i32
      %dma_start3A_422 = arith.constant 0 : i32
      %dma_start3A_423 = tpu.memref_slice %arg14[%dma_start3A_421, %dma_start3A_422] : memref<400x128xf32, #tpu.memory_space<vmem>> -> memref<80x128xf32, #tpu.memory_space<vmem>>
      %dma_start3A_424 = arith.constant 0 : i32
      %dma_start3A_425 = tpu.memref_slice %arg11[%dma_start3A, %dma_start3A_424] : memref<5x80xi32, #tpu.memory_space<vmem>> -> memref<1x80xi32, #tpu.memory_space<vmem>>
      %dma_start3A_426 = tpu.memref_squeeze %dma_start3A_425 : memref<1x80xi32, #tpu.memory_space<vmem>> -> memref<80xi32, #tpu.memory_space<vmem>>
      %dma_start3A_427 = arith.constant 0 : i32
      %dma_start3A_428 = arith.constant 0 : i32
      %dma_start3A_429 = tpu.memref_slice %arg6[%dma_start3A_427, %dma_start3A_428] : memref<256x128xf32, #tpu.memory_space<vmem_shared>> -> memref<256x128xf32, #tpu.memory_space<vmem_shared>>
      tpu.enqueue_indirect_dma source(%dma_start3A_423 : memref<80x128xf32, #tpu.memory_space<vmem>>) target(%dma_start3A_429 : memref<256x128xf32, #tpu.memory_space<vmem_shared>>) offsets(%dma_start3A_426 : memref<80xi32, #tpu.memory_space<vmem>>) semaphore(%arg20 : memref<!tpu.dma_semaphore, #tpu.memory_space<semaphore_mem>>) {add = true}
      %dma_start3A_430 = arith.constant 0 : i32
      %dma_start3A_431 = arith.constant 0 : i32
      %dma_start3A_432 = tpu.memref_slice %arg11[%dma_start3A_430, %dma_start3A_431] : memref<5x80xi32, #tpu.memory_space<vmem>> -> memref<1x80xi32, #tpu.memory_space<vmem>>
      %dma_start3A_433 = tpu.memref_squeeze %dma_start3A_432 : memref<1x80xi32, #tpu.memory_space<vmem>> -> memref<80xi32, #tpu.memory_space<vmem>>
      %dma_start3A_434 = arith.constant 0 : i32
      %dma_start3A_435 = arith.constant 0 : i32
      %dma_start3A_436 = tpu.memref_slice %arg7[%dma_start3A_434, %dma_start3A_435] : memref<256x16xf32, #tpu.memory_space<vmem_shared>> -> memref<256x16xf32, #tpu.memory_space<vmem_shared>>
      tpu.enqueue_indirect_dma source(%arg12 : memref<80x16xf32, #tpu.memory_space<vmem>>) target(%dma_start3A_436 : memref<256x16xf32, #tpu.memory_space<vmem_shared>>) offsets(%dma_start3A_433 : memref<80xi32, #tpu.memory_space<vmem>>) semaphore(%arg20 : memref<!tpu.dma_semaphore, #tpu.memory_space<semaphore_mem>>) {add = true}
      %dma_start3A_437 = arith.constant 1 : i32
      %dma_start3A_438 = arith.constant 80 : i32
      %dma_start3A_439 = arith.constant 0 : i32
      %dma_start3A_440 = tpu.memref_slice %arg14[%dma_start3A_438, %dma_start3A_439] : memref<400x128xf32, #tpu.memory_space<vmem>> -> memref<80x128xf32, #tpu.memory_space<vmem>>
      %dma_start3A_441 = arith.constant 0 : i32
      %dma_start3A_442 = tpu.memref_slice %arg11[%dma_start3A_437, %dma_start3A_441] : memref<5x80xi32, #tpu.memory_space<vmem>> -> memref<1x80xi32, #tpu.memory_space<vmem>>
      %dma_start3A_443 = tpu.memref_squeeze %dma_start3A_442 : memref<1x80xi32, #tpu.memory_space<vmem>> -> memref<80xi32, #tpu.memory_space<vmem>>
      %dma_start3A_444 = arith.constant 0 : i32
      %dma_start3A_445 = arith.constant 0 : i32
      %dma_start3A_446 = tpu.memref_slice %arg6[%dma_start3A_444, %dma_start3A_445] : memref<256x128xf32, #tpu.memory_space<vmem_shared>> -> memref<256x128xf32, #tpu.memory_space<vmem_shared>>
      tpu.enqueue_indirect_dma source(%dma_start3A_440 : memref<80x128xf32, #tpu.memory_space<vmem>>) target(%dma_start3A_446 : memref<256x128xf32, #tpu.memory_space<vmem_shared>>) offsets(%dma_start3A_443 : memref<80xi32, #tpu.memory_space<vmem>>) semaphore(%arg20 : memref<!tpu.dma_semaphore, #tpu.memory_space<semaphore_mem>>) {add = true}
      %dma_start3A_447 = arith.constant 1 : i32
      %dma_start3A_448 = arith.constant 0 : i32
      %dma_start3A_449 = tpu.memref_slice %arg11[%dma_start3A_447, %dma_start3A_448] : memref<5x80xi32, #tpu.memory_space<vmem>> -> memref<1x80xi32, #tpu.memory_space<vmem>>
      %dma_start3A_450 = tpu.memref_squeeze %dma_start3A_449 : memref<1x80xi32, #tpu.memory_space<vmem>> -> memref<80xi32, #tpu.memory_space<vmem>>
      %dma_start3A_451 = arith.constant 0 : i32
      %dma_start3A_452 = arith.constant 0 : i32
      %dma_start3A_453 = tpu.memref_slice %arg7[%dma_start3A_451, %dma_start3A_452] : memref<256x16xf32, #tpu.memory_space<vmem_shared>> -> memref<256x16xf32, #tpu.memory_space<vmem_shared>>
      tpu.enqueue_indirect_dma source(%arg12 : memref<80x16xf32, #tpu.memory_space<vmem>>) target(%dma_start3A_453 : memref<256x16xf32, #tpu.memory_space<vmem_shared>>) offsets(%dma_start3A_450 : memref<80xi32, #tpu.memory_space<vmem>>) semaphore(%arg20 : memref<!tpu.dma_semaphore, #tpu.memory_space<semaphore_mem>>) {add = true}
      %dma_start3A_454 = arith.constant 2 : i32
      %dma_start3A_455 = arith.constant 160 : i32
      %dma_start3A_456 = arith.constant 0 : i32
      %dma_start3A_457 = tpu.memref_slice %arg14[%dma_start3A_455, %dma_start3A_456] : memref<400x128xf32, #tpu.memory_space<vmem>> -> memref<80x128xf32, #tpu.memory_space<vmem>>
      %dma_start3A_458 = arith.constant 0 : i32
      %dma_start3A_459 = tpu.memref_slice %arg11[%dma_start3A_454, %dma_start3A_458] : memref<5x80xi32, #tpu.memory_space<vmem>> -> memref<1x80xi32, #tpu.memory_space<vmem>>
      %dma_start3A_460 = tpu.memref_squeeze %dma_start3A_459 : memref<1x80xi32, #tpu.memory_space<vmem>> -> memref<80xi32, #tpu.memory_space<vmem>>
      %dma_start3A_461 = arith.constant 0 : i32
      %dma_start3A_462 = arith.constant 0 : i32
      %dma_start3A_463 = tpu.memref_slice %arg6[%dma_start3A_461, %dma_start3A_462] : memref<256x128xf32, #tpu.memory_space<vmem_shared>> -> memref<256x128xf32, #tpu.memory_space<vmem_shared>>
      tpu.enqueue_indirect_dma source(%dma_start3A_457 : memref<80x128xf32, #tpu.memory_space<vmem>>) target(%dma_start3A_463 : memref<256x128xf32, #tpu.memory_space<vmem_shared>>) offsets(%dma_start3A_460 : memref<80xi32, #tpu.memory_space<vmem>>) semaphore(%arg20 : memref<!tpu.dma_semaphore, #tpu.memory_space<semaphore_mem>>) {add = true}
      %dma_start3A_464 = arith.constant 2 : i32
      %dma_start3A_465 = arith.constant 0 : i32
      %dma_start3A_466 = tpu.memref_slice %arg11[%dma_start3A_464, %dma_start3A_465] : memref<5x80xi32, #tpu.memory_space<vmem>> -> memref<1x80xi32, #tpu.memory_space<vmem>>
      %dma_start3A_467 = tpu.memref_squeeze %dma_start3A_466 : memref<1x80xi32, #tpu.memory_space<vmem>> -> memref<80xi32, #tpu.memory_space<vmem>>
      %dma_start3A_468 = arith.constant 0 : i32
      %dma_start3A_469 = arith.constant 0 : i32
      %dma_start3A_470 = tpu.memref_slice %arg7[%dma_start3A_468, %dma_start3A_469] : memref<256x16xf32, #tpu.memory_space<vmem_shared>> -> memref<256x16xf32, #tpu.memory_space<vmem_shared>>
      tpu.enqueue_indirect_dma source(%arg12 : memref<80x16xf32, #tpu.memory_space<vmem>>) target(%dma_start3A_470 : memref<256x16xf32, #tpu.memory_space<vmem_shared>>) offsets(%dma_start3A_467 : memref<80xi32, #tpu.memory_space<vmem>>) semaphore(%arg20 : memref<!tpu.dma_semaphore, #tpu.memory_space<semaphore_mem>>) {add = true}
      %dma_start3A_471 = arith.constant 3 : i32
      %dma_start3A_472 = arith.constant 240 : i32
      %dma_start3A_473 = arith.constant 0 : i32
      %dma_start3A_474 = tpu.memref_slice %arg14[%dma_start3A_472, %dma_start3A_473] : memref<400x128xf32, #tpu.memory_space<vmem>> -> memref<80x128xf32, #tpu.memory_space<vmem>>
      %dma_start3A_475 = arith.constant 0 : i32
      %dma_start3A_476 = tpu.memref_slice %arg11[%dma_start3A_471, %dma_start3A_475] : memref<5x80xi32, #tpu.memory_space<vmem>> -> memref<1x80xi32, #tpu.memory_space<vmem>>
      %dma_start3A_477 = tpu.memref_squeeze %dma_start3A_476 : memref<1x80xi32, #tpu.memory_space<vmem>> -> memref<80xi32, #tpu.memory_space<vmem>>
      %dma_start3A_478 = arith.constant 0 : i32
      %dma_start3A_479 = arith.constant 0 : i32
      %dma_start3A_480 = tpu.memref_slice %arg6[%dma_start3A_478, %dma_start3A_479] : memref<256x128xf32, #tpu.memory_space<vmem_shared>> -> memref<256x128xf32, #tpu.memory_space<vmem_shared>>
      tpu.enqueue_indirect_dma source(%dma_start3A_474 : memref<80x128xf32, #tpu.memory_space<vmem>>) target(%dma_start3A_480 : memref<256x128xf32, #tpu.memory_space<vmem_shared>>) offsets(%dma_start3A_477 : memref<80xi32, #tpu.memory_space<vmem>>) semaphore(%arg20 : memref<!tpu.dma_semaphore, #tpu.memory_space<semaphore_mem>>) {add = true}
      %dma_start3A_481 = arith.constant 3 : i32
      %dma_start3A_482 = arith.constant 0 : i32
      %dma_start3A_483 = tpu.memref_slice %arg11[%dma_start3A_481, %dma_start3A_482] : memref<5x80xi32, #tpu.memory_space<vmem>> -> memref<1x80xi32, #tpu.memory_space<vmem>>
      %dma_start3A_484 = tpu.memref_squeeze %dma_start3A_483 : memref<1x80xi32, #tpu.memory_space<vmem>> -> memref<80xi32, #tpu.memory_space<vmem>>
      %dma_start3A_485 = arith.constant 0 : i32
      %dma_start3A_486 = arith.constant 0 : i32
      %dma_start3A_487 = tpu.memref_slice %arg7[%dma_start3A_485, %dma_start3A_486] : memref<256x16xf32, #tpu.memory_space<vmem_shared>> -> memref<256x16xf32, #tpu.memory_space<vmem_shared>>
      tpu.enqueue_indirect_dma source(%arg12 : memref<80x16xf32, #tpu.memory_space<vmem>>) target(%dma_start3A_487 : memref<256x16xf32, #tpu.memory_space<vmem_shared>>) offsets(%dma_start3A_484 : memref<80xi32, #tpu.memory_space<vmem>>) semaphore(%arg20 : memref<!tpu.dma_semaphore, #tpu.memory_space<semaphore_mem>>) {add = true}
      %dma_start3A_488 = arith.constant 4 : i32
      %dma_start3A_489 = arith.constant 320 : i32
      %dma_start3A_490 = arith.constant 0 : i32
      %dma_start3A_491 = tpu.memref_slice %arg14[%dma_start3A_489, %dma_start3A_490] : memref<400x128xf32, #tpu.memory_space<vmem>> -> memref<80x128xf32, #tpu.memory_space<vmem>>
      %dma_start3A_492 = arith.constant 0 : i32
      %dma_start3A_493 = tpu.memref_slice %arg11[%dma_start3A_488, %dma_start3A_492] : memref<5x80xi32, #tpu.memory_space<vmem>> -> memref<1x80xi32, #tpu.memory_space<vmem>>
      %dma_start3A_494 = tpu.memref_squeeze %dma_start3A_493 : memref<1x80xi32, #tpu.memory_space<vmem>> -> memref<80xi32, #tpu.memory_space<vmem>>
      %dma_start3A_495 = arith.constant 0 : i32
      %dma_start3A_496 = arith.constant 0 : i32
      %dma_start3A_497 = tpu.memref_slice %arg6[%dma_start3A_495, %dma_start3A_496] : memref<256x128xf32, #tpu.memory_space<vmem_shared>> -> memref<256x128xf32, #tpu.memory_space<vmem_shared>>
      tpu.enqueue_indirect_dma source(%dma_start3A_491 : memref<80x128xf32, #tpu.memory_space<vmem>>) target(%dma_start3A_497 : memref<256x128xf32, #tpu.memory_space<vmem_shared>>) offsets(%dma_start3A_494 : memref<80xi32, #tpu.memory_space<vmem>>) semaphore(%arg20 : memref<!tpu.dma_semaphore, #tpu.memory_space<semaphore_mem>>) {add = true}
      %dma_start3A_498 = arith.constant 4 : i32
      %dma_start3A_499 = arith.constant 0 : i32
      %dma_start3A_500 = tpu.memref_slice %arg11[%dma_start3A_498, %dma_start3A_499] : memref<5x80xi32, #tpu.memory_space<vmem>> -> memref<1x80xi32, #tpu.memory_space<vmem>>
      %dma_start3A_501 = tpu.memref_squeeze %dma_start3A_500 : memref<1x80xi32, #tpu.memory_space<vmem>> -> memref<80xi32, #tpu.memory_space<vmem>>
      %dma_start3A_502 = arith.constant 0 : i32
      %dma_start3A_503 = arith.constant 0 : i32
      %dma_start3A_504 = tpu.memref_slice %arg7[%dma_start3A_502, %dma_start3A_503] : memref<256x16xf32, #tpu.memory_space<vmem_shared>> -> memref<256x16xf32, #tpu.memory_space<vmem_shared>>
      tpu.enqueue_indirect_dma source(%arg12 : memref<80x16xf32, #tpu.memory_space<vmem>>) target(%dma_start3A_504 : memref<256x16xf32, #tpu.memory_space<vmem_shared>>) offsets(%dma_start3A_501 : memref<80xi32, #tpu.memory_space<vmem>>) semaphore(%arg20 : memref<!tpu.dma_semaphore, #tpu.memory_space<semaphore_mem>>) {add = true}
    } else {
    }
    %add3A_170 = arith.constant 192 : i32
    %add3A_171 = arith.addi %add3A, %add3A_170 : i32
    %lt3A_172 = arith.constant 250 : i32
    %lt3A_173 = arith.cmpi slt, %add3A_171, %lt3A_172 : i32
    %convert_element_type3A_174 = arith.extui %lt3A_173 : i1 to i32
    %cond3A_175 = arith.constant 0 : i32
    %cond3A_176 = arith.cmpi ne, %convert_element_type3A_174, %cond3A_175 : i32
    scf.if %cond3A_176 {
      %dma_wait3A = arith.constant 0 : i32
      %dma_wait3A_189 = arith.constant 0 : i32
      %dma_wait3A_190 = arith.constant 0 : i32
      %dma_wait3A_191 = tpu.memref_slice %arg13[%dma_wait3A_189, %dma_wait3A_190] : memref<400x128xf32, #tpu.memory_space<vmem>> -> memref<80x128xf32, #tpu.memory_space<vmem>>
      %dma_wait3A_192 = arith.constant 0 : i32
      %dma_wait3A_193 = tpu.memref_slice %arg10[%dma_wait3A, %dma_wait3A_192] : memref<5x80xi32, #tpu.memory_space<vmem>> -> memref<1x80xi32, #tpu.memory_space<vmem>>
      %dma_wait3A_194 = tpu.memref_squeeze %dma_wait3A_193 : memref<1x80xi32, #tpu.memory_space<vmem>> -> memref<80xi32, #tpu.memory_space<vmem>>
      %dma_wait3A_195 = arith.constant 0 : i32
      %dma_wait3A_196 = arith.constant 0 : i32
      %dma_wait3A_197 = tpu.memref_slice %arg6[%dma_wait3A_195, %dma_wait3A_196] : memref<256x128xf32, #tpu.memory_space<vmem_shared>> -> memref<256x128xf32, #tpu.memory_space<vmem_shared>>
      tpu.wait_indirect_dma semaphore(%arg19 : memref<!tpu.dma_semaphore, #tpu.memory_space<semaphore_mem>>) src(%dma_wait3A_191 : memref<80x128xf32, #tpu.memory_space<vmem>>) dst(%dma_wait3A_197 : memref<256x128xf32, #tpu.memory_space<vmem_shared>>)
      %dma_wait3A_198 = arith.constant 0 : i32
      %dma_wait3A_199 = arith.constant 0 : i32
      %dma_wait3A_200 = tpu.memref_slice %arg10[%dma_wait3A_198, %dma_wait3A_199] : memref<5x80xi32, #tpu.memory_space<vmem>> -> memref<1x80xi32, #tpu.memory_space<vmem>>
      %dma_wait3A_201 = tpu.memref_squeeze %dma_wait3A_200 : memref<1x80xi32, #tpu.memory_space<vmem>> -> memref<80xi32, #tpu.memory_space<vmem>>
      %dma_wait3A_202 = arith.constant 0 : i32
      %dma_wait3A_203 = arith.constant 0 : i32
      %dma_wait3A_204 = tpu.memref_slice %arg7[%dma_wait3A_202, %dma_wait3A_203] : memref<256x16xf32, #tpu.memory_space<vmem_shared>> -> memref<256x16xf32, #tpu.memory_space<vmem_shared>>
      tpu.wait_indirect_dma semaphore(%arg19 : memref<!tpu.dma_semaphore, #tpu.memory_space<semaphore_mem>>) src(%arg12 : memref<80x16xf32, #tpu.memory_space<vmem>>) dst(%dma_wait3A_204 : memref<256x16xf32, #tpu.memory_space<vmem_shared>>)
      %dma_wait3A_205 = arith.constant 1 : i32
      %dma_wait3A_206 = arith.constant 80 : i32
      %dma_wait3A_207 = arith.constant 0 : i32
      %dma_wait3A_208 = tpu.memref_slice %arg13[%dma_wait3A_206, %dma_wait3A_207] : memref<400x128xf32, #tpu.memory_space<vmem>> -> memref<80x128xf32, #tpu.memory_space<vmem>>
      %dma_wait3A_209 = arith.constant 0 : i32
      %dma_wait3A_210 = tpu.memref_slice %arg10[%dma_wait3A_205, %dma_wait3A_209] : memref<5x80xi32, #tpu.memory_space<vmem>> -> memref<1x80xi32, #tpu.memory_space<vmem>>
      %dma_wait3A_211 = tpu.memref_squeeze %dma_wait3A_210 : memref<1x80xi32, #tpu.memory_space<vmem>> -> memref<80xi32, #tpu.memory_space<vmem>>
      %dma_wait3A_212 = arith.constant 0 : i32
      %dma_wait3A_213 = arith.constant 0 : i32
      %dma_wait3A_214 = tpu.memref_slice %arg6[%dma_wait3A_212, %dma_wait3A_213] : memref<256x128xf32, #tpu.memory_space<vmem_shared>> -> memref<256x128xf32, #tpu.memory_space<vmem_shared>>
      tpu.wait_indirect_dma semaphore(%arg19 : memref<!tpu.dma_semaphore, #tpu.memory_space<semaphore_mem>>) src(%dma_wait3A_208 : memref<80x128xf32, #tpu.memory_space<vmem>>) dst(%dma_wait3A_214 : memref<256x128xf32, #tpu.memory_space<vmem_shared>>)
      %dma_wait3A_215 = arith.constant 1 : i32
      %dma_wait3A_216 = arith.constant 0 : i32
      %dma_wait3A_217 = tpu.memref_slice %arg10[%dma_wait3A_215, %dma_wait3A_216] : memref<5x80xi32, #tpu.memory_space<vmem>> -> memref<1x80xi32, #tpu.memory_space<vmem>>
      %dma_wait3A_218 = tpu.memref_squeeze %dma_wait3A_217 : memref<1x80xi32, #tpu.memory_space<vmem>> -> memref<80xi32, #tpu.memory_space<vmem>>
      %dma_wait3A_219 = arith.constant 0 : i32
      %dma_wait3A_220 = arith.constant 0 : i32
      %dma_wait3A_221 = tpu.memref_slice %arg7[%dma_wait3A_219, %dma_wait3A_220] : memref<256x16xf32, #tpu.memory_space<vmem_shared>> -> memref<256x16xf32, #tpu.memory_space<vmem_shared>>
      tpu.wait_indirect_dma semaphore(%arg19 : memref<!tpu.dma_semaphore, #tpu.memory_space<semaphore_mem>>) src(%arg12 : memref<80x16xf32, #tpu.memory_space<vmem>>) dst(%dma_wait3A_221 : memref<256x16xf32, #tpu.memory_space<vmem_shared>>)
      %dma_wait3A_222 = arith.constant 2 : i32
      %dma_wait3A_223 = arith.constant 160 : i32
      %dma_wait3A_224 = arith.constant 0 : i32
      %dma_wait3A_225 = tpu.memref_slice %arg13[%dma_wait3A_223, %dma_wait3A_224] : memref<400x128xf32, #tpu.memory_space<vmem>> -> memref<80x128xf32, #tpu.memory_space<vmem>>
      %dma_wait3A_226 = arith.constant 0 : i32
      %dma_wait3A_227 = tpu.memref_slice %arg10[%dma_wait3A_222, %dma_wait3A_226] : memref<5x80xi32, #tpu.memory_space<vmem>> -> memref<1x80xi32, #tpu.memory_space<vmem>>
      %dma_wait3A_228 = tpu.memref_squeeze %dma_wait3A_227 : memref<1x80xi32, #tpu.memory_space<vmem>> -> memref<80xi32, #tpu.memory_space<vmem>>
      %dma_wait3A_229 = arith.constant 0 : i32
      %dma_wait3A_230 = arith.constant 0 : i32
      %dma_wait3A_231 = tpu.memref_slice %arg6[%dma_wait3A_229, %dma_wait3A_230] : memref<256x128xf32, #tpu.memory_space<vmem_shared>> -> memref<256x128xf32, #tpu.memory_space<vmem_shared>>
      tpu.wait_indirect_dma semaphore(%arg19 : memref<!tpu.dma_semaphore, #tpu.memory_space<semaphore_mem>>) src(%dma_wait3A_225 : memref<80x128xf32, #tpu.memory_space<vmem>>) dst(%dma_wait3A_231 : memref<256x128xf32, #tpu.memory_space<vmem_shared>>)
      %dma_wait3A_232 = arith.constant 2 : i32
      %dma_wait3A_233 = arith.constant 0 : i32
      %dma_wait3A_234 = tpu.memref_slice %arg10[%dma_wait3A_232, %dma_wait3A_233] : memref<5x80xi32, #tpu.memory_space<vmem>> -> memref<1x80xi32, #tpu.memory_space<vmem>>
      %dma_wait3A_235 = tpu.memref_squeeze %dma_wait3A_234 : memref<1x80xi32, #tpu.memory_space<vmem>> -> memref<80xi32, #tpu.memory_space<vmem>>
      %dma_wait3A_236 = arith.constant 0 : i32
      %dma_wait3A_237 = arith.constant 0 : i32
      %dma_wait3A_238 = tpu.memref_slice %arg7[%dma_wait3A_236, %dma_wait3A_237] : memref<256x16xf32, #tpu.memory_space<vmem_shared>> -> memref<256x16xf32, #tpu.memory_space<vmem_shared>>
      tpu.wait_indirect_dma semaphore(%arg19 : memref<!tpu.dma_semaphore, #tpu.memory_space<semaphore_mem>>) src(%arg12 : memref<80x16xf32, #tpu.memory_space<vmem>>) dst(%dma_wait3A_238 : memref<256x16xf32, #tpu.memory_space<vmem_shared>>)
      %dma_wait3A_239 = arith.constant 3 : i32
      %dma_wait3A_240 = arith.constant 240 : i32
      %dma_wait3A_241 = arith.constant 0 : i32
      %dma_wait3A_242 = tpu.memref_slice %arg13[%dma_wait3A_240, %dma_wait3A_241] : memref<400x128xf32, #tpu.memory_space<vmem>> -> memref<80x128xf32, #tpu.memory_space<vmem>>
      %dma_wait3A_243 = arith.constant 0 : i32
      %dma_wait3A_244 = tpu.memref_slice %arg10[%dma_wait3A_239, %dma_wait3A_243] : memref<5x80xi32, #tpu.memory_space<vmem>> -> memref<1x80xi32, #tpu.memory_space<vmem>>
      %dma_wait3A_245 = tpu.memref_squeeze %dma_wait3A_244 : memref<1x80xi32, #tpu.memory_space<vmem>> -> memref<80xi32, #tpu.memory_space<vmem>>
      %dma_wait3A_246 = arith.constant 0 : i32
      %dma_wait3A_247 = arith.constant 0 : i32
      %dma_wait3A_248 = tpu.memref_slice %arg6[%dma_wait3A_246, %dma_wait3A_247] : memref<256x128xf32, #tpu.memory_space<vmem_shared>> -> memref<256x128xf32, #tpu.memory_space<vmem_shared>>
      tpu.wait_indirect_dma semaphore(%arg19 : memref<!tpu.dma_semaphore, #tpu.memory_space<semaphore_mem>>) src(%dma_wait3A_242 : memref<80x128xf32, #tpu.memory_space<vmem>>) dst(%dma_wait3A_248 : memref<256x128xf32, #tpu.memory_space<vmem_shared>>)
      %dma_wait3A_249 = arith.constant 3 : i32
      %dma_wait3A_250 = arith.constant 0 : i32
      %dma_wait3A_251 = tpu.memref_slice %arg10[%dma_wait3A_249, %dma_wait3A_250] : memref<5x80xi32, #tpu.memory_space<vmem>> -> memref<1x80xi32, #tpu.memory_space<vmem>>
      %dma_wait3A_252 = tpu.memref_squeeze %dma_wait3A_251 : memref<1x80xi32, #tpu.memory_space<vmem>> -> memref<80xi32, #tpu.memory_space<vmem>>
      %dma_wait3A_253 = arith.constant 0 : i32
      %dma_wait3A_254 = arith.constant 0 : i32
      %dma_wait3A_255 = tpu.memref_slice %arg7[%dma_wait3A_253, %dma_wait3A_254] : memref<256x16xf32, #tpu.memory_space<vmem_shared>> -> memref<256x16xf32, #tpu.memory_space<vmem_shared>>
      tpu.wait_indirect_dma semaphore(%arg19 : memref<!tpu.dma_semaphore, #tpu.memory_space<semaphore_mem>>) src(%arg12 : memref<80x16xf32, #tpu.memory_space<vmem>>) dst(%dma_wait3A_255 : memref<256x16xf32, #tpu.memory_space<vmem_shared>>)
      %dma_wait3A_256 = arith.constant 4 : i32
      %dma_wait3A_257 = arith.constant 320 : i32
      %dma_wait3A_258 = arith.constant 0 : i32
      %dma_wait3A_259 = tpu.memref_slice %arg13[%dma_wait3A_257, %dma_wait3A_258] : memref<400x128xf32, #tpu.memory_space<vmem>> -> memref<80x128xf32, #tpu.memory_space<vmem>>
      %dma_wait3A_260 = arith.constant 0 : i32
      %dma_wait3A_261 = tpu.memref_slice %arg10[%dma_wait3A_256, %dma_wait3A_260] : memref<5x80xi32, #tpu.memory_space<vmem>> -> memref<1x80xi32, #tpu.memory_space<vmem>>
      %dma_wait3A_262 = tpu.memref_squeeze %dma_wait3A_261 : memref<1x80xi32, #tpu.memory_space<vmem>> -> memref<80xi32, #tpu.memory_space<vmem>>
      %dma_wait3A_263 = arith.constant 0 : i32
      %dma_wait3A_264 = arith.constant 0 : i32
      %dma_wait3A_265 = tpu.memref_slice %arg6[%dma_wait3A_263, %dma_wait3A_264] : memref<256x128xf32, #tpu.memory_space<vmem_shared>> -> memref<256x128xf32, #tpu.memory_space<vmem_shared>>
      tpu.wait_indirect_dma semaphore(%arg19 : memref<!tpu.dma_semaphore, #tpu.memory_space<semaphore_mem>>) src(%dma_wait3A_259 : memref<80x128xf32, #tpu.memory_space<vmem>>) dst(%dma_wait3A_265 : memref<256x128xf32, #tpu.memory_space<vmem_shared>>)
      %dma_wait3A_266 = arith.constant 4 : i32
      %dma_wait3A_267 = arith.constant 0 : i32
      %dma_wait3A_268 = tpu.memref_slice %arg10[%dma_wait3A_266, %dma_wait3A_267] : memref<5x80xi32, #tpu.memory_space<vmem>> -> memref<1x80xi32, #tpu.memory_space<vmem>>
      %dma_wait3A_269 = tpu.memref_squeeze %dma_wait3A_268 : memref<1x80xi32, #tpu.memory_space<vmem>> -> memref<80xi32, #tpu.memory_space<vmem>>
      %dma_wait3A_270 = arith.constant 0 : i32
      %dma_wait3A_271 = arith.constant 0 : i32
      %dma_wait3A_272 = tpu.memref_slice %arg7[%dma_wait3A_270, %dma_wait3A_271] : memref<256x16xf32, #tpu.memory_space<vmem_shared>> -> memref<256x16xf32, #tpu.memory_space<vmem_shared>>
      tpu.wait_indirect_dma semaphore(%arg19 : memref<!tpu.dma_semaphore, #tpu.memory_space<semaphore_mem>>) src(%arg12 : memref<80x16xf32, #tpu.memory_space<vmem>>) dst(%dma_wait3A_272 : memref<256x16xf32, #tpu.memory_space<vmem_shared>>)
    } else {
    }
    %add3A_177 = arith.constant 224 : i32
    %add3A_178 = arith.addi %add3A, %add3A_177 : i32
    %lt3A_179 = arith.constant 250 : i32
    %lt3A_180 = arith.cmpi slt, %add3A_178, %lt3A_179 : i32
    %convert_element_type3A_181 = arith.extui %lt3A_180 : i1 to i32
    %cond3A_182 = arith.constant 0 : i32
    %cond3A_183 = arith.cmpi ne, %convert_element_type3A_181, %cond3A_182 : i32
    scf.if %cond3A_183 {
      %dma_wait3A = arith.constant 0 : i32
      %dma_wait3A_189 = arith.constant 0 : i32
      %dma_wait3A_190 = arith.constant 0 : i32
      %dma_wait3A_191 = tpu.memref_slice %arg14[%dma_wait3A_189, %dma_wait3A_190] : memref<400x128xf32, #tpu.memory_space<vmem>> -> memref<80x128xf32, #tpu.memory_space<vmem>>
      %dma_wait3A_192 = arith.constant 0 : i32
      %dma_wait3A_193 = tpu.memref_slice %arg11[%dma_wait3A, %dma_wait3A_192] : memref<5x80xi32, #tpu.memory_space<vmem>> -> memref<1x80xi32, #tpu.memory_space<vmem>>
      %dma_wait3A_194 = tpu.memref_squeeze %dma_wait3A_193 : memref<1x80xi32, #tpu.memory_space<vmem>> -> memref<80xi32, #tpu.memory_space<vmem>>
      %dma_wait3A_195 = arith.constant 0 : i32
      %dma_wait3A_196 = arith.constant 0 : i32
      %dma_wait3A_197 = tpu.memref_slice %arg6[%dma_wait3A_195, %dma_wait3A_196] : memref<256x128xf32, #tpu.memory_space<vmem_shared>> -> memref<256x128xf32, #tpu.memory_space<vmem_shared>>
      tpu.wait_indirect_dma semaphore(%arg20 : memref<!tpu.dma_semaphore, #tpu.memory_space<semaphore_mem>>) src(%dma_wait3A_191 : memref<80x128xf32, #tpu.memory_space<vmem>>) dst(%dma_wait3A_197 : memref<256x128xf32, #tpu.memory_space<vmem_shared>>)
      %dma_wait3A_198 = arith.constant 0 : i32
      %dma_wait3A_199 = arith.constant 0 : i32
      %dma_wait3A_200 = tpu.memref_slice %arg11[%dma_wait3A_198, %dma_wait3A_199] : memref<5x80xi32, #tpu.memory_space<vmem>> -> memref<1x80xi32, #tpu.memory_space<vmem>>
      %dma_wait3A_201 = tpu.memref_squeeze %dma_wait3A_200 : memref<1x80xi32, #tpu.memory_space<vmem>> -> memref<80xi32, #tpu.memory_space<vmem>>
      %dma_wait3A_202 = arith.constant 0 : i32
      %dma_wait3A_203 = arith.constant 0 : i32
      %dma_wait3A_204 = tpu.memref_slice %arg7[%dma_wait3A_202, %dma_wait3A_203] : memref<256x16xf32, #tpu.memory_space<vmem_shared>> -> memref<256x16xf32, #tpu.memory_space<vmem_shared>>
      tpu.wait_indirect_dma semaphore(%arg20 : memref<!tpu.dma_semaphore, #tpu.memory_space<semaphore_mem>>) src(%arg12 : memref<80x16xf32, #tpu.memory_space<vmem>>) dst(%dma_wait3A_204 : memref<256x16xf32, #tpu.memory_space<vmem_shared>>)
      %dma_wait3A_205 = arith.constant 1 : i32
      %dma_wait3A_206 = arith.constant 80 : i32
      %dma_wait3A_207 = arith.constant 0 : i32
      %dma_wait3A_208 = tpu.memref_slice %arg14[%dma_wait3A_206, %dma_wait3A_207] : memref<400x128xf32, #tpu.memory_space<vmem>> -> memref<80x128xf32, #tpu.memory_space<vmem>>
      %dma_wait3A_209 = arith.constant 0 : i32
      %dma_wait3A_210 = tpu.memref_slice %arg11[%dma_wait3A_205, %dma_wait3A_209] : memref<5x80xi32, #tpu.memory_space<vmem>> -> memref<1x80xi32, #tpu.memory_space<vmem>>
      %dma_wait3A_211 = tpu.memref_squeeze %dma_wait3A_210 : memref<1x80xi32, #tpu.memory_space<vmem>> -> memref<80xi32, #tpu.memory_space<vmem>>
      %dma_wait3A_212 = arith.constant 0 : i32
      %dma_wait3A_213 = arith.constant 0 : i32
      %dma_wait3A_214 = tpu.memref_slice %arg6[%dma_wait3A_212, %dma_wait3A_213] : memref<256x128xf32, #tpu.memory_space<vmem_shared>> -> memref<256x128xf32, #tpu.memory_space<vmem_shared>>
      tpu.wait_indirect_dma semaphore(%arg20 : memref<!tpu.dma_semaphore, #tpu.memory_space<semaphore_mem>>) src(%dma_wait3A_208 : memref<80x128xf32, #tpu.memory_space<vmem>>) dst(%dma_wait3A_214 : memref<256x128xf32, #tpu.memory_space<vmem_shared>>)
      %dma_wait3A_215 = arith.constant 1 : i32
      %dma_wait3A_216 = arith.constant 0 : i32
      %dma_wait3A_217 = tpu.memref_slice %arg11[%dma_wait3A_215, %dma_wait3A_216] : memref<5x80xi32, #tpu.memory_space<vmem>> -> memref<1x80xi32, #tpu.memory_space<vmem>>
      %dma_wait3A_218 = tpu.memref_squeeze %dma_wait3A_217 : memref<1x80xi32, #tpu.memory_space<vmem>> -> memref<80xi32, #tpu.memory_space<vmem>>
      %dma_wait3A_219 = arith.constant 0 : i32
      %dma_wait3A_220 = arith.constant 0 : i32
      %dma_wait3A_221 = tpu.memref_slice %arg7[%dma_wait3A_219, %dma_wait3A_220] : memref<256x16xf32, #tpu.memory_space<vmem_shared>> -> memref<256x16xf32, #tpu.memory_space<vmem_shared>>
      tpu.wait_indirect_dma semaphore(%arg20 : memref<!tpu.dma_semaphore, #tpu.memory_space<semaphore_mem>>) src(%arg12 : memref<80x16xf32, #tpu.memory_space<vmem>>) dst(%dma_wait3A_221 : memref<256x16xf32, #tpu.memory_space<vmem_shared>>)
      %dma_wait3A_222 = arith.constant 2 : i32
      %dma_wait3A_223 = arith.constant 160 : i32
      %dma_wait3A_224 = arith.constant 0 : i32
      %dma_wait3A_225 = tpu.memref_slice %arg14[%dma_wait3A_223, %dma_wait3A_224] : memref<400x128xf32, #tpu.memory_space<vmem>> -> memref<80x128xf32, #tpu.memory_space<vmem>>
      %dma_wait3A_226 = arith.constant 0 : i32
      %dma_wait3A_227 = tpu.memref_slice %arg11[%dma_wait3A_222, %dma_wait3A_226] : memref<5x80xi32, #tpu.memory_space<vmem>> -> memref<1x80xi32, #tpu.memory_space<vmem>>
      %dma_wait3A_228 = tpu.memref_squeeze %dma_wait3A_227 : memref<1x80xi32, #tpu.memory_space<vmem>> -> memref<80xi32, #tpu.memory_space<vmem>>
      %dma_wait3A_229 = arith.constant 0 : i32
      %dma_wait3A_230 = arith.constant 0 : i32
      %dma_wait3A_231 = tpu.memref_slice %arg6[%dma_wait3A_229, %dma_wait3A_230] : memref<256x128xf32, #tpu.memory_space<vmem_shared>> -> memref<256x128xf32, #tpu.memory_space<vmem_shared>>
      tpu.wait_indirect_dma semaphore(%arg20 : memref<!tpu.dma_semaphore, #tpu.memory_space<semaphore_mem>>) src(%dma_wait3A_225 : memref<80x128xf32, #tpu.memory_space<vmem>>) dst(%dma_wait3A_231 : memref<256x128xf32, #tpu.memory_space<vmem_shared>>)
      %dma_wait3A_232 = arith.constant 2 : i32
      %dma_wait3A_233 = arith.constant 0 : i32
      %dma_wait3A_234 = tpu.memref_slice %arg11[%dma_wait3A_232, %dma_wait3A_233] : memref<5x80xi32, #tpu.memory_space<vmem>> -> memref<1x80xi32, #tpu.memory_space<vmem>>
      %dma_wait3A_235 = tpu.memref_squeeze %dma_wait3A_234 : memref<1x80xi32, #tpu.memory_space<vmem>> -> memref<80xi32, #tpu.memory_space<vmem>>
      %dma_wait3A_236 = arith.constant 0 : i32
      %dma_wait3A_237 = arith.constant 0 : i32
      %dma_wait3A_238 = tpu.memref_slice %arg7[%dma_wait3A_236, %dma_wait3A_237] : memref<256x16xf32, #tpu.memory_space<vmem_shared>> -> memref<256x16xf32, #tpu.memory_space<vmem_shared>>
      tpu.wait_indirect_dma semaphore(%arg20 : memref<!tpu.dma_semaphore, #tpu.memory_space<semaphore_mem>>) src(%arg12 : memref<80x16xf32, #tpu.memory_space<vmem>>) dst(%dma_wait3A_238 : memref<256x16xf32, #tpu.memory_space<vmem_shared>>)
      %dma_wait3A_239 = arith.constant 3 : i32
      %dma_wait3A_240 = arith.constant 240 : i32
      %dma_wait3A_241 = arith.constant 0 : i32
      %dma_wait3A_242 = tpu.memref_slice %arg14[%dma_wait3A_240, %dma_wait3A_241] : memref<400x128xf32, #tpu.memory_space<vmem>> -> memref<80x128xf32, #tpu.memory_space<vmem>>
      %dma_wait3A_243 = arith.constant 0 : i32
      %dma_wait3A_244 = tpu.memref_slice %arg11[%dma_wait3A_239, %dma_wait3A_243] : memref<5x80xi32, #tpu.memory_space<vmem>> -> memref<1x80xi32, #tpu.memory_space<vmem>>
      %dma_wait3A_245 = tpu.memref_squeeze %dma_wait3A_244 : memref<1x80xi32, #tpu.memory_space<vmem>> -> memref<80xi32, #tpu.memory_space<vmem>>
      %dma_wait3A_246 = arith.constant 0 : i32
      %dma_wait3A_247 = arith.constant 0 : i32
      %dma_wait3A_248 = tpu.memref_slice %arg6[%dma_wait3A_246, %dma_wait3A_247] : memref<256x128xf32, #tpu.memory_space<vmem_shared>> -> memref<256x128xf32, #tpu.memory_space<vmem_shared>>
      tpu.wait_indirect_dma semaphore(%arg20 : memref<!tpu.dma_semaphore, #tpu.memory_space<semaphore_mem>>) src(%dma_wait3A_242 : memref<80x128xf32, #tpu.memory_space<vmem>>) dst(%dma_wait3A_248 : memref<256x128xf32, #tpu.memory_space<vmem_shared>>)
      %dma_wait3A_249 = arith.constant 3 : i32
      %dma_wait3A_250 = arith.constant 0 : i32
      %dma_wait3A_251 = tpu.memref_slice %arg11[%dma_wait3A_249, %dma_wait3A_250] : memref<5x80xi32, #tpu.memory_space<vmem>> -> memref<1x80xi32, #tpu.memory_space<vmem>>
      %dma_wait3A_252 = tpu.memref_squeeze %dma_wait3A_251 : memref<1x80xi32, #tpu.memory_space<vmem>> -> memref<80xi32, #tpu.memory_space<vmem>>
      %dma_wait3A_253 = arith.constant 0 : i32
      %dma_wait3A_254 = arith.constant 0 : i32
      %dma_wait3A_255 = tpu.memref_slice %arg7[%dma_wait3A_253, %dma_wait3A_254] : memref<256x16xf32, #tpu.memory_space<vmem_shared>> -> memref<256x16xf32, #tpu.memory_space<vmem_shared>>
      tpu.wait_indirect_dma semaphore(%arg20 : memref<!tpu.dma_semaphore, #tpu.memory_space<semaphore_mem>>) src(%arg12 : memref<80x16xf32, #tpu.memory_space<vmem>>) dst(%dma_wait3A_255 : memref<256x16xf32, #tpu.memory_space<vmem_shared>>)
      %dma_wait3A_256 = arith.constant 4 : i32
      %dma_wait3A_257 = arith.constant 320 : i32
      %dma_wait3A_258 = arith.constant 0 : i32
      %dma_wait3A_259 = tpu.memref_slice %arg14[%dma_wait3A_257, %dma_wait3A_258] : memref<400x128xf32, #tpu.memory_space<vmem>> -> memref<80x128xf32, #tpu.memory_space<vmem>>
      %dma_wait3A_260 = arith.constant 0 : i32
      %dma_wait3A_261 = tpu.memref_slice %arg11[%dma_wait3A_256, %dma_wait3A_260] : memref<5x80xi32, #tpu.memory_space<vmem>> -> memref<1x80xi32, #tpu.memory_space<vmem>>
      %dma_wait3A_262 = tpu.memref_squeeze %dma_wait3A_261 : memref<1x80xi32, #tpu.memory_space<vmem>> -> memref<80xi32, #tpu.memory_space<vmem>>
      %dma_wait3A_263 = arith.constant 0 : i32
      %dma_wait3A_264 = arith.constant 0 : i32
      %dma_wait3A_265 = tpu.memref_slice %arg6[%dma_wait3A_263, %dma_wait3A_264] : memref<256x128xf32, #tpu.memory_space<vmem_shared>> -> memref<256x128xf32, #tpu.memory_space<vmem_shared>>
      tpu.wait_indirect_dma semaphore(%arg20 : memref<!tpu.dma_semaphore, #tpu.memory_space<semaphore_mem>>) src(%dma_wait3A_259 : memref<80x128xf32, #tpu.memory_space<vmem>>) dst(%dma_wait3A_265 : memref<256x128xf32, #tpu.memory_space<vmem_shared>>)
      %dma_wait3A_266 = arith.constant 4 : i32
      %dma_wait3A_267 = arith.constant 0 : i32
      %dma_wait3A_268 = tpu.memref_slice %arg11[%dma_wait3A_266, %dma_wait3A_267] : memref<5x80xi32, #tpu.memory_space<vmem>> -> memref<1x80xi32, #tpu.memory_space<vmem>>
      %dma_wait3A_269 = tpu.memref_squeeze %dma_wait3A_268 : memref<1x80xi32, #tpu.memory_space<vmem>> -> memref<80xi32, #tpu.memory_space<vmem>>
      %dma_wait3A_270 = arith.constant 0 : i32
      %dma_wait3A_271 = arith.constant 0 : i32
      %dma_wait3A_272 = tpu.memref_slice %arg7[%dma_wait3A_270, %dma_wait3A_271] : memref<256x16xf32, #tpu.memory_space<vmem_shared>> -> memref<256x16xf32, #tpu.memory_space<vmem_shared>>
      tpu.wait_indirect_dma semaphore(%arg20 : memref<!tpu.dma_semaphore, #tpu.memory_space<semaphore_mem>>) src(%arg12 : memref<80x16xf32, #tpu.memory_space<vmem>>) dst(%dma_wait3A_272 : memref<256x16xf32, #tpu.memory_space<vmem_shared>>)
    } else {
    }
    %barrier3A_184 = arith.constant 0 : index
    tpu.barrier barrier_id(%barrier3A_184)
    %eq3A = arith.constant 0 : i32
    %eq3A_185 = arith.cmpi eq, %arg1, %eq3A : i32
    %convert_element_type3A_186 = arith.extui %eq3A_185 : i1 to i32
    %cond3A_187 = arith.constant 0 : i32
    %cond3A_188 = arith.cmpi ne, %convert_element_type3A_186, %cond3A_187 : i32
    scf.if %cond3A_188 {
      "tpu.region"() ({
        %run_scoped3A = tpu.sem_alloc : memref<!tpu.dma_semaphore, #tpu.memory_space<semaphore_mem>>
        %dma_start3A = arith.constant 0 : i32
        %dma_start3A_189 = arith.constant 0 : i32
        %dma_start3A_190 = tpu.memref_slice %arg4[%arg0, %dma_start3A, %dma_start3A_189] : memref<2x256x128xf32, #tpu.memory_space<hbm>> -> memref<1x256x128xf32, #tpu.memory_space<hbm>>
        %dma_start3A_191 = tpu.memref_squeeze %dma_start3A_190 : memref<1x256x128xf32, #tpu.memory_space<hbm>> -> memref<256x128xf32, #tpu.memory_space<hbm>>
        tpu.enqueue_dma source(%arg6 : memref<256x128xf32, #tpu.memory_space<vmem_shared>>) target(%dma_start3A_191 : memref<256x128xf32, #tpu.memory_space<hbm>>) target_semaphore(%run_scoped3A : memref<!tpu.dma_semaphore, #tpu.memory_space<semaphore_mem>>)
        %dma_wait3A = arith.constant 0 : i32
        %dma_wait3A_192 = arith.constant 0 : i32
        %dma_wait3A_193 = tpu.memref_slice %arg4[%arg0, %dma_wait3A, %dma_wait3A_192] : memref<2x256x128xf32, #tpu.memory_space<hbm>> -> memref<1x256x128xf32, #tpu.memory_space<hbm>>
        %dma_wait3A_194 = tpu.memref_squeeze %dma_wait3A_193 : memref<1x256x128xf32, #tpu.memory_space<hbm>> -> memref<256x128xf32, #tpu.memory_space<hbm>>
        tpu.wait_dma2 semaphore(%run_scoped3A : memref<!tpu.dma_semaphore, #tpu.memory_space<semaphore_mem>>) src(%arg6 : memref<256x128xf32, #tpu.memory_space<vmem_shared>>) dst(%dma_wait3A_194 : memref<256x128xf32, #tpu.memory_space<hbm>>)
        tpu.yield
      }) : () -> ()
      "tpu.region"() ({
        %run_scoped3A = tpu.sem_alloc : memref<!tpu.dma_semaphore, #tpu.memory_space<semaphore_mem>>
        %dma_start3A = arith.constant 0 : i32
        %dma_start3A_189 = arith.constant 0 : i32
        %dma_start3A_190 = tpu.memref_slice %arg5[%arg0, %dma_start3A, %dma_start3A_189] : memref<2x256x16xf32, #tpu.memory_space<hbm>> -> memref<1x256x16xf32, #tpu.memory_space<hbm>>
        %dma_start3A_191 = tpu.memref_squeeze %dma_start3A_190 : memref<1x256x16xf32, #tpu.memory_space<hbm>> -> memref<256x16xf32, #tpu.memory_space<hbm>>
        tpu.enqueue_dma source(%arg7 : memref<256x16xf32, #tpu.memory_space<vmem_shared>>) target(%dma_start3A_191 : memref<256x16xf32, #tpu.memory_space<hbm>>) target_semaphore(%run_scoped3A : memref<!tpu.dma_semaphore, #tpu.memory_space<semaphore_mem>>)
        %dma_wait3A = arith.constant 0 : i32
        %dma_wait3A_192 = arith.constant 0 : i32
        %dma_wait3A_193 = tpu.memref_slice %arg5[%arg0, %dma_wait3A, %dma_wait3A_192] : memref<2x256x16xf32, #tpu.memory_space<hbm>> -> memref<1x256x16xf32, #tpu.memory_space<hbm>>
        %dma_wait3A_194 = tpu.memref_squeeze %dma_wait3A_193 : memref<1x256x16xf32, #tpu.memory_space<hbm>> -> memref<256x16xf32, #tpu.memory_space<hbm>>
        tpu.wait_dma2 semaphore(%run_scoped3A : memref<!tpu.dma_semaphore, #tpu.memory_space<semaphore_mem>>) src(%arg7 : memref<256x16xf32, #tpu.memory_space<vmem_shared>>) dst(%dma_wait3A_194 : memref<256x16xf32, #tpu.memory_space<hbm>>)
        tpu.yield
      }) : () -> ()
    } else {
    }
    return
  }
}

module attributes {stable_mosaic.version = 14 : i64} {
  func.func @_tc_body(%arg0: memref<2x256x128xf32, #tpu.memory_space<vmem>>, %arg1: memref<2x256x16xf32, #tpu.memory_space<vmem>>, %arg2: memref<2048x128xf32, #tpu.memory_space<vmem>>, %arg3: memref<1x1xf32, #tpu.memory_space<smem>>, %arg4: memref<2048x256xf32, #tpu.memory_space<vmem>>) attributes {dimension_semantics = [], scalar_prefetch = 0 : i64, scratch_operands = 0 : i64, tpu.core_type = #tpu.core_type<tc>} {
    %get3A = arith.constant 0 : index
    %get3A_0 = arith.constant 0 : index
    %get3A_1 = arith.constant 0 : index
    %get3A_2 = vector.load %arg0[%get3A, %get3A_0, %get3A_1] : memref<2x256x128xf32, #tpu.memory_space<vmem>>, vector<1x256x128xf32>
    %get3A_3 = vector.shape_cast %get3A_2 : vector<1x256x128xf32> to vector<256x128xf32>
    %get3A_4 = arith.constant 1 : index
    %get3A_5 = arith.constant 0 : index
    %get3A_6 = arith.constant 0 : index
    %get3A_7 = vector.load %arg0[%get3A_4, %get3A_5, %get3A_6] : memref<2x256x128xf32, #tpu.memory_space<vmem>>, vector<1x256x128xf32>
    %get3A_8 = vector.shape_cast %get3A_7 : vector<1x256x128xf32> to vector<256x128xf32>
    %add3A = arith.addf %get3A_3, %get3A_8 : vector<256x128xf32>
    %get3A_9 = arith.constant 0 : index
    %get3A_10 = arith.constant 0 : index
    %get3A_11 = arith.constant 0 : index
    %get3A_12 = vector.load %arg1[%get3A_9, %get3A_10, %get3A_11] : memref<2x256x16xf32, #tpu.memory_space<vmem>>, vector<1x256x16xf32>
    %get3A_13 = vector.shape_cast %get3A_12 : vector<1x256x16xf32> to vector<256x16xf32>
    %get3A_14 = arith.constant 1 : index
    %get3A_15 = arith.constant 0 : index
    %get3A_16 = arith.constant 0 : index
    %get3A_17 = vector.load %arg1[%get3A_14, %get3A_15, %get3A_16] : memref<2x256x16xf32, #tpu.memory_space<vmem>>, vector<1x256x16xf32>
    %get3A_18 = vector.shape_cast %get3A_17 : vector<1x256x16xf32> to vector<256x16xf32>
    %add3A_19 = arith.addf %get3A_13, %get3A_18 : vector<256x16xf32>
    %slice3A = vector.extract_strided_slice %add3A_19 {offsets = [0, 0], sizes = [256, 1], strides = [1, 1]} : vector<256x16xf32> to vector<256x1xf32>
    %div3A = vector.broadcast %slice3A : vector<256x1xf32> to vector<256x128xf32>
    %div3A_20 = arith.divf %add3A, %div3A : vector<256x128xf32>
    %get3A_21 = arith.constant 0 : index
    %get3A_22 = arith.constant 0 : index
    %get3A_23 = vector.load %arg2[%get3A_21, %get3A_22] : memref<2048x128xf32, #tpu.memory_space<vmem>>, vector<2048x128xf32>
    %mul3A = arith.mulf %get3A_23, %get3A_23 : vector<2048x128xf32>
    %reduce_sum3A = arith.constant dense<0.000000e+00> : vector<2048xf32>
    %reduce_sum3A_24 = vector.multi_reduction <add>, %mul3A, %reduce_sum3A [1] : vector<2048x128xf32> to vector<2048xf32>
    %broadcast_in_dim3A = vector.shape_cast %reduce_sum3A_24 : vector<2048xf32> to vector<2048x1xf32>
    %mul3A_25 = arith.mulf %div3A_20, %div3A_20 : vector<256x128xf32>
    %reduce_sum3A_26 = arith.constant dense<0.000000e+00> : vector<256xf32>
    %reduce_sum3A_27 = vector.multi_reduction <add>, %mul3A_25, %reduce_sum3A_26 [1] : vector<256x128xf32> to vector<256xf32>
    %broadcast_in_dim3A_28 = vector.shape_cast %reduce_sum3A_27 : vector<256xf32> to vector<1x256xf32>
    %dot_general3A = arith.constant dense<0.000000e+00> : vector<2048x256xf32>
    %dot_general3A_29 = tpu.matmul %get3A_23, %div3A_20, %dot_general3A {dimension_numbers = #tpu.dot_dimension_numbers<[1], [1], [0], [0], [0, 0, 1, 0], [], []>, transpose_lhs_hint = false} : vector<2048x128xf32>, vector<256x128xf32>, vector<2048x256xf32> -> vector<2048x256xf32>
    %get3A_30 = arith.constant 0 : index
    %get3A_31 = arith.constant 0 : index
    %get3A_32 = memref.load %arg3[%get3A_30, %get3A_31] : memref<1x1xf32, #tpu.memory_space<smem>>
    %neg3A = arith.constant 0.000000e+00 : f32
    %neg3A_33 = arith.subf %neg3A, %get3A_32 : f32
    %mul3A_34 = arith.constant 2.000000e+00 : f32
    %mul3A_35 = vector.broadcast %mul3A_34 : f32 to vector<2048x256xf32>
    %mul3A_36 = arith.mulf %mul3A_35, %dot_general3A_29 : vector<2048x256xf32>
    %sub3A = vector.broadcast %broadcast_in_dim3A : vector<2048x1xf32> to vector<2048x256xf32>
    %sub3A_37 = arith.subf %sub3A, %mul3A_36 : vector<2048x256xf32>
    %add3A_38 = vector.broadcast %broadcast_in_dim3A_28 : vector<1x256xf32> to vector<2048x256xf32>
    %add3A_39 = arith.addf %sub3A_37, %add3A_38 : vector<2048x256xf32>
    %mul3A_40 = vector.broadcast %neg3A_33 : f32 to vector<2048x256xf32>
    %mul3A_41 = arith.mulf %mul3A_40, %add3A_39 : vector<2048x256xf32>
    %swap3A = arith.constant 0 : index
    %swap3A_42 = arith.constant 0 : index
    %swap3A_43 = vector.load %arg4[%swap3A, %swap3A_42] : memref<2048x256xf32, #tpu.memory_space<vmem>>, vector<2048x256xf32>
    tpu.vector_store %arg4[%swap3A, %swap3A_42], %mul3A_41 {strides = array<i32>} : memref<2048x256xf32, #tpu.memory_space<vmem>>, vector<2048x256xf32>,
    return
  }
}

</mosaic_0001>

<sc_bundles>
// kernel: kernel.4.cloned.1.call-start
scs
__scs_entry_jumppad:
0x0: {  	(pc) =	sbr.rel $0x88, $3  }
0x1: {  	(tag) =	ssettag $0x0;
	lr =	simm.s32 $0x1  }
0x2: {  	[smem:$0x3F9D] =	sst lr;
	_ =	strace $0xD0000000  }
0x3: {  	_ = 	snop  }
0x4: {  	_ = 	snop  }
0x5: {  	_ = 	snop  }
0x6: {  	_ = 	snop  }
0x7: {  	_ = 	snop  }
__scs_overlays_trampoline_lowered:
0x8: {  	[smem:$0x3FAC] =	sst s0  }
0x9: {  	[smem:$0x3FAD] =	sst s1  }
0xa: {  	[smem:$0x3FAE] =	sst s2  }
0xb: {  	[smem:$0x3FAF] =	sst s3  }
0xc: {  	[smem:$0x3FB0] =	sst s4  }
0xd: {  	[smem:$0x3FB1] =	sst s5  }
0xe: {  	[smem:$0x3FB2] =	sst s6  }
0xf: {  	[smem:$0x3FB3] =	sst s7  }
0x10: {  	[smem:$0x3FB4] =	sst s8  }
0x11: {  	[smem:$0x3FB5] =	sst s9;
	s0 =	simm.s32 @!p0 $0x0  }
0x12: {  	s1 =	sld [smem:$0x3F9B];
	s0 =	simm.s32 @p0 $0x1  }
0x13: {  	[smem:$0x3FB6] =	sst s0;
	s0 =	simm.s32 @!p1 $0x0  }
0x14: {  	s2 =	sld [smem:$0x3F9A];
	s0 =	simm.s32 @p1 $0x1  }
0x15: {  	[smem:$0x3FB7] =	sst s0;
	s0 =	simm.s32 @!p2 $0x0  }
0x16: {  	s3 =	sld [smem:$0x3FDB];
	s0 =	simm.s32 @p2 $0x1  }
0x17: {  	s4 =	simm.s32 $0x1BF5;
	[smem:$0x3FB9] =	sst s0  }
0x18: {  	s0 =	sld [smem:$0x3F9C];
	_ =	swait.ge [sflag:s4], $0x0  }
0x19: {  	s7 =	sld [smem:$0x3F9D]  }
0x1a: {  	s8 =	sadd.s32 $0xFFFFE003, lr  }
0x1b: {  	s9 =	sadd.s32 $0xFFFFFEF7, lr;
	s5 =	simm.s32 $0xFFFFFFFF;
	p2 =	slt.u32 s8, $0xFFFFF086  }
0x1c: {  	p1 =	slt.u32 s9, $0xF7A;
	s5 =	simm.s32 @!p2 $0x0  }
0x1d: {  	s5 =	simm.s32 @p1 $0x1;
	p0 =	seq.s32 s7, s2  }
0x1e: {  	s7 =	smul.u32 @!p0 $0xF7A, s2;
	p2 =	seq.s32 @!p0 s5, $0x0  }
0x1f: {  	s9 =	smul.u32 $0xF7A, s1;
	s8 =	simm.s32 @!p0 $0x1BF5;
	p2 =	por !p2, p0  }
0x20: {  	[sflag:s8] =	ssyncset.s32 @!p0 $0xFFFFF086;
	s6 =	sadd.s32 @!p0 s3, s7;
	s7 =	simm.s32 @!p0 $0x108  }
0x21: {  	s3 =	sadd.s32 s3, s9;
	s6 =	sadd.s32 @!p0 $0x88, s6;
	s7 =	simm.s32 @p2 $0x1082  }
0x22: {  	[simem:s7], [sflag:s8] =	dma.local @!p0 [hbm:s6], $0xF7A  }
0x23: {  	s9 =	sor.u32 $0xD0000000, s2;
	s6 =	simm.s32 $0x108;
	_ =	swait.ge @!p0 [sflag:s8], $0x0  }
0x24: {  	s3 =	sadd.s32 $0x88, s3;
	s6 =	simm.s32 @!p1 $0x1082;
	[sflag:s4] =	ssyncset.s32 $0xFFFFF086  }
0x25: {  	[simem:s6], [sflag:s4] =	dma.local [hbm:s3], $0xF7A  }
0x26: {  	[smem:$0x3F9D] =	sst s1;
	(tag) =	ssettag s2;
	_ =	strace s9  }
0x27: {  	s1 =	sld [smem:$0x3FAD]  }
0x28: {  	s2 =	sld [smem:$0x3FAE]  }
0x29: {  	s4 =	sld [smem:$0x3FB0]  }
0x2a: {  	p0 =	seq.s32 s5, $0x0;
	s5 =	sld [smem:$0x3FB1]  }
0x2b: {  	s6 =	sld [smem:$0x3FB2]  }
0x2c: {  	s7 =	sld [smem:$0x3FB3]  }
0x2d: {  	s3 =	simm.s32 $0x108;
	s8 =	sld [smem:$0x3FB4]  }
0x2e: {  	s3 =	simm.s32 @!p0 $0x1082;
	s9 =	sld [smem:$0x3FB5]  }
0x2f: {  	lr =	sadd.s32 s0, s3;
	s0 =	sld [smem:$0x3FAC]  }
0x30: {  	s3 =	sld [smem:$0x3FAF]  }
0x31: {  	[smem:$0x3FB8] =	sst s10  }
0x32: {  	s10 =	sld [smem:$0x3FB6];
	_ =	sdelay $0x3  }
0x33: {  	p0 =	seq.s32 s10, $0x1;
	s10 =	sld [smem:$0x3FB8];
	_ =	sdelay $0x3  }
0x34: {  	[smem:$0x3FB8] =	sst s10  }
0x35: {  	s10 =	sld [smem:$0x3FB7];
	_ =	sdelay $0x3  }
0x36: {  	p1 =	seq.s32 s10, $0x1;
	s10 =	sld [smem:$0x3FB8];
	_ =	sdelay $0x3  }
0x37: {  	[smem:$0x3FB8] =	sst s10  }
0x38: {  	s10 =	sld [smem:$0x3FB9]  }
0x39: {  	_ = 	snop;
	(pc) =	sbr.ind lr, $3  }
0x3a: {  	_ = 	snop  }
0x3b: {  	_ = 	snop  }
0x3c: {  	p2 =	seq.s32 s10, $0x1;
	s10 =	sld [smem:$0x3FB8]  }
0x3d: {  	_ =	shalt  }
0x3e: {  	_ =	shalt  }
0x3f: {  	_ =	shalt  }
0x40: {  	_ =	shalt  }
0x41: {  	_ =	shalt  }
0x42: {  	_ =	shalt  }
0x43: {  	_ =	shalt  }
0x44: {  	_ =	shalt  }
0x45: {  	_ =	shalt  }
0x46: {  	_ =	shalt  }
0x47: {  	_ =	shalt  }
0x48: {  	_ =	shalt  }
0x49: {  	_ =	shalt  }
0x4a: {  	_ =	shalt  }
0x4b: {  	_ =	shalt  }
0x4c: {  	_ =	shalt  }
0x4d: {  	_ =	shalt  }
0x4e: {  	_ =	shalt  }
0x4f: {  	_ =	shalt  }
0x50: {  	_ =	shalt  }
0x51: {  	_ =	shalt  }
0x52: {  	_ =	shalt  }
0x53: {  	_ =	shalt  }
0x54: {  	_ =	shalt  }
0x55: {  	_ =	shalt  }
0x56: {  	_ =	shalt  }
0x57: {  	_ =	shalt  }
0x58: {  	_ =	shalt  }
0x59: {  	_ =	shalt  }
0x5a: {  	_ =	shalt  }
0x5b: {  	_ =	shalt  }
0x5c: {  	_ =	shalt  }
0x5d: {  	_ =	shalt  }
0x5e: {  	_ =	shalt  }
0x5f: {  	_ =	shalt  }
0x60: {  	_ =	shalt  }
0x61: {  	_ =	shalt  }
0x62: {  	_ =	shalt  }
0x63: {  	_ =	shalt  }
0x64: {  	_ =	shalt  }
0x65: {  	_ =	shalt  }
0x66: {  	_ =	shalt  }
0x67: {  	_ =	shalt  }
0x68: {  	_ =	shalt  }
0x69: {  	_ =	shalt  }
0x6a: {  	_ =	shalt  }
0x6b: {  	_ =	shalt  }
0x6c: {  	_ =	shalt  }
0x6d: {  	_ =	shalt  }
0x6e: {  	_ =	shalt  }
0x6f: {  	_ =	shalt  }
0x70: {  	_ =	shalt  }
0x71: {  	_ =	shalt  }
0x72: {  	_ =	shalt  }
0x73: {  	_ =	shalt  }
0x74: {  	_ =	shalt  }
0x75: {  	_ =	shalt  }
0x76: {  	_ =	shalt  }
0x77: {  	_ =	shalt  }
0x78: {  	_ =	shalt  }
0x79: {  	_ =	shalt  }
0x7a: {  	_ =	shalt  }
0x7b: {  	_ =	shalt  }
0x7c: {  	_ =	shalt  }
0x7d: {  	_ =	shalt  }
0x7e: {  	_ =	shalt  }
0x7f: {  	_ =	shalt  }
0x80: {  	_ =	shalt  }
0x81: {  	_ =	shalt  }
0x82: {  	_ =	shalt  }
0x83: {  	_ =	shalt  }
0x84: {  	_ =	shalt  }
0x85: {  	_ =	shalt  }
0x86: {  	_ =	shalt  }
0x87: {  	_ =	shalt  }
.Lfunc_end0:
.L_simem_size_0:
called_computation_lowered:
.L_overlay_start_0:
0x88: {  	s2 =	sld [smem:$0x3FD9]  }
0x89: {  	s3 =	sld [smem:$0x3FFE];
	_ =	sdelay $0x1  }
0x8a: {  	s1 =	srdreg.scid  }
0x8b: {  	s0 =	sand.u32 $0x1, s1  }
0x8c: {  	s17 =	sshll.u32 s0, $0xA;
	s2 =	sadd.s32 s3, s2  }
0x8d: {  	s2 =	sadd.s32 s2, s17  }
0x8e: {  	[smem:$0x3FC4] =	sst s2  }
0x8f: {  	_ = 	snop  }
0x90: {  	s2 =	sld [smem:$0x3FC9]  }
0x91: {  	s18 =	sld [smem:$0x3FC8]  }
0x92: {  	s4 =	sld [smem:$0x3FD0];
	(tm) =	ssettm $0x1  }
0x93: {  	s5 =	sld [smem:$0x3FFB];
	_ =	sdelay $0x3  }
0x94: {  	_ =	strace s5  }
0x95: {  	s5 =	sld [smem:$0x3FFC];
	_ =	sdelay $0x3  }
0x96: {  	_ =	strace s5  }
0x97: {  	s5 =	sld [smem:$0x3FFD];
	_ =	sdelay $0x3  }
0x98: {  	_ =	strace s5  }
0x99: {  	_ =	strace $0x8FFFFFFF  }
0x9a: {  	s19 =	sld [smem:$0x3FDB];
	_ =	sdelay $0x1  }
0x9b: {  	s6 =	simm.s32 $_scs_section_size  }
0x9c: {  	s7 =	simm.s32 $_size__tile_overlayer_lowered;
	s8 =	simm.s32 $_tile_overlayer_lowered  }
0x9d: {  	s22 =	simm.s32 $0x1BFF;
	s21 =	sshll.u32 s8, $0x1;
	s5 =	sadd.s32 s6, s19  }
0x9e: {  	s9 =	simm.s32 $0x0;
	s20 =	sshll.u32 s7, $0x1;
	s7 =	sadd.s32 s21, s5  }
0x9f: {  	[timem:s9], [sflag:s22] =	dma.local [hbm:s7], s20  }
0xa0: {  	_ =	swait.ge [sflag:s22], s20  }
0xa1: {  	s6 =	ssub.s32 $0x0, s20;
	[sflag:s22] =	ssyncset.done $0x0  }
0xa2: {  	[sflag:s22] =	ssyncadd.s32 s6;
	_ =	sdelay $0x1  }
0xa3: {  	s23 =	simm.s32 $0x1B8B  }
0xa4: {  	_ =	swait.ge [sflag:s23], $0x1  }
0xa5: {  	[sflag:s23] =	ssyncset.done $0x0  }
0xa6: {  	s25 =	simm.s32 $0x1B8E;
	s24 =	sld [smem:$0x3FFE];
	[sflag:s23] =	ssyncadd.s32 $0xFFFFFFFF  }
0xa7: {  	s26 =	simm.s32 $execute0_lowered;
	[smem:$0x3FD2] =	sst s25  }
0xa8: {  	s7 =	sshll.u32 s26, $0x1;
	_ =	strace $0x80000046;
	[dreg:$0x1] =	wrdreg $0xFFFFFFFF  }
0xa9: {  	s28 =	simm.s32 $_size_execute0_lowered;
	s5 =	sadd.s32 s5, s7;
	[dreg:$0x0] =	wrdreg $0x0  }
0xaa: {  	s7 =	sshll.u32 s28, $0x1;
	[dreg:$0x2] =	wrdreg s5  }
0xab: {  	[dreg:$0x3] =	wrdreg s7  }
0xac: {  	[dreg:$0x4] =	wrdreg $0xC0  }
0xad: {  	_ =	task [dreg:s9], $0x5FFFF  }
0xae: {  	[dreg:$0x1] =	wrdreg $0xFFFFFFFF  }
0xaf: {  	[dreg:$0x0] =	wrdreg $0x60  }
0xb0: {  	[dreg:$0x2] =	wrdreg s2  }
0xb1: {  	[dreg:$0x3] =	wrdreg s18  }
0xb2: {  	[dreg:$0x4] =	wrdreg s4  }
0xb3: {  	[dreg:$0x5] =	wrdreg s24  }
0xb4: {  	[dreg:$0x6] =	wrdreg $0x0  }
0xb5: {  	[dreg:$0x7] =	wrdreg $0x8000  }
0xb6: {  	[dreg:$0x8] =	wrdreg $0x9  }
0xb7: {  	_ =	task.clear_ibuf [dreg:s9], $0x9FFFF;
	_ =	strace $0x90000046  }
0xb8: {  	s29 =	simm.s32 $0x9;
	_ =	strace $0x80000048  }
0xb9: {  	_ =	swait.ge [sflag:s29], $0x1  }
0xba: {  	[sflag:s29] =	ssyncadd.s32 $0xFFFFFFFF  }
0xbb: {  	_ =	strace $0x90000048  }
0xbc: {  	_ =	sfence  }
0xbd: {  	s30 =	sld [smem:$0x0];
	_ =	sdelay $0x2  }
0xbe: {  	s31 =	sshll.u32 s1, $0xD;
	s1 =	sshrl.u32 s1, $0x2  }
0xbf: {  	s3 =	sand.u32 $0x4000, s31;
	s1 =	sadd.s32 s1, s30  }
0xc0: {  	s0 =	sor.u32 s3, s0;
	s1 =	sshll.u32 s1, $0x11  }
0xc1: {  	s0 =	sor.u32 s1, s0  }
0xc2: {  	s0 =	sadd.s32 $0x8F2B, s0  }
0xc3: {  	[sflag:s0] =	ssyncadd.remote.s32 $0x1  }
0xc4: {  	_ =	sfence.sel $0xFFFF  }
0xc5: {  	[dreg:$0x0] =	wrdreg $0xFFFFFFFF;
	(pc) =	sbr.abs _section_cstart, $3  }
0xc6: {  	[dreg:$0x1] =	wrdreg $0xFFFFFFFF  }
0xc7: {  	_ =	task.clear_ibuf [dreg:s9], $0x2FFFF;
	_ =	strace $0x9FFFFFFF  }
0xc8: {  	(tm) =	ssettm $0x7FFFFFFF  }
0xc9: {  	_ =	shalt  }
tec
execute0_lowered:
.L_overlay_start_1:
0x0: {  	(tag) =	ssettag $0x1  }
0x1: {  	s1 =	rddreg [dreg:$0x0]  }
0x2: {  	s4 =	rddreg [dreg:$0x1]  }
0x3: {  	s6 =	rddreg [dreg:$0x2]  }
0x4: {  	s0 =	srdreg.scid;
	s8 =	rddreg [dreg:$0x3]  }
0x5: {  	s21 =	stileid.u32;
	s3 =	rddreg [dreg:$0x5]  }
0x6: {  	s29 =	simm.s32 $0x3;
	s28 =	simm.s32 $0x2;
	s30 =	simm.s32 $0x1280  }
0x7: {  	s0 =	sand.u32 $0x1, s0;
	s2 =	sshll.u32 s21, $0x1;
	p0 =	slt.u32 s21, $0xD  }
0x8: {  	p1 =	sgt.u32 s21, $0xC;
	s5 =	sor.u32 s0, s2;
	s2 =	rddreg [dreg:$0x4]  }
0x9: {  	s14 =	ssub.s32 $0x2, s0;
	s0 =	sshll.u32 s0, $0xC;
	s7 =	smul.u32 $0x1900, s5  }
0xa: {  	p2 =	sne.s32 @p0 s21, $0x0;
	s9 =	smul.u32 $0x32, s5;
	s10 =	sor.u32 $0x20, s5  }
0xb: {  	s12 =	sor.u32 $0x40, s5;
	s16 =	sor.u32 $0x60, s5;
	s24 =	sshrl.u32 s14, $0x1  }
0xc: {  	s18 =	sor.u32 $0x80, s5;
	s19 =	sor.u32 $0xA0, s5;
	s20 =	sor.u32 $0xC0, s5  }
0xd: {  	s5 =	sor.u32 $0xE0, s5;
	s8 =	sadd.s32 s0, s8;
	s11 =	smul.u32 $0x1900, s10  }
0xe: {  	s0 =	sadd.s32 s6, s0;
	p2 =	por p2, !p0;
	s13 =	smul.u32 $0x1900, s12  }
0xf: {  	s6 =	simm.s32 $0x1500;
	s15 =	smul.u32 $0x32, s12;
	s7 =	sadd.s32 s1, s7  }
0x10: {  	s17 =	smul.u32 $0x1900, s16;
	[dreg:$0x7] =	wrdreg s7;
	s11 =	sadd.s32 s1, s11  }
0x11: {  	s25 =	smul.u32 $0x1900, s18;
	s13 =	sadd.s32 s1, s13;
	[dreg:$0x8] =	wrdreg s11  }
0x12: {  	s26 =	smul.u32 $0x1900, s19;
	s22 =	sadd.s32 s1, s17;
	[dreg:$0x9] =	wrdreg s13  }
0x13: {  	s31 =	smul.u32 $0x1900, s20;
	s12 =	sadd.s32 s1, s25;
	[dreg:$0xa] =	wrdreg s22  }
0x14: {  	s23 =	smul.u32 $0x1900, s5;
	s7 =	sadd.s32 s1, s26;
	[dreg:$0xb] =	wrdreg s12  }
0x15: {  	s14 =	ssub.s32 s14, s24;
	s24 =	sadd.s32 s1, s31;
	[dreg:$0xc] =	wrdreg s7  }
0x16: {  	s10 =	smul.u32 $0x32, s10;
	s1 =	sadd.s32 s1, s23;
	[dreg:$0xd] =	wrdreg s24  }
0x17: {  	s25 =	smul.u32 $0x32, s16;
	[dreg:$0xe] =	wrdreg s1;
	s12 =	simm.s32 $0x0  }
0x18: {  	s9 =	sadd.s32 s4, s9;
	s26 =	smul.u32 $0x32, s18;
	[smem:$0x7FF] =	sst s12  }
0x19: {  	s13 =	sadd.s32 s4, s10;
	_ =	strace $0x80000047;
	[dreg:$0xf] =	wrdreg s9  }
0x1a: {  	s31 =	smul.u32 $0x32, s19;
	s17 =	sadd.s32 s4, s15;
	[dreg:$0x10] =	wrdreg s13  }
0x1b: {  	s16 =	smul.u32 $0x32, s20;
	s1 =	sadd.s32 s4, s25;
	[dreg:$0x11] =	wrdreg s17  }
0x1c: {  	s18 =	smul.u32 $0x32, s5;
	s19 =	sadd.s32 s4, s26;
	[dreg:$0x12] =	wrdreg s1  }
0x1d: {  	s23 =	sshll.u32 s21, $0xB;
	s20 =	sadd.s32 s4, s31;
	[dreg:$0x13] =	wrdreg s19  }
0x1e: {  	s15 =	simm.s32 $0x1300;
	s22 =	sadd.s32 s4, s16;
	[dreg:$0x14] =	wrdreg s20  }
0x1f: {  	s24 =	sadd.s32 s23, s2;
	s7 =	simm.s32 $0xD00;
	[dreg:$0x15] =	wrdreg s22  }
0x20: {  	s11 =	simm.s32 $0xE00;
	s25 =	sadd.s32 s23, s3;
	[dreg:$0x17] =	wrdreg s0  }
0x21: {  	s26 =	sadd.s32 $0xE00, s8;
	s31 =	smax.u32 s14, $0x1;
	[dreg:$0x18] =	wrdreg s24  }
.Ltmp0:
0x22: {  	s16 =	simm.s32 $0x5;
	[dreg:$0x19] =	wrdreg s25;
	(pc) =	sbr.rel .LBB2_1-.Ltmp0, $4  }
0x23: {  	s23 =	simm.s32 $0x6;
	s14 =	simm.s32 $0xE80;
	[dreg:$0x1a] =	wrdreg s26  }
0x24: {  	s1 =	sadd.s32 s4, s18;
	[dreg:$0x1b] =	wrdreg s31;
	s26 =	simm.s32 $0x1  }
0x25: {  	s4 =	simm.s32 $0x50;
	s18 =	simm.s32 $0x4;
	s25 =	simm.s32 $0x0  }
0x26: {  	v0 =	vimm.f32 $0.0e+00;
	v1 =	vimm.f32 $1.000000000e+00;
	s9 =	simm.s32 $0xD80;
	s24 =	simm.s32 $0x1200;
	[dreg:$0x16] =	wrdreg s1  }
.LBB2_7:
0x27: {  	_ =	swait.ge [sflag:s16], $0x2800  }
0x28: {  	[sflag:s16] =	ssyncset.done $0x0  }
0x29: {  	[sflag:s16] =	ssyncadd.s32 $0xFFFFD800  }
0x2a: {  	_ =	swait.ge [sflag:s16], $0x500  }
0x2b: {  	[sflag:s16] =	ssyncset.done $0x0  }
0x2c: {  	[sflag:s16] =	ssyncadd.s32 $0xFFFFFB00  }
0x2d: {  	_ =	swait.ge [sflag:s16], $0x2800  }
0x2e: {  	[sflag:s16] =	ssyncset.done $0x0  }
0x2f: {  	[sflag:s16] =	ssyncadd.s32 $0xFFFFD800  }
0x30: {  	_ =	swait.ge [sflag:s16], $0x500  }
0x31: {  	[sflag:s16] =	ssyncset.done $0x0  }
0x32: {  	[sflag:s16] =	ssyncadd.s32 $0xFFFFFB00  }
0x33: {  	_ =	swait.ge [sflag:s16], $0x2800  }
0x34: {  	[sflag:s16] =	ssyncset.done $0x0  }
0x35: {  	[sflag:s16] =	ssyncadd.s32 $0xFFFFD800  }
0x36: {  	_ =	swait.ge [sflag:s16], $0x500  }
0x37: {  	[sflag:s16] =	ssyncset.done $0x0  }
0x38: {  	[sflag:s16] =	ssyncadd.s32 $0xFFFFFB00  }
0x39: {  	_ =	swait.ge [sflag:s16], $0x2800  }
0x3a: {  	[sflag:s16] =	ssyncset.done $0x0  }
0x3b: {  	[sflag:s16] =	ssyncadd.s32 $0xFFFFD800  }
0x3c: {  	_ =	swait.ge [sflag:s16], $0x500  }
0x3d: {  	[sflag:s16] =	ssyncset.done $0x0  }
0x3e: {  	[sflag:s16] =	ssyncadd.s32 $0xFFFFFB00  }
0x3f: {  	_ =	swait.ge [sflag:s16], $0x2800  }
0x40: {  	[sflag:s16] =	ssyncset.done $0x0  }
0x41: {  	[sflag:s16] =	ssyncadd.s32 $0xFFFFD800  }
0x42: {  	_ =	swait.ge [sflag:s16], $0x500  }
0x43: {  	[sflag:s16] =	ssyncset.done $0x0  }
0x44: {  	s21 =	simm.s32 @p0 $0x6;
	[sflag:s16] =	ssyncadd.s32 $0xFFFFFB00  }
0x45: {  	_ =	swait.ge @p0 [sflag:s21], $0x2800  }
0x46: {  	[sflag:s21] =	ssyncset.done @p0 $0x0  }
0x47: {  	[sflag:s21] =	ssyncadd.s32 @p0 $0xFFFFD800  }
0x48: {  	_ =	swait.ge @p0 [sflag:s21], $0x500  }
0x49: {  	[sflag:s21] =	ssyncset.done @p0 $0x0  }
0x4a: {  	[sflag:s21] =	ssyncadd.s32 @p0 $0xFFFFFB00  }
0x4b: {  	_ =	swait.ge @p0 [sflag:s21], $0x2800  }
0x4c: {  	[sflag:s21] =	ssyncset.done @p0 $0x0  }
0x4d: {  	[sflag:s21] =	ssyncadd.s32 @p0 $0xFFFFD800  }
0x4e: {  	_ =	swait.ge @p0 [sflag:s21], $0x500  }
0x4f: {  	[sflag:s21] =	ssyncset.done @p0 $0x0  }
0x50: {  	[sflag:s21] =	ssyncadd.s32 @p0 $0xFFFFFB00  }
0x51: {  	_ =	swait.ge @p0 [sflag:s21], $0x2800  }
0x52: {  	[sflag:s21] =	ssyncset.done @p0 $0x0  }
0x53: {  	[sflag:s21] =	ssyncadd.s32 @p0 $0xFFFFD800  }
0x54: {  	_ =	swait.ge @p0 [sflag:s21], $0x500  }
0x55: {  	[sflag:s21] =	ssyncset.done @p0 $0x0  }
0x56: {  	[sflag:s21] =	ssyncadd.s32 @p0 $0xFFFFFB00  }
0x57: {  	_ =	swait.ge @p0 [sflag:s21], $0x2800  }
0x58: {  	[sflag:s21] =	ssyncset.done @p0 $0x0  }
0x59: {  	[sflag:s21] =	ssyncadd.s32 @p0 $0xFFFFD800  }
0x5a: {  	_ =	swait.ge @p0 [sflag:s21], $0x500  }
0x5b: {  	[sflag:s21] =	ssyncset.done @p0 $0x0  }
0x5c: {  	[sflag:s21] =	ssyncadd.s32 @p0 $0xFFFFFB00  }
0x5d: {  	_ =	swait.ge @p0 [sflag:s21], $0x2800  }
0x5e: {  	[sflag:s21] =	ssyncset.done @p0 $0x0  }
0x5f: {  	[sflag:s21] =	ssyncadd.s32 @p0 $0xFFFFD800  }
0x60: {  	_ =	swait.ge @p0 [sflag:s21], $0x500  }
0x61: {  	[sflag:s21] =	ssyncset.done @p0 $0x0  }
0x62: {  	[sflag:s21] =	ssyncadd.s32 @p0 $0xFFFFFB00  }
0x63: {  	[bflag:$0x0] =	sbarrier.arrive @p0 $0xFFFF  }
0x64: {  	s31 =	simm.s32 @!p2 $0x1C07;
	s21 =	sshrl.u32 @!p2 s2, $0x3;
	s8 =	rddreg [dreg:$0x17]  }
0x65: {  	[hbm:s8], [sflag:s31] =	dma.local @!p2 [spmem:s21], $0x1000  }
0x66: {  	s21 =	simm.s32 @!p2 $0x7  }
0x67: {  	_ =	swait.ge @!p2 [sflag:s21], $0x1000  }
0x68: {  	[sflag:s21] =	ssyncset.done @!p2 $0x0  }
0x69: {  	s8 =	sshrl.u32 @!p2 s3, $0x3;
	s10 =	rddreg [dreg:$0x1a];
	[sflag:s21] =	ssyncadd.s32 @!p2 $0xFFFFF000  }
0x6a: {  	[hbm:s10], [sflag:s31] =	dma.local @!p2 [spmem:s8], $0x1000  }
0x6b: {  	_ =	swait.ge @!p2 [sflag:s21], $0x1000  }
0x6c: {  	s25 =	sadd.s32 $0x1, s25;
	s31 =	rddreg [dreg:$0x1b]  }
0x6d: {  	p3 =	sne.s32 s25, s31  }
.Ltmp1:
0x6e: {  	_ = 	snop;
	(pc) =	sbr.rel @!p3 .LBB2_8-.Ltmp1, $3  }
0x6f: {  	[sflag:s21] =	ssyncset.done @!p2 $0x0  }
0x70: {  	[sflag:s21] =	ssyncadd.s32 @!p2 $0xFFFFF000  }
0x71: {  	[bflag:$0x0] =	sbarrier.arrive @!p0 $0xFFFF;
	_ =	sdelay $0x1  }
.LBB2_1:
0x72: {  	s21 =	simm.s32 $0x0;
	s31 =	simm.s32 $0x200  }
.LBB2_2:
0x73: {  	p3 =	sne.s32 s31, $0x1E00;
	[tilespmem:s21+$0x1D500] =	vst v0  }
0x74: {  	[tilespmem:s21+$0x1CD00] =	vst v0  }
0x75: {  	[tilespmem:s21+$0x1CD10] =	vst v0  }
0x76: {  	[tilespmem:s21+$0x1CD20] =	vst v0  }
.Ltmp2:
0x77: {  	[tilespmem:s21+$0x1CD30] =	vst v0;
	(pc) =	sbr.rel @p3 .LBB2_2-.Ltmp2, $4  }
0x78: {  	[tilespmem:s21+$0x1CD40] =	vst v0  }
0x79: {  	[tilespmem:s21+$0x1CD50] =	vst v0  }
0x7a: {  	[tilespmem:s21+$0x1CD60] =	vst v0  }
0x7b: {  	[tilespmem:s21+$0x1CD70] =	vst v0;
	s21 =	sshra.s32 s31, $0x2;
	s31 =	sadd.s32 $0x200, s31  }
0x7c: {  	[tilespmem:s21+$0x1D500] =	vst v0  }
0x7d: {  	[tilespmem:s21+$0x1CD00] =	vst v0  }
0x7e: {  	[tilespmem:s21+$0x1CD10] =	vst v0  }
0x7f: {  	[tilespmem:s21+$0x1CD20] =	vst v0  }
0x80: {  	[tilespmem:s21+$0x1CD30] =	vst v0  }
0x81: {  	[tilespmem:s21+$0x1CD40] =	vst v0  }
0x82: {  	[tilespmem:s21+$0x1CD50] =	vst v0  }
0x83: {  	[tilespmem:s21+$0x1CD60] =	vst v0  }
0x84: {  	[tilespmem:s21+$0x1CD70] =	vst v0;
	s21 =	simm.s32 $0x200;
	s31 =	simm.s32 $0x0  }
.LBB2_4:
0x85: {  	p3 =	sne.s32 s21, $0x9E00;
	[tilespmem:s31+$0x1500] =	vst v1;
	s31 =	smov.u32 s21;
	s21 =	sadd.s32 $0x200, s21  }
.Ltmp3:
0x86: {  	(pc) =	sbr.rel @p3 .LBB2_4-.Ltmp3, $2  }
0x87: {  	_ =	sdelay $0x2  }
0x88: {  	s31 =	sshra.s32 s31, $0x2  }
0x89: {  	[tilespmem:s31+$0x1500] =	vst v1;
	s8 =	rddreg [dreg:$0x18];
	s10 =	simm.s32 $0x1CD00;
	s13 =	simm.s32 $0x7  }
0x8a: {  	[spmem:s8] =	stream.linear.scatter [tilespmem:s10], [sflag:$0x7], $0x800, $0x38;
	[tilespmem:$0x1DD00] =	vst v63  }
0x8b: {  	_ =	swait.ge [sflag:s13], $0x800  }
0x8c: {  	[sflag:s13] =	ssyncset.done $0x0  }
0x8d: {  	s31 =	simm.s32 $0x1D500;
	s22 =	rddreg [dreg:$0x19];
	[sflag:s13] =	ssyncadd.s32 $0xFFFFF800  }
0x8e: {  	[spmem:s22] =	stream.linear.scatter [tilespmem:s31], [sflag:$0x7], $0x800, $0x38;
	[tilespmem:$0x1DD00] =	vst v63  }
0x8f: {  	_ =	swait.ge [sflag:s13], $0x800  }
0x90: {  	[sflag:s13] =	ssyncset.done $0x0  }
0x91: {  	[sflag:s13] =	ssyncadd.s32 $0xFFFFF800  }
0x92: {  	[bflag:$0x0] =	sbarrier.arrive $0xFFFF  }
0x93: {  	s5 =	simm.s32 $0x3D00;
	s0 =	rddreg [dreg:$0x7]  }
0x94: {  	[tilespmem:s5], [sflag:$0x3] =	stream.linear.gather [hbm4b:s0+s12], $0xC800, $0x38;
	[tilespmem:$0x1DD00] =	vst v63  }
0x95: {  	s10 =	simm.s32 $0x900;
	s1 =	rddreg [dreg:$0xf]  }
0x96: {  	[tilespmem:s10], [sflag:$0x1] =	stream.linear.gather [hbm4b:s1+s12], $0x190, $0x38;
	[tilespmem:$0x1DD00] =	vst v63  }
0x97: {  	s31 =	simm.s32 $0x10500;
	s13 =	rddreg [dreg:$0x8]  }
0x98: {  	[tilespmem:s31], [sflag:$0x4] =	stream.linear.gather [hbm4b:s13+s12], $0xC800, $0x38;
	[tilespmem:$0x1DD00] =	vst v63  }
0x99: {  	s21 =	simm.s32 $0xB00;
	s17 =	rddreg [dreg:$0x10]  }
0x9a: {  	[tilespmem:s21], [sflag:$0x2] =	stream.linear.gather [hbm4b:s17+s12], $0x190, $0x38;
	[tilespmem:$0x1DD00] =	vst v63  }
0x9b: {  	_ =	swait.ge [sflag:s26], $0x190  }
0x9c: {  	[sflag:s26] =	ssyncset.done $0x0  }
0x9d: {  	[sflag:s26] =	ssyncadd.s32 $0xFFFFFE70  }
0x9e: {  	v2 =	vld [tilespmem:$0x900]  }
0x9f: {  	v3 =	vld [tilespmem:$0x910]  }
0xa0: {  	v4 =	vld [tilespmem:$0x920]  }
0xa1: {  	v5 =	vld [tilespmem:$0x930]  }
0xa2: {  	v6 =	vld [tilespmem:$0x940]  }
0xa3: {  	v17 =	vld [tilespmem:$0x970];
	[tilespmem:$0xD00] =	vst v2  }
0xa4: {  	v18 =	vld [tilespmem:$0x980];
	[tilespmem:$0xD10] =	vst v3  }
0xa5: {  	v19 =	vld [tilespmem:$0x990];
	[tilespmem:$0xD20] =	vst v4  }
0xa6: {  	v2 =	vld [tilespmem:$0x950];
	[tilespmem:$0xD30] =	vst v5  }
0xa7: {  	v3 =	vld [tilespmem:$0x960];
	[tilespmem:$0xD40] =	vst v6  }
0xa8: {  	v20 =	vld [tilespmem:$0x9C0];
	[tilespmem:$0xDA0] =	vst v17  }
0xa9: {  	v21 =	vld [tilespmem:$0x9D0];
	[tilespmem:$0xDB0] =	vst v18  }
0xaa: {  	v22 =	vld [tilespmem:$0x9E0];
	[tilespmem:$0xDC0] =	vst v19  }
0xab: {  	[tilespmem:$0xD80] =	vst v2;
	v2 =	vld [tilespmem:$0x9A0]  }
0xac: {  	[tilespmem:$0xD90] =	vst v3;
	v3 =	vld [tilespmem:$0x9B0]  }
0xad: {  	v23 =	vld [tilespmem:$0xA10];
	[tilespmem:$0xE20] =	vst v20  }
0xae: {  	v24 =	vld [tilespmem:$0xA20];
	[tilespmem:$0xE30] =	vst v21  }
0xaf: {  	v25 =	vld [tilespmem:$0xA30];
	[tilespmem:$0xE40] =	vst v22  }
0xb0: {  	[tilespmem:$0xE00] =	vst v2;
	v2 =	vld [tilespmem:$0x9F0]  }
0xb1: {  	[tilespmem:$0xE10] =	vst v3;
	v3 =	vld [tilespmem:$0xA00]  }
0xb2: {  	v26 =	vld [tilespmem:$0xA60];
	[tilespmem:$0xEA0] =	vst v23  }
0xb3: {  	v27 =	vld [tilespmem:$0xA70];
	[tilespmem:$0xEB0] =	vst v24  }
0xb4: {  	v28 =	vld [tilespmem:$0xA80];
	[tilespmem:$0xEC0] =	vst v25  }
0xb5: {  	[tilespmem:$0xE80] =	vst v2;
	v2 =	vld [tilespmem:$0xA40]  }
0xb6: {  	[tilespmem:$0xE90] =	vst v3;
	v3 =	vld [tilespmem:$0xA50]  }
0xb7: {  	[tilespmem:$0xF20] =	vst v26  }
0xb8: {  	[tilespmem:$0xF30] =	vst v27  }
0xb9: {  	[tilespmem:$0xF40] =	vst v28  }
0xba: {  	[tilespmem:$0xF00] =	vst v2  }
0xbb: {  	[tilespmem:$0xF10] =	vst v3  }
0xbc: {  	_ =	swait.ge [sflag:s29], $0xC800  }
0xbd: {  	[sflag:s29] =	ssyncset.done $0x0  }
0xbe: {  	[sflag:s29] =	ssyncadd.s32 $0xFFFF3800  }
0xbf: {  	[spmem:s2] =	stream.indirect.scatter.add.f32 [tilespmem:s5], [sflag:$0x5], $0x80, s7, s4, $0xb8;
	[tilespmem:$0x1DD00] =	vst v63  }
0xc0: {  	_ = 	snop  }
0xc1: {  	[spmem:s3] =	stream.indirect.scatter.add.f32 [tilespmem:s6], [sflag:$0x5], $0x10, s7, s4, $0xb8;
	[tilespmem:$0x1DD00] =	vst v63  }
0xc2: {  	s0 =	simm.s32 $0x6500  }
0xc3: {  	[spmem:s2] =	stream.indirect.scatter.add.f32 [tilespmem:s0], [sflag:$0x5], $0x80, s9, s4, $0xb8;
	[tilespmem:$0x1DD00] =	vst v63  }
0xc4: {  	_ = 	snop  }
0xc5: {  	[spmem:s3] =	stream.indirect.scatter.add.f32 [tilespmem:s6], [sflag:$0x5], $0x10, s9, s4, $0xb8;
	[tilespmem:$0x1DD00] =	vst v63  }
0xc6: {  	s19 =	simm.s32 $0x8D00  }
0xc7: {  	[spmem:s2] =	stream.indirect.scatter.add.f32 [tilespmem:s19], [sflag:$0x5], $0x80, s11, s4, $0xb8;
	[tilespmem:$0x1DD00] =	vst v63  }
0xc8: {  	_ = 	snop  }
0xc9: {  	[spmem:s3] =	stream.indirect.scatter.add.f32 [tilespmem:s6], [sflag:$0x5], $0x10, s11, s4, $0xb8;
	[tilespmem:$0x1DD00] =	vst v63  }
0xca: {  	s20 =	simm.s32 $0xB500  }
0xcb: {  	[spmem:s2] =	stream.indirect.scatter.add.f32 [tilespmem:s20], [sflag:$0x5], $0x80, s14, s4, $0xb8;
	[tilespmem:$0x1DD00] =	vst v63  }
0xcc: {  	_ = 	snop  }
0xcd: {  	[spmem:s3] =	stream.indirect.scatter.add.f32 [tilespmem:s6], [sflag:$0x5], $0x10, s14, s4, $0xb8;
	[tilespmem:$0x1DD00] =	vst v63  }
0xce: {  	s1 =	simm.s32 $0xDD00;
	s0 =	simm.s32 $0xF00  }
0xcf: {  	[spmem:s2] =	stream.indirect.scatter.add.f32 [tilespmem:s1], [sflag:$0x5], $0x80, s0, s4, $0xb8;
	[tilespmem:$0x1DD00] =	vst v63  }
0xd0: {  	_ = 	snop  }
0xd1: {  	[spmem:s3] =	stream.indirect.scatter.add.f32 [tilespmem:s6], [sflag:$0x5], $0x10, s0, s4, $0xb8;
	[tilespmem:$0x1DD00] =	vst v63  }
0xd2: {  	_ =	swait.ge [sflag:s16], $0x2800  }
0xd3: {  	[sflag:s16] =	ssyncset.done $0x0  }
0xd4: {  	[sflag:s16] =	ssyncadd.s32 $0xFFFFD800  }
0xd5: {  	_ =	swait.ge [sflag:s16], $0x500  }
0xd6: {  	[sflag:s16] =	ssyncset.done $0x0  }
0xd7: {  	[sflag:s16] =	ssyncadd.s32 $0xFFFFFB00  }
0xd8: {  	_ =	swait.ge [sflag:s16], $0x2800  }
0xd9: {  	[sflag:s16] =	ssyncset.done $0x0  }
0xda: {  	[sflag:s16] =	ssyncadd.s32 $0xFFFFD800  }
0xdb: {  	_ =	swait.ge [sflag:s16], $0x500  }
0xdc: {  	[sflag:s16] =	ssyncset.done $0x0  }
0xdd: {  	[sflag:s16] =	ssyncadd.s32 $0xFFFFFB00  }
0xde: {  	_ =	swait.ge [sflag:s16], $0x2800  }
0xdf: {  	[sflag:s16] =	ssyncset.done $0x0  }
0xe0: {  	[sflag:s16] =	ssyncadd.s32 $0xFFFFD800  }
0xe1: {  	_ =	swait.ge [sflag:s16], $0x500  }
0xe2: {  	[sflag:s16] =	ssyncset.done $0x0  }
0xe3: {  	[sflag:s16] =	ssyncadd.s32 $0xFFFFFB00  }
0xe4: {  	_ =	swait.ge [sflag:s16], $0x2800  }
0xe5: {  	[sflag:s16] =	ssyncset.done $0x0  }
0xe6: {  	[sflag:s16] =	ssyncadd.s32 $0xFFFFD800  }
0xe7: {  	_ =	swait.ge [sflag:s16], $0x500  }
0xe8: {  	[sflag:s16] =	ssyncset.done $0x0  }
0xe9: {  	[sflag:s16] =	ssyncadd.s32 $0xFFFFFB00  }
0xea: {  	_ =	swait.ge [sflag:s16], $0x2800  }
0xeb: {  	[sflag:s16] =	ssyncset.done $0x0  }
0xec: {  	[sflag:s16] =	ssyncadd.s32 $0xFFFFD800  }
0xed: {  	_ =	swait.ge [sflag:s16], $0x500  }
0xee: {  	[sflag:s16] =	ssyncset.done $0x0  }
0xef: {  	s22 =	rddreg [dreg:$0x9];
	[sflag:s16] =	ssyncadd.s32 $0xFFFFFB00  }
0xf0: {  	[tilespmem:s5], [sflag:$0x3] =	stream.linear.gather [hbm4b:s22+s12], $0xC800, $0x38;
	[tilespmem:$0x1DD00] =	vst v63  }
0xf1: {  	s1 =	rddreg [dreg:$0x11]  }
0xf2: {  	[tilespmem:s10], [sflag:$0x1] =	stream.linear.gather [hbm4b:s1+s12], $0x190, $0x38;
	[tilespmem:$0x1DD00] =	vst v63  }
0xf3: {  	_ =	swait.ge [sflag:s28], $0x190  }
0xf4: {  	[sflag:s28] =	ssyncset.done $0x0  }
0xf5: {  	[sflag:s28] =	ssyncadd.s32 $0xFFFFFE70  }
0xf6: {  	v2 =	vld [tilespmem:$0xB00]  }
0xf7: {  	v3 =	vld [tilespmem:$0xB10]  }
0xf8: {  	v29 =	vld [tilespmem:$0xB20]  }
0xf9: {  	v30 =	vld [tilespmem:$0xB30]  }
0xfa: {  	v31 =	vld [tilespmem:$0xB40]  }
0xfb: {  	v32 =	vld [tilespmem:$0xB70];
	[tilespmem:$0x1100] =	vst v2  }
0xfc: {  	v33 =	vld [tilespmem:$0xB80];
	[tilespmem:$0x1110] =	vst v3  }
0xfd: {  	v34 =	vld [tilespmem:$0xB90];
	[tilespmem:$0x1120] =	vst v29  }
0xfe: {  	v2 =	vld [tilespmem:$0xB50];
	[tilespmem:$0x1130] =	vst v30  }
0xff: {  	v3 =	vld [tilespmem:$0xB60];
	[tilespmem:$0x1140] =	vst v31  }
0x100: {  	v35 =	vld [tilespmem:$0xBC0];
	[tilespmem:$0x11A0] =	vst v32  }
0x101: {  	v36 =	vld [tilespmem:$0xBD0];
	[tilespmem:$0x11B0] =	vst v33  }
0x102: {  	v37 =	vld [tilespmem:$0xBE0];
	[tilespmem:$0x11C0] =	vst v34  }
0x103: {  	[tilespmem:$0x1180] =	vst v2;
	v2 =	vld [tilespmem:$0xBA0]  }
0x104: {  	[tilespmem:$0x1190] =	vst v3;
	v3 =	vld [tilespmem:$0xBB0]  }
0x105: {  	v38 =	vld [tilespmem:$0xC10];
	[tilespmem:$0x1220] =	vst v35  }
0x106: {  	v39 =	vld [tilespmem:$0xC20];
	[tilespmem:$0x1230] =	vst v36  }
0x107: {  	v40 =	vld [tilespmem:$0xC30];
	[tilespmem:$0x1240] =	vst v37  }
0x108: {  	[tilespmem:$0x1200] =	vst v2;
	v2 =	vld [tilespmem:$0xBF0]  }
0x109: {  	[tilespmem:$0x1210] =	vst v3;
	v3 =	vld [tilespmem:$0xC00]  }
0x10a: {  	v41 =	vld [tilespmem:$0xC60];
	[tilespmem:$0x12A0] =	vst v38  }
0x10b: {  	v42 =	vld [tilespmem:$0xC70];
	[tilespmem:$0x12B0] =	vst v39  }
0x10c: {  	v43 =	vld [tilespmem:$0xC80];
	[tilespmem:$0x12C0] =	vst v40  }
0x10d: {  	[tilespmem:$0x1280] =	vst v2;
	v2 =	vld [tilespmem:$0xC40]  }
0x10e: {  	[tilespmem:$0x1290] =	vst v3;
	v3 =	vld [tilespmem:$0xC50]  }
0x10f: {  	[tilespmem:$0x1320] =	vst v41  }
0x110: {  	[tilespmem:$0x1330] =	vst v42  }
0x111: {  	[tilespmem:$0x1340] =	vst v43  }
0x112: {  	[tilespmem:$0x1300] =	vst v2  }
0x113: {  	[tilespmem:$0x1310] =	vst v3  }
0x114: {  	_ =	swait.ge [sflag:s18], $0xC800  }
0x115: {  	[sflag:s18] =	ssyncset.done $0x0  }
0x116: {  	s20 =	simm.s32 $0x1100;
	[sflag:s18] =	ssyncadd.s32 $0xFFFF3800  }
0x117: {  	[spmem:s2] =	stream.indirect.scatter.add.f32 [tilespmem:s31], [sflag:$0x6], $0x80, s20, s4, $0xb8;
	[tilespmem:$0x1DD00] =	vst v63  }
0x118: {  	_ = 	snop  }
0x119: {  	[spmem:s3] =	stream.indirect.scatter.add.f32 [tilespmem:s6], [sflag:$0x6], $0x10, s20, s4, $0xb8;
	[tilespmem:$0x1DD00] =	vst v63  }
0x11a: {  	s13 =	simm.s32 $0x12D00;
	s22 =	simm.s32 $0x1180  }
0x11b: {  	[spmem:s2] =	stream.indirect.scatter.add.f32 [tilespmem:s13], [sflag:$0x6], $0x80, s22, s4, $0xb8;
	[tilespmem:$0x1DD00] =	vst v63  }
0x11c: {  	_ = 	snop  }
0x11d: {  	[spmem:s3] =	stream.indirect.scatter.add.f32 [tilespmem:s6], [sflag:$0x6], $0x10, s22, s4, $0xb8;
	[tilespmem:$0x1DD00] =	vst v63  }
0x11e: {  	s13 =	simm.s32 $0x15500  }
0x11f: {  	[spmem:s2] =	stream.indirect.scatter.add.f32 [tilespmem:s13], [sflag:$0x6], $0x80, s24, s4, $0xb8;
	[tilespmem:$0x1DD00] =	vst v63  }
0x120: {  	_ = 	snop  }
0x121: {  	[spmem:s3] =	stream.indirect.scatter.add.f32 [tilespmem:s6], [sflag:$0x6], $0x10, s24, s4, $0xb8;
	[tilespmem:$0x1DD00] =	vst v63  }
0x122: {  	s17 =	simm.s32 $0x17D00  }
0x123: {  	[spmem:s2] =	stream.indirect.scatter.add.f32 [tilespmem:s17], [sflag:$0x6], $0x80, s30, s4, $0xb8;
	[tilespmem:$0x1DD00] =	vst v63  }
0x124: {  	_ = 	snop  }
0x125: {  	[spmem:s3] =	stream.indirect.scatter.add.f32 [tilespmem:s6], [sflag:$0x6], $0x10, s30, s4, $0xb8;
	[tilespmem:$0x1DD00] =	vst v63  }
0x126: {  	s19 =	simm.s32 $0x1A500  }
0x127: {  	[spmem:s2] =	stream.indirect.scatter.add.f32 [tilespmem:s19], [sflag:$0x6], $0x80, s15, s4, $0xb8;
	[tilespmem:$0x1DD00] =	vst v63  }
0x128: {  	_ = 	snop  }
0x129: {  	[spmem:s3] =	stream.indirect.scatter.add.f32 [tilespmem:s6], [sflag:$0x6], $0x10, s15, s4, $0xb8;
	[tilespmem:$0x1DD00] =	vst v63  }
0x12a: {  	_ =	swait.ge [sflag:s23], $0x2800  }
0x12b: {  	[sflag:s23] =	ssyncset.done $0x0  }
0x12c: {  	[sflag:s23] =	ssyncadd.s32 $0xFFFFD800  }
0x12d: {  	_ =	swait.ge [sflag:s23], $0x500  }
0x12e: {  	[sflag:s23] =	ssyncset.done $0x0  }
0x12f: {  	[sflag:s23] =	ssyncadd.s32 $0xFFFFFB00  }
0x130: {  	_ =	swait.ge [sflag:s23], $0x2800  }
0x131: {  	[sflag:s23] =	ssyncset.done $0x0  }
0x132: {  	[sflag:s23] =	ssyncadd.s32 $0xFFFFD800  }
0x133: {  	_ =	swait.ge [sflag:s23], $0x500  }
0x134: {  	[sflag:s23] =	ssyncset.done $0x0  }
0x135: {  	[sflag:s23] =	ssyncadd.s32 $0xFFFFFB00  }
0x136: {  	_ =	swait.ge [sflag:s23], $0x2800  }
0x137: {  	[sflag:s23] =	ssyncset.done $0x0  }
0x138: {  	[sflag:s23] =	ssyncadd.s32 $0xFFFFD800  }
0x139: {  	_ =	swait.ge [sflag:s23], $0x500  }
0x13a: {  	[sflag:s23] =	ssyncset.done $0x0  }
0x13b: {  	[sflag:s23] =	ssyncadd.s32 $0xFFFFFB00  }
0x13c: {  	_ =	swait.ge [sflag:s23], $0x2800  }
0x13d: {  	[sflag:s23] =	ssyncset.done $0x0  }
0x13e: {  	[sflag:s23] =	ssyncadd.s32 $0xFFFFD800  }
0x13f: {  	_ =	swait.ge [sflag:s23], $0x500  }
0x140: {  	[sflag:s23] =	ssyncset.done $0x0  }
0x141: {  	[sflag:s23] =	ssyncadd.s32 $0xFFFFFB00  }
0x142: {  	_ =	swait.ge [sflag:s23], $0x2800  }
0x143: {  	[sflag:s23] =	ssyncset.done $0x0  }
0x144: {  	[sflag:s23] =	ssyncadd.s32 $0xFFFFD800  }
0x145: {  	_ =	swait.ge [sflag:s23], $0x500  }
0x146: {  	[sflag:s23] =	ssyncset.done $0x0  }
0x147: {  	s1 =	rddreg [dreg:$0xa];
	[sflag:s23] =	ssyncadd.s32 $0xFFFFFB00  }
0x148: {  	[tilespmem:s31], [sflag:$0x4] =	stream.linear.gather [hbm4b:s1+s12], $0xC800, $0x38;
	[tilespmem:$0x1DD00] =	vst v63  }
0x149: {  	s17 =	rddreg [dreg:$0x12]  }
0x14a: {  	[tilespmem:s21], [sflag:$0x2] =	stream.linear.gather [hbm4b:s17+s12], $0x190, $0x38;
	[tilespmem:$0x1DD00] =	vst v63  }
0x14b: {  	_ =	swait.ge [sflag:s26], $0x190  }
0x14c: {  	[sflag:s26] =	ssyncset.done $0x0  }
0x14d: {  	[sflag:s26] =	ssyncadd.s32 $0xFFFFFE70  }
0x14e: {  	v2 =	vld [tilespmem:$0x900]  }
0x14f: {  	v3 =	vld [tilespmem:$0x910]  }
0x150: {  	v44 =	vld [tilespmem:$0x920]  }
0x151: {  	v45 =	vld [tilespmem:$0x930]  }
0x152: {  	v46 =	vld [tilespmem:$0x940]  }
0x153: {  	v47 =	vld [tilespmem:$0x970];
	[tilespmem:$0xD00] =	vst v2  }
0x154: {  	v48 =	vld [tilespmem:$0x980];
	[tilespmem:$0xD10] =	vst v3  }
0x155: {  	v49 =	vld [tilespmem:$0x990];
	[tilespmem:$0xD20] =	vst v44  }
0x156: {  	v2 =	vld [tilespmem:$0x950];
	[tilespmem:$0xD30] =	vst v45  }
0x157: {  	v3 =	vld [tilespmem:$0x960];
	[tilespmem:$0xD40] =	vst v46  }
0x158: {  	v50 =	vld [tilespmem:$0x9C0];
	[tilespmem:$0xDA0] =	vst v47  }
0x159: {  	v51 =	vld [tilespmem:$0x9D0];
	[tilespmem:$0xDB0] =	vst v48  }
0x15a: {  	v52 =	vld [tilespmem:$0x9E0];
	[tilespmem:$0xDC0] =	vst v49  }
0x15b: {  	[tilespmem:$0xD80] =	vst v2;
	v2 =	vld [tilespmem:$0x9A0]  }
0x15c: {  	[tilespmem:$0xD90] =	vst v3;
	v3 =	vld [tilespmem:$0x9B0]  }
0x15d: {  	v53 =	vld [tilespmem:$0xA10];
	[tilespmem:$0xE20] =	vst v50  }
0x15e: {  	v54 =	vld [tilespmem:$0xA20];
	[tilespmem:$0xE30] =	vst v51  }
0x15f: {  	v55 =	vld [tilespmem:$0xA30];
	[tilespmem:$0xE40] =	vst v52  }
0x160: {  	[tilespmem:$0xE00] =	vst v2;
	v2 =	vld [tilespmem:$0x9F0]  }
0x161: {  	[tilespmem:$0xE10] =	vst v3;
	v3 =	vld [tilespmem:$0xA00]  }
0x162: {  	v56 =	vld [tilespmem:$0xA60];
	[tilespmem:$0xEA0] =	vst v53  }
0x163: {  	v57 =	vld [tilespmem:$0xA70];
	[tilespmem:$0xEB0] =	vst v54  }
0x164: {  	v58 =	vld [tilespmem:$0xA80];
	[tilespmem:$0xEC0] =	vst v55  }
0x165: {  	[tilespmem:$0xE80] =	vst v2;
	v2 =	vld [tilespmem:$0xA40]  }
0x166: {  	[tilespmem:$0xE90] =	vst v3;
	v3 =	vld [tilespmem:$0xA50]  }
0x167: {  	[tilespmem:$0xF20] =	vst v56  }
0x168: {  	[tilespmem:$0xF30] =	vst v57  }
0x169: {  	[tilespmem:$0xF40] =	vst v58  }
0x16a: {  	[tilespmem:$0xF00] =	vst v2  }
0x16b: {  	[tilespmem:$0xF10] =	vst v3  }
0x16c: {  	_ =	swait.ge [sflag:s29], $0xC800  }
0x16d: {  	[sflag:s29] =	ssyncset.done $0x0  }
0x16e: {  	[sflag:s29] =	ssyncadd.s32 $0xFFFF3800  }
0x16f: {  	[spmem:s2] =	stream.indirect.scatter.add.f32 [tilespmem:s5], [sflag:$0x5], $0x80, s7, s4, $0xb8;
	[tilespmem:$0x1DD00] =	vst v63  }
0x170: {  	_ = 	snop  }
0x171: {  	[spmem:s3] =	stream.indirect.scatter.add.f32 [tilespmem:s6], [sflag:$0x5], $0x10, s7, s4, $0xb8;
	[tilespmem:$0x1DD00] =	vst v63  }
0x172: {  	s1 =	simm.s32 $0x6500  }
0x173: {  	[spmem:s2] =	stream.indirect.scatter.add.f32 [tilespmem:s1], [sflag:$0x5], $0x80, s9, s4, $0xb8;
	[tilespmem:$0x1DD00] =	vst v63  }
0x174: {  	_ = 	snop  }
0x175: {  	[spmem:s3] =	stream.indirect.scatter.add.f32 [tilespmem:s6], [sflag:$0x5], $0x10, s9, s4, $0xb8;
	[tilespmem:$0x1DD00] =	vst v63  }
0x176: {  	s17 =	simm.s32 $0x8D00  }
0x177: {  	[spmem:s2] =	stream.indirect.scatter.add.f32 [tilespmem:s17], [sflag:$0x5], $0x80, s11, s4, $0xb8;
	[tilespmem:$0x1DD00] =	vst v63  }
0x178: {  	_ = 	snop  }
0x179: {  	[spmem:s3] =	stream.indirect.scatter.add.f32 [tilespmem:s6], [sflag:$0x5], $0x10, s11, s4, $0xb8;
	[tilespmem:$0x1DD00] =	vst v63  }
0x17a: {  	s19 =	simm.s32 $0xB500  }
0x17b: {  	[spmem:s2] =	stream.indirect.scatter.add.f32 [tilespmem:s19], [sflag:$0x5], $0x80, s14, s4, $0xb8;
	[tilespmem:$0x1DD00] =	vst v63  }
0x17c: {  	_ = 	snop  }
0x17d: {  	[spmem:s3] =	stream.indirect.scatter.add.f32 [tilespmem:s6], [sflag:$0x5], $0x10, s14, s4, $0xb8;
	[tilespmem:$0x1DD00] =	vst v63  }
0x17e: {  	s8 =	simm.s32 $0xDD00  }
0x17f: {  	[spmem:s2] =	stream.indirect.scatter.add.f32 [tilespmem:s8], [sflag:$0x5], $0x80, s0, s4, $0xb8;
	[tilespmem:$0x1DD00] =	vst v63  }
0x180: {  	_ = 	snop  }
0x181: {  	[spmem:s3] =	stream.indirect.scatter.add.f32 [tilespmem:s6], [sflag:$0x5], $0x10, s0, s4, $0xb8;
	[tilespmem:$0x1DD00] =	vst v63  }
0x182: {  	_ =	swait.ge [sflag:s16], $0x2800  }
0x183: {  	[sflag:s16] =	ssyncset.done $0x0  }
0x184: {  	[sflag:s16] =	ssyncadd.s32 $0xFFFFD800  }
0x185: {  	_ =	swait.ge [sflag:s16], $0x500  }
0x186: {  	[sflag:s16] =	ssyncset.done $0x0  }
0x187: {  	[sflag:s16] =	ssyncadd.s32 $0xFFFFFB00  }
0x188: {  	_ =	swait.ge [sflag:s16], $0x2800  }
0x189: {  	[sflag:s16] =	ssyncset.done $0x0  }
0x18a: {  	[sflag:s16] =	ssyncadd.s32 $0xFFFFD800  }
0x18b: {  	_ =	swait.ge [sflag:s16], $0x500  }
0x18c: {  	[sflag:s16] =	ssyncset.done $0x0  }
0x18d: {  	[sflag:s16] =	ssyncadd.s32 $0xFFFFFB00  }
0x18e: {  	_ =	swait.ge [sflag:s16], $0x2800  }
0x18f: {  	[sflag:s16] =	ssyncset.done $0x0  }
0x190: {  	[sflag:s16] =	ssyncadd.s32 $0xFFFFD800  }
0x191: {  	_ =	swait.ge [sflag:s16], $0x500  }
0x192: {  	[sflag:s16] =	ssyncset.done $0x0  }
0x193: {  	[sflag:s16] =	ssyncadd.s32 $0xFFFFFB00  }
0x194: {  	_ =	swait.ge [sflag:s16], $0x2800  }
0x195: {  	[sflag:s16] =	ssyncset.done $0x0  }
0x196: {  	[sflag:s16] =	ssyncadd.s32 $0xFFFFD800  }
0x197: {  	_ =	swait.ge [sflag:s16], $0x500  }
0x198: {  	[sflag:s16] =	ssyncset.done $0x0  }
0x199: {  	[sflag:s16] =	ssyncadd.s32 $0xFFFFFB00  }
0x19a: {  	_ =	swait.ge [sflag:s16], $0x2800  }
0x19b: {  	[sflag:s16] =	ssyncset.done $0x0  }
0x19c: {  	[sflag:s16] =	ssyncadd.s32 $0xFFFFD800  }
0x19d: {  	_ =	swait.ge [sflag:s16], $0x500  }
0x19e: {  	[sflag:s16] =	ssyncset.done $0x0  }
0x19f: {  	s8 =	rddreg [dreg:$0xb];
	[sflag:s16] =	ssyncadd.s32 $0xFFFFFB00  }
0x1a0: {  	[tilespmem:s5], [sflag:$0x3] =	stream.linear.gather [hbm4b:s8+s12], $0xC800, $0x38;
	[tilespmem:$0x1DD00] =	vst v63  }
0x1a1: {  	s8 =	rddreg [dreg:$0x13]  }
0x1a2: {  	[tilespmem:s10], [sflag:$0x1] =	stream.linear.gather [hbm4b:s8+s12], $0x190, $0x38;
	[tilespmem:$0x1DD00] =	vst v63  }
0x1a3: {  	_ =	swait.ge [sflag:s28], $0x190  }
0x1a4: {  	[sflag:s28] =	ssyncset.done $0x0  }
0x1a5: {  	[sflag:s28] =	ssyncadd.s32 $0xFFFFFE70  }
0x1a6: {  	v2 =	vld [tilespmem:$0xB00]  }
0x1a7: {  	v3 =	vld [tilespmem:$0xB10]  }
0x1a8: {  	v59 =	vld [tilespmem:$0xB20]  }
0x1a9: {  	v60 =	vld [tilespmem:$0xB30]  }
0x1aa: {  	v61 =	vld [tilespmem:$0xB40]  }
0x1ab: {  	v62 =	vld [tilespmem:$0xB70];
	[tilespmem:$0x1100] =	vst v2  }
0x1ac: {  	v63 =	vld [tilespmem:$0xB80];
	[tilespmem:$0x1110] =	vst v3  }
0x1ad: {  	v9 =	vld [tilespmem:$0xB90];
	[tilespmem:$0x1120] =	vst v59  }
0x1ae: {  	v2 =	vld [tilespmem:$0xB50];
	[tilespmem:$0x1130] =	vst v60  }
0x1af: {  	v3 =	vld [tilespmem:$0xB60];
	[tilespmem:$0x1140] =	vst v61  }
0x1b0: {  	v10 =	vld [tilespmem:$0xBC0];
	[tilespmem:$0x11A0] =	vst v62  }
0x1b1: {  	v11 =	vld [tilespmem:$0xBD0];
	[tilespmem:$0x11B0] =	vst v63  }
0x1b2: {  	v12 =	vld [tilespmem:$0xBE0];
	[tilespmem:$0x11C0] =	vst v9  }
0x1b3: {  	[tilespmem:$0x1180] =	vst v2;
	v2 =	vld [tilespmem:$0xBA0]  }
0x1b4: {  	[tilespmem:$0x1190] =	vst v3;
	v3 =	vld [tilespmem:$0xBB0]  }
0x1b5: {  	v13 =	vld [tilespmem:$0xC10];
	[tilespmem:$0x1220] =	vst v10  }
0x1b6: {  	v14 =	vld [tilespmem:$0xC20];
	[tilespmem:$0x1230] =	vst v11  }
0x1b7: {  	v15 =	vld [tilespmem:$0xC30];
	[tilespmem:$0x1240] =	vst v12  }
0x1b8: {  	[tilespmem:$0x1200] =	vst v2;
	v2 =	vld [tilespmem:$0xBF0]  }
0x1b9: {  	[tilespmem:$0x1210] =	vst v3;
	v3 =	vld [tilespmem:$0xC00]  }
0x1ba: {  	v16 =	vld [tilespmem:$0xC60];
	[tilespmem:$0x12A0] =	vst v13  }
0x1bb: {  	v17 =	vld [tilespmem:$0xC70];
	[tilespmem:$0x12B0] =	vst v14  }
0x1bc: {  	v18 =	vld [tilespmem:$0xC80];
	[tilespmem:$0x12C0] =	vst v15  }
0x1bd: {  	[tilespmem:$0x1280] =	vst v2;
	v2 =	vld [tilespmem:$0xC40]  }
0x1be: {  	[tilespmem:$0x1290] =	vst v3;
	v3 =	vld [tilespmem:$0xC50]  }
0x1bf: {  	[tilespmem:$0x1320] =	vst v16  }
0x1c0: {  	[tilespmem:$0x1330] =	vst v17  }
0x1c1: {  	[tilespmem:$0x1340] =	vst v18  }
0x1c2: {  	[tilespmem:$0x1300] =	vst v2  }
0x1c3: {  	[tilespmem:$0x1310] =	vst v3  }
0x1c4: {  	_ =	swait.ge [sflag:s18], $0xC800  }
0x1c5: {  	[sflag:s18] =	ssyncset.done $0x0  }
0x1c6: {  	[sflag:s18] =	ssyncadd.s32 $0xFFFF3800  }
0x1c7: {  	[spmem:s2] =	stream.indirect.scatter.add.f32 [tilespmem:s31], [sflag:$0x6], $0x80, s20, s4, $0xb8;
	[tilespmem:$0x1DD00] =	vst v63  }
0x1c8: {  	_ = 	snop  }
0x1c9: {  	[spmem:s3] =	stream.indirect.scatter.add.f32 [tilespmem:s6], [sflag:$0x6], $0x10, s20, s4, $0xb8;
	[tilespmem:$0x1DD00] =	vst v63  }
0x1ca: {  	s8 =	simm.s32 $0x12D00  }
0x1cb: {  	[spmem:s2] =	stream.indirect.scatter.add.f32 [tilespmem:s8], [sflag:$0x6], $0x80, s22, s4, $0xb8;
	[tilespmem:$0x1DD00] =	vst v63  }
0x1cc: {  	_ = 	snop  }
0x1cd: {  	[spmem:s3] =	stream.indirect.scatter.add.f32 [tilespmem:s6], [sflag:$0x6], $0x10, s22, s4, $0xb8;
	[tilespmem:$0x1DD00] =	vst v63  }
0x1ce: {  	_ = 	snop  }
0x1cf: {  	[spmem:s2] =	stream.indirect.scatter.add.f32 [tilespmem:s13], [sflag:$0x6], $0x80, s24, s4, $0xb8;
	[tilespmem:$0x1DD00] =	vst v63  }
0x1d0: {  	_ = 	snop  }
0x1d1: {  	[spmem:s3] =	stream.indirect.scatter.add.f32 [tilespmem:s6], [sflag:$0x6], $0x10, s24, s4, $0xb8;
	[tilespmem:$0x1DD00] =	vst v63  }
0x1d2: {  	s8 =	simm.s32 $0x17D00  }
0x1d3: {  	[spmem:s2] =	stream.indirect.scatter.add.f32 [tilespmem:s8], [sflag:$0x6], $0x80, s30, s4, $0xb8;
	[tilespmem:$0x1DD00] =	vst v63  }
0x1d4: {  	_ = 	snop  }
0x1d5: {  	[spmem:s3] =	stream.indirect.scatter.add.f32 [tilespmem:s6], [sflag:$0x6], $0x10, s30, s4, $0xb8;
	[tilespmem:$0x1DD00] =	vst v63  }
0x1d6: {  	s8 =	simm.s32 $0x1A500  }
0x1d7: {  	[spmem:s2] =	stream.indirect.scatter.add.f32 [tilespmem:s8], [sflag:$0x6], $0x80, s15, s4, $0xb8;
	[tilespmem:$0x1DD00] =	vst v63  }
0x1d8: {  	_ = 	snop  }
0x1d9: {  	[spmem:s3] =	stream.indirect.scatter.add.f32 [tilespmem:s6], [sflag:$0x6], $0x10, s15, s4, $0xb8;
	[tilespmem:$0x1DD00] =	vst v63  }
0x1da: {  	_ =	swait.ge [sflag:s23], $0x2800  }
0x1db: {  	[sflag:s23] =	ssyncset.done $0x0  }
0x1dc: {  	[sflag:s23] =	ssyncadd.s32 $0xFFFFD800  }
0x1dd: {  	_ =	swait.ge [sflag:s23], $0x500  }
0x1de: {  	[sflag:s23] =	ssyncset.done $0x0  }
0x1df: {  	[sflag:s23] =	ssyncadd.s32 $0xFFFFFB00  }
0x1e0: {  	_ =	swait.ge [sflag:s23], $0x2800  }
0x1e1: {  	[sflag:s23] =	ssyncset.done $0x0  }
0x1e2: {  	[sflag:s23] =	ssyncadd.s32 $0xFFFFD800  }
0x1e3: {  	_ =	swait.ge [sflag:s23], $0x500  }
0x1e4: {  	[sflag:s23] =	ssyncset.done $0x0  }
0x1e5: {  	[sflag:s23] =	ssyncadd.s32 $0xFFFFFB00  }
0x1e6: {  	_ =	swait.ge [sflag:s23], $0x2800  }
0x1e7: {  	[sflag:s23] =	ssyncset.done $0x0  }
0x1e8: {  	[sflag:s23] =	ssyncadd.s32 $0xFFFFD800  }
0x1e9: {  	_ =	swait.ge [sflag:s23], $0x500  }
0x1ea: {  	[sflag:s23] =	ssyncset.done $0x0  }
0x1eb: {  	[sflag:s23] =	ssyncadd.s32 $0xFFFFFB00  }
0x1ec: {  	_ =	swait.ge [sflag:s23], $0x2800  }
0x1ed: {  	[sflag:s23] =	ssyncset.done $0x0  }
0x1ee: {  	[sflag:s23] =	ssyncadd.s32 $0xFFFFD800  }
0x1ef: {  	_ =	swait.ge [sflag:s23], $0x500  }
0x1f0: {  	[sflag:s23] =	ssyncset.done $0x0  }
0x1f1: {  	[sflag:s23] =	ssyncadd.s32 $0xFFFFFB00  }
0x1f2: {  	_ =	swait.ge [sflag:s23], $0x2800  }
0x1f3: {  	[sflag:s23] =	ssyncset.done $0x0  }
0x1f4: {  	[sflag:s23] =	ssyncadd.s32 $0xFFFFD800  }
0x1f5: {  	_ =	swait.ge [sflag:s23], $0x500  }
0x1f6: {  	[sflag:s23] =	ssyncset.done $0x0  }
0x1f7: {  	s8 =	rddreg [dreg:$0xc];
	[sflag:s23] =	ssyncadd.s32 $0xFFFFFB00  }
0x1f8: {  	[tilespmem:s31], [sflag:$0x4] =	stream.linear.gather [hbm4b:s8+s12], $0xC800, $0x38;
	[tilespmem:$0x1DD00] =	vst v63  }
0x1f9: {  	s8 =	rddreg [dreg:$0x14]  }
0x1fa: {  	[tilespmem:s21], [sflag:$0x2] =	stream.linear.gather [hbm4b:s8+s12], $0x190, $0x38;
	[tilespmem:$0x1DD00] =	vst v63  }
0x1fb: {  	_ =	swait.ge [sflag:s26], $0x190  }
0x1fc: {  	[sflag:s26] =	ssyncset.done $0x0  }
0x1fd: {  	[sflag:s26] =	ssyncadd.s32 $0xFFFFFE70  }
0x1fe: {  	v2 =	vld [tilespmem:$0x900]  }
0x1ff: {  	v3 =	vld [tilespmem:$0x910]  }
0x200: {  	v19 =	vld [tilespmem:$0x920]  }
0x201: {  	v20 =	vld [tilespmem:$0x930]  }
0x202: {  	v21 =	vld [tilespmem:$0x940]  }
0x203: {  	v22 =	vld [tilespmem:$0x970];
	[tilespmem:$0xD00] =	vst v2  }
0x204: {  	v23 =	vld [tilespmem:$0x980];
	[tilespmem:$0xD10] =	vst v3  }
0x205: {  	v24 =	vld [tilespmem:$0x990];
	[tilespmem:$0xD20] =	vst v19  }
0x206: {  	v2 =	vld [tilespmem:$0x950];
	[tilespmem:$0xD30] =	vst v20  }
0x207: {  	v3 =	vld [tilespmem:$0x960];
	[tilespmem:$0xD40] =	vst v21  }
0x208: {  	v25 =	vld [tilespmem:$0x9C0];
	[tilespmem:$0xDA0] =	vst v22  }
0x209: {  	v26 =	vld [tilespmem:$0x9D0];
	[tilespmem:$0xDB0] =	vst v23  }
0x20a: {  	v27 =	vld [tilespmem:$0x9E0];
	[tilespmem:$0xDC0] =	vst v24  }
0x20b: {  	[tilespmem:$0xD80] =	vst v2;
	v2 =	vld [tilespmem:$0x9A0]  }
0x20c: {  	[tilespmem:$0xD90] =	vst v3;
	v3 =	vld [tilespmem:$0x9B0]  }
0x20d: {  	v28 =	vld [tilespmem:$0xA10];
	[tilespmem:$0xE20] =	vst v25  }
0x20e: {  	v29 =	vld [tilespmem:$0xA20];
	[tilespmem:$0xE30] =	vst v26  }
0x20f: {  	v30 =	vld [tilespmem:$0xA30];
	[tilespmem:$0xE40] =	vst v27  }
0x210: {  	[tilespmem:$0xE00] =	vst v2;
	v2 =	vld [tilespmem:$0x9F0]  }
0x211: {  	[tilespmem:$0xE10] =	vst v3;
	v3 =	vld [tilespmem:$0xA00]  }
0x212: {  	v31 =	vld [tilespmem:$0xA60];
	[tilespmem:$0xEA0] =	vst v28  }
0x213: {  	v32 =	vld [tilespmem:$0xA70];
	[tilespmem:$0xEB0] =	vst v29  }
0x214: {  	v33 =	vld [tilespmem:$0xA80];
	[tilespmem:$0xEC0] =	vst v30  }
0x215: {  	[tilespmem:$0xE80] =	vst v2;
	v2 =	vld [tilespmem:$0xA40]  }
0x216: {  	[tilespmem:$0xE90] =	vst v3;
	v3 =	vld [tilespmem:$0xA50]  }
0x217: {  	[tilespmem:$0xF20] =	vst v31  }
0x218: {  	[tilespmem:$0xF30] =	vst v32  }
0x219: {  	[tilespmem:$0xF40] =	vst v33  }
0x21a: {  	[tilespmem:$0xF00] =	vst v2  }
0x21b: {  	[tilespmem:$0xF10] =	vst v3  }
0x21c: {  	_ =	swait.ge [sflag:s29], $0xC800  }
0x21d: {  	[sflag:s29] =	ssyncset.done $0x0  }
0x21e: {  	[sflag:s29] =	ssyncadd.s32 $0xFFFF3800  }
0x21f: {  	[spmem:s2] =	stream.indirect.scatter.add.f32 [tilespmem:s5], [sflag:$0x5], $0x80, s7, s4, $0xb8;
	[tilespmem:$0x1DD00] =	vst v63  }
0x220: {  	_ = 	snop  }
0x221: {  	[spmem:s3] =	stream.indirect.scatter.add.f32 [tilespmem:s6], [sflag:$0x5], $0x10, s7, s4, $0xb8;
	[tilespmem:$0x1DD00] =	vst v63  }
0x222: {  	_ = 	snop  }
0x223: {  	[spmem:s2] =	stream.indirect.scatter.add.f32 [tilespmem:s1], [sflag:$0x5], $0x80, s9, s4, $0xb8;
	[tilespmem:$0x1DD00] =	vst v63  }
0x224: {  	_ = 	snop  }
0x225: {  	[spmem:s3] =	stream.indirect.scatter.add.f32 [tilespmem:s6], [sflag:$0x5], $0x10, s9, s4, $0xb8;
	[tilespmem:$0x1DD00] =	vst v63  }
0x226: {  	_ = 	snop  }
0x227: {  	[spmem:s2] =	stream.indirect.scatter.add.f32 [tilespmem:s17], [sflag:$0x5], $0x80, s11, s4, $0xb8;
	[tilespmem:$0x1DD00] =	vst v63  }
0x228: {  	_ = 	snop  }
0x229: {  	[spmem:s3] =	stream.indirect.scatter.add.f32 [tilespmem:s6], [sflag:$0x5], $0x10, s11, s4, $0xb8;
	[tilespmem:$0x1DD00] =	vst v63  }
0x22a: {  	_ = 	snop  }
0x22b: {  	[spmem:s2] =	stream.indirect.scatter.add.f32 [tilespmem:s19], [sflag:$0x5], $0x80, s14, s4, $0xb8;
	[tilespmem:$0x1DD00] =	vst v63  }
0x22c: {  	_ = 	snop  }
0x22d: {  	[spmem:s3] =	stream.indirect.scatter.add.f32 [tilespmem:s6], [sflag:$0x5], $0x10, s14, s4, $0xb8;
	[tilespmem:$0x1DD00] =	vst v63  }
0x22e: {  	s19 =	simm.s32 $0xDD00  }
0x22f: {  	[spmem:s2] =	stream.indirect.scatter.add.f32 [tilespmem:s19], [sflag:$0x5], $0x80, s0, s4, $0xb8;
	[tilespmem:$0x1DD00] =	vst v63  }
0x230: {  	_ = 	snop  }
0x231: {  	[spmem:s3] =	stream.indirect.scatter.add.f32 [tilespmem:s6], [sflag:$0x5], $0x10, s0, s4, $0xb8;
	[tilespmem:$0x1DD00] =	vst v63  }
0x232: {  	_ =	swait.ge [sflag:s16], $0x2800  }
0x233: {  	[sflag:s16] =	ssyncset.done $0x0  }
0x234: {  	[sflag:s16] =	ssyncadd.s32 $0xFFFFD800  }
0x235: {  	_ =	swait.ge [sflag:s16], $0x500  }
0x236: {  	[sflag:s16] =	ssyncset.done $0x0  }
0x237: {  	[sflag:s16] =	ssyncadd.s32 $0xFFFFFB00  }
0x238: {  	_ =	swait.ge [sflag:s16], $0x2800  }
0x239: {  	[sflag:s16] =	ssyncset.done $0x0  }
0x23a: {  	[sflag:s16] =	ssyncadd.s32 $0xFFFFD800  }
0x23b: {  	_ =	swait.ge [sflag:s16], $0x500  }
0x23c: {  	[sflag:s16] =	ssyncset.done $0x0  }
0x23d: {  	[sflag:s16] =	ssyncadd.s32 $0xFFFFFB00  }
0x23e: {  	_ =	swait.ge [sflag:s16], $0x2800  }
0x23f: {  	[sflag:s16] =	ssyncset.done $0x0  }
0x240: {  	[sflag:s16] =	ssyncadd.s32 $0xFFFFD800  }
0x241: {  	_ =	swait.ge [sflag:s16], $0x500  }
0x242: {  	[sflag:s16] =	ssyncset.done $0x0  }
0x243: {  	[sflag:s16] =	ssyncadd.s32 $0xFFFFFB00  }
0x244: {  	_ =	swait.ge [sflag:s16], $0x2800  }
0x245: {  	[sflag:s16] =	ssyncset.done $0x0  }
0x246: {  	[sflag:s16] =	ssyncadd.s32 $0xFFFFD800  }
0x247: {  	_ =	swait.ge [sflag:s16], $0x500  }
0x248: {  	[sflag:s16] =	ssyncset.done $0x0  }
0x249: {  	[sflag:s16] =	ssyncadd.s32 $0xFFFFFB00  }
0x24a: {  	_ =	swait.ge [sflag:s16], $0x2800  }
0x24b: {  	[sflag:s16] =	ssyncset.done $0x0  }
0x24c: {  	[sflag:s16] =	ssyncadd.s32 $0xFFFFD800  }
0x24d: {  	_ =	swait.ge [sflag:s16], $0x500  }
0x24e: {  	[sflag:s16] =	ssyncset.done $0x0  }
0x24f: {  	s21 =	rddreg [dreg:$0xd];
	[sflag:s16] =	ssyncadd.s32 $0xFFFFFB00  }
0x250: {  	[tilespmem:s5], [sflag:$0x3] =	stream.linear.gather [hbm4b:s21+s12], $0xC800, $0x38;
	[tilespmem:$0x1DD00] =	vst v63  }
0x251: {  	s21 =	rddreg [dreg:$0x15]  }
0x252: {  	[tilespmem:s10], [sflag:$0x1] =	stream.linear.gather [hbm4b:s21+s12], $0x190, $0x38;
	[tilespmem:$0x1DD00] =	vst v63  }
0x253: {  	_ =	swait.ge [sflag:s28], $0x190  }
0x254: {  	[sflag:s28] =	ssyncset.done $0x0  }
0x255: {  	[sflag:s28] =	ssyncadd.s32 $0xFFFFFE70  }
0x256: {  	v2 =	vld [tilespmem:$0xB00]  }
0x257: {  	v3 =	vld [tilespmem:$0xB10]  }
0x258: {  	v34 =	vld [tilespmem:$0xB20]  }
0x259: {  	v35 =	vld [tilespmem:$0xB30]  }
0x25a: {  	v36 =	vld [tilespmem:$0xB40]  }
0x25b: {  	v37 =	vld [tilespmem:$0xB70];
	[tilespmem:$0x1100] =	vst v2  }
0x25c: {  	v38 =	vld [tilespmem:$0xB80];
	[tilespmem:$0x1110] =	vst v3  }
0x25d: {  	v39 =	vld [tilespmem:$0xB90];
	[tilespmem:$0x1120] =	vst v34  }
0x25e: {  	v2 =	vld [tilespmem:$0xB50];
	[tilespmem:$0x1130] =	vst v35  }
0x25f: {  	v3 =	vld [tilespmem:$0xB60];
	[tilespmem:$0x1140] =	vst v36  }
0x260: {  	v40 =	vld [tilespmem:$0xBC0];
	[tilespmem:$0x11A0] =	vst v37  }
0x261: {  	v41 =	vld [tilespmem:$0xBD0];
	[tilespmem:$0x11B0] =	vst v38  }
0x262: {  	v42 =	vld [tilespmem:$0xBE0];
	[tilespmem:$0x11C0] =	vst v39  }
0x263: {  	[tilespmem:$0x1180] =	vst v2;
	v2 =	vld [tilespmem:$0xBA0]  }
0x264: {  	[tilespmem:$0x1190] =	vst v3;
	v3 =	vld [tilespmem:$0xBB0]  }
0x265: {  	v43 =	vld [tilespmem:$0xC10];
	[tilespmem:$0x1220] =	vst v40  }
0x266: {  	v44 =	vld [tilespmem:$0xC20];
	[tilespmem:$0x1230] =	vst v41  }
0x267: {  	v45 =	vld [tilespmem:$0xC30];
	[tilespmem:$0x1240] =	vst v42  }
0x268: {  	[tilespmem:$0x1200] =	vst v2;
	v2 =	vld [tilespmem:$0xBF0]  }
0x269: {  	[tilespmem:$0x1210] =	vst v3;
	v3 =	vld [tilespmem:$0xC00]  }
0x26a: {  	v46 =	vld [tilespmem:$0xC60];
	[tilespmem:$0x12A0] =	vst v43  }
0x26b: {  	v47 =	vld [tilespmem:$0xC70];
	[tilespmem:$0x12B0] =	vst v44  }
0x26c: {  	v48 =	vld [tilespmem:$0xC80];
	[tilespmem:$0x12C0] =	vst v45  }
0x26d: {  	[tilespmem:$0x1280] =	vst v2;
	v2 =	vld [tilespmem:$0xC40]  }
0x26e: {  	[tilespmem:$0x1290] =	vst v3;
	v3 =	vld [tilespmem:$0xC50]  }
0x26f: {  	[tilespmem:$0x1320] =	vst v46  }
0x270: {  	[tilespmem:$0x1330] =	vst v47  }
0x271: {  	[tilespmem:$0x1340] =	vst v48  }
0x272: {  	[tilespmem:$0x1300] =	vst v2  }
0x273: {  	[tilespmem:$0x1310] =	vst v3  }
0x274: {  	_ =	swait.ge [sflag:s18], $0xC800  }
0x275: {  	[sflag:s18] =	ssyncset.done $0x0  }
0x276: {  	[sflag:s18] =	ssyncadd.s32 $0xFFFF3800  }
0x277: {  	[spmem:s2] =	stream.indirect.scatter.add.f32 [tilespmem:s31], [sflag:$0x6], $0x80, s20, s4, $0xb8;
	[tilespmem:$0x1DD00] =	vst v63  }
0x278: {  	_ = 	snop  }
0x279: {  	[spmem:s3] =	stream.indirect.scatter.add.f32 [tilespmem:s6], [sflag:$0x6], $0x10, s20, s4, $0xb8;
	[tilespmem:$0x1DD00] =	vst v63  }
0x27a: {  	s31 =	simm.s32 $0x12D00  }
0x27b: {  	[spmem:s2] =	stream.indirect.scatter.add.f32 [tilespmem:s31], [sflag:$0x6], $0x80, s22, s4, $0xb8;
	[tilespmem:$0x1DD00] =	vst v63  }
0x27c: {  	_ = 	snop  }
0x27d: {  	[spmem:s3] =	stream.indirect.scatter.add.f32 [tilespmem:s6], [sflag:$0x6], $0x10, s22, s4, $0xb8;
	[tilespmem:$0x1DD00] =	vst v63  }
0x27e: {  	_ = 	snop  }
0x27f: {  	[spmem:s2] =	stream.indirect.scatter.add.f32 [tilespmem:s13], [sflag:$0x6], $0x80, s24, s4, $0xb8;
	[tilespmem:$0x1DD00] =	vst v63  }
0x280: {  	_ = 	snop  }
0x281: {  	[spmem:s3] =	stream.indirect.scatter.add.f32 [tilespmem:s6], [sflag:$0x6], $0x10, s24, s4, $0xb8;
	[tilespmem:$0x1DD00] =	vst v63  }
0x282: {  	s13 =	simm.s32 $0x17D00  }
0x283: {  	[spmem:s2] =	stream.indirect.scatter.add.f32 [tilespmem:s13], [sflag:$0x6], $0x80, s30, s4, $0xb8;
	[tilespmem:$0x1DD00] =	vst v63  }
0x284: {  	_ = 	snop  }
0x285: {  	[spmem:s3] =	stream.indirect.scatter.add.f32 [tilespmem:s6], [sflag:$0x6], $0x10, s30, s4, $0xb8;
	[tilespmem:$0x1DD00] =	vst v63  }
0x286: {  	s21 =	simm.s32 $0x1A500  }
0x287: {  	[spmem:s2] =	stream.indirect.scatter.add.f32 [tilespmem:s21], [sflag:$0x6], $0x80, s15, s4, $0xb8;
	[tilespmem:$0x1DD00] =	vst v63  }
0x288: {  	_ = 	snop  }
0x289: {  	[spmem:s3] =	stream.indirect.scatter.add.f32 [tilespmem:s6], [sflag:$0x6], $0x10, s15, s4, $0xb8;
	[tilespmem:$0x1DD00] =	vst v63  }
0x28a: {  	_ =	swait.ge [sflag:s23], $0x2800  }
0x28b: {  	[sflag:s23] =	ssyncset.done $0x0  }
0x28c: {  	[sflag:s23] =	ssyncadd.s32 $0xFFFFD800  }
0x28d: {  	_ =	swait.ge [sflag:s23], $0x500  }
0x28e: {  	[sflag:s23] =	ssyncset.done $0x0  }
0x28f: {  	[sflag:s23] =	ssyncadd.s32 $0xFFFFFB00  }
0x290: {  	_ =	swait.ge [sflag:s23], $0x2800  }
0x291: {  	[sflag:s23] =	ssyncset.done $0x0  }
0x292: {  	[sflag:s23] =	ssyncadd.s32 $0xFFFFD800  }
0x293: {  	_ =	swait.ge [sflag:s23], $0x500  }
0x294: {  	[sflag:s23] =	ssyncset.done $0x0  }
0x295: {  	[sflag:s23] =	ssyncadd.s32 $0xFFFFFB00  }
0x296: {  	_ =	swait.ge [sflag:s23], $0x2800  }
0x297: {  	[sflag:s23] =	ssyncset.done $0x0  }
0x298: {  	[sflag:s23] =	ssyncadd.s32 $0xFFFFD800  }
0x299: {  	_ =	swait.ge [sflag:s23], $0x500  }
0x29a: {  	[sflag:s23] =	ssyncset.done $0x0  }
0x29b: {  	[sflag:s23] =	ssyncadd.s32 $0xFFFFFB00  }
0x29c: {  	_ =	swait.ge [sflag:s23], $0x2800  }
0x29d: {  	[sflag:s23] =	ssyncset.done $0x0  }
0x29e: {  	[sflag:s23] =	ssyncadd.s32 $0xFFFFD800  }
0x29f: {  	_ =	swait.ge [sflag:s23], $0x500  }
0x2a0: {  	[sflag:s23] =	ssyncset.done $0x0  }
0x2a1: {  	[sflag:s23] =	ssyncadd.s32 $0xFFFFFB00  }
0x2a2: {  	_ =	swait.ge [sflag:s23], $0x2800  }
0x2a3: {  	[sflag:s23] =	ssyncset.done $0x0  }
0x2a4: {  	[sflag:s23] =	ssyncadd.s32 $0xFFFFD800  }
0x2a5: {  	_ =	swait.ge [sflag:s23], $0x500  }
0x2a6: {  	s31 =	simm.s32 @!p1 $0x10500;
	[sflag:s23] =	ssyncset.done $0x0  }
0x2a7: {  	s21 =	simm.s32 @!p1 $0x0;
	s8 =	rddreg [dreg:$0xe];
	[sflag:s23] =	ssyncadd.s32 $0xFFFFFB00  }
0x2a8: {  	[tilespmem:s31], [sflag:$0x4] =	stream.linear.gather @!p1 [hbm4b:s8+s21], $0xC800, $0x38;
	[tilespmem:$0x1DD00] =	vst v63  }
0x2a9: {  	s31 =	simm.s32 @!p1 $0xB00;
	s8 =	rddreg [dreg:$0x16]  }
0x2aa: {  	[tilespmem:s31], [sflag:$0x2] =	stream.linear.gather @!p1 [hbm4b:s8+s21], $0x190, $0x38;
	[tilespmem:$0x1DD00] =	vst v63  }
0x2ab: {  	_ =	swait.ge [sflag:s26], $0x190  }
0x2ac: {  	[sflag:s26] =	ssyncset.done $0x0  }
0x2ad: {  	[sflag:s26] =	ssyncadd.s32 $0xFFFFFE70  }
0x2ae: {  	v2 =	vld [tilespmem:$0x900]  }
0x2af: {  	v3 =	vld [tilespmem:$0x910]  }
0x2b0: {  	v49 =	vld [tilespmem:$0x920]  }
0x2b1: {  	v50 =	vld [tilespmem:$0x930]  }
0x2b2: {  	v51 =	vld [tilespmem:$0x940]  }
0x2b3: {  	v52 =	vld [tilespmem:$0x970];
	[tilespmem:$0xD00] =	vst v2  }
0x2b4: {  	v53 =	vld [tilespmem:$0x980];
	[tilespmem:$0xD10] =	vst v3  }
0x2b5: {  	v54 =	vld [tilespmem:$0x990];
	[tilespmem:$0xD20] =	vst v49  }
0x2b6: {  	v2 =	vld [tilespmem:$0x950];
	[tilespmem:$0xD30] =	vst v50  }
0x2b7: {  	v3 =	vld [tilespmem:$0x960];
	[tilespmem:$0xD40] =	vst v51  }
0x2b8: {  	v55 =	vld [tilespmem:$0x9C0];
	[tilespmem:$0xDA0] =	vst v52  }
0x2b9: {  	v56 =	vld [tilespmem:$0x9D0];
	[tilespmem:$0xDB0] =	vst v53  }
0x2ba: {  	v57 =	vld [tilespmem:$0x9E0];
	[tilespmem:$0xDC0] =	vst v54  }
0x2bb: {  	[tilespmem:$0xD80] =	vst v2;
	v2 =	vld [tilespmem:$0x9A0]  }
0x2bc: {  	[tilespmem:$0xD90] =	vst v3;
	v3 =	vld [tilespmem:$0x9B0]  }
0x2bd: {  	v58 =	vld [tilespmem:$0xA10];
	[tilespmem:$0xE20] =	vst v55  }
0x2be: {  	v59 =	vld [tilespmem:$0xA20];
	[tilespmem:$0xE30] =	vst v56  }
0x2bf: {  	v60 =	vld [tilespmem:$0xA30];
	[tilespmem:$0xE40] =	vst v57  }
0x2c0: {  	[tilespmem:$0xE00] =	vst v2;
	v2 =	vld [tilespmem:$0x9F0]  }
0x2c1: {  	[tilespmem:$0xE10] =	vst v3;
	v3 =	vld [tilespmem:$0xA00]  }
0x2c2: {  	v61 =	vld [tilespmem:$0xA60];
	[tilespmem:$0xEA0] =	vst v58  }
0x2c3: {  	v62 =	vld [tilespmem:$0xA70];
	[tilespmem:$0xEB0] =	vst v59  }
0x2c4: {  	v63 =	vld [tilespmem:$0xA80];
	[tilespmem:$0xEC0] =	vst v60  }
0x2c5: {  	[tilespmem:$0xE80] =	vst v2;
	v2 =	vld [tilespmem:$0xA40]  }
0x2c6: {  	[tilespmem:$0xE90] =	vst v3;
	v3 =	vld [tilespmem:$0xA50]  }
0x2c7: {  	[tilespmem:$0xF20] =	vst v61  }
0x2c8: {  	[tilespmem:$0xF30] =	vst v62  }
0x2c9: {  	[tilespmem:$0xF40] =	vst v63  }
0x2ca: {  	[tilespmem:$0xF00] =	vst v2  }
0x2cb: {  	[tilespmem:$0xF10] =	vst v3  }
0x2cc: {  	_ =	swait.ge [sflag:s29], $0xC800  }
0x2cd: {  	[sflag:s29] =	ssyncset.done $0x0  }
0x2ce: {  	[sflag:s29] =	ssyncadd.s32 $0xFFFF3800  }
0x2cf: {  	[spmem:s2] =	stream.indirect.scatter.add.f32 [tilespmem:s5], [sflag:$0x5], $0x80, s7, s4, $0xb8;
	[tilespmem:$0x1DD00] =	vst v63  }
0x2d0: {  	_ = 	snop  }
0x2d1: {  	[spmem:s3] =	stream.indirect.scatter.add.f32 [tilespmem:s6], [sflag:$0x5], $0x10, s7, s4, $0xb8;
	[tilespmem:$0x1DD00] =	vst v63  }
0x2d2: {  	s31 =	simm.s32 $0x6500  }
0x2d3: {  	[spmem:s2] =	stream.indirect.scatter.add.f32 [tilespmem:s31], [sflag:$0x5], $0x80, s9, s4, $0xb8;
	[tilespmem:$0x1DD00] =	vst v63  }
0x2d4: {  	_ = 	snop  }
0x2d5: {  	[spmem:s3] =	stream.indirect.scatter.add.f32 [tilespmem:s6], [sflag:$0x5], $0x10, s9, s4, $0xb8;
	[tilespmem:$0x1DD00] =	vst v63  }
0x2d6: {  	s1 =	simm.s32 $0x8D00  }
0x2d7: {  	[spmem:s2] =	stream.indirect.scatter.add.f32 [tilespmem:s1], [sflag:$0x5], $0x80, s11, s4, $0xb8;
	[tilespmem:$0x1DD00] =	vst v63  }
0x2d8: {  	_ = 	snop  }
0x2d9: {  	[spmem:s3] =	stream.indirect.scatter.add.f32 [tilespmem:s6], [sflag:$0x5], $0x10, s11, s4, $0xb8;
	[tilespmem:$0x1DD00] =	vst v63  }
0x2da: {  	s17 =	simm.s32 $0xB500  }
0x2db: {  	[spmem:s2] =	stream.indirect.scatter.add.f32 [tilespmem:s17], [sflag:$0x5], $0x80, s14, s4, $0xb8;
	[tilespmem:$0x1DD00] =	vst v63  }
0x2dc: {  	_ = 	snop  }
0x2dd: {  	[spmem:s3] =	stream.indirect.scatter.add.f32 [tilespmem:s6], [sflag:$0x5], $0x10, s14, s4, $0xb8;
	[tilespmem:$0x1DD00] =	vst v63  }
.Ltmp4:
0x2de: {  	_ = 	snop;
	(pc) =	sbr.rel @p1 .LBB2_7-.Ltmp4, $4  }
0x2df: {  	s19 =	simm.s32 $0xDD00  }
0x2e0: {  	[spmem:s2] =	stream.indirect.scatter.add.f32 [tilespmem:s19], [sflag:$0x5], $0x80, s0, s4, $0xb8;
	[tilespmem:$0x1DD00] =	vst v63  }
0x2e1: {  	s10 =	simm.s32 $0x10500;
	s20 =	simm.s32 $0x17D00;
	s22 =	simm.s32 $0x1A500  }
0x2e2: {  	[spmem:s3] =	stream.indirect.scatter.add.f32 [tilespmem:s6], [sflag:$0x5], $0x10, s0, s4, $0xb8;
	[tilespmem:$0x1DD00] =	vst v63  }
0x2e3: {  	_ =	swait.ge [sflag:s28], $0x190  }
0x2e4: {  	[sflag:s28] =	ssyncset.done $0x0  }
0x2e5: {  	[sflag:s28] =	ssyncadd.s32 $0xFFFFFE70  }
0x2e6: {  	v2 =	vld [tilespmem:$0xB00]  }
0x2e7: {  	v3 =	vld [tilespmem:$0xB10]  }
0x2e8: {  	v4 =	vld [tilespmem:$0xB20]  }
0x2e9: {  	v5 =	vld [tilespmem:$0xB30]  }
0x2ea: {  	v6 =	vld [tilespmem:$0xB40]  }
0x2eb: {  	v52 =	vld [tilespmem:$0xB70];
	[tilespmem:$0x1100] =	vst v2  }
0x2ec: {  	v53 =	vld [tilespmem:$0xB80];
	[tilespmem:$0x1110] =	vst v3  }
0x2ed: {  	v54 =	vld [tilespmem:$0xB90];
	[tilespmem:$0x1120] =	vst v4  }
0x2ee: {  	v2 =	vld [tilespmem:$0xB50];
	[tilespmem:$0x1130] =	vst v5  }
0x2ef: {  	v3 =	vld [tilespmem:$0xB60];
	[tilespmem:$0x1140] =	vst v6  }
0x2f0: {  	v55 =	vld [tilespmem:$0xBC0];
	[tilespmem:$0x11A0] =	vst v52  }
0x2f1: {  	v56 =	vld [tilespmem:$0xBD0];
	[tilespmem:$0x11B0] =	vst v53  }
0x2f2: {  	v57 =	vld [tilespmem:$0xBE0];
	[tilespmem:$0x11C0] =	vst v54  }
0x2f3: {  	[tilespmem:$0x1180] =	vst v2;
	v2 =	vld [tilespmem:$0xBA0]  }
0x2f4: {  	[tilespmem:$0x1190] =	vst v3;
	v3 =	vld [tilespmem:$0xBB0]  }
0x2f5: {  	v58 =	vld [tilespmem:$0xC10];
	[tilespmem:$0x1220] =	vst v55  }
0x2f6: {  	v59 =	vld [tilespmem:$0xC20];
	[tilespmem:$0x1230] =	vst v56  }
0x2f7: {  	v60 =	vld [tilespmem:$0xC30];
	[tilespmem:$0x1240] =	vst v57  }
0x2f8: {  	[tilespmem:$0x1200] =	vst v2;
	v2 =	vld [tilespmem:$0xBF0]  }
0x2f9: {  	[tilespmem:$0x1210] =	vst v3;
	v3 =	vld [tilespmem:$0xC00]  }
0x2fa: {  	v61 =	vld [tilespmem:$0xC60];
	[tilespmem:$0x12A0] =	vst v58  }
0x2fb: {  	v62 =	vld [tilespmem:$0xC70];
	[tilespmem:$0x12B0] =	vst v59  }
0x2fc: {  	v63 =	vld [tilespmem:$0xC80];
	[tilespmem:$0x12C0] =	vst v60  }
0x2fd: {  	[tilespmem:$0x1280] =	vst v2;
	v2 =	vld [tilespmem:$0xC40]  }
0x2fe: {  	[tilespmem:$0x1290] =	vst v3;
	v3 =	vld [tilespmem:$0xC50]  }
0x2ff: {  	[tilespmem:$0x1320] =	vst v61  }
0x300: {  	[tilespmem:$0x1330] =	vst v62  }
0x301: {  	[tilespmem:$0x1340] =	vst v63  }
0x302: {  	[tilespmem:$0x1300] =	vst v2  }
0x303: {  	[tilespmem:$0x1310] =	vst v3  }
0x304: {  	_ =	swait.ge [sflag:s18], $0xC800  }
0x305: {  	[sflag:s18] =	ssyncset.done $0x0  }
0x306: {  	s1 =	simm.s32 $0x1100;
	[sflag:s18] =	ssyncadd.s32 $0xFFFF3800  }
0x307: {  	[spmem:s2] =	stream.indirect.scatter.add.f32 [tilespmem:s10], [sflag:$0x6], $0x80, s1, s4, $0xb8;
	[tilespmem:$0x1DD00] =	vst v63  }
0x308: {  	_ = 	snop  }
0x309: {  	[spmem:s3] =	stream.indirect.scatter.add.f32 [tilespmem:s6], [sflag:$0x6], $0x10, s1, s4, $0xb8;
	[tilespmem:$0x1DD00] =	vst v63  }
0x30a: {  	s17 =	simm.s32 $0x12D00;
	s8 =	simm.s32 $0x1180  }
0x30b: {  	[spmem:s2] =	stream.indirect.scatter.add.f32 [tilespmem:s17], [sflag:$0x6], $0x80, s8, s4, $0xb8;
	[tilespmem:$0x1DD00] =	vst v63  }
0x30c: {  	_ = 	snop  }
0x30d: {  	[spmem:s3] =	stream.indirect.scatter.add.f32 [tilespmem:s6], [sflag:$0x6], $0x10, s8, s4, $0xb8;
	[tilespmem:$0x1DD00] =	vst v63  }
0x30e: {  	s19 =	simm.s32 $0x1200;
	s0 =	simm.s32 $0x15500  }
0x30f: {  	[spmem:s2] =	stream.indirect.scatter.add.f32 [tilespmem:s0], [sflag:$0x6], $0x80, s19, s4, $0xb8;
	[tilespmem:$0x1DD00] =	vst v63  }
0x310: {  	_ = 	snop  }
0x311: {  	[spmem:s3] =	stream.indirect.scatter.add.f32 [tilespmem:s6], [sflag:$0x6], $0x10, s19, s4, $0xb8;
	[tilespmem:$0x1DD00] =	vst v63  }
0x312: {  	s21 =	simm.s32 $0x1280  }
0x313: {  	[spmem:s2] =	stream.indirect.scatter.add.f32 [tilespmem:s20], [sflag:$0x6], $0x80, s21, s4, $0xb8;
	[tilespmem:$0x1DD00] =	vst v63  }
0x314: {  	_ = 	snop  }
0x315: {  	[spmem:s3] =	stream.indirect.scatter.add.f32 [tilespmem:s6], [sflag:$0x6], $0x10, s21, s4, $0xb8;
	[tilespmem:$0x1DD00] =	vst v63  }
.Ltmp5:
0x316: {  	_ = 	snop;
	(pc) =	sbr.rel .LBB2_7-.Ltmp5, $4  }
0x317: {  	s31 =	simm.s32 $0x1300  }
0x318: {  	[spmem:s2] =	stream.indirect.scatter.add.f32 [tilespmem:s22], [sflag:$0x6], $0x80, s31, s4, $0xb8;
	[tilespmem:$0x1DD00] =	vst v63  }
0x319: {  	_ = 	snop  }
0x31a: {  	[spmem:s3] =	stream.indirect.scatter.add.f32 [tilespmem:s6], [sflag:$0x6], $0x10, s31, s4, $0xb8;
	[tilespmem:$0x1DD00] =	vst v63  }
.LBB2_8:
0x31b: {  	_ =	sfence.sel $0x180000  }
0x31c: {  	[bflag:$0x0] =	sbarrier.arrive $0xFFFF  }
0x31d: {  	_ =	strace $0x90000047  }
0x31e: {  	s0 =	stileid.u32;
	[bflag:$0x2] =	sbarrier.arrive $0xFFFF  }
0x31f: {  	p0 =	sne.s32 s0, $0x0;
	s0 =	rddreg [dreg:$0x6]  }
0x320: {  	s0 =	sadd.s32 @!p0 $0x100000, s0  }
0x321: {  	[sflag:s0] =	ssyncadd.tile.s32 @!p0 $0x1;
	_ =	shalt  }
.Lfunc_end2:
_tile_overlayer_lowered:
.L_overlay_start_2:
0x322: {  	(tag) =	ssettag $0x2  }
0x323: {  	s0 =	rddreg [dreg:$0x0];
	s2 =	stileid.u32  }
0x324: {  	s1 =	rddreg [dreg:$0x1];
	p0 =	sne.s32 s2, $0x0  }
0x325: {  	s3 =	rddreg [dreg:$0x2];
	[bflag:$0x3] =	sbarrier.arrive $0xFFFF;
	s2 =	simm.s32 @!p0 $0x1C07  }
0x326: {  	[timem:s3], [sflag:s2] =	dma.local @!p0 [hbm:s0], s1  }
0x327: {  	s0 =	simm.s32 @!p0 $0x7  }
0x328: {  	_ =	swait.ge @!p0 [sflag:s0], s1  }
0x329: {  	s1 =	ssub.s32 @!p0 $0x0, s1;
	[sflag:s0] =	ssyncset.done @!p0 $0x0  }
0x32a: {  	[sflag:s0] =	ssyncadd.s32 @!p0 s1  }
0x32b: {  	[bflag:$0x3] =	sbarrier.arrive $0xFFFF  }
0x32c: {  	_ =	shalt  }

</sc_bundles>
